<compile_context>
chip_gen: v7x
topology: tpu7x:2x2x1
jax: 0.10.2.dev20260603
libtpu: 0.0.44.dev20260713+nightly
codegen_flags: <defaults>
</compile_context>

<pallas_src>
import functools

import jax
import jax.numpy as jnp
from jax import lax
from jax.experimental import pallas as pl
from jax.experimental.pallas import tpu as pltpu
from jax.experimental.pallas import tpu_sc as plsc

_NC = 2
_NS = 16
_NW = _NC * _NS

_CHUNK = 80
_RING = 5


def _hop_sc(n_nodes, n_edges, feat):
  ept = n_edges // _NW
  nchunk = ept // _CHUNK
  ring = _RING
  assert nchunk % ring == 0
  nblk = nchunk // ring
  rows_per_io = n_nodes // _NS
  io_piece = 125
  n_piece = rows_per_io // io_piece

  mesh = plsc.VectorSubcoreMesh(core_axis_name="c", subcore_axis_name="s")

  @functools.partial(
      pl.kernel,
      out_type=jax.ShapeDtypeStruct((_NC, n_nodes, feat), jnp.float32),
      mesh=mesh,
      scratch_types=[
          pltpu.VMEM((nchunk, _CHUNK), jnp.int32),
          pltpu.VMEM((nchunk, _CHUNK), jnp.int32),
          pltpu.VMEM((ring, _CHUNK, feat), jnp.float32),
          pltpu.VMEM((io_piece, feat), jnp.float32),
          pltpu.VMEM_SHARED((n_nodes + _CHUNK, feat), jnp.float32),
          [pltpu.SemaphoreType.DMA] * ring,
          [pltpu.SemaphoreType.DMA] * ring,
      ],
      compiler_params=pltpu.CompilerParams(use_tc_tiling_on_sc=False),
  )
  def hop(g_hbm, row2d_hbm, col2d_hbm, out_hbm,
          rowall, colall, gbuf, stage, acc, gsems, ssems):
    c = lax.axis_index("c")
    s = lax.axis_index("s")
    wid = s * _NC + c
    rbase = s * rows_per_io
    cbase = wid * nchunk

    pltpu.sync_copy(row2d_hbm.at[pl.ds(cbase, nchunk)], rowall)
    pltpu.sync_copy(col2d_hbm.at[pl.ds(cbase, nchunk)], colall)

    zf = jnp.zeros((16,), jnp.float32)

    def zrow(i, carry):
      for j in range(feat // 16):
        stage[i, pl.ds(j * 16, 16)] = zf
      return carry

    lax.fori_loop(0, io_piece, zrow, 0)
    for t in range(n_piece):
      pltpu.sync_copy(stage, acc.at[pl.ds(rbase + t * io_piece, io_piece)])
    plsc.subcore_barrier()

    def gather(k, slot):
      return pltpu.async_copy(g_hbm.at[rowall.at[k]], gbuf.at[slot],
                              gsems[slot])

    def scatter(k, slot):
      return pltpu.async_copy(gbuf.at[slot], acc.at[colall.at[k]],
                              ssems[slot], add=True)

    def wait_gather(slot):
      pltpu.make_async_copy(g_hbm.at[rowall.at[0]], gbuf.at[slot],
                            gsems[slot]).wait()

    def wait_scatter(slot):
      pltpu.make_async_copy(gbuf.at[slot], acc.at[colall.at[0]],
                            ssems[slot]).wait()

    for r in range(ring):
      gather(r, r)

    def body(blk, carry):
      base = blk * ring
      for r in range(ring):
        wait_gather(r)
        scatter(base + r, r)
      nbase = base + ring
      for r in range(ring):
        wait_scatter(r)
        gather(nbase + r, r)
      return carry

    lax.fori_loop(0, nblk - 1, body, 0)

    base = (nblk - 1) * ring
    for r in range(ring):
      wait_gather(r)
      scatter(base + r, r)
    for r in range(ring):
      wait_scatter(r)

    plsc.subcore_barrier()

    for t in range(n_piece):
      pltpu.sync_copy(acc.at[pl.ds(rbase + t * io_piece, io_piece)], stage)
      pltpu.sync_copy(stage,
                      out_hbm.at[c, pl.ds(rbase + t * io_piece, io_piece)])

  return hop


def _hist_sc(n_nodes, n_edges):
  ept = n_edges // _NW
  nchunk = ept // _CHUNK
  rows_per_tile = 1000

  mesh = plsc.VectorSubcoreMesh(core_axis_name="c", subcore_axis_name="s")

  @functools.partial(
      pl.kernel,
      out_type=jax.ShapeDtypeStruct((_NC * n_nodes,), jnp.float32),
      mesh=mesh,
      scratch_types=[
          pltpu.VMEM((ept // _CHUNK, _CHUNK), jnp.int32),
          pltpu.VMEM((_CHUNK,), jnp.float32),
          pltpu.VMEM((rows_per_tile + 8,), jnp.float32),
          pltpu.VMEM_SHARED((n_nodes + _CHUNK,), jnp.float32),
          [pltpu.SemaphoreType.DMA] * 5,
      ],
      compiler_params=pltpu.CompilerParams(use_tc_tiling_on_sc=False),
  )
  def hist(col2d_hbm, out_hbm, colall, ones_v, stage, acc, sems):
    c = lax.axis_index("c")
    s = lax.axis_index("s")
    wid = s * _NC + c
    rbase = s * rows_per_tile
    cbase = wid * nchunk

    pltpu.sync_copy(col2d_hbm.at[pl.ds(cbase, nchunk)], colall)

    for i in range(_CHUNK // 16):
      ones_v[pl.ds(i * 16, 16)] = jnp.full((16,), 1.0, jnp.float32)

    zf = jnp.zeros((16,), jnp.float32)

    def zrow(i, carry):
      stage[pl.ds(i * 16, 16)] = zf
      return carry

    lax.fori_loop(0, (rows_per_tile + 8) // 16, zrow, 0)

    @pl.when(s < n_nodes // rows_per_tile)
    def _():
      pltpu.sync_copy(stage.at[pl.ds(0, rows_per_tile)],
                      acc.at[pl.ds(rbase, rows_per_tile)])

    plsc.subcore_barrier()

    def body(blk, carry):
      base = blk * 5
      for r in range(5):
        pltpu.async_copy(ones_v, acc.at[colall.at[base + r]], sems[r],
                         add=True)
      for r in range(5):
        pltpu.make_async_copy(ones_v, acc.at[colall.at[0]], sems[r]).wait()
      return carry

    lax.fori_loop(0, nchunk // 5, body, 0)
    plsc.subcore_barrier()

    @pl.when(s < n_nodes // rows_per_tile)
    def _():
      pltpu.sync_copy(acc.at[pl.ds(rbase, rows_per_tile)],
                      stage.at[pl.ds(0, rows_per_tile)])
      pltpu.sync_copy(stage.at[pl.ds(0, rows_per_tile)],
                      out_hbm.at[pl.ds(c * n_nodes + rbase, rows_per_tile)])

  return hist




def _tc_prep(x_ref, wt_ref, hist_ref, u_ref, dinv_ref):
  deg = hist_ref[:, 0:1] + hist_ref[:, 1:2] + 1.0
  dinv = lax.rsqrt(deg)
  dinv_ref[...] = dinv
  y = jnp.dot(x_ref[...], wt_ref[...], preferred_element_type=jnp.float32)
  u_ref[...] = y * dinv


def _tc_mid(p_ref, u_ref, dinv_ref, w_ref):
  dinv = dinv_ref[...]
  w_ref[...] = (p_ref[0] + p_ref[1] + u_ref[...]) * (dinv * dinv)


def _tc_final(q_ref, w_ref, dinv_ref, b_ref, out_ref):
  t = (q_ref[0] + q_ref[1] + w_ref[...]) * dinv_ref[...] + b_ref[...]
  m = jnp.max(t, axis=1, keepdims=True)
  e = jnp.exp(t - m)
  lse = jnp.log(jnp.sum(e, axis=1, keepdims=True))
  out_ref[...] = t - m - lse


def kernel(x, edge_index, W, b):
  n, f_in = x.shape
  f_out = W.shape[0]
  e = edge_index.shape[1]

  e_pad = -e % (_CHUNK * _RING * _NW)
  e_tot = e + e_pad
  row_p = jnp.concatenate(
      [edge_index[0], jnp.zeros((e_pad,), jnp.int32)])
  col_p = jnp.concatenate(
      [edge_index[1],
       n + (jnp.arange(e_pad, dtype=jnp.int32) % _CHUNK)])
  row2d = row_p.reshape(e_tot // _CHUNK, _CHUNK)
  col2d = col_p.reshape(e_tot // _CHUNK, _CHUNK)
  wt = W.T
  b2 = b.reshape(1, f_out)

  hist_k = _hist_sc(n, e_tot)
  hop_k = _hop_sc(n, e_tot, f_out)

  hist = hist_k(col2d)
  hist_t = hist.reshape(_NC, n).T

  gb = 2000
  ng = n // gb
  row_blk = lambda f: pl.BlockSpec((gb, f), lambda i: (i, 0))
  par_blk = lambda f: pl.BlockSpec((_NC, gb, f), lambda i: (0, i, 0))
  full_blk = lambda r, f: pl.BlockSpec((r, f), lambda i: (0, 0))

  u, dinv = pl.pallas_call(
      _tc_prep,
      grid=(ng,),
      in_specs=[row_blk(f_in), full_blk(f_in, f_out), row_blk(2)],
      out_specs=(row_blk(f_out), row_blk(1)),
      out_shape=(
          jax.ShapeDtypeStruct((n, f_out), jnp.float32),
          jax.ShapeDtypeStruct((n, 1), jnp.float32),
      ),
  )(x, wt, hist_t)

  p = hop_k(u, row2d, col2d)

  w = pl.pallas_call(
      _tc_mid,
      grid=(ng,),
      in_specs=[par_blk(f_out), row_blk(f_out), row_blk(1)],
      out_specs=row_blk(f_out),
      out_shape=jax.ShapeDtypeStruct((n, f_out), jnp.float32),
  )(p, u, dinv)

  q = hop_k(w, row2d, col2d)

  out = pl.pallas_call(
      _tc_final,
      grid=(ng,),
      in_specs=[par_blk(f_out), row_blk(f_out), row_blk(1),
                full_blk(1, f_out)],
      out_specs=row_blk(f_out),
      out_shape=jax.ShapeDtypeStruct((n, f_out), jnp.float32),
  )(q, w, dinv, b2)

  return out

# --- scband reference (transcript-rebuilt; emitter-appended) ---
"""Pipeline reference for scband-sgc-73237782332061 (READ-ONLY COPY).

The authoritative reference and input builder live on the scoring server;
editing this copy changes nothing except your own understanding.
"""

import jax, jax.numpy as jnp
import numpy as np

N = 10000
E = 320000
F_IN = 128
F_OUT = 64
K = 2

def setup_inputs(seed: int = 0) -> dict:
    key = jax.random.key(seed)
    k1, k2, k3, k4 = jax.random.split(key, 4)
    x = jax.random.normal(k1, (N, F_IN), dtype=jnp.float32)
    edge_index = jax.random.randint(k2, (2, E), 0, N, dtype=jnp.int32)
    # SGConv linear layer params (PyG Linear: weight [out_channels, in_channels], bias [out_channels])
    W = jax.random.normal(k3, (F_OUT, F_IN), dtype=jnp.float32) / np.sqrt(F_IN)
    b = jnp.zeros((F_OUT,), dtype=jnp.float32)
    return {"x": x, "edge_index": edge_index, "W": W, "b": b}

def reference(x, edge_index, W, b):
    # SGConv with K=2, add_self_loops=True, symmetric GCN normalization,
    # followed by linear transform and log_softmax (SGC model forward).
    row = edge_index[0]
    col = edge_index[1]
    loop = jnp.arange(N, dtype=row.dtype)
    row = jnp.concatenate([row, loop])
    col = jnp.concatenate([col, loop])
    ew = jnp.ones(row.shape[0], dtype=x.dtype)
    deg = jax.ops.segment_sum(ew, col, num_segments=N)
    deg_inv_sqrt = jnp.where(deg > 0, deg ** -0.5, 0.0)
    norm = deg_inv_sqrt[row] * ew * deg_inv_sqrt[col]
    h = x
    for _ in range(K):
        msg = norm[:, None] * jnp.take(h, row, axis=0)
        h = jax.ops.segment_sum(msg, col, num_segments=N)
    out = h @ W.T + b
    return jax.nn.log_softmax(out, axis=1)

if __name__ == "__main__":
    import jax
    _d = setup_inputs()
    print(jax.jit(kernel)(*tuple(_d.values())))

</pallas_src>

<mosaic_0001>
#map = affine_map<(d0, d1) -> (0, 0)>
#map1 = affine_map<(d0, d1) -> (0, 0, 0)>
module attributes {stable_mosaic.version = 14 : i64} {
  func.func @hop(%arg0: i32, %arg1: i32, %arg2: memref<10000x64xf32, #tpu.memory_space<hbm>>, %arg3: memref<4000x80xi32, #tpu.memory_space<hbm>>, %arg4: memref<4000x80xi32, #tpu.memory_space<hbm>>, %arg5: memref<2x10000x64xf32, #tpu.memory_space<hbm>>, %arg6: memref<125x80xi32, #tpu.memory_space<vmem>>, %arg7: memref<125x80xi32, #tpu.memory_space<vmem>>, %arg8: memref<5x80x64xf32, #tpu.memory_space<vmem>>, %arg9: memref<125x64xf32, #tpu.memory_space<vmem>>, %arg10: memref<10080x64xf32, #tpu.memory_space<vmem_shared>>, %arg11: memref<!tpu.dma_semaphore, #tpu.memory_space<semaphore_mem>>, %arg12: memref<!tpu.dma_semaphore, #tpu.memory_space<semaphore_mem>>, %arg13: memref<!tpu.dma_semaphore, #tpu.memory_space<semaphore_mem>>, %arg14: memref<!tpu.dma_semaphore, #tpu.memory_space<semaphore_mem>>, %arg15: memref<!tpu.dma_semaphore, #tpu.memory_space<semaphore_mem>>, %arg16: memref<!tpu.dma_semaphore, #tpu.memory_space<semaphore_mem>>, %arg17: memref<!tpu.dma_semaphore, #tpu.memory_space<semaphore_mem>>, %arg18: memref<!tpu.dma_semaphore, #tpu.memory_space<semaphore_mem>>, %arg19: memref<!tpu.dma_semaphore, #tpu.memory_space<semaphore_mem>>, %arg20: memref<!tpu.dma_semaphore, #tpu.memory_space<semaphore_mem>>) attributes {dimension_semantics = [#tpu.dimension_semantics<core_parallel>, #tpu.dimension_semantics<subcore_parallel>], iteration_bounds = array<i64: 2, 16>, scalar_prefetch = 0 : i64, scratch_operands = 15 : i64, tpu.core_type = #tpu.core_type<sc_vector_subcore>, window_params = [{transform_indices = #map}, {transform_indices = #map}, {transform_indices = #map}, {transform_indices = #map1}]} {
    %mul3A = arith.constant 2 : i32
    %mul3A_0 = arith.muli %arg1, %mul3A : i32
    %add3A = arith.addi %mul3A_0, %arg0 : i32
    %mul3A_1 = arith.constant 625 : i32
    %mul3A_2 = arith.muli %arg1, %mul3A_1 : i32
    %mul3A_3 = arith.constant 125 : i32
    %mul3A_4 = arith.muli %add3A, %mul3A_3 : i32
    "tpu.region"() ({
      %run_scoped3A = tpu.sem_alloc : memref<!tpu.dma_semaphore, #tpu.memory_space<semaphore_mem>>
      %dma_start3A_286 = arith.constant 0 : i32
      %dma_start3A_287 = tpu.memref_slice %arg3[%mul3A_4, %dma_start3A_286] : memref<4000x80xi32, #tpu.memory_space<hbm>> -> memref<125x80xi32, #tpu.memory_space<hbm>>
      %dma_start3A_288 = arith.constant 0 : i32
      %dma_start3A_289 = tpu.memref_slice %arg3[%mul3A_4, %dma_start3A_288] : memref<4000x80xi32, #tpu.memory_space<hbm>> -> memref<125x80xi32, #tpu.memory_space<hbm>>
      tpu.enqueue_dma source(%dma_start3A_289 : memref<125x80xi32, #tpu.memory_space<hbm>>) target(%arg6 : memref<125x80xi32, #tpu.memory_space<vmem>>) target_semaphore(%run_scoped3A : memref<!tpu.dma_semaphore, #tpu.memory_space<semaphore_mem>>)
      %dma_wait3A_290 = arith.constant 0 : i32
      %dma_wait3A_291 = tpu.memref_slice %arg3[%mul3A_4, %dma_wait3A_290] : memref<4000x80xi32, #tpu.memory_space<hbm>> -> memref<125x80xi32, #tpu.memory_space<hbm>>
      %dma_wait3A_292 = arith.constant 0 : i32
      %dma_wait3A_293 = tpu.memref_slice %arg3[%mul3A_4, %dma_wait3A_292] : memref<4000x80xi32, #tpu.memory_space<hbm>> -> memref<125x80xi32, #tpu.memory_space<hbm>>
      tpu.wait_dma2 semaphore(%run_scoped3A : memref<!tpu.dma_semaphore, #tpu.memory_space<semaphore_mem>>) src(%dma_wait3A_293 : memref<125x80xi32, #tpu.memory_space<hbm>>) dst(%arg6 : memref<125x80xi32, #tpu.memory_space<vmem>>)
      tpu.yield
    }) : () -> ()
    "tpu.region"() ({
      %run_scoped3A = tpu.sem_alloc : memref<!tpu.dma_semaphore, #tpu.memory_space<semaphore_mem>>
      %dma_start3A_286 = arith.constant 0 : i32
      %dma_start3A_287 = tpu.memref_slice %arg4[%mul3A_4, %dma_start3A_286] : memref<4000x80xi32, #tpu.memory_space<hbm>> -> memref<125x80xi32, #tpu.memory_space<hbm>>
      %dma_start3A_288 = arith.constant 0 : i32
      %dma_start3A_289 = tpu.memref_slice %arg4[%mul3A_4, %dma_start3A_288] : memref<4000x80xi32, #tpu.memory_space<hbm>> -> memref<125x80xi32, #tpu.memory_space<hbm>>
      tpu.enqueue_dma source(%dma_start3A_289 : memref<125x80xi32, #tpu.memory_space<hbm>>) target(%arg7 : memref<125x80xi32, #tpu.memory_space<vmem>>) target_semaphore(%run_scoped3A : memref<!tpu.dma_semaphore, #tpu.memory_space<semaphore_mem>>)
      %dma_wait3A_290 = arith.constant 0 : i32
      %dma_wait3A_291 = tpu.memref_slice %arg4[%mul3A_4, %dma_wait3A_290] : memref<4000x80xi32, #tpu.memory_space<hbm>> -> memref<125x80xi32, #tpu.memory_space<hbm>>
      %dma_wait3A_292 = arith.constant 0 : i32
      %dma_wait3A_293 = tpu.memref_slice %arg4[%mul3A_4, %dma_wait3A_292] : memref<4000x80xi32, #tpu.memory_space<hbm>> -> memref<125x80xi32, #tpu.memory_space<hbm>>
      tpu.wait_dma2 semaphore(%run_scoped3A : memref<!tpu.dma_semaphore, #tpu.memory_space<semaphore_mem>>) src(%dma_wait3A_293 : memref<125x80xi32, #tpu.memory_space<hbm>>) dst(%arg7 : memref<125x80xi32, #tpu.memory_space<vmem>>)
      tpu.yield
    }) : () -> ()
    %broadcast_in_dim3A = arith.constant 0.000000e+00 : f32
    %broadcast_in_dim3A_5 = vector.broadcast %broadcast_in_dim3A : f32 to vector<16xf32>
    %scan3A = arith.constant 0 : i32
    %scan3A_6 = arith.constant 0 : i32
    %scan3A_7 = arith.constant 125 : i32
    %scan3A_8 = arith.addi %scan3A_6, %scan3A_7 : i32
    %scan3A_9 = arith.constant 1 : i32
    scf.for %scan3A_286 = %scan3A_6 to %scan3A_8 step %scan3A_9  : i32 {
      %swap3A = arith.index_cast %scan3A_286 : i32 to index
      %swap3A_287 = arith.constant 0 : index
      %swap3A_288 = tpu.vector_load %arg9[%swap3A, %swap3A_287] {strides = array<i32>} : memref<125x64xf32, #tpu.memory_space<vmem>>, vector<1x16xf32>,
      %swap3A_289 = vector.shape_cast %swap3A_288 : vector<1x16xf32> to vector<16xf32>
      %swap3A_290 = vector.shape_cast %broadcast_in_dim3A_5 : vector<16xf32> to vector<1x16xf32>
      tpu.vector_store %arg9[%swap3A, %swap3A_287], %swap3A_290 {strides = array<i32>} : memref<125x64xf32, #tpu.memory_space<vmem>>, vector<1x16xf32>,
      %swap3A_291 = arith.index_cast %scan3A_286 : i32 to index
      %swap3A_292 = arith.constant 16 : index
      %swap3A_293 = tpu.vector_load %arg9[%swap3A_291, %swap3A_292] {strides = array<i32>} : memref<125x64xf32, #tpu.memory_space<vmem>>, vector<1x16xf32>,
      %swap3A_294 = vector.shape_cast %swap3A_293 : vector<1x16xf32> to vector<16xf32>
      %swap3A_295 = vector.shape_cast %broadcast_in_dim3A_5 : vector<16xf32> to vector<1x16xf32>
      tpu.vector_store %arg9[%swap3A_291, %swap3A_292], %swap3A_295 {strides = array<i32>} : memref<125x64xf32, #tpu.memory_space<vmem>>, vector<1x16xf32>,
      %swap3A_296 = arith.index_cast %scan3A_286 : i32 to index
      %swap3A_297 = arith.constant 32 : index
      %swap3A_298 = tpu.vector_load %arg9[%swap3A_296, %swap3A_297] {strides = array<i32>} : memref<125x64xf32, #tpu.memory_space<vmem>>, vector<1x16xf32>,
      %swap3A_299 = vector.shape_cast %swap3A_298 : vector<1x16xf32> to vector<16xf32>
      %swap3A_300 = vector.shape_cast %broadcast_in_dim3A_5 : vector<16xf32> to vector<1x16xf32>
      tpu.vector_store %arg9[%swap3A_296, %swap3A_297], %swap3A_300 {strides = array<i32>} : memref<125x64xf32, #tpu.memory_space<vmem>>, vector<1x16xf32>,
      %swap3A_301 = arith.index_cast %scan3A_286 : i32 to index
      %swap3A_302 = arith.constant 48 : index
      %swap3A_303 = tpu.vector_load %arg9[%swap3A_301, %swap3A_302] {strides = array<i32>} : memref<125x64xf32, #tpu.memory_space<vmem>>, vector<1x16xf32>,
      %swap3A_304 = vector.shape_cast %swap3A_303 : vector<1x16xf32> to vector<16xf32>
      %swap3A_305 = vector.shape_cast %broadcast_in_dim3A_5 : vector<16xf32> to vector<1x16xf32>
      tpu.vector_store %arg9[%swap3A_301, %swap3A_302], %swap3A_305 {strides = array<i32>} : memref<125x64xf32, #tpu.memory_space<vmem>>, vector<1x16xf32>,
    }
    %scan3A_10 = arith.constant 125 : i32
    %add3A_11 = arith.constant 0 : i32
    %add3A_12 = arith.addi %mul3A_2, %add3A_11 : i32
    "tpu.region"() ({
      %run_scoped3A = tpu.sem_alloc : memref<!tpu.dma_semaphore, #tpu.memory_space<semaphore_mem>>
      %dma_start3A_286 = arith.constant 0 : i32
      %dma_start3A_287 = tpu.memref_slice %arg10[%add3A_12, %dma_start3A_286] : memref<10080x64xf32, #tpu.memory_space<vmem_shared>> -> memref<125x64xf32, #tpu.memory_space<vmem_shared>>
      %dma_start3A_288 = arith.constant 0 : i32
      %dma_start3A_289 = tpu.memref_slice %arg10[%add3A_12, %dma_start3A_288] : memref<10080x64xf32, #tpu.memory_space<vmem_shared>> -> memref<125x64xf32, #tpu.memory_space<vmem_shared>>
      tpu.enqueue_dma source(%arg9 : memref<125x64xf32, #tpu.memory_space<vmem>>) target(%dma_start3A_289 : memref<125x64xf32, #tpu.memory_space<vmem_shared>>) target_semaphore(%run_scoped3A : memref<!tpu.dma_semaphore, #tpu.memory_space<semaphore_mem>>)
      %dma_wait3A_290 = arith.constant 0 : i32
      %dma_wait3A_291 = tpu.memref_slice %arg10[%add3A_12, %dma_wait3A_290] : memref<10080x64xf32, #tpu.memory_space<vmem_shared>> -> memref<125x64xf32, #tpu.memory_space<vmem_shared>>
      %dma_wait3A_292 = arith.constant 0 : i32
      %dma_wait3A_293 = tpu.memref_slice %arg10[%add3A_12, %dma_wait3A_292] : memref<10080x64xf32, #tpu.memory_space<vmem_shared>> -> memref<125x64xf32, #tpu.memory_space<vmem_shared>>
      tpu.wait_dma2 semaphore(%run_scoped3A : memref<!tpu.dma_semaphore, #tpu.memory_space<semaphore_mem>>) src(%arg9 : memref<125x64xf32, #tpu.memory_space<vmem>>) dst(%dma_wait3A_293 : memref<125x64xf32, #tpu.memory_space<vmem_shared>>)
      tpu.yield
    }) : () -> ()
    %add3A_13 = arith.constant 125 : i32
    %add3A_14 = arith.addi %mul3A_2, %add3A_13 : i32
    "tpu.region"() ({
      %run_scoped3A = tpu.sem_alloc : memref<!tpu.dma_semaphore, #tpu.memory_space<semaphore_mem>>
      %dma_start3A_286 = arith.constant 0 : i32
      %dma_start3A_287 = tpu.memref_slice %arg10[%add3A_14, %dma_start3A_286] : memref<10080x64xf32, #tpu.memory_space<vmem_shared>> -> memref<125x64xf32, #tpu.memory_space<vmem_shared>>
      %dma_start3A_288 = arith.constant 0 : i32
      %dma_start3A_289 = tpu.memref_slice %arg10[%add3A_14, %dma_start3A_288] : memref<10080x64xf32, #tpu.memory_space<vmem_shared>> -> memref<125x64xf32, #tpu.memory_space<vmem_shared>>
      tpu.enqueue_dma source(%arg9 : memref<125x64xf32, #tpu.memory_space<vmem>>) target(%dma_start3A_289 : memref<125x64xf32, #tpu.memory_space<vmem_shared>>) target_semaphore(%run_scoped3A : memref<!tpu.dma_semaphore, #tpu.memory_space<semaphore_mem>>)
      %dma_wait3A_290 = arith.constant 0 : i32
      %dma_wait3A_291 = tpu.memref_slice %arg10[%add3A_14, %dma_wait3A_290] : memref<10080x64xf32, #tpu.memory_space<vmem_shared>> -> memref<125x64xf32, #tpu.memory_space<vmem_shared>>
      %dma_wait3A_292 = arith.constant 0 : i32
      %dma_wait3A_293 = tpu.memref_slice %arg10[%add3A_14, %dma_wait3A_292] : memref<10080x64xf32, #tpu.memory_space<vmem_shared>> -> memref<125x64xf32, #tpu.memory_space<vmem_shared>>
      tpu.wait_dma2 semaphore(%run_scoped3A : memref<!tpu.dma_semaphore, #tpu.memory_space<semaphore_mem>>) src(%arg9 : memref<125x64xf32, #tpu.memory_space<vmem>>) dst(%dma_wait3A_293 : memref<125x64xf32, #tpu.memory_space<vmem_shared>>)
      tpu.yield
    }) : () -> ()
    %add3A_15 = arith.constant 250 : i32
    %add3A_16 = arith.addi %mul3A_2, %add3A_15 : i32
    "tpu.region"() ({
      %run_scoped3A = tpu.sem_alloc : memref<!tpu.dma_semaphore, #tpu.memory_space<semaphore_mem>>
      %dma_start3A_286 = arith.constant 0 : i32
      %dma_start3A_287 = tpu.memref_slice %arg10[%add3A_16, %dma_start3A_286] : memref<10080x64xf32, #tpu.memory_space<vmem_shared>> -> memref<125x64xf32, #tpu.memory_space<vmem_shared>>
      %dma_start3A_288 = arith.constant 0 : i32
      %dma_start3A_289 = tpu.memref_slice %arg10[%add3A_16, %dma_start3A_288] : memref<10080x64xf32, #tpu.memory_space<vmem_shared>> -> memref<125x64xf32, #tpu.memory_space<vmem_shared>>
      tpu.enqueue_dma source(%arg9 : memref<125x64xf32, #tpu.memory_space<vmem>>) target(%dma_start3A_289 : memref<125x64xf32, #tpu.memory_space<vmem_shared>>) target_semaphore(%run_scoped3A : memref<!tpu.dma_semaphore, #tpu.memory_space<semaphore_mem>>)
      %dma_wait3A_290 = arith.constant 0 : i32
      %dma_wait3A_291 = tpu.memref_slice %arg10[%add3A_16, %dma_wait3A_290] : memref<10080x64xf32, #tpu.memory_space<vmem_shared>> -> memref<125x64xf32, #tpu.memory_space<vmem_shared>>
      %dma_wait3A_292 = arith.constant 0 : i32
      %dma_wait3A_293 = tpu.memref_slice %arg10[%add3A_16, %dma_wait3A_292] : memref<10080x64xf32, #tpu.memory_space<vmem_shared>> -> memref<125x64xf32, #tpu.memory_space<vmem_shared>>
      tpu.wait_dma2 semaphore(%run_scoped3A : memref<!tpu.dma_semaphore, #tpu.memory_space<semaphore_mem>>) src(%arg9 : memref<125x64xf32, #tpu.memory_space<vmem>>) dst(%dma_wait3A_293 : memref<125x64xf32, #tpu.memory_space<vmem_shared>>)
      tpu.yield
    }) : () -> ()
    %add3A_17 = arith.constant 375 : i32
    %add3A_18 = arith.addi %mul3A_2, %add3A_17 : i32
    "tpu.region"() ({
      %run_scoped3A = tpu.sem_alloc : memref<!tpu.dma_semaphore, #tpu.memory_space<semaphore_mem>>
      %dma_start3A_286 = arith.constant 0 : i32
      %dma_start3A_287 = tpu.memref_slice %arg10[%add3A_18, %dma_start3A_286] : memref<10080x64xf32, #tpu.memory_space<vmem_shared>> -> memref<125x64xf32, #tpu.memory_space<vmem_shared>>
      %dma_start3A_288 = arith.constant 0 : i32
      %dma_start3A_289 = tpu.memref_slice %arg10[%add3A_18, %dma_start3A_288] : memref<10080x64xf32, #tpu.memory_space<vmem_shared>> -> memref<125x64xf32, #tpu.memory_space<vmem_shared>>
      tpu.enqueue_dma source(%arg9 : memref<125x64xf32, #tpu.memory_space<vmem>>) target(%dma_start3A_289 : memref<125x64xf32, #tpu.memory_space<vmem_shared>>) target_semaphore(%run_scoped3A : memref<!tpu.dma_semaphore, #tpu.memory_space<semaphore_mem>>)
      %dma_wait3A_290 = arith.constant 0 : i32
      %dma_wait3A_291 = tpu.memref_slice %arg10[%add3A_18, %dma_wait3A_290] : memref<10080x64xf32, #tpu.memory_space<vmem_shared>> -> memref<125x64xf32, #tpu.memory_space<vmem_shared>>
      %dma_wait3A_292 = arith.constant 0 : i32
      %dma_wait3A_293 = tpu.memref_slice %arg10[%add3A_18, %dma_wait3A_292] : memref<10080x64xf32, #tpu.memory_space<vmem_shared>> -> memref<125x64xf32, #tpu.memory_space<vmem_shared>>
      tpu.wait_dma2 semaphore(%run_scoped3A : memref<!tpu.dma_semaphore, #tpu.memory_space<semaphore_mem>>) src(%arg9 : memref<125x64xf32, #tpu.memory_space<vmem>>) dst(%dma_wait3A_293 : memref<125x64xf32, #tpu.memory_space<vmem_shared>>)
      tpu.yield
    }) : () -> ()
    %add3A_19 = arith.constant 500 : i32
    %add3A_20 = arith.addi %mul3A_2, %add3A_19 : i32
    "tpu.region"() ({
      %run_scoped3A = tpu.sem_alloc : memref<!tpu.dma_semaphore, #tpu.memory_space<semaphore_mem>>
      %dma_start3A_286 = arith.constant 0 : i32
      %dma_start3A_287 = tpu.memref_slice %arg10[%add3A_20, %dma_start3A_286] : memref<10080x64xf32, #tpu.memory_space<vmem_shared>> -> memref<125x64xf32, #tpu.memory_space<vmem_shared>>
      %dma_start3A_288 = arith.constant 0 : i32
      %dma_start3A_289 = tpu.memref_slice %arg10[%add3A_20, %dma_start3A_288] : memref<10080x64xf32, #tpu.memory_space<vmem_shared>> -> memref<125x64xf32, #tpu.memory_space<vmem_shared>>
      tpu.enqueue_dma source(%arg9 : memref<125x64xf32, #tpu.memory_space<vmem>>) target(%dma_start3A_289 : memref<125x64xf32, #tpu.memory_space<vmem_shared>>) target_semaphore(%run_scoped3A : memref<!tpu.dma_semaphore, #tpu.memory_space<semaphore_mem>>)
      %dma_wait3A_290 = arith.constant 0 : i32
      %dma_wait3A_291 = tpu.memref_slice %arg10[%add3A_20, %dma_wait3A_290] : memref<10080x64xf32, #tpu.memory_space<vmem_shared>> -> memref<125x64xf32, #tpu.memory_space<vmem_shared>>
      %dma_wait3A_292 = arith.constant 0 : i32
      %dma_wait3A_293 = tpu.memref_slice %arg10[%add3A_20, %dma_wait3A_292] : memref<10080x64xf32, #tpu.memory_space<vmem_shared>> -> memref<125x64xf32, #tpu.memory_space<vmem_shared>>
      tpu.wait_dma2 semaphore(%run_scoped3A : memref<!tpu.dma_semaphore, #tpu.memory_space<semaphore_mem>>) src(%arg9 : memref<125x64xf32, #tpu.memory_space<vmem>>) dst(%dma_wait3A_293 : memref<125x64xf32, #tpu.memory_space<vmem_shared>>)
      tpu.yield
    }) : () -> ()
    %barrier3A = arith.constant 0 : index
    tpu.barrier barrier_id(%barrier3A)
    %dma_start3A = arith.constant 0 : i32
    %dma_start3A_21 = arith.constant 0 : i32
    %dma_start3A_22 = arith.constant 0 : i32
    %dma_start3A_23 = arith.constant 0 : i32
    %dma_start3A_24 = tpu.memref_slice %arg8[%dma_start3A_21, %dma_start3A_22, %dma_start3A_23] : memref<5x80x64xf32, #tpu.memory_space<vmem>> -> memref<1x80x64xf32, #tpu.memory_space<vmem>>
    %dma_start3A_25 = tpu.memref_squeeze %dma_start3A_24 : memref<1x80x64xf32, #tpu.memory_space<vmem>> -> memref<80x64xf32, #tpu.memory_space<vmem>>
    %dma_start3A_26 = arith.constant 0 : i32
    %dma_start3A_27 = tpu.memref_slice %arg6[%dma_start3A, %dma_start3A_26] : memref<125x80xi32, #tpu.memory_space<vmem>> -> memref<1x80xi32, #tpu.memory_space<vmem>>
    %dma_start3A_28 = tpu.memref_squeeze %dma_start3A_27 : memref<1x80xi32, #tpu.memory_space<vmem>> -> memref<80xi32, #tpu.memory_space<vmem>>
    %dma_start3A_29 = arith.constant 0 : i32
    %dma_start3A_30 = arith.constant 0 : i32
    %dma_start3A_31 = tpu.memref_slice %arg2[%dma_start3A_29, %dma_start3A_30] : memref<10000x64xf32, #tpu.memory_space<hbm>> -> memref<10000x64xf32, #tpu.memory_space<hbm>>
    tpu.enqueue_indirect_dma source(%dma_start3A_31 : memref<10000x64xf32, #tpu.memory_space<hbm>>) target(%dma_start3A_25 : memref<80x64xf32, #tpu.memory_space<vmem>>) offsets(%dma_start3A_28 : memref<80xi32, #tpu.memory_space<vmem>>) semaphore(%arg11 : memref<!tpu.dma_semaphore, #tpu.memory_space<semaphore_mem>>)
    %dma_start3A_32 = arith.constant 1 : i32
    %dma_start3A_33 = arith.constant 1 : i32
    %dma_start3A_34 = arith.constant 0 : i32
    %dma_start3A_35 = arith.constant 0 : i32
    %dma_start3A_36 = tpu.memref_slice %arg8[%dma_start3A_33, %dma_start3A_34, %dma_start3A_35] : memref<5x80x64xf32, #tpu.memory_space<vmem>> -> memref<1x80x64xf32, #tpu.memory_space<vmem>>
    %dma_start3A_37 = tpu.memref_squeeze %dma_start3A_36 : memref<1x80x64xf32, #tpu.memory_space<vmem>> -> memref<80x64xf32, #tpu.memory_space<vmem>>
    %dma_start3A_38 = arith.constant 0 : i32
    %dma_start3A_39 = tpu.memref_slice %arg6[%dma_start3A_32, %dma_start3A_38] : memref<125x80xi32, #tpu.memory_space<vmem>> -> memref<1x80xi32, #tpu.memory_space<vmem>>
    %dma_start3A_40 = tpu.memref_squeeze %dma_start3A_39 : memref<1x80xi32, #tpu.memory_space<vmem>> -> memref<80xi32, #tpu.memory_space<vmem>>
    %dma_start3A_41 = arith.constant 0 : i32
    %dma_start3A_42 = arith.constant 0 : i32
    %dma_start3A_43 = tpu.memref_slice %arg2[%dma_start3A_41, %dma_start3A_42] : memref<10000x64xf32, #tpu.memory_space<hbm>> -> memref<10000x64xf32, #tpu.memory_space<hbm>>
    tpu.enqueue_indirect_dma source(%dma_start3A_43 : memref<10000x64xf32, #tpu.memory_space<hbm>>) target(%dma_start3A_37 : memref<80x64xf32, #tpu.memory_space<vmem>>) offsets(%dma_start3A_40 : memref<80xi32, #tpu.memory_space<vmem>>) semaphore(%arg12 : memref<!tpu.dma_semaphore, #tpu.memory_space<semaphore_mem>>)
    %dma_start3A_44 = arith.constant 2 : i32
    %dma_start3A_45 = arith.constant 2 : i32
    %dma_start3A_46 = arith.constant 0 : i32
    %dma_start3A_47 = arith.constant 0 : i32
    %dma_start3A_48 = tpu.memref_slice %arg8[%dma_start3A_45, %dma_start3A_46, %dma_start3A_47] : memref<5x80x64xf32, #tpu.memory_space<vmem>> -> memref<1x80x64xf32, #tpu.memory_space<vmem>>
    %dma_start3A_49 = tpu.memref_squeeze %dma_start3A_48 : memref<1x80x64xf32, #tpu.memory_space<vmem>> -> memref<80x64xf32, #tpu.memory_space<vmem>>
    %dma_start3A_50 = arith.constant 0 : i32
    %dma_start3A_51 = tpu.memref_slice %arg6[%dma_start3A_44, %dma_start3A_50] : memref<125x80xi32, #tpu.memory_space<vmem>> -> memref<1x80xi32, #tpu.memory_space<vmem>>
    %dma_start3A_52 = tpu.memref_squeeze %dma_start3A_51 : memref<1x80xi32, #tpu.memory_space<vmem>> -> memref<80xi32, #tpu.memory_space<vmem>>
    %dma_start3A_53 = arith.constant 0 : i32
    %dma_start3A_54 = arith.constant 0 : i32
    %dma_start3A_55 = tpu.memref_slice %arg2[%dma_start3A_53, %dma_start3A_54] : memref<10000x64xf32, #tpu.memory_space<hbm>> -> memref<10000x64xf32, #tpu.memory_space<hbm>>
    tpu.enqueue_indirect_dma source(%dma_start3A_55 : memref<10000x64xf32, #tpu.memory_space<hbm>>) target(%dma_start3A_49 : memref<80x64xf32, #tpu.memory_space<vmem>>) offsets(%dma_start3A_52 : memref<80xi32, #tpu.memory_space<vmem>>) semaphore(%arg13 : memref<!tpu.dma_semaphore, #tpu.memory_space<semaphore_mem>>)
    %dma_start3A_56 = arith.constant 3 : i32
    %dma_start3A_57 = arith.constant 3 : i32
    %dma_start3A_58 = arith.constant 0 : i32
    %dma_start3A_59 = arith.constant 0 : i32
    %dma_start3A_60 = tpu.memref_slice %arg8[%dma_start3A_57, %dma_start3A_58, %dma_start3A_59] : memref<5x80x64xf32, #tpu.memory_space<vmem>> -> memref<1x80x64xf32, #tpu.memory_space<vmem>>
    %dma_start3A_61 = tpu.memref_squeeze %dma_start3A_60 : memref<1x80x64xf32, #tpu.memory_space<vmem>> -> memref<80x64xf32, #tpu.memory_space<vmem>>
    %dma_start3A_62 = arith.constant 0 : i32
    %dma_start3A_63 = tpu.memref_slice %arg6[%dma_start3A_56, %dma_start3A_62] : memref<125x80xi32, #tpu.memory_space<vmem>> -> memref<1x80xi32, #tpu.memory_space<vmem>>
    %dma_start3A_64 = tpu.memref_squeeze %dma_start3A_63 : memref<1x80xi32, #tpu.memory_space<vmem>> -> memref<80xi32, #tpu.memory_space<vmem>>
    %dma_start3A_65 = arith.constant 0 : i32
    %dma_start3A_66 = arith.constant 0 : i32
    %dma_start3A_67 = tpu.memref_slice %arg2[%dma_start3A_65, %dma_start3A_66] : memref<10000x64xf32, #tpu.memory_space<hbm>> -> memref<10000x64xf32, #tpu.memory_space<hbm>>
    tpu.enqueue_indirect_dma source(%dma_start3A_67 : memref<10000x64xf32, #tpu.memory_space<hbm>>) target(%dma_start3A_61 : memref<80x64xf32, #tpu.memory_space<vmem>>) offsets(%dma_start3A_64 : memref<80xi32, #tpu.memory_space<vmem>>) semaphore(%arg14 : memref<!tpu.dma_semaphore, #tpu.memory_space<semaphore_mem>>)
    %dma_start3A_68 = arith.constant 4 : i32
    %dma_start3A_69 = arith.constant 4 : i32
    %dma_start3A_70 = arith.constant 0 : i32
    %dma_start3A_71 = arith.constant 0 : i32
    %dma_start3A_72 = tpu.memref_slice %arg8[%dma_start3A_69, %dma_start3A_70, %dma_start3A_71] : memref<5x80x64xf32, #tpu.memory_space<vmem>> -> memref<1x80x64xf32, #tpu.memory_space<vmem>>
    %dma_start3A_73 = tpu.memref_squeeze %dma_start3A_72 : memref<1x80x64xf32, #tpu.memory_space<vmem>> -> memref<80x64xf32, #tpu.memory_space<vmem>>
    %dma_start3A_74 = arith.constant 0 : i32
    %dma_start3A_75 = tpu.memref_slice %arg6[%dma_start3A_68, %dma_start3A_74] : memref<125x80xi32, #tpu.memory_space<vmem>> -> memref<1x80xi32, #tpu.memory_space<vmem>>
    %dma_start3A_76 = tpu.memref_squeeze %dma_start3A_75 : memref<1x80xi32, #tpu.memory_space<vmem>> -> memref<80xi32, #tpu.memory_space<vmem>>
    %dma_start3A_77 = arith.constant 0 : i32
    %dma_start3A_78 = arith.constant 0 : i32
    %dma_start3A_79 = tpu.memref_slice %arg2[%dma_start3A_77, %dma_start3A_78] : memref<10000x64xf32, #tpu.memory_space<hbm>> -> memref<10000x64xf32, #tpu.memory_space<hbm>>
    tpu.enqueue_indirect_dma source(%dma_start3A_79 : memref<10000x64xf32, #tpu.memory_space<hbm>>) target(%dma_start3A_73 : memref<80x64xf32, #tpu.memory_space<vmem>>) offsets(%dma_start3A_76 : memref<80xi32, #tpu.memory_space<vmem>>) semaphore(%arg15 : memref<!tpu.dma_semaphore, #tpu.memory_space<semaphore_mem>>)
    %scan3A_80 = arith.constant 0 : i32
    %scan3A_81 = arith.constant 0 : i32
    %scan3A_82 = arith.constant 24 : i32
    %scan3A_83 = arith.addi %scan3A_81, %scan3A_82 : i32
    %scan3A_84 = arith.constant 1 : i32
    scf.for %scan3A_286 = %scan3A_81 to %scan3A_83 step %scan3A_84  : i32 {
      %mul3A_287 = arith.constant 5 : i32
      %mul3A_288 = arith.muli %scan3A_286, %mul3A_287 : i32
      %dma_wait3A_289 = arith.constant 0 : i32
      %dma_wait3A_290 = arith.constant 0 : i32
      %dma_wait3A_291 = arith.constant 0 : i32
      %dma_wait3A_292 = arith.constant 0 : i32
      %dma_wait3A_293 = tpu.memref_slice %arg8[%dma_wait3A_290, %dma_wait3A_291, %dma_wait3A_292] : memref<5x80x64xf32, #tpu.memory_space<vmem>> -> memref<1x80x64xf32, #tpu.memory_space<vmem>>
      %dma_wait3A_294 = tpu.memref_squeeze %dma_wait3A_293 : memref<1x80x64xf32, #tpu.memory_space<vmem>> -> memref<80x64xf32, #tpu.memory_space<vmem>>
      %dma_wait3A_295 = arith.constant 0 : i32
      %dma_wait3A_296 = tpu.memref_slice %arg6[%dma_wait3A_289, %dma_wait3A_295] : memref<125x80xi32, #tpu.memory_space<vmem>> -> memref<1x80xi32, #tpu.memory_space<vmem>>
      %dma_wait3A_297 = tpu.memref_squeeze %dma_wait3A_296 : memref<1x80xi32, #tpu.memory_space<vmem>> -> memref<80xi32, #tpu.memory_space<vmem>>
      %dma_wait3A_298 = arith.constant 0 : i32
      %dma_wait3A_299 = arith.constant 0 : i32
      %dma_wait3A_300 = tpu.memref_slice %arg2[%dma_wait3A_298, %dma_wait3A_299] : memref<10000x64xf32, #tpu.memory_space<hbm>> -> memref<10000x64xf32, #tpu.memory_space<hbm>>
      tpu.wait_indirect_dma semaphore(%arg11 : memref<!tpu.dma_semaphore, #tpu.memory_space<semaphore_mem>>) src(%dma_wait3A_300 : memref<10000x64xf32, #tpu.memory_space<hbm>>) dst(%dma_wait3A_294 : memref<80x64xf32, #tpu.memory_space<vmem>>)
      %add3A_301 = arith.constant 0 : i32
      %add3A_302 = arith.addi %mul3A_288, %add3A_301 : i32
      %dma_start3A_303 = arith.constant 0 : i32
      %dma_start3A_304 = arith.constant 0 : i32
      %dma_start3A_305 = arith.constant 0 : i32
      %dma_start3A_306 = tpu.memref_slice %arg8[%dma_start3A_303, %dma_start3A_304, %dma_start3A_305] : memref<5x80x64xf32, #tpu.memory_space<vmem>> -> memref<1x80x64xf32, #tpu.memory_space<vmem>>
      %dma_start3A_307 = tpu.memref_squeeze %dma_start3A_306 : memref<1x80x64xf32, #tpu.memory_space<vmem>> -> memref<80x64xf32, #tpu.memory_space<vmem>>
      %dma_start3A_308 = arith.constant 0 : i32
      %dma_start3A_309 = tpu.memref_slice %arg7[%add3A_302, %dma_start3A_308] : memref<125x80xi32, #tpu.memory_space<vmem>> -> memref<1x80xi32, #tpu.memory_space<vmem>>
      %dma_start3A_310 = tpu.memref_squeeze %dma_start3A_309 : memref<1x80xi32, #tpu.memory_space<vmem>> -> memref<80xi32, #tpu.memory_space<vmem>>
      %dma_start3A_311 = arith.constant 0 : i32
      %dma_start3A_312 = arith.constant 0 : i32
      %dma_start3A_313 = tpu.memref_slice %arg10[%dma_start3A_311, %dma_start3A_312] : memref<10080x64xf32, #tpu.memory_space<vmem_shared>> -> memref<10080x64xf32, #tpu.memory_space<vmem_shared>>
      tpu.enqueue_indirect_dma source(%dma_start3A_307 : memref<80x64xf32, #tpu.memory_space<vmem>>) target(%dma_start3A_313 : memref<10080x64xf32, #tpu.memory_space<vmem_shared>>) offsets(%dma_start3A_310 : memref<80xi32, #tpu.memory_space<vmem>>) semaphore(%arg16 : memref<!tpu.dma_semaphore, #tpu.memory_space<semaphore_mem>>) {add = true}
      %dma_wait3A_314 = arith.constant 0 : i32
      %dma_wait3A_315 = arith.constant 1 : i32
      %dma_wait3A_316 = arith.constant 0 : i32
      %dma_wait3A_317 = arith.constant 0 : i32
      %dma_wait3A_318 = tpu.memref_slice %arg8[%dma_wait3A_315, %dma_wait3A_316, %dma_wait3A_317] : memref<5x80x64xf32, #tpu.memory_space<vmem>> -> memref<1x80x64xf32, #tpu.memory_space<vmem>>
      %dma_wait3A_319 = tpu.memref_squeeze %dma_wait3A_318 : memref<1x80x64xf32, #tpu.memory_space<vmem>> -> memref<80x64xf32, #tpu.memory_space<vmem>>
      %dma_wait3A_320 = arith.constant 0 : i32
      %dma_wait3A_321 = tpu.memref_slice %arg6[%dma_wait3A_314, %dma_wait3A_320] : memref<125x80xi32, #tpu.memory_space<vmem>> -> memref<1x80xi32, #tpu.memory_space<vmem>>
      %dma_wait3A_322 = tpu.memref_squeeze %dma_wait3A_321 : memref<1x80xi32, #tpu.memory_space<vmem>> -> memref<80xi32, #tpu.memory_space<vmem>>
      %dma_wait3A_323 = arith.constant 0 : i32
      %dma_wait3A_324 = arith.constant 0 : i32
      %dma_wait3A_325 = tpu.memref_slice %arg2[%dma_wait3A_323, %dma_wait3A_324] : memref<10000x64xf32, #tpu.memory_space<hbm>> -> memref<10000x64xf32, #tpu.memory_space<hbm>>
      tpu.wait_indirect_dma semaphore(%arg12 : memref<!tpu.dma_semaphore, #tpu.memory_space<semaphore_mem>>) src(%dma_wait3A_325 : memref<10000x64xf32, #tpu.memory_space<hbm>>) dst(%dma_wait3A_319 : memref<80x64xf32, #tpu.memory_space<vmem>>)
      %add3A_326 = arith.constant 1 : i32
      %add3A_327 = arith.addi %mul3A_288, %add3A_326 : i32
      %dma_start3A_328 = arith.constant 1 : i32
      %dma_start3A_329 = arith.constant 0 : i32
      %dma_start3A_330 = arith.constant 0 : i32
      %dma_start3A_331 = tpu.memref_slice %arg8[%dma_start3A_328, %dma_start3A_329, %dma_start3A_330] : memref<5x80x64xf32, #tpu.memory_space<vmem>> -> memref<1x80x64xf32, #tpu.memory_space<vmem>>
      %dma_start3A_332 = tpu.memref_squeeze %dma_start3A_331 : memref<1x80x64xf32, #tpu.memory_space<vmem>> -> memref<80x64xf32, #tpu.memory_space<vmem>>
      %dma_start3A_333 = arith.constant 0 : i32
      %dma_start3A_334 = tpu.memref_slice %arg7[%add3A_327, %dma_start3A_333] : memref<125x80xi32, #tpu.memory_space<vmem>> -> memref<1x80xi32, #tpu.memory_space<vmem>>
      %dma_start3A_335 = tpu.memref_squeeze %dma_start3A_334 : memref<1x80xi32, #tpu.memory_space<vmem>> -> memref<80xi32, #tpu.memory_space<vmem>>
      %dma_start3A_336 = arith.constant 0 : i32
      %dma_start3A_337 = arith.constant 0 : i32
      %dma_start3A_338 = tpu.memref_slice %arg10[%dma_start3A_336, %dma_start3A_337] : memref<10080x64xf32, #tpu.memory_space<vmem_shared>> -> memref<10080x64xf32, #tpu.memory_space<vmem_shared>>
      tpu.enqueue_indirect_dma source(%dma_start3A_332 : memref<80x64xf32, #tpu.memory_space<vmem>>) target(%dma_start3A_338 : memref<10080x64xf32, #tpu.memory_space<vmem_shared>>) offsets(%dma_start3A_335 : memref<80xi32, #tpu.memory_space<vmem>>) semaphore(%arg17 : memref<!tpu.dma_semaphore, #tpu.memory_space<semaphore_mem>>) {add = true}
      %dma_wait3A_339 = arith.constant 0 : i32
      %dma_wait3A_340 = arith.constant 2 : i32
      %dma_wait3A_341 = arith.constant 0 : i32
      %dma_wait3A_342 = arith.constant 0 : i32
      %dma_wait3A_343 = tpu.memref_slice %arg8[%dma_wait3A_340, %dma_wait3A_341, %dma_wait3A_342] : memref<5x80x64xf32, #tpu.memory_space<vmem>> -> memref<1x80x64xf32, #tpu.memory_space<vmem>>
      %dma_wait3A_344 = tpu.memref_squeeze %dma_wait3A_343 : memref<1x80x64xf32, #tpu.memory_space<vmem>> -> memref<80x64xf32, #tpu.memory_space<vmem>>
      %dma_wait3A_345 = arith.constant 0 : i32
      %dma_wait3A_346 = tpu.memref_slice %arg6[%dma_wait3A_339, %dma_wait3A_345] : memref<125x80xi32, #tpu.memory_space<vmem>> -> memref<1x80xi32, #tpu.memory_space<vmem>>
      %dma_wait3A_347 = tpu.memref_squeeze %dma_wait3A_346 : memref<1x80xi32, #tpu.memory_space<vmem>> -> memref<80xi32, #tpu.memory_space<vmem>>
      %dma_wait3A_348 = arith.constant 0 : i32
      %dma_wait3A_349 = arith.constant 0 : i32
      %dma_wait3A_350 = tpu.memref_slice %arg2[%dma_wait3A_348, %dma_wait3A_349] : memref<10000x64xf32, #tpu.memory_space<hbm>> -> memref<10000x64xf32, #tpu.memory_space<hbm>>
      tpu.wait_indirect_dma semaphore(%arg13 : memref<!tpu.dma_semaphore, #tpu.memory_space<semaphore_mem>>) src(%dma_wait3A_350 : memref<10000x64xf32, #tpu.memory_space<hbm>>) dst(%dma_wait3A_344 : memref<80x64xf32, #tpu.memory_space<vmem>>)
      %add3A_351 = arith.constant 2 : i32
      %add3A_352 = arith.addi %mul3A_288, %add3A_351 : i32
      %dma_start3A_353 = arith.constant 2 : i32
      %dma_start3A_354 = arith.constant 0 : i32
      %dma_start3A_355 = arith.constant 0 : i32
      %dma_start3A_356 = tpu.memref_slice %arg8[%dma_start3A_353, %dma_start3A_354, %dma_start3A_355] : memref<5x80x64xf32, #tpu.memory_space<vmem>> -> memref<1x80x64xf32, #tpu.memory_space<vmem>>
      %dma_start3A_357 = tpu.memref_squeeze %dma_start3A_356 : memref<1x80x64xf32, #tpu.memory_space<vmem>> -> memref<80x64xf32, #tpu.memory_space<vmem>>
      %dma_start3A_358 = arith.constant 0 : i32
      %dma_start3A_359 = tpu.memref_slice %arg7[%add3A_352, %dma_start3A_358] : memref<125x80xi32, #tpu.memory_space<vmem>> -> memref<1x80xi32, #tpu.memory_space<vmem>>
      %dma_start3A_360 = tpu.memref_squeeze %dma_start3A_359 : memref<1x80xi32, #tpu.memory_space<vmem>> -> memref<80xi32, #tpu.memory_space<vmem>>
      %dma_start3A_361 = arith.constant 0 : i32
      %dma_start3A_362 = arith.constant 0 : i32
      %dma_start3A_363 = tpu.memref_slice %arg10[%dma_start3A_361, %dma_start3A_362] : memref<10080x64xf32, #tpu.memory_space<vmem_shared>> -> memref<10080x64xf32, #tpu.memory_space<vmem_shared>>
      tpu.enqueue_indirect_dma source(%dma_start3A_357 : memref<80x64xf32, #tpu.memory_space<vmem>>) target(%dma_start3A_363 : memref<10080x64xf32, #tpu.memory_space<vmem_shared>>) offsets(%dma_start3A_360 : memref<80xi32, #tpu.memory_space<vmem>>) semaphore(%arg18 : memref<!tpu.dma_semaphore, #tpu.memory_space<semaphore_mem>>) {add = true}
      %dma_wait3A_364 = arith.constant 0 : i32
      %dma_wait3A_365 = arith.constant 3 : i32
      %dma_wait3A_366 = arith.constant 0 : i32
      %dma_wait3A_367 = arith.constant 0 : i32
      %dma_wait3A_368 = tpu.memref_slice %arg8[%dma_wait3A_365, %dma_wait3A_366, %dma_wait3A_367] : memref<5x80x64xf32, #tpu.memory_space<vmem>> -> memref<1x80x64xf32, #tpu.memory_space<vmem>>
      %dma_wait3A_369 = tpu.memref_squeeze %dma_wait3A_368 : memref<1x80x64xf32, #tpu.memory_space<vmem>> -> memref<80x64xf32, #tpu.memory_space<vmem>>
      %dma_wait3A_370 = arith.constant 0 : i32
      %dma_wait3A_371 = tpu.memref_slice %arg6[%dma_wait3A_364, %dma_wait3A_370] : memref<125x80xi32, #tpu.memory_space<vmem>> -> memref<1x80xi32, #tpu.memory_space<vmem>>
      %dma_wait3A_372 = tpu.memref_squeeze %dma_wait3A_371 : memref<1x80xi32, #tpu.memory_space<vmem>> -> memref<80xi32, #tpu.memory_space<vmem>>
      %dma_wait3A_373 = arith.constant 0 : i32
      %dma_wait3A_374 = arith.constant 0 : i32
      %dma_wait3A_375 = tpu.memref_slice %arg2[%dma_wait3A_373, %dma_wait3A_374] : memref<10000x64xf32, #tpu.memory_space<hbm>> -> memref<10000x64xf32, #tpu.memory_space<hbm>>
      tpu.wait_indirect_dma semaphore(%arg14 : memref<!tpu.dma_semaphore, #tpu.memory_space<semaphore_mem>>) src(%dma_wait3A_375 : memref<10000x64xf32, #tpu.memory_space<hbm>>) dst(%dma_wait3A_369 : memref<80x64xf32, #tpu.memory_space<vmem>>)
      %add3A_376 = arith.constant 3 : i32
      %add3A_377 = arith.addi %mul3A_288, %add3A_376 : i32
      %dma_start3A_378 = arith.constant 3 : i32
      %dma_start3A_379 = arith.constant 0 : i32
      %dma_start3A_380 = arith.constant 0 : i32
      %dma_start3A_381 = tpu.memref_slice %arg8[%dma_start3A_378, %dma_start3A_379, %dma_start3A_380] : memref<5x80x64xf32, #tpu.memory_space<vmem>> -> memref<1x80x64xf32, #tpu.memory_space<vmem>>
      %dma_start3A_382 = tpu.memref_squeeze %dma_start3A_381 : memref<1x80x64xf32, #tpu.memory_space<vmem>> -> memref<80x64xf32, #tpu.memory_space<vmem>>
      %dma_start3A_383 = arith.constant 0 : i32
      %dma_start3A_384 = tpu.memref_slice %arg7[%add3A_377, %dma_start3A_383] : memref<125x80xi32, #tpu.memory_space<vmem>> -> memref<1x80xi32, #tpu.memory_space<vmem>>
      %dma_start3A_385 = tpu.memref_squeeze %dma_start3A_384 : memref<1x80xi32, #tpu.memory_space<vmem>> -> memref<80xi32, #tpu.memory_space<vmem>>
      %dma_start3A_386 = arith.constant 0 : i32
      %dma_start3A_387 = arith.constant 0 : i32
      %dma_start3A_388 = tpu.memref_slice %arg10[%dma_start3A_386, %dma_start3A_387] : memref<10080x64xf32, #tpu.memory_space<vmem_shared>> -> memref<10080x64xf32, #tpu.memory_space<vmem_shared>>
      tpu.enqueue_indirect_dma source(%dma_start3A_382 : memref<80x64xf32, #tpu.memory_space<vmem>>) target(%dma_start3A_388 : memref<10080x64xf32, #tpu.memory_space<vmem_shared>>) offsets(%dma_start3A_385 : memref<80xi32, #tpu.memory_space<vmem>>) semaphore(%arg19 : memref<!tpu.dma_semaphore, #tpu.memory_space<semaphore_mem>>) {add = true}
      %dma_wait3A_389 = arith.constant 0 : i32
      %dma_wait3A_390 = arith.constant 4 : i32
      %dma_wait3A_391 = arith.constant 0 : i32
      %dma_wait3A_392 = arith.constant 0 : i32
      %dma_wait3A_393 = tpu.memref_slice %arg8[%dma_wait3A_390, %dma_wait3A_391, %dma_wait3A_392] : memref<5x80x64xf32, #tpu.memory_space<vmem>> -> memref<1x80x64xf32, #tpu.memory_space<vmem>>
      %dma_wait3A_394 = tpu.memref_squeeze %dma_wait3A_393 : memref<1x80x64xf32, #tpu.memory_space<vmem>> -> memref<80x64xf32, #tpu.memory_space<vmem>>
      %dma_wait3A_395 = arith.constant 0 : i32
      %dma_wait3A_396 = tpu.memref_slice %arg6[%dma_wait3A_389, %dma_wait3A_395] : memref<125x80xi32, #tpu.memory_space<vmem>> -> memref<1x80xi32, #tpu.memory_space<vmem>>
      %dma_wait3A_397 = tpu.memref_squeeze %dma_wait3A_396 : memref<1x80xi32, #tpu.memory_space<vmem>> -> memref<80xi32, #tpu.memory_space<vmem>>
      %dma_wait3A_398 = arith.constant 0 : i32
      %dma_wait3A_399 = arith.constant 0 : i32
      %dma_wait3A_400 = tpu.memref_slice %arg2[%dma_wait3A_398, %dma_wait3A_399] : memref<10000x64xf32, #tpu.memory_space<hbm>> -> memref<10000x64xf32, #tpu.memory_space<hbm>>
      tpu.wait_indirect_dma semaphore(%arg15 : memref<!tpu.dma_semaphore, #tpu.memory_space<semaphore_mem>>) src(%dma_wait3A_400 : memref<10000x64xf32, #tpu.memory_space<hbm>>) dst(%dma_wait3A_394 : memref<80x64xf32, #tpu.memory_space<vmem>>)
      %add3A_401 = arith.constant 4 : i32
      %add3A_402 = arith.addi %mul3A_288, %add3A_401 : i32
      %dma_start3A_403 = arith.constant 4 : i32
      %dma_start3A_404 = arith.constant 0 : i32
      %dma_start3A_405 = arith.constant 0 : i32
      %dma_start3A_406 = tpu.memref_slice %arg8[%dma_start3A_403, %dma_start3A_404, %dma_start3A_405] : memref<5x80x64xf32, #tpu.memory_space<vmem>> -> memref<1x80x64xf32, #tpu.memory_space<vmem>>
      %dma_start3A_407 = tpu.memref_squeeze %dma_start3A_406 : memref<1x80x64xf32, #tpu.memory_space<vmem>> -> memref<80x64xf32, #tpu.memory_space<vmem>>
      %dma_start3A_408 = arith.constant 0 : i32
      %dma_start3A_409 = tpu.memref_slice %arg7[%add3A_402, %dma_start3A_408] : memref<125x80xi32, #tpu.memory_space<vmem>> -> memref<1x80xi32, #tpu.memory_space<vmem>>
      %dma_start3A_410 = tpu.memref_squeeze %dma_start3A_409 : memref<1x80xi32, #tpu.memory_space<vmem>> -> memref<80xi32, #tpu.memory_space<vmem>>
      %dma_start3A_411 = arith.constant 0 : i32
      %dma_start3A_412 = arith.constant 0 : i32
      %dma_start3A_413 = tpu.memref_slice %arg10[%dma_start3A_411, %dma_start3A_412] : memref<10080x64xf32, #tpu.memory_space<vmem_shared>> -> memref<10080x64xf32, #tpu.memory_space<vmem_shared>>
      tpu.enqueue_indirect_dma source(%dma_start3A_407 : memref<80x64xf32, #tpu.memory_space<vmem>>) target(%dma_start3A_413 : memref<10080x64xf32, #tpu.memory_space<vmem_shared>>) offsets(%dma_start3A_410 : memref<80xi32, #tpu.memory_space<vmem>>) semaphore(%arg20 : memref<!tpu.dma_semaphore, #tpu.memory_space<semaphore_mem>>) {add = true}
      %add3A_414 = arith.constant 5 : i32
      %add3A_415 = arith.addi %mul3A_288, %add3A_414 : i32
      %dma_wait3A_416 = arith.constant 0 : i32
      %dma_wait3A_417 = arith.constant 0 : i32
      %dma_wait3A_418 = arith.constant 0 : i32
      %dma_wait3A_419 = arith.constant 0 : i32
      %dma_wait3A_420 = tpu.memref_slice %arg8[%dma_wait3A_416, %dma_wait3A_418, %dma_wait3A_419] : memref<5x80x64xf32, #tpu.memory_space<vmem>> -> memref<1x80x64xf32, #tpu.memory_space<vmem>>
      %dma_wait3A_421 = tpu.memref_squeeze %dma_wait3A_420 : memref<1x80x64xf32, #tpu.memory_space<vmem>> -> memref<80x64xf32, #tpu.memory_space<vmem>>
      %dma_wait3A_422 = arith.constant 0 : i32
      %dma_wait3A_423 = tpu.memref_slice %arg7[%dma_wait3A_417, %dma_wait3A_422] : memref<125x80xi32, #tpu.memory_space<vmem>> -> memref<1x80xi32, #tpu.memory_space<vmem>>
      %dma_wait3A_424 = tpu.memref_squeeze %dma_wait3A_423 : memref<1x80xi32, #tpu.memory_space<vmem>> -> memref<80xi32, #tpu.memory_space<vmem>>
      %dma_wait3A_425 = arith.constant 0 : i32
      %dma_wait3A_426 = arith.constant 0 : i32
      %dma_wait3A_427 = tpu.memref_slice %arg10[%dma_wait3A_425, %dma_wait3A_426] : memref<10080x64xf32, #tpu.memory_space<vmem_shared>> -> memref<10080x64xf32, #tpu.memory_space<vmem_shared>>
      tpu.wait_indirect_dma semaphore(%arg16 : memref<!tpu.dma_semaphore, #tpu.memory_space<semaphore_mem>>) src(%dma_wait3A_421 : memref<80x64xf32, #tpu.memory_space<vmem>>) dst(%dma_wait3A_427 : memref<10080x64xf32, #tpu.memory_space<vmem_shared>>)
      %add3A_428 = arith.constant 0 : i32
      %add3A_429 = arith.addi %add3A_415, %add3A_428 : i32
      %dma_start3A_430 = arith.constant 0 : i32
      %dma_start3A_431 = arith.constant 0 : i32
      %dma_start3A_432 = arith.constant 0 : i32
      %dma_start3A_433 = tpu.memref_slice %arg8[%dma_start3A_430, %dma_start3A_431, %dma_start3A_432] : memref<5x80x64xf32, #tpu.memory_space<vmem>> -> memref<1x80x64xf32, #tpu.memory_space<vmem>>
      %dma_start3A_434 = tpu.memref_squeeze %dma_start3A_433 : memref<1x80x64xf32, #tpu.memory_space<vmem>> -> memref<80x64xf32, #tpu.memory_space<vmem>>
      %dma_start3A_435 = arith.constant 0 : i32
      %dma_start3A_436 = tpu.memref_slice %arg6[%add3A_429, %dma_start3A_435] : memref<125x80xi32, #tpu.memory_space<vmem>> -> memref<1x80xi32, #tpu.memory_space<vmem>>
      %dma_start3A_437 = tpu.memref_squeeze %dma_start3A_436 : memref<1x80xi32, #tpu.memory_space<vmem>> -> memref<80xi32, #tpu.memory_space<vmem>>
      %dma_start3A_438 = arith.constant 0 : i32
      %dma_start3A_439 = arith.constant 0 : i32
      %dma_start3A_440 = tpu.memref_slice %arg2[%dma_start3A_438, %dma_start3A_439] : memref<10000x64xf32, #tpu.memory_space<hbm>> -> memref<10000x64xf32, #tpu.memory_space<hbm>>
      tpu.enqueue_indirect_dma source(%dma_start3A_440 : memref<10000x64xf32, #tpu.memory_space<hbm>>) target(%dma_start3A_434 : memref<80x64xf32, #tpu.memory_space<vmem>>) offsets(%dma_start3A_437 : memref<80xi32, #tpu.memory_space<vmem>>) semaphore(%arg11 : memref<!tpu.dma_semaphore, #tpu.memory_space<semaphore_mem>>)
      %dma_wait3A_441 = arith.constant 1 : i32
      %dma_wait3A_442 = arith.constant 0 : i32
      %dma_wait3A_443 = arith.constant 0 : i32
      %dma_wait3A_444 = arith.constant 0 : i32
      %dma_wait3A_445 = tpu.memref_slice %arg8[%dma_wait3A_441, %dma_wait3A_443, %dma_wait3A_444] : memref<5x80x64xf32, #tpu.memory_space<vmem>> -> memref<1x80x64xf32, #tpu.memory_space<vmem>>
      %dma_wait3A_446 = tpu.memref_squeeze %dma_wait3A_445 : memref<1x80x64xf32, #tpu.memory_space<vmem>> -> memref<80x64xf32, #tpu.memory_space<vmem>>
      %dma_wait3A_447 = arith.constant 0 : i32
      %dma_wait3A_448 = tpu.memref_slice %arg7[%dma_wait3A_442, %dma_wait3A_447] : memref<125x80xi32, #tpu.memory_space<vmem>> -> memref<1x80xi32, #tpu.memory_space<vmem>>
      %dma_wait3A_449 = tpu.memref_squeeze %dma_wait3A_448 : memref<1x80xi32, #tpu.memory_space<vmem>> -> memref<80xi32, #tpu.memory_space<vmem>>
      %dma_wait3A_450 = arith.constant 0 : i32
      %dma_wait3A_451 = arith.constant 0 : i32
      %dma_wait3A_452 = tpu.memref_slice %arg10[%dma_wait3A_450, %dma_wait3A_451] : memref<10080x64xf32, #tpu.memory_space<vmem_shared>> -> memref<10080x64xf32, #tpu.memory_space<vmem_shared>>
      tpu.wait_indirect_dma semaphore(%arg17 : memref<!tpu.dma_semaphore, #tpu.memory_space<semaphore_mem>>) src(%dma_wait3A_446 : memref<80x64xf32, #tpu.memory_space<vmem>>) dst(%dma_wait3A_452 : memref<10080x64xf32, #tpu.memory_space<vmem_shared>>)
      %add3A_453 = arith.constant 1 : i32
      %add3A_454 = arith.addi %add3A_415, %add3A_453 : i32
      %dma_start3A_455 = arith.constant 1 : i32
      %dma_start3A_456 = arith.constant 0 : i32
      %dma_start3A_457 = arith.constant 0 : i32
      %dma_start3A_458 = tpu.memref_slice %arg8[%dma_start3A_455, %dma_start3A_456, %dma_start3A_457] : memref<5x80x64xf32, #tpu.memory_space<vmem>> -> memref<1x80x64xf32, #tpu.memory_space<vmem>>
      %dma_start3A_459 = tpu.memref_squeeze %dma_start3A_458 : memref<1x80x64xf32, #tpu.memory_space<vmem>> -> memref<80x64xf32, #tpu.memory_space<vmem>>
      %dma_start3A_460 = arith.constant 0 : i32
      %dma_start3A_461 = tpu.memref_slice %arg6[%add3A_454, %dma_start3A_460] : memref<125x80xi32, #tpu.memory_space<vmem>> -> memref<1x80xi32, #tpu.memory_space<vmem>>
      %dma_start3A_462 = tpu.memref_squeeze %dma_start3A_461 : memref<1x80xi32, #tpu.memory_space<vmem>> -> memref<80xi32, #tpu.memory_space<vmem>>
      %dma_start3A_463 = arith.constant 0 : i32
      %dma_start3A_464 = arith.constant 0 : i32
      %dma_start3A_465 = tpu.memref_slice %arg2[%dma_start3A_463, %dma_start3A_464] : memref<10000x64xf32, #tpu.memory_space<hbm>> -> memref<10000x64xf32, #tpu.memory_space<hbm>>
      tpu.enqueue_indirect_dma source(%dma_start3A_465 : memref<10000x64xf32, #tpu.memory_space<hbm>>) target(%dma_start3A_459 : memref<80x64xf32, #tpu.memory_space<vmem>>) offsets(%dma_start3A_462 : memref<80xi32, #tpu.memory_space<vmem>>) semaphore(%arg12 : memref<!tpu.dma_semaphore, #tpu.memory_space<semaphore_mem>>)
      %dma_wait3A_466 = arith.constant 2 : i32
      %dma_wait3A_467 = arith.constant 0 : i32
      %dma_wait3A_468 = arith.constant 0 : i32
      %dma_wait3A_469 = arith.constant 0 : i32
      %dma_wait3A_470 = tpu.memref_slice %arg8[%dma_wait3A_466, %dma_wait3A_468, %dma_wait3A_469] : memref<5x80x64xf32, #tpu.memory_space<vmem>> -> memref<1x80x64xf32, #tpu.memory_space<vmem>>
      %dma_wait3A_471 = tpu.memref_squeeze %dma_wait3A_470 : memref<1x80x64xf32, #tpu.memory_space<vmem>> -> memref<80x64xf32, #tpu.memory_space<vmem>>
      %dma_wait3A_472 = arith.constant 0 : i32
      %dma_wait3A_473 = tpu.memref_slice %arg7[%dma_wait3A_467, %dma_wait3A_472] : memref<125x80xi32, #tpu.memory_space<vmem>> -> memref<1x80xi32, #tpu.memory_space<vmem>>
      %dma_wait3A_474 = tpu.memref_squeeze %dma_wait3A_473 : memref<1x80xi32, #tpu.memory_space<vmem>> -> memref<80xi32, #tpu.memory_space<vmem>>
      %dma_wait3A_475 = arith.constant 0 : i32
      %dma_wait3A_476 = arith.constant 0 : i32
      %dma_wait3A_477 = tpu.memref_slice %arg10[%dma_wait3A_475, %dma_wait3A_476] : memref<10080x64xf32, #tpu.memory_space<vmem_shared>> -> memref<10080x64xf32, #tpu.memory_space<vmem_shared>>
      tpu.wait_indirect_dma semaphore(%arg18 : memref<!tpu.dma_semaphore, #tpu.memory_space<semaphore_mem>>) src(%dma_wait3A_471 : memref<80x64xf32, #tpu.memory_space<vmem>>) dst(%dma_wait3A_477 : memref<10080x64xf32, #tpu.memory_space<vmem_shared>>)
      %add3A_478 = arith.constant 2 : i32
      %add3A_479 = arith.addi %add3A_415, %add3A_478 : i32
      %dma_start3A_480 = arith.constant 2 : i32
      %dma_start3A_481 = arith.constant 0 : i32
      %dma_start3A_482 = arith.constant 0 : i32
      %dma_start3A_483 = tpu.memref_slice %arg8[%dma_start3A_480, %dma_start3A_481, %dma_start3A_482] : memref<5x80x64xf32, #tpu.memory_space<vmem>> -> memref<1x80x64xf32, #tpu.memory_space<vmem>>
      %dma_start3A_484 = tpu.memref_squeeze %dma_start3A_483 : memref<1x80x64xf32, #tpu.memory_space<vmem>> -> memref<80x64xf32, #tpu.memory_space<vmem>>
      %dma_start3A_485 = arith.constant 0 : i32
      %dma_start3A_486 = tpu.memref_slice %arg6[%add3A_479, %dma_start3A_485] : memref<125x80xi32, #tpu.memory_space<vmem>> -> memref<1x80xi32, #tpu.memory_space<vmem>>
      %dma_start3A_487 = tpu.memref_squeeze %dma_start3A_486 : memref<1x80xi32, #tpu.memory_space<vmem>> -> memref<80xi32, #tpu.memory_space<vmem>>
      %dma_start3A_488 = arith.constant 0 : i32
      %dma_start3A_489 = arith.constant 0 : i32
      %dma_start3A_490 = tpu.memref_slice %arg2[%dma_start3A_488, %dma_start3A_489] : memref<10000x64xf32, #tpu.memory_space<hbm>> -> memref<10000x64xf32, #tpu.memory_space<hbm>>
      tpu.enqueue_indirect_dma source(%dma_start3A_490 : memref<10000x64xf32, #tpu.memory_space<hbm>>) target(%dma_start3A_484 : memref<80x64xf32, #tpu.memory_space<vmem>>) offsets(%dma_start3A_487 : memref<80xi32, #tpu.memory_space<vmem>>) semaphore(%arg13 : memref<!tpu.dma_semaphore, #tpu.memory_space<semaphore_mem>>)
      %dma_wait3A_491 = arith.constant 3 : i32
      %dma_wait3A_492 = arith.constant 0 : i32
      %dma_wait3A_493 = arith.constant 0 : i32
      %dma_wait3A_494 = arith.constant 0 : i32
      %dma_wait3A_495 = tpu.memref_slice %arg8[%dma_wait3A_491, %dma_wait3A_493, %dma_wait3A_494] : memref<5x80x64xf32, #tpu.memory_space<vmem>> -> memref<1x80x64xf32, #tpu.memory_space<vmem>>
      %dma_wait3A_496 = tpu.memref_squeeze %dma_wait3A_495 : memref<1x80x64xf32, #tpu.memory_space<vmem>> -> memref<80x64xf32, #tpu.memory_space<vmem>>
      %dma_wait3A_497 = arith.constant 0 : i32
      %dma_wait3A_498 = tpu.memref_slice %arg7[%dma_wait3A_492, %dma_wait3A_497] : memref<125x80xi32, #tpu.memory_space<vmem>> -> memref<1x80xi32, #tpu.memory_space<vmem>>
      %dma_wait3A_499 = tpu.memref_squeeze %dma_wait3A_498 : memref<1x80xi32, #tpu.memory_space<vmem>> -> memref<80xi32, #tpu.memory_space<vmem>>
      %dma_wait3A_500 = arith.constant 0 : i32
      %dma_wait3A_501 = arith.constant 0 : i32
      %dma_wait3A_502 = tpu.memref_slice %arg10[%dma_wait3A_500, %dma_wait3A_501] : memref<10080x64xf32, #tpu.memory_space<vmem_shared>> -> memref<10080x64xf32, #tpu.memory_space<vmem_shared>>
      tpu.wait_indirect_dma semaphore(%arg19 : memref<!tpu.dma_semaphore, #tpu.memory_space<semaphore_mem>>) src(%dma_wait3A_496 : memref<80x64xf32, #tpu.memory_space<vmem>>) dst(%dma_wait3A_502 : memref<10080x64xf32, #tpu.memory_space<vmem_shared>>)
      %add3A_503 = arith.constant 3 : i32
      %add3A_504 = arith.addi %add3A_415, %add3A_503 : i32
      %dma_start3A_505 = arith.constant 3 : i32
      %dma_start3A_506 = arith.constant 0 : i32
      %dma_start3A_507 = arith.constant 0 : i32
      %dma_start3A_508 = tpu.memref_slice %arg8[%dma_start3A_505, %dma_start3A_506, %dma_start3A_507] : memref<5x80x64xf32, #tpu.memory_space<vmem>> -> memref<1x80x64xf32, #tpu.memory_space<vmem>>
      %dma_start3A_509 = tpu.memref_squeeze %dma_start3A_508 : memref<1x80x64xf32, #tpu.memory_space<vmem>> -> memref<80x64xf32, #tpu.memory_space<vmem>>
      %dma_start3A_510 = arith.constant 0 : i32
      %dma_start3A_511 = tpu.memref_slice %arg6[%add3A_504, %dma_start3A_510] : memref<125x80xi32, #tpu.memory_space<vmem>> -> memref<1x80xi32, #tpu.memory_space<vmem>>
      %dma_start3A_512 = tpu.memref_squeeze %dma_start3A_511 : memref<1x80xi32, #tpu.memory_space<vmem>> -> memref<80xi32, #tpu.memory_space<vmem>>
      %dma_start3A_513 = arith.constant 0 : i32
      %dma_start3A_514 = arith.constant 0 : i32
      %dma_start3A_515 = tpu.memref_slice %arg2[%dma_start3A_513, %dma_start3A_514] : memref<10000x64xf32, #tpu.memory_space<hbm>> -> memref<10000x64xf32, #tpu.memory_space<hbm>>
      tpu.enqueue_indirect_dma source(%dma_start3A_515 : memref<10000x64xf32, #tpu.memory_space<hbm>>) target(%dma_start3A_509 : memref<80x64xf32, #tpu.memory_space<vmem>>) offsets(%dma_start3A_512 : memref<80xi32, #tpu.memory_space<vmem>>) semaphore(%arg14 : memref<!tpu.dma_semaphore, #tpu.memory_space<semaphore_mem>>)
      %dma_wait3A_516 = arith.constant 4 : i32
      %dma_wait3A_517 = arith.constant 0 : i32
      %dma_wait3A_518 = arith.constant 0 : i32
      %dma_wait3A_519 = arith.constant 0 : i32
      %dma_wait3A_520 = tpu.memref_slice %arg8[%dma_wait3A_516, %dma_wait3A_518, %dma_wait3A_519] : memref<5x80x64xf32, #tpu.memory_space<vmem>> -> memref<1x80x64xf32, #tpu.memory_space<vmem>>
      %dma_wait3A_521 = tpu.memref_squeeze %dma_wait3A_520 : memref<1x80x64xf32, #tpu.memory_space<vmem>> -> memref<80x64xf32, #tpu.memory_space<vmem>>
      %dma_wait3A_522 = arith.constant 0 : i32
      %dma_wait3A_523 = tpu.memref_slice %arg7[%dma_wait3A_517, %dma_wait3A_522] : memref<125x80xi32, #tpu.memory_space<vmem>> -> memref<1x80xi32, #tpu.memory_space<vmem>>
      %dma_wait3A_524 = tpu.memref_squeeze %dma_wait3A_523 : memref<1x80xi32, #tpu.memory_space<vmem>> -> memref<80xi32, #tpu.memory_space<vmem>>
      %dma_wait3A_525 = arith.constant 0 : i32
      %dma_wait3A_526 = arith.constant 0 : i32
      %dma_wait3A_527 = tpu.memref_slice %arg10[%dma_wait3A_525, %dma_wait3A_526] : memref<10080x64xf32, #tpu.memory_space<vmem_shared>> -> memref<10080x64xf32, #tpu.memory_space<vmem_shared>>
      tpu.wait_indirect_dma semaphore(%arg20 : memref<!tpu.dma_semaphore, #tpu.memory_space<semaphore_mem>>) src(%dma_wait3A_521 : memref<80x64xf32, #tpu.memory_space<vmem>>) dst(%dma_wait3A_527 : memref<10080x64xf32, #tpu.memory_space<vmem_shared>>)
      %add3A_528 = arith.constant 4 : i32
      %add3A_529 = arith.addi %add3A_415, %add3A_528 : i32
      %dma_start3A_530 = arith.constant 4 : i32
      %dma_start3A_531 = arith.constant 0 : i32
      %dma_start3A_532 = arith.constant 0 : i32
      %dma_start3A_533 = tpu.memref_slice %arg8[%dma_start3A_530, %dma_start3A_531, %dma_start3A_532] : memref<5x80x64xf32, #tpu.memory_space<vmem>> -> memref<1x80x64xf32, #tpu.memory_space<vmem>>
      %dma_start3A_534 = tpu.memref_squeeze %dma_start3A_533 : memref<1x80x64xf32, #tpu.memory_space<vmem>> -> memref<80x64xf32, #tpu.memory_space<vmem>>
      %dma_start3A_535 = arith.constant 0 : i32
      %dma_start3A_536 = tpu.memref_slice %arg6[%add3A_529, %dma_start3A_535] : memref<125x80xi32, #tpu.memory_space<vmem>> -> memref<1x80xi32, #tpu.memory_space<vmem>>
      %dma_start3A_537 = tpu.memref_squeeze %dma_start3A_536 : memref<1x80xi32, #tpu.memory_space<vmem>> -> memref<80xi32, #tpu.memory_space<vmem>>
      %dma_start3A_538 = arith.constant 0 : i32
      %dma_start3A_539 = arith.constant 0 : i32
      %dma_start3A_540 = tpu.memref_slice %arg2[%dma_start3A_538, %dma_start3A_539] : memref<10000x64xf32, #tpu.memory_space<hbm>> -> memref<10000x64xf32, #tpu.memory_space<hbm>>
      tpu.enqueue_indirect_dma source(%dma_start3A_540 : memref<10000x64xf32, #tpu.memory_space<hbm>>) target(%dma_start3A_534 : memref<80x64xf32, #tpu.memory_space<vmem>>) offsets(%dma_start3A_537 : memref<80xi32, #tpu.memory_space<vmem>>) semaphore(%arg15 : memref<!tpu.dma_semaphore, #tpu.memory_space<semaphore_mem>>)
    }
    %scan3A_85 = arith.constant 24 : i32
    %dma_wait3A = arith.constant 0 : i32
    %dma_wait3A_86 = arith.constant 0 : i32
    %dma_wait3A_87 = arith.constant 0 : i32
    %dma_wait3A_88 = arith.constant 0 : i32
    %dma_wait3A_89 = tpu.memref_slice %arg8[%dma_wait3A_86, %dma_wait3A_87, %dma_wait3A_88] : memref<5x80x64xf32, #tpu.memory_space<vmem>> -> memref<1x80x64xf32, #tpu.memory_space<vmem>>
    %dma_wait3A_90 = tpu.memref_squeeze %dma_wait3A_89 : memref<1x80x64xf32, #tpu.memory_space<vmem>> -> memref<80x64xf32, #tpu.memory_space<vmem>>
    %dma_wait3A_91 = arith.constant 0 : i32
    %dma_wait3A_92 = tpu.memref_slice %arg6[%dma_wait3A, %dma_wait3A_91] : memref<125x80xi32, #tpu.memory_space<vmem>> -> memref<1x80xi32, #tpu.memory_space<vmem>>
    %dma_wait3A_93 = tpu.memref_squeeze %dma_wait3A_92 : memref<1x80xi32, #tpu.memory_space<vmem>> -> memref<80xi32, #tpu.memory_space<vmem>>
    %dma_wait3A_94 = arith.constant 0 : i32
    %dma_wait3A_95 = arith.constant 0 : i32
    %dma_wait3A_96 = tpu.memref_slice %arg2[%dma_wait3A_94, %dma_wait3A_95] : memref<10000x64xf32, #tpu.memory_space<hbm>> -> memref<10000x64xf32, #tpu.memory_space<hbm>>
    tpu.wait_indirect_dma semaphore(%arg11 : memref<!tpu.dma_semaphore, #tpu.memory_space<semaphore_mem>>) src(%dma_wait3A_96 : memref<10000x64xf32, #tpu.memory_space<hbm>>) dst(%dma_wait3A_90 : memref<80x64xf32, #tpu.memory_space<vmem>>)
    %dma_start3A_97 = arith.constant 0 : i32
    %dma_start3A_98 = arith.constant 120 : i32
    %dma_start3A_99 = arith.constant 0 : i32
    %dma_start3A_100 = arith.constant 0 : i32
    %dma_start3A_101 = tpu.memref_slice %arg8[%dma_start3A_97, %dma_start3A_99, %dma_start3A_100] : memref<5x80x64xf32, #tpu.memory_space<vmem>> -> memref<1x80x64xf32, #tpu.memory_space<vmem>>
    %dma_start3A_102 = tpu.memref_squeeze %dma_start3A_101 : memref<1x80x64xf32, #tpu.memory_space<vmem>> -> memref<80x64xf32, #tpu.memory_space<vmem>>
    %dma_start3A_103 = arith.constant 0 : i32
    %dma_start3A_104 = tpu.memref_slice %arg7[%dma_start3A_98, %dma_start3A_103] : memref<125x80xi32, #tpu.memory_space<vmem>> -> memref<1x80xi32, #tpu.memory_space<vmem>>
    %dma_start3A_105 = tpu.memref_squeeze %dma_start3A_104 : memref<1x80xi32, #tpu.memory_space<vmem>> -> memref<80xi32, #tpu.memory_space<vmem>>
    %dma_start3A_106 = arith.constant 0 : i32
    %dma_start3A_107 = arith.constant 0 : i32
    %dma_start3A_108 = tpu.memref_slice %arg10[%dma_start3A_106, %dma_start3A_107] : memref<10080x64xf32, #tpu.memory_space<vmem_shared>> -> memref<10080x64xf32, #tpu.memory_space<vmem_shared>>
    tpu.enqueue_indirect_dma source(%dma_start3A_102 : memref<80x64xf32, #tpu.memory_space<vmem>>) target(%dma_start3A_108 : memref<10080x64xf32, #tpu.memory_space<vmem_shared>>) offsets(%dma_start3A_105 : memref<80xi32, #tpu.memory_space<vmem>>) semaphore(%arg16 : memref<!tpu.dma_semaphore, #tpu.memory_space<semaphore_mem>>) {add = true}
    %dma_wait3A_109 = arith.constant 0 : i32
    %dma_wait3A_110 = arith.constant 1 : i32
    %dma_wait3A_111 = arith.constant 0 : i32
    %dma_wait3A_112 = arith.constant 0 : i32
    %dma_wait3A_113 = tpu.memref_slice %arg8[%dma_wait3A_110, %dma_wait3A_111, %dma_wait3A_112] : memref<5x80x64xf32, #tpu.memory_space<vmem>> -> memref<1x80x64xf32, #tpu.memory_space<vmem>>
    %dma_wait3A_114 = tpu.memref_squeeze %dma_wait3A_113 : memref<1x80x64xf32, #tpu.memory_space<vmem>> -> memref<80x64xf32, #tpu.memory_space<vmem>>
    %dma_wait3A_115 = arith.constant 0 : i32
    %dma_wait3A_116 = tpu.memref_slice %arg6[%dma_wait3A_109, %dma_wait3A_115] : memref<125x80xi32, #tpu.memory_space<vmem>> -> memref<1x80xi32, #tpu.memory_space<vmem>>
    %dma_wait3A_117 = tpu.memref_squeeze %dma_wait3A_116 : memref<1x80xi32, #tpu.memory_space<vmem>> -> memref<80xi32, #tpu.memory_space<vmem>>
    %dma_wait3A_118 = arith.constant 0 : i32
    %dma_wait3A_119 = arith.constant 0 : i32
    %dma_wait3A_120 = tpu.memref_slice %arg2[%dma_wait3A_118, %dma_wait3A_119] : memref<10000x64xf32, #tpu.memory_space<hbm>> -> memref<10000x64xf32, #tpu.memory_space<hbm>>
    tpu.wait_indirect_dma semaphore(%arg12 : memref<!tpu.dma_semaphore, #tpu.memory_space<semaphore_mem>>) src(%dma_wait3A_120 : memref<10000x64xf32, #tpu.memory_space<hbm>>) dst(%dma_wait3A_114 : memref<80x64xf32, #tpu.memory_space<vmem>>)
    %dma_start3A_121 = arith.constant 1 : i32
    %dma_start3A_122 = arith.constant 121 : i32
    %dma_start3A_123 = arith.constant 0 : i32
    %dma_start3A_124 = arith.constant 0 : i32
    %dma_start3A_125 = tpu.memref_slice %arg8[%dma_start3A_121, %dma_start3A_123, %dma_start3A_124] : memref<5x80x64xf32, #tpu.memory_space<vmem>> -> memref<1x80x64xf32, #tpu.memory_space<vmem>>
    %dma_start3A_126 = tpu.memref_squeeze %dma_start3A_125 : memref<1x80x64xf32, #tpu.memory_space<vmem>> -> memref<80x64xf32, #tpu.memory_space<vmem>>
    %dma_start3A_127 = arith.constant 0 : i32
    %dma_start3A_128 = tpu.memref_slice %arg7[%dma_start3A_122, %dma_start3A_127] : memref<125x80xi32, #tpu.memory_space<vmem>> -> memref<1x80xi32, #tpu.memory_space<vmem>>
    %dma_start3A_129 = tpu.memref_squeeze %dma_start3A_128 : memref<1x80xi32, #tpu.memory_space<vmem>> -> memref<80xi32, #tpu.memory_space<vmem>>
    %dma_start3A_130 = arith.constant 0 : i32
    %dma_start3A_131 = arith.constant 0 : i32
    %dma_start3A_132 = tpu.memref_slice %arg10[%dma_start3A_130, %dma_start3A_131] : memref<10080x64xf32, #tpu.memory_space<vmem_shared>> -> memref<10080x64xf32, #tpu.memory_space<vmem_shared>>
    tpu.enqueue_indirect_dma source(%dma_start3A_126 : memref<80x64xf32, #tpu.memory_space<vmem>>) target(%dma_start3A_132 : memref<10080x64xf32, #tpu.memory_space<vmem_shared>>) offsets(%dma_start3A_129 : memref<80xi32, #tpu.memory_space<vmem>>) semaphore(%arg17 : memref<!tpu.dma_semaphore, #tpu.memory_space<semaphore_mem>>) {add = true}
    %dma_wait3A_133 = arith.constant 0 : i32
    %dma_wait3A_134 = arith.constant 2 : i32
    %dma_wait3A_135 = arith.constant 0 : i32
    %dma_wait3A_136 = arith.constant 0 : i32
    %dma_wait3A_137 = tpu.memref_slice %arg8[%dma_wait3A_134, %dma_wait3A_135, %dma_wait3A_136] : memref<5x80x64xf32, #tpu.memory_space<vmem>> -> memref<1x80x64xf32, #tpu.memory_space<vmem>>
    %dma_wait3A_138 = tpu.memref_squeeze %dma_wait3A_137 : memref<1x80x64xf32, #tpu.memory_space<vmem>> -> memref<80x64xf32, #tpu.memory_space<vmem>>
    %dma_wait3A_139 = arith.constant 0 : i32
    %dma_wait3A_140 = tpu.memref_slice %arg6[%dma_wait3A_133, %dma_wait3A_139] : memref<125x80xi32, #tpu.memory_space<vmem>> -> memref<1x80xi32, #tpu.memory_space<vmem>>
    %dma_wait3A_141 = tpu.memref_squeeze %dma_wait3A_140 : memref<1x80xi32, #tpu.memory_space<vmem>> -> memref<80xi32, #tpu.memory_space<vmem>>
    %dma_wait3A_142 = arith.constant 0 : i32
    %dma_wait3A_143 = arith.constant 0 : i32
    %dma_wait3A_144 = tpu.memref_slice %arg2[%dma_wait3A_142, %dma_wait3A_143] : memref<10000x64xf32, #tpu.memory_space<hbm>> -> memref<10000x64xf32, #tpu.memory_space<hbm>>
    tpu.wait_indirect_dma semaphore(%arg13 : memref<!tpu.dma_semaphore, #tpu.memory_space<semaphore_mem>>) src(%dma_wait3A_144 : memref<10000x64xf32, #tpu.memory_space<hbm>>) dst(%dma_wait3A_138 : memref<80x64xf32, #tpu.memory_space<vmem>>)
    %dma_start3A_145 = arith.constant 2 : i32
    %dma_start3A_146 = arith.constant 122 : i32
    %dma_start3A_147 = arith.constant 0 : i32
    %dma_start3A_148 = arith.constant 0 : i32
    %dma_start3A_149 = tpu.memref_slice %arg8[%dma_start3A_145, %dma_start3A_147, %dma_start3A_148] : memref<5x80x64xf32, #tpu.memory_space<vmem>> -> memref<1x80x64xf32, #tpu.memory_space<vmem>>
    %dma_start3A_150 = tpu.memref_squeeze %dma_start3A_149 : memref<1x80x64xf32, #tpu.memory_space<vmem>> -> memref<80x64xf32, #tpu.memory_space<vmem>>
    %dma_start3A_151 = arith.constant 0 : i32
    %dma_start3A_152 = tpu.memref_slice %arg7[%dma_start3A_146, %dma_start3A_151] : memref<125x80xi32, #tpu.memory_space<vmem>> -> memref<1x80xi32, #tpu.memory_space<vmem>>
    %dma_start3A_153 = tpu.memref_squeeze %dma_start3A_152 : memref<1x80xi32, #tpu.memory_space<vmem>> -> memref<80xi32, #tpu.memory_space<vmem>>
    %dma_start3A_154 = arith.constant 0 : i32
    %dma_start3A_155 = arith.constant 0 : i32
    %dma_start3A_156 = tpu.memref_slice %arg10[%dma_start3A_154, %dma_start3A_155] : memref<10080x64xf32, #tpu.memory_space<vmem_shared>> -> memref<10080x64xf32, #tpu.memory_space<vmem_shared>>
    tpu.enqueue_indirect_dma source(%dma_start3A_150 : memref<80x64xf32, #tpu.memory_space<vmem>>) target(%dma_start3A_156 : memref<10080x64xf32, #tpu.memory_space<vmem_shared>>) offsets(%dma_start3A_153 : memref<80xi32, #tpu.memory_space<vmem>>) semaphore(%arg18 : memref<!tpu.dma_semaphore, #tpu.memory_space<semaphore_mem>>) {add = true}
    %dma_wait3A_157 = arith.constant 0 : i32
    %dma_wait3A_158 = arith.constant 3 : i32
    %dma_wait3A_159 = arith.constant 0 : i32
    %dma_wait3A_160 = arith.constant 0 : i32
    %dma_wait3A_161 = tpu.memref_slice %arg8[%dma_wait3A_158, %dma_wait3A_159, %dma_wait3A_160] : memref<5x80x64xf32, #tpu.memory_space<vmem>> -> memref<1x80x64xf32, #tpu.memory_space<vmem>>
    %dma_wait3A_162 = tpu.memref_squeeze %dma_wait3A_161 : memref<1x80x64xf32, #tpu.memory_space<vmem>> -> memref<80x64xf32, #tpu.memory_space<vmem>>
    %dma_wait3A_163 = arith.constant 0 : i32
    %dma_wait3A_164 = tpu.memref_slice %arg6[%dma_wait3A_157, %dma_wait3A_163] : memref<125x80xi32, #tpu.memory_space<vmem>> -> memref<1x80xi32, #tpu.memory_space<vmem>>
    %dma_wait3A_165 = tpu.memref_squeeze %dma_wait3A_164 : memref<1x80xi32, #tpu.memory_space<vmem>> -> memref<80xi32, #tpu.memory_space<vmem>>
    %dma_wait3A_166 = arith.constant 0 : i32
    %dma_wait3A_167 = arith.constant 0 : i32
    %dma_wait3A_168 = tpu.memref_slice %arg2[%dma_wait3A_166, %dma_wait3A_167] : memref<10000x64xf32, #tpu.memory_space<hbm>> -> memref<10000x64xf32, #tpu.memory_space<hbm>>
    tpu.wait_indirect_dma semaphore(%arg14 : memref<!tpu.dma_semaphore, #tpu.memory_space<semaphore_mem>>) src(%dma_wait3A_168 : memref<10000x64xf32, #tpu.memory_space<hbm>>) dst(%dma_wait3A_162 : memref<80x64xf32, #tpu.memory_space<vmem>>)
    %dma_start3A_169 = arith.constant 3 : i32
    %dma_start3A_170 = arith.constant 123 : i32
    %dma_start3A_171 = arith.constant 0 : i32
    %dma_start3A_172 = arith.constant 0 : i32
    %dma_start3A_173 = tpu.memref_slice %arg8[%dma_start3A_169, %dma_start3A_171, %dma_start3A_172] : memref<5x80x64xf32, #tpu.memory_space<vmem>> -> memref<1x80x64xf32, #tpu.memory_space<vmem>>
    %dma_start3A_174 = tpu.memref_squeeze %dma_start3A_173 : memref<1x80x64xf32, #tpu.memory_space<vmem>> -> memref<80x64xf32, #tpu.memory_space<vmem>>
    %dma_start3A_175 = arith.constant 0 : i32
    %dma_start3A_176 = tpu.memref_slice %arg7[%dma_start3A_170, %dma_start3A_175] : memref<125x80xi32, #tpu.memory_space<vmem>> -> memref<1x80xi32, #tpu.memory_space<vmem>>
    %dma_start3A_177 = tpu.memref_squeeze %dma_start3A_176 : memref<1x80xi32, #tpu.memory_space<vmem>> -> memref<80xi32, #tpu.memory_space<vmem>>
    %dma_start3A_178 = arith.constant 0 : i32
    %dma_start3A_179 = arith.constant 0 : i32
    %dma_start3A_180 = tpu.memref_slice %arg10[%dma_start3A_178, %dma_start3A_179] : memref<10080x64xf32, #tpu.memory_space<vmem_shared>> -> memref<10080x64xf32, #tpu.memory_space<vmem_shared>>
    tpu.enqueue_indirect_dma source(%dma_start3A_174 : memref<80x64xf32, #tpu.memory_space<vmem>>) target(%dma_start3A_180 : memref<10080x64xf32, #tpu.memory_space<vmem_shared>>) offsets(%dma_start3A_177 : memref<80xi32, #tpu.memory_space<vmem>>) semaphore(%arg19 : memref<!tpu.dma_semaphore, #tpu.memory_space<semaphore_mem>>) {add = true}
    %dma_wait3A_181 = arith.constant 0 : i32
    %dma_wait3A_182 = arith.constant 4 : i32
    %dma_wait3A_183 = arith.constant 0 : i32
    %dma_wait3A_184 = arith.constant 0 : i32
    %dma_wait3A_185 = tpu.memref_slice %arg8[%dma_wait3A_182, %dma_wait3A_183, %dma_wait3A_184] : memref<5x80x64xf32, #tpu.memory_space<vmem>> -> memref<1x80x64xf32, #tpu.memory_space<vmem>>
    %dma_wait3A_186 = tpu.memref_squeeze %dma_wait3A_185 : memref<1x80x64xf32, #tpu.memory_space<vmem>> -> memref<80x64xf32, #tpu.memory_space<vmem>>
    %dma_wait3A_187 = arith.constant 0 : i32
    %dma_wait3A_188 = tpu.memref_slice %arg6[%dma_wait3A_181, %dma_wait3A_187] : memref<125x80xi32, #tpu.memory_space<vmem>> -> memref<1x80xi32, #tpu.memory_space<vmem>>
    %dma_wait3A_189 = tpu.memref_squeeze %dma_wait3A_188 : memref<1x80xi32, #tpu.memory_space<vmem>> -> memref<80xi32, #tpu.memory_space<vmem>>
    %dma_wait3A_190 = arith.constant 0 : i32
    %dma_wait3A_191 = arith.constant 0 : i32
    %dma_wait3A_192 = tpu.memref_slice %arg2[%dma_wait3A_190, %dma_wait3A_191] : memref<10000x64xf32, #tpu.memory_space<hbm>> -> memref<10000x64xf32, #tpu.memory_space<hbm>>
    tpu.wait_indirect_dma semaphore(%arg15 : memref<!tpu.dma_semaphore, #tpu.memory_space<semaphore_mem>>) src(%dma_wait3A_192 : memref<10000x64xf32, #tpu.memory_space<hbm>>) dst(%dma_wait3A_186 : memref<80x64xf32, #tpu.memory_space<vmem>>)
    %dma_start3A_193 = arith.constant 4 : i32
    %dma_start3A_194 = arith.constant 124 : i32
    %dma_start3A_195 = arith.constant 0 : i32
    %dma_start3A_196 = arith.constant 0 : i32
    %dma_start3A_197 = tpu.memref_slice %arg8[%dma_start3A_193, %dma_start3A_195, %dma_start3A_196] : memref<5x80x64xf32, #tpu.memory_space<vmem>> -> memref<1x80x64xf32, #tpu.memory_space<vmem>>
    %dma_start3A_198 = tpu.memref_squeeze %dma_start3A_197 : memref<1x80x64xf32, #tpu.memory_space<vmem>> -> memref<80x64xf32, #tpu.memory_space<vmem>>
    %dma_start3A_199 = arith.constant 0 : i32
    %dma_start3A_200 = tpu.memref_slice %arg7[%dma_start3A_194, %dma_start3A_199] : memref<125x80xi32, #tpu.memory_space<vmem>> -> memref<1x80xi32, #tpu.memory_space<vmem>>
    %dma_start3A_201 = tpu.memref_squeeze %dma_start3A_200 : memref<1x80xi32, #tpu.memory_space<vmem>> -> memref<80xi32, #tpu.memory_space<vmem>>
    %dma_start3A_202 = arith.constant 0 : i32
    %dma_start3A_203 = arith.constant 0 : i32
    %dma_start3A_204 = tpu.memref_slice %arg10[%dma_start3A_202, %dma_start3A_203] : memref<10080x64xf32, #tpu.memory_space<vmem_shared>> -> memref<10080x64xf32, #tpu.memory_space<vmem_shared>>
    tpu.enqueue_indirect_dma source(%dma_start3A_198 : memref<80x64xf32, #tpu.memory_space<vmem>>) target(%dma_start3A_204 : memref<10080x64xf32, #tpu.memory_space<vmem_shared>>) offsets(%dma_start3A_201 : memref<80xi32, #tpu.memory_space<vmem>>) semaphore(%arg20 : memref<!tpu.dma_semaphore, #tpu.memory_space<semaphore_mem>>) {add = true}
    %dma_wait3A_205 = arith.constant 0 : i32
    %dma_wait3A_206 = arith.constant 0 : i32
    %dma_wait3A_207 = arith.constant 0 : i32
    %dma_wait3A_208 = arith.constant 0 : i32
    %dma_wait3A_209 = tpu.memref_slice %arg8[%dma_wait3A_205, %dma_wait3A_207, %dma_wait3A_208] : memref<5x80x64xf32, #tpu.memory_space<vmem>> -> memref<1x80x64xf32, #tpu.memory_space<vmem>>
    %dma_wait3A_210 = tpu.memref_squeeze %dma_wait3A_209 : memref<1x80x64xf32, #tpu.memory_space<vmem>> -> memref<80x64xf32, #tpu.memory_space<vmem>>
    %dma_wait3A_211 = arith.constant 0 : i32
    %dma_wait3A_212 = tpu.memref_slice %arg7[%dma_wait3A_206, %dma_wait3A_211] : memref<125x80xi32, #tpu.memory_space<vmem>> -> memref<1x80xi32, #tpu.memory_space<vmem>>
    %dma_wait3A_213 = tpu.memref_squeeze %dma_wait3A_212 : memref<1x80xi32, #tpu.memory_space<vmem>> -> memref<80xi32, #tpu.memory_space<vmem>>
    %dma_wait3A_214 = arith.constant 0 : i32
    %dma_wait3A_215 = arith.constant 0 : i32
    %dma_wait3A_216 = tpu.memref_slice %arg10[%dma_wait3A_214, %dma_wait3A_215] : memref<10080x64xf32, #tpu.memory_space<vmem_shared>> -> memref<10080x64xf32, #tpu.memory_space<vmem_shared>>
    tpu.wait_indirect_dma semaphore(%arg16 : memref<!tpu.dma_semaphore, #tpu.memory_space<semaphore_mem>>) src(%dma_wait3A_210 : memref<80x64xf32, #tpu.memory_space<vmem>>) dst(%dma_wait3A_216 : memref<10080x64xf32, #tpu.memory_space<vmem_shared>>)
    %dma_wait3A_217 = arith.constant 1 : i32
    %dma_wait3A_218 = arith.constant 0 : i32
    %dma_wait3A_219 = arith.constant 0 : i32
    %dma_wait3A_220 = arith.constant 0 : i32
    %dma_wait3A_221 = tpu.memref_slice %arg8[%dma_wait3A_217, %dma_wait3A_219, %dma_wait3A_220] : memref<5x80x64xf32, #tpu.memory_space<vmem>> -> memref<1x80x64xf32, #tpu.memory_space<vmem>>
    %dma_wait3A_222 = tpu.memref_squeeze %dma_wait3A_221 : memref<1x80x64xf32, #tpu.memory_space<vmem>> -> memref<80x64xf32, #tpu.memory_space<vmem>>
    %dma_wait3A_223 = arith.constant 0 : i32
    %dma_wait3A_224 = tpu.memref_slice %arg7[%dma_wait3A_218, %dma_wait3A_223] : memref<125x80xi32, #tpu.memory_space<vmem>> -> memref<1x80xi32, #tpu.memory_space<vmem>>
    %dma_wait3A_225 = tpu.memref_squeeze %dma_wait3A_224 : memref<1x80xi32, #tpu.memory_space<vmem>> -> memref<80xi32, #tpu.memory_space<vmem>>
    %dma_wait3A_226 = arith.constant 0 : i32
    %dma_wait3A_227 = arith.constant 0 : i32
    %dma_wait3A_228 = tpu.memref_slice %arg10[%dma_wait3A_226, %dma_wait3A_227] : memref<10080x64xf32, #tpu.memory_space<vmem_shared>> -> memref<10080x64xf32, #tpu.memory_space<vmem_shared>>
    tpu.wait_indirect_dma semaphore(%arg17 : memref<!tpu.dma_semaphore, #tpu.memory_space<semaphore_mem>>) src(%dma_wait3A_222 : memref<80x64xf32, #tpu.memory_space<vmem>>) dst(%dma_wait3A_228 : memref<10080x64xf32, #tpu.memory_space<vmem_shared>>)
    %dma_wait3A_229 = arith.constant 2 : i32
    %dma_wait3A_230 = arith.constant 0 : i32
    %dma_wait3A_231 = arith.constant 0 : i32
    %dma_wait3A_232 = arith.constant 0 : i32
    %dma_wait3A_233 = tpu.memref_slice %arg8[%dma_wait3A_229, %dma_wait3A_231, %dma_wait3A_232] : memref<5x80x64xf32, #tpu.memory_space<vmem>> -> memref<1x80x64xf32, #tpu.memory_space<vmem>>
    %dma_wait3A_234 = tpu.memref_squeeze %dma_wait3A_233 : memref<1x80x64xf32, #tpu.memory_space<vmem>> -> memref<80x64xf32, #tpu.memory_space<vmem>>
    %dma_wait3A_235 = arith.constant 0 : i32
    %dma_wait3A_236 = tpu.memref_slice %arg7[%dma_wait3A_230, %dma_wait3A_235] : memref<125x80xi32, #tpu.memory_space<vmem>> -> memref<1x80xi32, #tpu.memory_space<vmem>>
    %dma_wait3A_237 = tpu.memref_squeeze %dma_wait3A_236 : memref<1x80xi32, #tpu.memory_space<vmem>> -> memref<80xi32, #tpu.memory_space<vmem>>
    %dma_wait3A_238 = arith.constant 0 : i32
    %dma_wait3A_239 = arith.constant 0 : i32
    %dma_wait3A_240 = tpu.memref_slice %arg10[%dma_wait3A_238, %dma_wait3A_239] : memref<10080x64xf32, #tpu.memory_space<vmem_shared>> -> memref<10080x64xf32, #tpu.memory_space<vmem_shared>>
    tpu.wait_indirect_dma semaphore(%arg18 : memref<!tpu.dma_semaphore, #tpu.memory_space<semaphore_mem>>) src(%dma_wait3A_234 : memref<80x64xf32, #tpu.memory_space<vmem>>) dst(%dma_wait3A_240 : memref<10080x64xf32, #tpu.memory_space<vmem_shared>>)
    %dma_wait3A_241 = arith.constant 3 : i32
    %dma_wait3A_242 = arith.constant 0 : i32
    %dma_wait3A_243 = arith.constant 0 : i32
    %dma_wait3A_244 = arith.constant 0 : i32
    %dma_wait3A_245 = tpu.memref_slice %arg8[%dma_wait3A_241, %dma_wait3A_243, %dma_wait3A_244] : memref<5x80x64xf32, #tpu.memory_space<vmem>> -> memref<1x80x64xf32, #tpu.memory_space<vmem>>
    %dma_wait3A_246 = tpu.memref_squeeze %dma_wait3A_245 : memref<1x80x64xf32, #tpu.memory_space<vmem>> -> memref<80x64xf32, #tpu.memory_space<vmem>>
    %dma_wait3A_247 = arith.constant 0 : i32
    %dma_wait3A_248 = tpu.memref_slice %arg7[%dma_wait3A_242, %dma_wait3A_247] : memref<125x80xi32, #tpu.memory_space<vmem>> -> memref<1x80xi32, #tpu.memory_space<vmem>>
    %dma_wait3A_249 = tpu.memref_squeeze %dma_wait3A_248 : memref<1x80xi32, #tpu.memory_space<vmem>> -> memref<80xi32, #tpu.memory_space<vmem>>
    %dma_wait3A_250 = arith.constant 0 : i32
    %dma_wait3A_251 = arith.constant 0 : i32
    %dma_wait3A_252 = tpu.memref_slice %arg10[%dma_wait3A_250, %dma_wait3A_251] : memref<10080x64xf32, #tpu.memory_space<vmem_shared>> -> memref<10080x64xf32, #tpu.memory_space<vmem_shared>>
    tpu.wait_indirect_dma semaphore(%arg19 : memref<!tpu.dma_semaphore, #tpu.memory_space<semaphore_mem>>) src(%dma_wait3A_246 : memref<80x64xf32, #tpu.memory_space<vmem>>) dst(%dma_wait3A_252 : memref<10080x64xf32, #tpu.memory_space<vmem_shared>>)
    %dma_wait3A_253 = arith.constant 4 : i32
    %dma_wait3A_254 = arith.constant 0 : i32
    %dma_wait3A_255 = arith.constant 0 : i32
    %dma_wait3A_256 = arith.constant 0 : i32
    %dma_wait3A_257 = tpu.memref_slice %arg8[%dma_wait3A_253, %dma_wait3A_255, %dma_wait3A_256] : memref<5x80x64xf32, #tpu.memory_space<vmem>> -> memref<1x80x64xf32, #tpu.memory_space<vmem>>
    %dma_wait3A_258 = tpu.memref_squeeze %dma_wait3A_257 : memref<1x80x64xf32, #tpu.memory_space<vmem>> -> memref<80x64xf32, #tpu.memory_space<vmem>>
    %dma_wait3A_259 = arith.constant 0 : i32
    %dma_wait3A_260 = tpu.memref_slice %arg7[%dma_wait3A_254, %dma_wait3A_259] : memref<125x80xi32, #tpu.memory_space<vmem>> -> memref<1x80xi32, #tpu.memory_space<vmem>>
    %dma_wait3A_261 = tpu.memref_squeeze %dma_wait3A_260 : memref<1x80xi32, #tpu.memory_space<vmem>> -> memref<80xi32, #tpu.memory_space<vmem>>
    %dma_wait3A_262 = arith.constant 0 : i32
    %dma_wait3A_263 = arith.constant 0 : i32
    %dma_wait3A_264 = tpu.memref_slice %arg10[%dma_wait3A_262, %dma_wait3A_263] : memref<10080x64xf32, #tpu.memory_space<vmem_shared>> -> memref<10080x64xf32, #tpu.memory_space<vmem_shared>>
    tpu.wait_indirect_dma semaphore(%arg20 : memref<!tpu.dma_semaphore, #tpu.memory_space<semaphore_mem>>) src(%dma_wait3A_258 : memref<80x64xf32, #tpu.memory_space<vmem>>) dst(%dma_wait3A_264 : memref<10080x64xf32, #tpu.memory_space<vmem_shared>>)
    %barrier3A_265 = arith.constant 0 : index
    tpu.barrier barrier_id(%barrier3A_265)
    %add3A_266 = arith.constant 0 : i32
    %add3A_267 = arith.addi %mul3A_2, %add3A_266 : i32
    "tpu.region"() ({
      %run_scoped3A = tpu.sem_alloc : memref<!tpu.dma_semaphore, #tpu.memory_space<semaphore_mem>>
      %dma_start3A_286 = arith.constant 0 : i32
      %dma_start3A_287 = tpu.memref_slice %arg10[%add3A_267, %dma_start3A_286] : memref<10080x64xf32, #tpu.memory_space<vmem_shared>> -> memref<125x64xf32, #tpu.memory_space<vmem_shared>>
      %dma_start3A_288 = arith.constant 0 : i32
      %dma_start3A_289 = tpu.memref_slice %arg10[%add3A_267, %dma_start3A_288] : memref<10080x64xf32, #tpu.memory_space<vmem_shared>> -> memref<125x64xf32, #tpu.memory_space<vmem_shared>>
      tpu.enqueue_dma source(%dma_start3A_289 : memref<125x64xf32, #tpu.memory_space<vmem_shared>>) target(%arg9 : memref<125x64xf32, #tpu.memory_space<vmem>>) target_semaphore(%run_scoped3A : memref<!tpu.dma_semaphore, #tpu.memory_space<semaphore_mem>>)
      %dma_wait3A_290 = arith.constant 0 : i32
      %dma_wait3A_291 = tpu.memref_slice %arg10[%add3A_267, %dma_wait3A_290] : memref<10080x64xf32, #tpu.memory_space<vmem_shared>> -> memref<125x64xf32, #tpu.memory_space<vmem_shared>>
      %dma_wait3A_292 = arith.constant 0 : i32
      %dma_wait3A_293 = tpu.memref_slice %arg10[%add3A_267, %dma_wait3A_292] : memref<10080x64xf32, #tpu.memory_space<vmem_shared>> -> memref<125x64xf32, #tpu.memory_space<vmem_shared>>
      tpu.wait_dma2 semaphore(%run_scoped3A : memref<!tpu.dma_semaphore, #tpu.memory_space<semaphore_mem>>) src(%dma_wait3A_293 : memref<125x64xf32, #tpu.memory_space<vmem_shared>>) dst(%arg9 : memref<125x64xf32, #tpu.memory_space<vmem>>)
      tpu.yield
    }) : () -> ()
    %add3A_268 = arith.constant 0 : i32
    %add3A_269 = arith.addi %mul3A_2, %add3A_268 : i32
    "tpu.region"() ({
      %run_scoped3A = tpu.sem_alloc : memref<!tpu.dma_semaphore, #tpu.memory_space<semaphore_mem>>
      %dma_start3A_286 = arith.constant 0 : i32
      %dma_start3A_287 = tpu.memref_slice %arg5[%arg0, %add3A_269, %dma_start3A_286] : memref<2x10000x64xf32, #tpu.memory_space<hbm>> -> memref<1x125x64xf32, #tpu.memory_space<hbm>>
      %dma_start3A_288 = tpu.memref_squeeze %dma_start3A_287 : memref<1x125x64xf32, #tpu.memory_space<hbm>> -> memref<125x64xf32, #tpu.memory_space<hbm>>
      %dma_start3A_289 = arith.constant 0 : i32
      %dma_start3A_290 = tpu.memref_slice %arg5[%arg0, %add3A_269, %dma_start3A_289] : memref<2x10000x64xf32, #tpu.memory_space<hbm>> -> memref<1x125x64xf32, #tpu.memory_space<hbm>>
      %dma_start3A_291 = tpu.memref_squeeze %dma_start3A_290 : memref<1x125x64xf32, #tpu.memory_space<hbm>> -> memref<125x64xf32, #tpu.memory_space<hbm>>
      tpu.enqueue_dma source(%arg9 : memref<125x64xf32, #tpu.memory_space<vmem>>) target(%dma_start3A_291 : memref<125x64xf32, #tpu.memory_space<hbm>>) target_semaphore(%run_scoped3A : memref<!tpu.dma_semaphore, #tpu.memory_space<semaphore_mem>>)
      %dma_wait3A_292 = arith.constant 0 : i32
      %dma_wait3A_293 = tpu.memref_slice %arg5[%arg0, %add3A_269, %dma_wait3A_292] : memref<2x10000x64xf32, #tpu.memory_space<hbm>> -> memref<1x125x64xf32, #tpu.memory_space<hbm>>
      %dma_wait3A_294 = tpu.memref_squeeze %dma_wait3A_293 : memref<1x125x64xf32, #tpu.memory_space<hbm>> -> memref<125x64xf32, #tpu.memory_space<hbm>>
      %dma_wait3A_295 = arith.constant 0 : i32
      %dma_wait3A_296 = tpu.memref_slice %arg5[%arg0, %add3A_269, %dma_wait3A_295] : memref<2x10000x64xf32, #tpu.memory_space<hbm>> -> memref<1x125x64xf32, #tpu.memory_space<hbm>>
      %dma_wait3A_297 = tpu.memref_squeeze %dma_wait3A_296 : memref<1x125x64xf32, #tpu.memory_space<hbm>> -> memref<125x64xf32, #tpu.memory_space<hbm>>
      tpu.wait_dma2 semaphore(%run_scoped3A : memref<!tpu.dma_semaphore, #tpu.memory_space<semaphore_mem>>) src(%arg9 : memref<125x64xf32, #tpu.memory_space<vmem>>) dst(%dma_wait3A_297 : memref<125x64xf32, #tpu.memory_space<hbm>>)
      tpu.yield
    }) : () -> ()
    %add3A_270 = arith.constant 125 : i32
    %add3A_271 = arith.addi %mul3A_2, %add3A_270 : i32
    "tpu.region"() ({
      %run_scoped3A = tpu.sem_alloc : memref<!tpu.dma_semaphore, #tpu.memory_space<semaphore_mem>>
      %dma_start3A_286 = arith.constant 0 : i32
      %dma_start3A_287 = tpu.memref_slice %arg10[%add3A_271, %dma_start3A_286] : memref<10080x64xf32, #tpu.memory_space<vmem_shared>> -> memref<125x64xf32, #tpu.memory_space<vmem_shared>>
      %dma_start3A_288 = arith.constant 0 : i32
      %dma_start3A_289 = tpu.memref_slice %arg10[%add3A_271, %dma_start3A_288] : memref<10080x64xf32, #tpu.memory_space<vmem_shared>> -> memref<125x64xf32, #tpu.memory_space<vmem_shared>>
      tpu.enqueue_dma source(%dma_start3A_289 : memref<125x64xf32, #tpu.memory_space<vmem_shared>>) target(%arg9 : memref<125x64xf32, #tpu.memory_space<vmem>>) target_semaphore(%run_scoped3A : memref<!tpu.dma_semaphore, #tpu.memory_space<semaphore_mem>>)
      %dma_wait3A_290 = arith.constant 0 : i32
      %dma_wait3A_291 = tpu.memref_slice %arg10[%add3A_271, %dma_wait3A_290] : memref<10080x64xf32, #tpu.memory_space<vmem_shared>> -> memref<125x64xf32, #tpu.memory_space<vmem_shared>>
      %dma_wait3A_292 = arith.constant 0 : i32
      %dma_wait3A_293 = tpu.memref_slice %arg10[%add3A_271, %dma_wait3A_292] : memref<10080x64xf32, #tpu.memory_space<vmem_shared>> -> memref<125x64xf32, #tpu.memory_space<vmem_shared>>
      tpu.wait_dma2 semaphore(%run_scoped3A : memref<!tpu.dma_semaphore, #tpu.memory_space<semaphore_mem>>) src(%dma_wait3A_293 : memref<125x64xf32, #tpu.memory_space<vmem_shared>>) dst(%arg9 : memref<125x64xf32, #tpu.memory_space<vmem>>)
      tpu.yield
    }) : () -> ()
    %add3A_272 = arith.constant 125 : i32
    %add3A_273 = arith.addi %mul3A_2, %add3A_272 : i32
    "tpu.region"() ({
      %run_scoped3A = tpu.sem_alloc : memref<!tpu.dma_semaphore, #tpu.memory_space<semaphore_mem>>
      %dma_start3A_286 = arith.constant 0 : i32
      %dma_start3A_287 = tpu.memref_slice %arg5[%arg0, %add3A_273, %dma_start3A_286] : memref<2x10000x64xf32, #tpu.memory_space<hbm>> -> memref<1x125x64xf32, #tpu.memory_space<hbm>>
      %dma_start3A_288 = tpu.memref_squeeze %dma_start3A_287 : memref<1x125x64xf32, #tpu.memory_space<hbm>> -> memref<125x64xf32, #tpu.memory_space<hbm>>
      %dma_start3A_289 = arith.constant 0 : i32
      %dma_start3A_290 = tpu.memref_slice %arg5[%arg0, %add3A_273, %dma_start3A_289] : memref<2x10000x64xf32, #tpu.memory_space<hbm>> -> memref<1x125x64xf32, #tpu.memory_space<hbm>>
      %dma_start3A_291 = tpu.memref_squeeze %dma_start3A_290 : memref<1x125x64xf32, #tpu.memory_space<hbm>> -> memref<125x64xf32, #tpu.memory_space<hbm>>
      tpu.enqueue_dma source(%arg9 : memref<125x64xf32, #tpu.memory_space<vmem>>) target(%dma_start3A_291 : memref<125x64xf32, #tpu.memory_space<hbm>>) target_semaphore(%run_scoped3A : memref<!tpu.dma_semaphore, #tpu.memory_space<semaphore_mem>>)
      %dma_wait3A_292 = arith.constant 0 : i32
      %dma_wait3A_293 = tpu.memref_slice %arg5[%arg0, %add3A_273, %dma_wait3A_292] : memref<2x10000x64xf32, #tpu.memory_space<hbm>> -> memref<1x125x64xf32, #tpu.memory_space<hbm>>
      %dma_wait3A_294 = tpu.memref_squeeze %dma_wait3A_293 : memref<1x125x64xf32, #tpu.memory_space<hbm>> -> memref<125x64xf32, #tpu.memory_space<hbm>>
      %dma_wait3A_295 = arith.constant 0 : i32
      %dma_wait3A_296 = tpu.memref_slice %arg5[%arg0, %add3A_273, %dma_wait3A_295] : memref<2x10000x64xf32, #tpu.memory_space<hbm>> -> memref<1x125x64xf32, #tpu.memory_space<hbm>>
      %dma_wait3A_297 = tpu.memref_squeeze %dma_wait3A_296 : memref<1x125x64xf32, #tpu.memory_space<hbm>> -> memref<125x64xf32, #tpu.memory_space<hbm>>
      tpu.wait_dma2 semaphore(%run_scoped3A : memref<!tpu.dma_semaphore, #tpu.memory_space<semaphore_mem>>) src(%arg9 : memref<125x64xf32, #tpu.memory_space<vmem>>) dst(%dma_wait3A_297 : memref<125x64xf32, #tpu.memory_space<hbm>>)
      tpu.yield
    }) : () -> ()
    %add3A_274 = arith.constant 250 : i32
    %add3A_275 = arith.addi %mul3A_2, %add3A_274 : i32
    "tpu.region"() ({
      %run_scoped3A = tpu.sem_alloc : memref<!tpu.dma_semaphore, #tpu.memory_space<semaphore_mem>>
      %dma_start3A_286 = arith.constant 0 : i32
      %dma_start3A_287 = tpu.memref_slice %arg10[%add3A_275, %dma_start3A_286] : memref<10080x64xf32, #tpu.memory_space<vmem_shared>> -> memref<125x64xf32, #tpu.memory_space<vmem_shared>>
      %dma_start3A_288 = arith.constant 0 : i32
      %dma_start3A_289 = tpu.memref_slice %arg10[%add3A_275, %dma_start3A_288] : memref<10080x64xf32, #tpu.memory_space<vmem_shared>> -> memref<125x64xf32, #tpu.memory_space<vmem_shared>>
      tpu.enqueue_dma source(%dma_start3A_289 : memref<125x64xf32, #tpu.memory_space<vmem_shared>>) target(%arg9 : memref<125x64xf32, #tpu.memory_space<vmem>>) target_semaphore(%run_scoped3A : memref<!tpu.dma_semaphore, #tpu.memory_space<semaphore_mem>>)
      %dma_wait3A_290 = arith.constant 0 : i32
      %dma_wait3A_291 = tpu.memref_slice %arg10[%add3A_275, %dma_wait3A_290] : memref<10080x64xf32, #tpu.memory_space<vmem_shared>> -> memref<125x64xf32, #tpu.memory_space<vmem_shared>>
      %dma_wait3A_292 = arith.constant 0 : i32
      %dma_wait3A_293 = tpu.memref_slice %arg10[%add3A_275, %dma_wait3A_292] : memref<10080x64xf32, #tpu.memory_space<vmem_shared>> -> memref<125x64xf32, #tpu.memory_space<vmem_shared>>
      tpu.wait_dma2 semaphore(%run_scoped3A : memref<!tpu.dma_semaphore, #tpu.memory_space<semaphore_mem>>) src(%dma_wait3A_293 : memref<125x64xf32, #tpu.memory_space<vmem_shared>>) dst(%arg9 : memref<125x64xf32, #tpu.memory_space<vmem>>)
      tpu.yield
    }) : () -> ()
    %add3A_276 = arith.constant 250 : i32
    %add3A_277 = arith.addi %mul3A_2, %add3A_276 : i32
    "tpu.region"() ({
      %run_scoped3A = tpu.sem_alloc : memref<!tpu.dma_semaphore, #tpu.memory_space<semaphore_mem>>
      %dma_start3A_286 = arith.constant 0 : i32
      %dma_start3A_287 = tpu.memref_slice %arg5[%arg0, %add3A_277, %dma_start3A_286] : memref<2x10000x64xf32, #tpu.memory_space<hbm>> -> memref<1x125x64xf32, #tpu.memory_space<hbm>>
      %dma_start3A_288 = tpu.memref_squeeze %dma_start3A_287 : memref<1x125x64xf32, #tpu.memory_space<hbm>> -> memref<125x64xf32, #tpu.memory_space<hbm>>
      %dma_start3A_289 = arith.constant 0 : i32
      %dma_start3A_290 = tpu.memref_slice %arg5[%arg0, %add3A_277, %dma_start3A_289] : memref<2x10000x64xf32, #tpu.memory_space<hbm>> -> memref<1x125x64xf32, #tpu.memory_space<hbm>>
      %dma_start3A_291 = tpu.memref_squeeze %dma_start3A_290 : memref<1x125x64xf32, #tpu.memory_space<hbm>> -> memref<125x64xf32, #tpu.memory_space<hbm>>
      tpu.enqueue_dma source(%arg9 : memref<125x64xf32, #tpu.memory_space<vmem>>) target(%dma_start3A_291 : memref<125x64xf32, #tpu.memory_space<hbm>>) target_semaphore(%run_scoped3A : memref<!tpu.dma_semaphore, #tpu.memory_space<semaphore_mem>>)
      %dma_wait3A_292 = arith.constant 0 : i32
      %dma_wait3A_293 = tpu.memref_slice %arg5[%arg0, %add3A_277, %dma_wait3A_292] : memref<2x10000x64xf32, #tpu.memory_space<hbm>> -> memref<1x125x64xf32, #tpu.memory_space<hbm>>
      %dma_wait3A_294 = tpu.memref_squeeze %dma_wait3A_293 : memref<1x125x64xf32, #tpu.memory_space<hbm>> -> memref<125x64xf32, #tpu.memory_space<hbm>>
      %dma_wait3A_295 = arith.constant 0 : i32
      %dma_wait3A_296 = tpu.memref_slice %arg5[%arg0, %add3A_277, %dma_wait3A_295] : memref<2x10000x64xf32, #tpu.memory_space<hbm>> -> memref<1x125x64xf32, #tpu.memory_space<hbm>>
      %dma_wait3A_297 = tpu.memref_squeeze %dma_wait3A_296 : memref<1x125x64xf32, #tpu.memory_space<hbm>> -> memref<125x64xf32, #tpu.memory_space<hbm>>
      tpu.wait_dma2 semaphore(%run_scoped3A : memref<!tpu.dma_semaphore, #tpu.memory_space<semaphore_mem>>) src(%arg9 : memref<125x64xf32, #tpu.memory_space<vmem>>) dst(%dma_wait3A_297 : memref<125x64xf32, #tpu.memory_space<hbm>>)
      tpu.yield
    }) : () -> ()
    %add3A_278 = arith.constant 375 : i32
    %add3A_279 = arith.addi %mul3A_2, %add3A_278 : i32
    "tpu.region"() ({
      %run_scoped3A = tpu.sem_alloc : memref<!tpu.dma_semaphore, #tpu.memory_space<semaphore_mem>>
      %dma_start3A_286 = arith.constant 0 : i32
      %dma_start3A_287 = tpu.memref_slice %arg10[%add3A_279, %dma_start3A_286] : memref<10080x64xf32, #tpu.memory_space<vmem_shared>> -> memref<125x64xf32, #tpu.memory_space<vmem_shared>>
      %dma_start3A_288 = arith.constant 0 : i32
      %dma_start3A_289 = tpu.memref_slice %arg10[%add3A_279, %dma_start3A_288] : memref<10080x64xf32, #tpu.memory_space<vmem_shared>> -> memref<125x64xf32, #tpu.memory_space<vmem_shared>>
      tpu.enqueue_dma source(%dma_start3A_289 : memref<125x64xf32, #tpu.memory_space<vmem_shared>>) target(%arg9 : memref<125x64xf32, #tpu.memory_space<vmem>>) target_semaphore(%run_scoped3A : memref<!tpu.dma_semaphore, #tpu.memory_space<semaphore_mem>>)
      %dma_wait3A_290 = arith.constant 0 : i32
      %dma_wait3A_291 = tpu.memref_slice %arg10[%add3A_279, %dma_wait3A_290] : memref<10080x64xf32, #tpu.memory_space<vmem_shared>> -> memref<125x64xf32, #tpu.memory_space<vmem_shared>>
      %dma_wait3A_292 = arith.constant 0 : i32
      %dma_wait3A_293 = tpu.memref_slice %arg10[%add3A_279, %dma_wait3A_292] : memref<10080x64xf32, #tpu.memory_space<vmem_shared>> -> memref<125x64xf32, #tpu.memory_space<vmem_shared>>
      tpu.wait_dma2 semaphore(%run_scoped3A : memref<!tpu.dma_semaphore, #tpu.memory_space<semaphore_mem>>) src(%dma_wait3A_293 : memref<125x64xf32, #tpu.memory_space<vmem_shared>>) dst(%arg9 : memref<125x64xf32, #tpu.memory_space<vmem>>)
      tpu.yield
    }) : () -> ()
    %add3A_280 = arith.constant 375 : i32
    %add3A_281 = arith.addi %mul3A_2, %add3A_280 : i32
    "tpu.region"() ({
      %run_scoped3A = tpu.sem_alloc : memref<!tpu.dma_semaphore, #tpu.memory_space<semaphore_mem>>
      %dma_start3A_286 = arith.constant 0 : i32
      %dma_start3A_287 = tpu.memref_slice %arg5[%arg0, %add3A_281, %dma_start3A_286] : memref<2x10000x64xf32, #tpu.memory_space<hbm>> -> memref<1x125x64xf32, #tpu.memory_space<hbm>>
      %dma_start3A_288 = tpu.memref_squeeze %dma_start3A_287 : memref<1x125x64xf32, #tpu.memory_space<hbm>> -> memref<125x64xf32, #tpu.memory_space<hbm>>
      %dma_start3A_289 = arith.constant 0 : i32
      %dma_start3A_290 = tpu.memref_slice %arg5[%arg0, %add3A_281, %dma_start3A_289] : memref<2x10000x64xf32, #tpu.memory_space<hbm>> -> memref<1x125x64xf32, #tpu.memory_space<hbm>>
      %dma_start3A_291 = tpu.memref_squeeze %dma_start3A_290 : memref<1x125x64xf32, #tpu.memory_space<hbm>> -> memref<125x64xf32, #tpu.memory_space<hbm>>
      tpu.enqueue_dma source(%arg9 : memref<125x64xf32, #tpu.memory_space<vmem>>) target(%dma_start3A_291 : memref<125x64xf32, #tpu.memory_space<hbm>>) target_semaphore(%run_scoped3A : memref<!tpu.dma_semaphore, #tpu.memory_space<semaphore_mem>>)
      %dma_wait3A_292 = arith.constant 0 : i32
      %dma_wait3A_293 = tpu.memref_slice %arg5[%arg0, %add3A_281, %dma_wait3A_292] : memref<2x10000x64xf32, #tpu.memory_space<hbm>> -> memref<1x125x64xf32, #tpu.memory_space<hbm>>
      %dma_wait3A_294 = tpu.memref_squeeze %dma_wait3A_293 : memref<1x125x64xf32, #tpu.memory_space<hbm>> -> memref<125x64xf32, #tpu.memory_space<hbm>>
      %dma_wait3A_295 = arith.constant 0 : i32
      %dma_wait3A_296 = tpu.memref_slice %arg5[%arg0, %add3A_281, %dma_wait3A_295] : memref<2x10000x64xf32, #tpu.memory_space<hbm>> -> memref<1x125x64xf32, #tpu.memory_space<hbm>>
      %dma_wait3A_297 = tpu.memref_squeeze %dma_wait3A_296 : memref<1x125x64xf32, #tpu.memory_space<hbm>> -> memref<125x64xf32, #tpu.memory_space<hbm>>
      tpu.wait_dma2 semaphore(%run_scoped3A : memref<!tpu.dma_semaphore, #tpu.memory_space<semaphore_mem>>) src(%arg9 : memref<125x64xf32, #tpu.memory_space<vmem>>) dst(%dma_wait3A_297 : memref<125x64xf32, #tpu.memory_space<hbm>>)
      tpu.yield
    }) : () -> ()
    %add3A_282 = arith.constant 500 : i32
    %add3A_283 = arith.addi %mul3A_2, %add3A_282 : i32
    "tpu.region"() ({
      %run_scoped3A = tpu.sem_alloc : memref<!tpu.dma_semaphore, #tpu.memory_space<semaphore_mem>>
      %dma_start3A_286 = arith.constant 0 : i32
      %dma_start3A_287 = tpu.memref_slice %arg10[%add3A_283, %dma_start3A_286] : memref<10080x64xf32, #tpu.memory_space<vmem_shared>> -> memref<125x64xf32, #tpu.memory_space<vmem_shared>>
      %dma_start3A_288 = arith.constant 0 : i32
      %dma_start3A_289 = tpu.memref_slice %arg10[%add3A_283, %dma_start3A_288] : memref<10080x64xf32, #tpu.memory_space<vmem_shared>> -> memref<125x64xf32, #tpu.memory_space<vmem_shared>>
      tpu.enqueue_dma source(%dma_start3A_289 : memref<125x64xf32, #tpu.memory_space<vmem_shared>>) target(%arg9 : memref<125x64xf32, #tpu.memory_space<vmem>>) target_semaphore(%run_scoped3A : memref<!tpu.dma_semaphore, #tpu.memory_space<semaphore_mem>>)
      %dma_wait3A_290 = arith.constant 0 : i32
      %dma_wait3A_291 = tpu.memref_slice %arg10[%add3A_283, %dma_wait3A_290] : memref<10080x64xf32, #tpu.memory_space<vmem_shared>> -> memref<125x64xf32, #tpu.memory_space<vmem_shared>>
      %dma_wait3A_292 = arith.constant 0 : i32
      %dma_wait3A_293 = tpu.memref_slice %arg10[%add3A_283, %dma_wait3A_292] : memref<10080x64xf32, #tpu.memory_space<vmem_shared>> -> memref<125x64xf32, #tpu.memory_space<vmem_shared>>
      tpu.wait_dma2 semaphore(%run_scoped3A : memref<!tpu.dma_semaphore, #tpu.memory_space<semaphore_mem>>) src(%dma_wait3A_293 : memref<125x64xf32, #tpu.memory_space<vmem_shared>>) dst(%arg9 : memref<125x64xf32, #tpu.memory_space<vmem>>)
      tpu.yield
    }) : () -> ()
    %add3A_284 = arith.constant 500 : i32
    %add3A_285 = arith.addi %mul3A_2, %add3A_284 : i32
    "tpu.region"() ({
      %run_scoped3A = tpu.sem_alloc : memref<!tpu.dma_semaphore, #tpu.memory_space<semaphore_mem>>
      %dma_start3A_286 = arith.constant 0 : i32
      %dma_start3A_287 = tpu.memref_slice %arg5[%arg0, %add3A_285, %dma_start3A_286] : memref<2x10000x64xf32, #tpu.memory_space<hbm>> -> memref<1x125x64xf32, #tpu.memory_space<hbm>>
      %dma_start3A_288 = tpu.memref_squeeze %dma_start3A_287 : memref<1x125x64xf32, #tpu.memory_space<hbm>> -> memref<125x64xf32, #tpu.memory_space<hbm>>
      %dma_start3A_289 = arith.constant 0 : i32
      %dma_start3A_290 = tpu.memref_slice %arg5[%arg0, %add3A_285, %dma_start3A_289] : memref<2x10000x64xf32, #tpu.memory_space<hbm>> -> memref<1x125x64xf32, #tpu.memory_space<hbm>>
      %dma_start3A_291 = tpu.memref_squeeze %dma_start3A_290 : memref<1x125x64xf32, #tpu.memory_space<hbm>> -> memref<125x64xf32, #tpu.memory_space<hbm>>
      tpu.enqueue_dma source(%arg9 : memref<125x64xf32, #tpu.memory_space<vmem>>) target(%dma_start3A_291 : memref<125x64xf32, #tpu.memory_space<hbm>>) target_semaphore(%run_scoped3A : memref<!tpu.dma_semaphore, #tpu.memory_space<semaphore_mem>>)
      %dma_wait3A_292 = arith.constant 0 : i32
      %dma_wait3A_293 = tpu.memref_slice %arg5[%arg0, %add3A_285, %dma_wait3A_292] : memref<2x10000x64xf32, #tpu.memory_space<hbm>> -> memref<1x125x64xf32, #tpu.memory_space<hbm>>
      %dma_wait3A_294 = tpu.memref_squeeze %dma_wait3A_293 : memref<1x125x64xf32, #tpu.memory_space<hbm>> -> memref<125x64xf32, #tpu.memory_space<hbm>>
      %dma_wait3A_295 = arith.constant 0 : i32
      %dma_wait3A_296 = tpu.memref_slice %arg5[%arg0, %add3A_285, %dma_wait3A_295] : memref<2x10000x64xf32, #tpu.memory_space<hbm>> -> memref<1x125x64xf32, #tpu.memory_space<hbm>>
      %dma_wait3A_297 = tpu.memref_squeeze %dma_wait3A_296 : memref<1x125x64xf32, #tpu.memory_space<hbm>> -> memref<125x64xf32, #tpu.memory_space<hbm>>
      tpu.wait_dma2 semaphore(%run_scoped3A : memref<!tpu.dma_semaphore, #tpu.memory_space<semaphore_mem>>) src(%arg9 : memref<125x64xf32, #tpu.memory_space<vmem>>) dst(%dma_wait3A_297 : memref<125x64xf32, #tpu.memory_space<hbm>>)
      tpu.yield
    }) : () -> ()
    return
  }
}

#map = affine_map<(d0, d1) -> (0, 0)>
#map1 = affine_map<(d0, d1) -> (0)>
module attributes {stable_mosaic.version = 14 : i64} {
  func.func @hist(%arg0: i32, %arg1: i32, %arg2: memref<4000x80xi32, #tpu.memory_space<hbm>>, %arg3: memref<20000xf32, #tpu.memory_space<hbm>>, %arg4: memref<125x80xi32, #tpu.memory_space<vmem>>, %arg5: memref<80xf32, #tpu.memory_space<vmem>>, %arg6: memref<1008xf32, #tpu.memory_space<vmem>>, %arg7: memref<10080xf32, #tpu.memory_space<vmem_shared>>, %arg8: memref<!tpu.dma_semaphore, #tpu.memory_space<semaphore_mem>>, %arg9: memref<!tpu.dma_semaphore, #tpu.memory_space<semaphore_mem>>, %arg10: memref<!tpu.dma_semaphore, #tpu.memory_space<semaphore_mem>>, %arg11: memref<!tpu.dma_semaphore, #tpu.memory_space<semaphore_mem>>, %arg12: memref<!tpu.dma_semaphore, #tpu.memory_space<semaphore_mem>>) attributes {dimension_semantics = [#tpu.dimension_semantics<core_parallel>, #tpu.dimension_semantics<subcore_parallel>], iteration_bounds = array<i64: 2, 16>, scalar_prefetch = 0 : i64, scratch_operands = 9 : i64, tpu.core_type = #tpu.core_type<sc_vector_subcore>, window_params = [{transform_indices = #map}, {transform_indices = #map1}]} {
    %mul3A = arith.constant 2 : i32
    %mul3A_0 = arith.muli %arg1, %mul3A : i32
    %add3A = arith.addi %mul3A_0, %arg0 : i32
    %mul3A_1 = arith.constant 1000 : i32
    %mul3A_2 = arith.muli %arg1, %mul3A_1 : i32
    %mul3A_3 = arith.constant 125 : i32
    %mul3A_4 = arith.muli %add3A, %mul3A_3 : i32
    "tpu.region"() ({
      %run_scoped3A = tpu.sem_alloc : memref<!tpu.dma_semaphore, #tpu.memory_space<semaphore_mem>>
      %dma_start3A = arith.constant 0 : i32
      %dma_start3A_54 = tpu.memref_slice %arg2[%mul3A_4, %dma_start3A] : memref<4000x80xi32, #tpu.memory_space<hbm>> -> memref<125x80xi32, #tpu.memory_space<hbm>>
      %dma_start3A_55 = arith.constant 0 : i32
      %dma_start3A_56 = tpu.memref_slice %arg2[%mul3A_4, %dma_start3A_55] : memref<4000x80xi32, #tpu.memory_space<hbm>> -> memref<125x80xi32, #tpu.memory_space<hbm>>
      tpu.enqueue_dma source(%dma_start3A_56 : memref<125x80xi32, #tpu.memory_space<hbm>>) target(%arg4 : memref<125x80xi32, #tpu.memory_space<vmem>>) target_semaphore(%run_scoped3A : memref<!tpu.dma_semaphore, #tpu.memory_space<semaphore_mem>>)
      %dma_wait3A = arith.constant 0 : i32
      %dma_wait3A_57 = tpu.memref_slice %arg2[%mul3A_4, %dma_wait3A] : memref<4000x80xi32, #tpu.memory_space<hbm>> -> memref<125x80xi32, #tpu.memory_space<hbm>>
      %dma_wait3A_58 = arith.constant 0 : i32
      %dma_wait3A_59 = tpu.memref_slice %arg2[%mul3A_4, %dma_wait3A_58] : memref<4000x80xi32, #tpu.memory_space<hbm>> -> memref<125x80xi32, #tpu.memory_space<hbm>>
      tpu.wait_dma2 semaphore(%run_scoped3A : memref<!tpu.dma_semaphore, #tpu.memory_space<semaphore_mem>>) src(%dma_wait3A_59 : memref<125x80xi32, #tpu.memory_space<hbm>>) dst(%arg4 : memref<125x80xi32, #tpu.memory_space<vmem>>)
      tpu.yield
    }) : () -> ()
    %broadcast_in_dim3A = arith.constant 1.000000e+00 : f32
    %broadcast_in_dim3A_5 = vector.broadcast %broadcast_in_dim3A : f32 to vector<16xf32>
    %swap3A = arith.constant 0 : index
    %swap3A_6 = tpu.vector_load %arg5[%swap3A] {strides = array<i32>} : memref<80xf32, #tpu.memory_space<vmem>>, vector<16xf32>,
    %swap3A_7 = vector.shape_cast %swap3A_6 : vector<16xf32> to vector<16xf32>
    %swap3A_8 = vector.shape_cast %broadcast_in_dim3A_5 : vector<16xf32> to vector<16xf32>
    tpu.vector_store %arg5[%swap3A], %swap3A_8 {strides = array<i32>} : memref<80xf32, #tpu.memory_space<vmem>>, vector<16xf32>,
    %broadcast_in_dim3A_9 = arith.constant 1.000000e+00 : f32
    %broadcast_in_dim3A_10 = vector.broadcast %broadcast_in_dim3A_9 : f32 to vector<16xf32>
    %swap3A_11 = arith.constant 16 : index
    %swap3A_12 = tpu.vector_load %arg5[%swap3A_11] {strides = array<i32>} : memref<80xf32, #tpu.memory_space<vmem>>, vector<16xf32>,
    %swap3A_13 = vector.shape_cast %swap3A_12 : vector<16xf32> to vector<16xf32>
    %swap3A_14 = vector.shape_cast %broadcast_in_dim3A_10 : vector<16xf32> to vector<16xf32>
    tpu.vector_store %arg5[%swap3A_11], %swap3A_14 {strides = array<i32>} : memref<80xf32, #tpu.memory_space<vmem>>, vector<16xf32>,
    %broadcast_in_dim3A_15 = arith.constant 1.000000e+00 : f32
    %broadcast_in_dim3A_16 = vector.broadcast %broadcast_in_dim3A_15 : f32 to vector<16xf32>
    %swap3A_17 = arith.constant 32 : index
    %swap3A_18 = tpu.vector_load %arg5[%swap3A_17] {strides = array<i32>} : memref<80xf32, #tpu.memory_space<vmem>>, vector<16xf32>,
    %swap3A_19 = vector.shape_cast %swap3A_18 : vector<16xf32> to vector<16xf32>
    %swap3A_20 = vector.shape_cast %broadcast_in_dim3A_16 : vector<16xf32> to vector<16xf32>
    tpu.vector_store %arg5[%swap3A_17], %swap3A_20 {strides = array<i32>} : memref<80xf32, #tpu.memory_space<vmem>>, vector<16xf32>,
    %broadcast_in_dim3A_21 = arith.constant 1.000000e+00 : f32
    %broadcast_in_dim3A_22 = vector.broadcast %broadcast_in_dim3A_21 : f32 to vector<16xf32>
    %swap3A_23 = arith.constant 48 : index
    %swap3A_24 = tpu.vector_load %arg5[%swap3A_23] {strides = array<i32>} : memref<80xf32, #tpu.memory_space<vmem>>, vector<16xf32>,
    %swap3A_25 = vector.shape_cast %swap3A_24 : vector<16xf32> to vector<16xf32>
    %swap3A_26 = vector.shape_cast %broadcast_in_dim3A_22 : vector<16xf32> to vector<16xf32>
    tpu.vector_store %arg5[%swap3A_23], %swap3A_26 {strides = array<i32>} : memref<80xf32, #tpu.memory_space<vmem>>, vector<16xf32>,
    %broadcast_in_dim3A_27 = arith.constant 1.000000e+00 : f32
    %broadcast_in_dim3A_28 = vector.broadcast %broadcast_in_dim3A_27 : f32 to vector<16xf32>
    %swap3A_29 = arith.constant 64 : index
    %swap3A_30 = tpu.vector_load %arg5[%swap3A_29] {strides = array<i32>} : memref<80xf32, #tpu.memory_space<vmem>>, vector<16xf32>,
    %swap3A_31 = vector.shape_cast %swap3A_30 : vector<16xf32> to vector<16xf32>
    %swap3A_32 = vector.shape_cast %broadcast_in_dim3A_28 : vector<16xf32> to vector<16xf32>
    tpu.vector_store %arg5[%swap3A_29], %swap3A_32 {strides = array<i32>} : memref<80xf32, #tpu.memory_space<vmem>>, vector<16xf32>,
    %broadcast_in_dim3A_33 = arith.constant 0.000000e+00 : f32
    %broadcast_in_dim3A_34 = vector.broadcast %broadcast_in_dim3A_33 : f32 to vector<16xf32>
    %scan3A = arith.constant 0 : i32
    %scan3A_35 = arith.constant 0 : i32
    %scan3A_36 = arith.constant 63 : i32
    %scan3A_37 = arith.addi %scan3A_35, %scan3A_36 : i32
    %scan3A_38 = arith.constant 1 : i32
    scf.for %scan3A_54 = %scan3A_35 to %scan3A_37 step %scan3A_38  : i32 {
      %mul3A_55 = arith.constant 16 : i32
      %mul3A_56 = arith.muli %scan3A_54, %mul3A_55 : i32
      %swap3A_57 = arith.index_cast %mul3A_56 : i32 to index
      %swap3A_58 = tpu.vector_load %arg6[%swap3A_57] {strides = array<i32>} : memref<1008xf32, #tpu.memory_space<vmem>>, vector<16xf32>,
      %swap3A_59 = vector.shape_cast %swap3A_58 : vector<16xf32> to vector<16xf32>
      %swap3A_60 = vector.shape_cast %broadcast_in_dim3A_34 : vector<16xf32> to vector<16xf32>
      tpu.vector_store %arg6[%swap3A_57], %swap3A_60 {strides = array<i32>} : memref<1008xf32, #tpu.memory_space<vmem>>, vector<16xf32>,
    }
    %scan3A_39 = arith.constant 63 : i32
    %lt3A = arith.constant 10 : i32
    %lt3A_40 = arith.cmpi slt, %arg1, %lt3A : i32
    %convert_element_type3A = arith.extui %lt3A_40 : i1 to i32
    %cond3A = arith.constant 0 : i32
    %cond3A_41 = arith.cmpi ne, %convert_element_type3A, %cond3A : i32
    scf.if %cond3A_41 {
      "tpu.region"() ({
        %run_scoped3A = tpu.sem_alloc : memref<!tpu.dma_semaphore, #tpu.memory_space<semaphore_mem>>
        %dma_start3A = arith.constant 0 : i32
        %dma_start3A_54 = tpu.memref_slice %arg6[%dma_start3A] : memref<1008xf32, #tpu.memory_space<vmem>> -> memref<1000xf32, #tpu.memory_space<vmem>>
        %dma_start3A_55 = tpu.memref_slice %arg7[%mul3A_2] : memref<10080xf32, #tpu.memory_space<vmem_shared>> -> memref<1000xf32, #tpu.memory_space<vmem_shared>>
        %dma_start3A_56 = tpu.memref_slice %arg7[%mul3A_2] : memref<10080xf32, #tpu.memory_space<vmem_shared>> -> memref<1000xf32, #tpu.memory_space<vmem_shared>>
        %dma_start3A_57 = arith.constant 0 : i32
        %dma_start3A_58 = tpu.memref_slice %arg6[%dma_start3A_57] : memref<1008xf32, #tpu.memory_space<vmem>> -> memref<1000xf32, #tpu.memory_space<vmem>>
        tpu.enqueue_dma source(%dma_start3A_58 : memref<1000xf32, #tpu.memory_space<vmem>>) target(%dma_start3A_56 : memref<1000xf32, #tpu.memory_space<vmem_shared>>) target_semaphore(%run_scoped3A : memref<!tpu.dma_semaphore, #tpu.memory_space<semaphore_mem>>)
        %dma_wait3A = arith.constant 0 : i32
        %dma_wait3A_59 = tpu.memref_slice %arg6[%dma_wait3A] : memref<1008xf32, #tpu.memory_space<vmem>> -> memref<1000xf32, #tpu.memory_space<vmem>>
        %dma_wait3A_60 = tpu.memref_slice %arg7[%mul3A_2] : memref<10080xf32, #tpu.memory_space<vmem_shared>> -> memref<1000xf32, #tpu.memory_space<vmem_shared>>
        %dma_wait3A_61 = tpu.memref_slice %arg7[%mul3A_2] : memref<10080xf32, #tpu.memory_space<vmem_shared>> -> memref<1000xf32, #tpu.memory_space<vmem_shared>>
        %dma_wait3A_62 = arith.constant 0 : i32
        %dma_wait3A_63 = tpu.memref_slice %arg6[%dma_wait3A_62] : memref<1008xf32, #tpu.memory_space<vmem>> -> memref<1000xf32, #tpu.memory_space<vmem>>
        tpu.wait_dma2 semaphore(%run_scoped3A : memref<!tpu.dma_semaphore, #tpu.memory_space<semaphore_mem>>) src(%dma_wait3A_63 : memref<1000xf32, #tpu.memory_space<vmem>>) dst(%dma_wait3A_61 : memref<1000xf32, #tpu.memory_space<vmem_shared>>)
        tpu.yield
      }) : () -> ()
    } else {
    }
    %barrier3A = arith.constant 0 : index
    tpu.barrier barrier_id(%barrier3A)
    %scan3A_42 = arith.constant 0 : i32
    %scan3A_43 = arith.constant 0 : i32
    %scan3A_44 = arith.constant 25 : i32
    %scan3A_45 = arith.addi %scan3A_43, %scan3A_44 : i32
    %scan3A_46 = arith.constant 1 : i32
    scf.for %scan3A_54 = %scan3A_43 to %scan3A_45 step %scan3A_46  : i32 {
      %mul3A_55 = arith.constant 5 : i32
      %mul3A_56 = arith.muli %scan3A_54, %mul3A_55 : i32
      %add3A_57 = arith.constant 0 : i32
      %add3A_58 = arith.addi %mul3A_56, %add3A_57 : i32
      %dma_start3A = arith.constant 0 : i32
      %dma_start3A_59 = tpu.memref_slice %arg4[%add3A_58, %dma_start3A] : memref<125x80xi32, #tpu.memory_space<vmem>> -> memref<1x80xi32, #tpu.memory_space<vmem>>
      %dma_start3A_60 = tpu.memref_squeeze %dma_start3A_59 : memref<1x80xi32, #tpu.memory_space<vmem>> -> memref<80xi32, #tpu.memory_space<vmem>>
      %dma_start3A_61 = arith.constant 0 : i32
      %dma_start3A_62 = tpu.memref_slice %arg7[%dma_start3A_61] : memref<10080xf32, #tpu.memory_space<vmem_shared>> -> memref<10080xf32, #tpu.memory_space<vmem_shared>>
      tpu.enqueue_indirect_dma source(%arg5 : memref<80xf32, #tpu.memory_space<vmem>>) target(%dma_start3A_62 : memref<10080xf32, #tpu.memory_space<vmem_shared>>) offsets(%dma_start3A_60 : memref<80xi32, #tpu.memory_space<vmem>>) semaphore(%arg8 : memref<!tpu.dma_semaphore, #tpu.memory_space<semaphore_mem>>) {add = true}
      %add3A_63 = arith.constant 1 : i32
      %add3A_64 = arith.addi %mul3A_56, %add3A_63 : i32
      %dma_start3A_65 = arith.constant 0 : i32
      %dma_start3A_66 = tpu.memref_slice %arg4[%add3A_64, %dma_start3A_65] : memref<125x80xi32, #tpu.memory_space<vmem>> -> memref<1x80xi32, #tpu.memory_space<vmem>>
      %dma_start3A_67 = tpu.memref_squeeze %dma_start3A_66 : memref<1x80xi32, #tpu.memory_space<vmem>> -> memref<80xi32, #tpu.memory_space<vmem>>
      %dma_start3A_68 = arith.constant 0 : i32
      %dma_start3A_69 = tpu.memref_slice %arg7[%dma_start3A_68] : memref<10080xf32, #tpu.memory_space<vmem_shared>> -> memref<10080xf32, #tpu.memory_space<vmem_shared>>
      tpu.enqueue_indirect_dma source(%arg5 : memref<80xf32, #tpu.memory_space<vmem>>) target(%dma_start3A_69 : memref<10080xf32, #tpu.memory_space<vmem_shared>>) offsets(%dma_start3A_67 : memref<80xi32, #tpu.memory_space<vmem>>) semaphore(%arg9 : memref<!tpu.dma_semaphore, #tpu.memory_space<semaphore_mem>>) {add = true}
      %add3A_70 = arith.constant 2 : i32
      %add3A_71 = arith.addi %mul3A_56, %add3A_70 : i32
      %dma_start3A_72 = arith.constant 0 : i32
      %dma_start3A_73 = tpu.memref_slice %arg4[%add3A_71, %dma_start3A_72] : memref<125x80xi32, #tpu.memory_space<vmem>> -> memref<1x80xi32, #tpu.memory_space<vmem>>
      %dma_start3A_74 = tpu.memref_squeeze %dma_start3A_73 : memref<1x80xi32, #tpu.memory_space<vmem>> -> memref<80xi32, #tpu.memory_space<vmem>>
      %dma_start3A_75 = arith.constant 0 : i32
      %dma_start3A_76 = tpu.memref_slice %arg7[%dma_start3A_75] : memref<10080xf32, #tpu.memory_space<vmem_shared>> -> memref<10080xf32, #tpu.memory_space<vmem_shared>>
      tpu.enqueue_indirect_dma source(%arg5 : memref<80xf32, #tpu.memory_space<vmem>>) target(%dma_start3A_76 : memref<10080xf32, #tpu.memory_space<vmem_shared>>) offsets(%dma_start3A_74 : memref<80xi32, #tpu.memory_space<vmem>>) semaphore(%arg10 : memref<!tpu.dma_semaphore, #tpu.memory_space<semaphore_mem>>) {add = true}
      %add3A_77 = arith.constant 3 : i32
      %add3A_78 = arith.addi %mul3A_56, %add3A_77 : i32
      %dma_start3A_79 = arith.constant 0 : i32
      %dma_start3A_80 = tpu.memref_slice %arg4[%add3A_78, %dma_start3A_79] : memref<125x80xi32, #tpu.memory_space<vmem>> -> memref<1x80xi32, #tpu.memory_space<vmem>>
      %dma_start3A_81 = tpu.memref_squeeze %dma_start3A_80 : memref<1x80xi32, #tpu.memory_space<vmem>> -> memref<80xi32, #tpu.memory_space<vmem>>
      %dma_start3A_82 = arith.constant 0 : i32
      %dma_start3A_83 = tpu.memref_slice %arg7[%dma_start3A_82] : memref<10080xf32, #tpu.memory_space<vmem_shared>> -> memref<10080xf32, #tpu.memory_space<vmem_shared>>
      tpu.enqueue_indirect_dma source(%arg5 : memref<80xf32, #tpu.memory_space<vmem>>) target(%dma_start3A_83 : memref<10080xf32, #tpu.memory_space<vmem_shared>>) offsets(%dma_start3A_81 : memref<80xi32, #tpu.memory_space<vmem>>) semaphore(%arg11 : memref<!tpu.dma_semaphore, #tpu.memory_space<semaphore_mem>>) {add = true}
      %add3A_84 = arith.constant 4 : i32
      %add3A_85 = arith.addi %mul3A_56, %add3A_84 : i32
      %dma_start3A_86 = arith.constant 0 : i32
      %dma_start3A_87 = tpu.memref_slice %arg4[%add3A_85, %dma_start3A_86] : memref<125x80xi32, #tpu.memory_space<vmem>> -> memref<1x80xi32, #tpu.memory_space<vmem>>
      %dma_start3A_88 = tpu.memref_squeeze %dma_start3A_87 : memref<1x80xi32, #tpu.memory_space<vmem>> -> memref<80xi32, #tpu.memory_space<vmem>>
      %dma_start3A_89 = arith.constant 0 : i32
      %dma_start3A_90 = tpu.memref_slice %arg7[%dma_start3A_89] : memref<10080xf32, #tpu.memory_space<vmem_shared>> -> memref<10080xf32, #tpu.memory_space<vmem_shared>>
      tpu.enqueue_indirect_dma source(%arg5 : memref<80xf32, #tpu.memory_space<vmem>>) target(%dma_start3A_90 : memref<10080xf32, #tpu.memory_space<vmem_shared>>) offsets(%dma_start3A_88 : memref<80xi32, #tpu.memory_space<vmem>>) semaphore(%arg12 : memref<!tpu.dma_semaphore, #tpu.memory_space<semaphore_mem>>) {add = true}
      %dma_wait3A = arith.constant 0 : i32
      %dma_wait3A_91 = arith.constant 0 : i32
      %dma_wait3A_92 = tpu.memref_slice %arg4[%dma_wait3A, %dma_wait3A_91] : memref<125x80xi32, #tpu.memory_space<vmem>> -> memref<1x80xi32, #tpu.memory_space<vmem>>
      %dma_wait3A_93 = tpu.memref_squeeze %dma_wait3A_92 : memref<1x80xi32, #tpu.memory_space<vmem>> -> memref<80xi32, #tpu.memory_space<vmem>>
      %dma_wait3A_94 = arith.constant 0 : i32
      %dma_wait3A_95 = tpu.memref_slice %arg7[%dma_wait3A_94] : memref<10080xf32, #tpu.memory_space<vmem_shared>> -> memref<10080xf32, #tpu.memory_space<vmem_shared>>
      tpu.wait_indirect_dma semaphore(%arg8 : memref<!tpu.dma_semaphore, #tpu.memory_space<semaphore_mem>>) src(%arg5 : memref<80xf32, #tpu.memory_space<vmem>>) dst(%dma_wait3A_95 : memref<10080xf32, #tpu.memory_space<vmem_shared>>)
      %dma_wait3A_96 = arith.constant 0 : i32
      %dma_wait3A_97 = arith.constant 0 : i32
      %dma_wait3A_98 = tpu.memref_slice %arg4[%dma_wait3A_96, %dma_wait3A_97] : memref<125x80xi32, #tpu.memory_space<vmem>> -> memref<1x80xi32, #tpu.memory_space<vmem>>
      %dma_wait3A_99 = tpu.memref_squeeze %dma_wait3A_98 : memref<1x80xi32, #tpu.memory_space<vmem>> -> memref<80xi32, #tpu.memory_space<vmem>>
      %dma_wait3A_100 = arith.constant 0 : i32
      %dma_wait3A_101 = tpu.memref_slice %arg7[%dma_wait3A_100] : memref<10080xf32, #tpu.memory_space<vmem_shared>> -> memref<10080xf32, #tpu.memory_space<vmem_shared>>
      tpu.wait_indirect_dma semaphore(%arg9 : memref<!tpu.dma_semaphore, #tpu.memory_space<semaphore_mem>>) src(%arg5 : memref<80xf32, #tpu.memory_space<vmem>>) dst(%dma_wait3A_101 : memref<10080xf32, #tpu.memory_space<vmem_shared>>)
      %dma_wait3A_102 = arith.constant 0 : i32
      %dma_wait3A_103 = arith.constant 0 : i32
      %dma_wait3A_104 = tpu.memref_slice %arg4[%dma_wait3A_102, %dma_wait3A_103] : memref<125x80xi32, #tpu.memory_space<vmem>> -> memref<1x80xi32, #tpu.memory_space<vmem>>
      %dma_wait3A_105 = tpu.memref_squeeze %dma_wait3A_104 : memref<1x80xi32, #tpu.memory_space<vmem>> -> memref<80xi32, #tpu.memory_space<vmem>>
      %dma_wait3A_106 = arith.constant 0 : i32
      %dma_wait3A_107 = tpu.memref_slice %arg7[%dma_wait3A_106] : memref<10080xf32, #tpu.memory_space<vmem_shared>> -> memref<10080xf32, #tpu.memory_space<vmem_shared>>
      tpu.wait_indirect_dma semaphore(%arg10 : memref<!tpu.dma_semaphore, #tpu.memory_space<semaphore_mem>>) src(%arg5 : memref<80xf32, #tpu.memory_space<vmem>>) dst(%dma_wait3A_107 : memref<10080xf32, #tpu.memory_space<vmem_shared>>)
      %dma_wait3A_108 = arith.constant 0 : i32
      %dma_wait3A_109 = arith.constant 0 : i32
      %dma_wait3A_110 = tpu.memref_slice %arg4[%dma_wait3A_108, %dma_wait3A_109] : memref<125x80xi32, #tpu.memory_space<vmem>> -> memref<1x80xi32, #tpu.memory_space<vmem>>
      %dma_wait3A_111 = tpu.memref_squeeze %dma_wait3A_110 : memref<1x80xi32, #tpu.memory_space<vmem>> -> memref<80xi32, #tpu.memory_space<vmem>>
      %dma_wait3A_112 = arith.constant 0 : i32
      %dma_wait3A_113 = tpu.memref_slice %arg7[%dma_wait3A_112] : memref<10080xf32, #tpu.memory_space<vmem_shared>> -> memref<10080xf32, #tpu.memory_space<vmem_shared>>
      tpu.wait_indirect_dma semaphore(%arg11 : memref<!tpu.dma_semaphore, #tpu.memory_space<semaphore_mem>>) src(%arg5 : memref<80xf32, #tpu.memory_space<vmem>>) dst(%dma_wait3A_113 : memref<10080xf32, #tpu.memory_space<vmem_shared>>)
      %dma_wait3A_114 = arith.constant 0 : i32
      %dma_wait3A_115 = arith.constant 0 : i32
      %dma_wait3A_116 = tpu.memref_slice %arg4[%dma_wait3A_114, %dma_wait3A_115] : memref<125x80xi32, #tpu.memory_space<vmem>> -> memref<1x80xi32, #tpu.memory_space<vmem>>
      %dma_wait3A_117 = tpu.memref_squeeze %dma_wait3A_116 : memref<1x80xi32, #tpu.memory_space<vmem>> -> memref<80xi32, #tpu.memory_space<vmem>>
      %dma_wait3A_118 = arith.constant 0 : i32
      %dma_wait3A_119 = tpu.memref_slice %arg7[%dma_wait3A_118] : memref<10080xf32, #tpu.memory_space<vmem_shared>> -> memref<10080xf32, #tpu.memory_space<vmem_shared>>
      tpu.wait_indirect_dma semaphore(%arg12 : memref<!tpu.dma_semaphore, #tpu.memory_space<semaphore_mem>>) src(%arg5 : memref<80xf32, #tpu.memory_space<vmem>>) dst(%dma_wait3A_119 : memref<10080xf32, #tpu.memory_space<vmem_shared>>)
    }
    %scan3A_47 = arith.constant 25 : i32
    %barrier3A_48 = arith.constant 0 : index
    tpu.barrier barrier_id(%barrier3A_48)
    %lt3A_49 = arith.constant 10 : i32
    %lt3A_50 = arith.cmpi slt, %arg1, %lt3A_49 : i32
    %convert_element_type3A_51 = arith.extui %lt3A_50 : i1 to i32
    %cond3A_52 = arith.constant 0 : i32
    %cond3A_53 = arith.cmpi ne, %convert_element_type3A_51, %cond3A_52 : i32
    scf.if %cond3A_53 {
      "tpu.region"() ({
        %run_scoped3A = tpu.sem_alloc : memref<!tpu.dma_semaphore, #tpu.memory_space<semaphore_mem>>
        %dma_start3A = arith.constant 0 : i32
        %dma_start3A_57 = tpu.memref_slice %arg6[%dma_start3A] : memref<1008xf32, #tpu.memory_space<vmem>> -> memref<1000xf32, #tpu.memory_space<vmem>>
        %dma_start3A_58 = tpu.memref_slice %arg7[%mul3A_2] : memref<10080xf32, #tpu.memory_space<vmem_shared>> -> memref<1000xf32, #tpu.memory_space<vmem_shared>>
        %dma_start3A_59 = arith.constant 0 : i32
        %dma_start3A_60 = tpu.memref_slice %arg6[%dma_start3A_59] : memref<1008xf32, #tpu.memory_space<vmem>> -> memref<1000xf32, #tpu.memory_space<vmem>>
        %dma_start3A_61 = tpu.memref_slice %arg7[%mul3A_2] : memref<10080xf32, #tpu.memory_space<vmem_shared>> -> memref<1000xf32, #tpu.memory_space<vmem_shared>>
        tpu.enqueue_dma source(%dma_start3A_61 : memref<1000xf32, #tpu.memory_space<vmem_shared>>) target(%dma_start3A_60 : memref<1000xf32, #tpu.memory_space<vmem>>) target_semaphore(%run_scoped3A : memref<!tpu.dma_semaphore, #tpu.memory_space<semaphore_mem>>)
        %dma_wait3A = arith.constant 0 : i32
        %dma_wait3A_62 = tpu.memref_slice %arg6[%dma_wait3A] : memref<1008xf32, #tpu.memory_space<vmem>> -> memref<1000xf32, #tpu.memory_space<vmem>>
        %dma_wait3A_63 = tpu.memref_slice %arg7[%mul3A_2] : memref<10080xf32, #tpu.memory_space<vmem_shared>> -> memref<1000xf32, #tpu.memory_space<vmem_shared>>
        %dma_wait3A_64 = arith.constant 0 : i32
        %dma_wait3A_65 = tpu.memref_slice %arg6[%dma_wait3A_64] : memref<1008xf32, #tpu.memory_space<vmem>> -> memref<1000xf32, #tpu.memory_space<vmem>>
        %dma_wait3A_66 = tpu.memref_slice %arg7[%mul3A_2] : memref<10080xf32, #tpu.memory_space<vmem_shared>> -> memref<1000xf32, #tpu.memory_space<vmem_shared>>
        tpu.wait_dma2 semaphore(%run_scoped3A : memref<!tpu.dma_semaphore, #tpu.memory_space<semaphore_mem>>) src(%dma_wait3A_66 : memref<1000xf32, #tpu.memory_space<vmem_shared>>) dst(%dma_wait3A_65 : memref<1000xf32, #tpu.memory_space<vmem>>)
        tpu.yield
      }) : () -> ()
      %mul3A_54 = arith.constant 10000 : i32
      %mul3A_55 = arith.muli %arg0, %mul3A_54 : i32
      %add3A_56 = arith.addi %mul3A_55, %mul3A_2 : i32
      "tpu.region"() ({
        %run_scoped3A = tpu.sem_alloc : memref<!tpu.dma_semaphore, #tpu.memory_space<semaphore_mem>>
        %dma_start3A = arith.constant 0 : i32
        %dma_start3A_57 = tpu.memref_slice %arg6[%dma_start3A] : memref<1008xf32, #tpu.memory_space<vmem>> -> memref<1000xf32, #tpu.memory_space<vmem>>
        %dma_start3A_58 = tpu.memref_slice %arg3[%add3A_56] : memref<20000xf32, #tpu.memory_space<hbm>> -> memref<1000xf32, #tpu.memory_space<hbm>>
        %dma_start3A_59 = tpu.memref_slice %arg3[%add3A_56] : memref<20000xf32, #tpu.memory_space<hbm>> -> memref<1000xf32, #tpu.memory_space<hbm>>
        %dma_start3A_60 = arith.constant 0 : i32
        %dma_start3A_61 = tpu.memref_slice %arg6[%dma_start3A_60] : memref<1008xf32, #tpu.memory_space<vmem>> -> memref<1000xf32, #tpu.memory_space<vmem>>
        tpu.enqueue_dma source(%dma_start3A_61 : memref<1000xf32, #tpu.memory_space<vmem>>) target(%dma_start3A_59 : memref<1000xf32, #tpu.memory_space<hbm>>) target_semaphore(%run_scoped3A : memref<!tpu.dma_semaphore, #tpu.memory_space<semaphore_mem>>)
        %dma_wait3A = arith.constant 0 : i32
        %dma_wait3A_62 = tpu.memref_slice %arg6[%dma_wait3A] : memref<1008xf32, #tpu.memory_space<vmem>> -> memref<1000xf32, #tpu.memory_space<vmem>>
        %dma_wait3A_63 = tpu.memref_slice %arg3[%add3A_56] : memref<20000xf32, #tpu.memory_space<hbm>> -> memref<1000xf32, #tpu.memory_space<hbm>>
        %dma_wait3A_64 = tpu.memref_slice %arg3[%add3A_56] : memref<20000xf32, #tpu.memory_space<hbm>> -> memref<1000xf32, #tpu.memory_space<hbm>>
        %dma_wait3A_65 = arith.constant 0 : i32
        %dma_wait3A_66 = tpu.memref_slice %arg6[%dma_wait3A_65] : memref<1008xf32, #tpu.memory_space<vmem>> -> memref<1000xf32, #tpu.memory_space<vmem>>
        tpu.wait_dma2 semaphore(%run_scoped3A : memref<!tpu.dma_semaphore, #tpu.memory_space<semaphore_mem>>) src(%dma_wait3A_66 : memref<1000xf32, #tpu.memory_space<vmem>>) dst(%dma_wait3A_64 : memref<1000xf32, #tpu.memory_space<hbm>>)
        tpu.yield
      }) : () -> ()
    } else {
    }
    return
  }
}

#map = affine_map<(d0, d1) -> (0, 0)>
#map1 = affine_map<(d0, d1) -> (0, 0, 0)>
module attributes {stable_mosaic.version = 14 : i64} {
  func.func @hop(%arg0: i32, %arg1: i32, %arg2: memref<10000x64xf32, #tpu.memory_space<hbm>>, %arg3: memref<4000x80xi32, #tpu.memory_space<hbm>>, %arg4: memref<4000x80xi32, #tpu.memory_space<hbm>>, %arg5: memref<2x10000x64xf32, #tpu.memory_space<hbm>>, %arg6: memref<125x80xi32, #tpu.memory_space<vmem>>, %arg7: memref<125x80xi32, #tpu.memory_space<vmem>>, %arg8: memref<5x80x64xf32, #tpu.memory_space<vmem>>, %arg9: memref<125x64xf32, #tpu.memory_space<vmem>>, %arg10: memref<10080x64xf32, #tpu.memory_space<vmem_shared>>, %arg11: memref<!tpu.dma_semaphore, #tpu.memory_space<semaphore_mem>>, %arg12: memref<!tpu.dma_semaphore, #tpu.memory_space<semaphore_mem>>, %arg13: memref<!tpu.dma_semaphore, #tpu.memory_space<semaphore_mem>>, %arg14: memref<!tpu.dma_semaphore, #tpu.memory_space<semaphore_mem>>, %arg15: memref<!tpu.dma_semaphore, #tpu.memory_space<semaphore_mem>>, %arg16: memref<!tpu.dma_semaphore, #tpu.memory_space<semaphore_mem>>, %arg17: memref<!tpu.dma_semaphore, #tpu.memory_space<semaphore_mem>>, %arg18: memref<!tpu.dma_semaphore, #tpu.memory_space<semaphore_mem>>, %arg19: memref<!tpu.dma_semaphore, #tpu.memory_space<semaphore_mem>>, %arg20: memref<!tpu.dma_semaphore, #tpu.memory_space<semaphore_mem>>) attributes {dimension_semantics = [#tpu.dimension_semantics<core_parallel>, #tpu.dimension_semantics<subcore_parallel>], iteration_bounds = array<i64: 2, 16>, scalar_prefetch = 0 : i64, scratch_operands = 15 : i64, tpu.core_type = #tpu.core_type<sc_vector_subcore>, window_params = [{transform_indices = #map}, {transform_indices = #map}, {transform_indices = #map}, {transform_indices = #map1}]} {
    %mul3A = arith.constant 2 : i32
    %mul3A_0 = arith.muli %arg1, %mul3A : i32
    %add3A = arith.addi %mul3A_0, %arg0 : i32
    %mul3A_1 = arith.constant 625 : i32
    %mul3A_2 = arith.muli %arg1, %mul3A_1 : i32
    %mul3A_3 = arith.constant 125 : i32
    %mul3A_4 = arith.muli %add3A, %mul3A_3 : i32
    "tpu.region"() ({
      %run_scoped3A = tpu.sem_alloc : memref<!tpu.dma_semaphore, #tpu.memory_space<semaphore_mem>>
      %dma_start3A_286 = arith.constant 0 : i32
      %dma_start3A_287 = tpu.memref_slice %arg3[%mul3A_4, %dma_start3A_286] : memref<4000x80xi32, #tpu.memory_space<hbm>> -> memref<125x80xi32, #tpu.memory_space<hbm>>
      %dma_start3A_288 = arith.constant 0 : i32
      %dma_start3A_289 = tpu.memref_slice %arg3[%mul3A_4, %dma_start3A_288] : memref<4000x80xi32, #tpu.memory_space<hbm>> -> memref<125x80xi32, #tpu.memory_space<hbm>>
      tpu.enqueue_dma source(%dma_start3A_289 : memref<125x80xi32, #tpu.memory_space<hbm>>) target(%arg6 : memref<125x80xi32, #tpu.memory_space<vmem>>) target_semaphore(%run_scoped3A : memref<!tpu.dma_semaphore, #tpu.memory_space<semaphore_mem>>)
      %dma_wait3A_290 = arith.constant 0 : i32
      %dma_wait3A_291 = tpu.memref_slice %arg3[%mul3A_4, %dma_wait3A_290] : memref<4000x80xi32, #tpu.memory_space<hbm>> -> memref<125x80xi32, #tpu.memory_space<hbm>>
      %dma_wait3A_292 = arith.constant 0 : i32
      %dma_wait3A_293 = tpu.memref_slice %arg3[%mul3A_4, %dma_wait3A_292] : memref<4000x80xi32, #tpu.memory_space<hbm>> -> memref<125x80xi32, #tpu.memory_space<hbm>>
      tpu.wait_dma2 semaphore(%run_scoped3A : memref<!tpu.dma_semaphore, #tpu.memory_space<semaphore_mem>>) src(%dma_wait3A_293 : memref<125x80xi32, #tpu.memory_space<hbm>>) dst(%arg6 : memref<125x80xi32, #tpu.memory_space<vmem>>)
      tpu.yield
    }) : () -> ()
    "tpu.region"() ({
      %run_scoped3A = tpu.sem_alloc : memref<!tpu.dma_semaphore, #tpu.memory_space<semaphore_mem>>
      %dma_start3A_286 = arith.constant 0 : i32
      %dma_start3A_287 = tpu.memref_slice %arg4[%mul3A_4, %dma_start3A_286] : memref<4000x80xi32, #tpu.memory_space<hbm>> -> memref<125x80xi32, #tpu.memory_space<hbm>>
      %dma_start3A_288 = arith.constant 0 : i32
      %dma_start3A_289 = tpu.memref_slice %arg4[%mul3A_4, %dma_start3A_288] : memref<4000x80xi32, #tpu.memory_space<hbm>> -> memref<125x80xi32, #tpu.memory_space<hbm>>
      tpu.enqueue_dma source(%dma_start3A_289 : memref<125x80xi32, #tpu.memory_space<hbm>>) target(%arg7 : memref<125x80xi32, #tpu.memory_space<vmem>>) target_semaphore(%run_scoped3A : memref<!tpu.dma_semaphore, #tpu.memory_space<semaphore_mem>>)
      %dma_wait3A_290 = arith.constant 0 : i32
      %dma_wait3A_291 = tpu.memref_slice %arg4[%mul3A_4, %dma_wait3A_290] : memref<4000x80xi32, #tpu.memory_space<hbm>> -> memref<125x80xi32, #tpu.memory_space<hbm>>
      %dma_wait3A_292 = arith.constant 0 : i32
      %dma_wait3A_293 = tpu.memref_slice %arg4[%mul3A_4, %dma_wait3A_292] : memref<4000x80xi32, #tpu.memory_space<hbm>> -> memref<125x80xi32, #tpu.memory_space<hbm>>
      tpu.wait_dma2 semaphore(%run_scoped3A : memref<!tpu.dma_semaphore, #tpu.memory_space<semaphore_mem>>) src(%dma_wait3A_293 : memref<125x80xi32, #tpu.memory_space<hbm>>) dst(%arg7 : memref<125x80xi32, #tpu.memory_space<vmem>>)
      tpu.yield
    }) : () -> ()
    %broadcast_in_dim3A = arith.constant 0.000000e+00 : f32
    %broadcast_in_dim3A_5 = vector.broadcast %broadcast_in_dim3A : f32 to vector<16xf32>
    %scan3A = arith.constant 0 : i32
    %scan3A_6 = arith.constant 0 : i32
    %scan3A_7 = arith.constant 125 : i32
    %scan3A_8 = arith.addi %scan3A_6, %scan3A_7 : i32
    %scan3A_9 = arith.constant 1 : i32
    scf.for %scan3A_286 = %scan3A_6 to %scan3A_8 step %scan3A_9  : i32 {
      %swap3A = arith.index_cast %scan3A_286 : i32 to index
      %swap3A_287 = arith.constant 0 : index
      %swap3A_288 = tpu.vector_load %arg9[%swap3A, %swap3A_287] {strides = array<i32>} : memref<125x64xf32, #tpu.memory_space<vmem>>, vector<1x16xf32>,
      %swap3A_289 = vector.shape_cast %swap3A_288 : vector<1x16xf32> to vector<16xf32>
      %swap3A_290 = vector.shape_cast %broadcast_in_dim3A_5 : vector<16xf32> to vector<1x16xf32>
      tpu.vector_store %arg9[%swap3A, %swap3A_287], %swap3A_290 {strides = array<i32>} : memref<125x64xf32, #tpu.memory_space<vmem>>, vector<1x16xf32>,
      %swap3A_291 = arith.index_cast %scan3A_286 : i32 to index
      %swap3A_292 = arith.constant 16 : index
      %swap3A_293 = tpu.vector_load %arg9[%swap3A_291, %swap3A_292] {strides = array<i32>} : memref<125x64xf32, #tpu.memory_space<vmem>>, vector<1x16xf32>,
      %swap3A_294 = vector.shape_cast %swap3A_293 : vector<1x16xf32> to vector<16xf32>
      %swap3A_295 = vector.shape_cast %broadcast_in_dim3A_5 : vector<16xf32> to vector<1x16xf32>
      tpu.vector_store %arg9[%swap3A_291, %swap3A_292], %swap3A_295 {strides = array<i32>} : memref<125x64xf32, #tpu.memory_space<vmem>>, vector<1x16xf32>,
      %swap3A_296 = arith.index_cast %scan3A_286 : i32 to index
      %swap3A_297 = arith.constant 32 : index
      %swap3A_298 = tpu.vector_load %arg9[%swap3A_296, %swap3A_297] {strides = array<i32>} : memref<125x64xf32, #tpu.memory_space<vmem>>, vector<1x16xf32>,
      %swap3A_299 = vector.shape_cast %swap3A_298 : vector<1x16xf32> to vector<16xf32>
      %swap3A_300 = vector.shape_cast %broadcast_in_dim3A_5 : vector<16xf32> to vector<1x16xf32>
      tpu.vector_store %arg9[%swap3A_296, %swap3A_297], %swap3A_300 {strides = array<i32>} : memref<125x64xf32, #tpu.memory_space<vmem>>, vector<1x16xf32>,
      %swap3A_301 = arith.index_cast %scan3A_286 : i32 to index
      %swap3A_302 = arith.constant 48 : index
      %swap3A_303 = tpu.vector_load %arg9[%swap3A_301, %swap3A_302] {strides = array<i32>} : memref<125x64xf32, #tpu.memory_space<vmem>>, vector<1x16xf32>,
      %swap3A_304 = vector.shape_cast %swap3A_303 : vector<1x16xf32> to vector<16xf32>
      %swap3A_305 = vector.shape_cast %broadcast_in_dim3A_5 : vector<16xf32> to vector<1x16xf32>
      tpu.vector_store %arg9[%swap3A_301, %swap3A_302], %swap3A_305 {strides = array<i32>} : memref<125x64xf32, #tpu.memory_space<vmem>>, vector<1x16xf32>,
    }
    %scan3A_10 = arith.constant 125 : i32
    %add3A_11 = arith.constant 0 : i32
    %add3A_12 = arith.addi %mul3A_2, %add3A_11 : i32
    "tpu.region"() ({
      %run_scoped3A = tpu.sem_alloc : memref<!tpu.dma_semaphore, #tpu.memory_space<semaphore_mem>>
      %dma_start3A_286 = arith.constant 0 : i32
      %dma_start3A_287 = tpu.memref_slice %arg10[%add3A_12, %dma_start3A_286] : memref<10080x64xf32, #tpu.memory_space<vmem_shared>> -> memref<125x64xf32, #tpu.memory_space<vmem_shared>>
      %dma_start3A_288 = arith.constant 0 : i32
      %dma_start3A_289 = tpu.memref_slice %arg10[%add3A_12, %dma_start3A_288] : memref<10080x64xf32, #tpu.memory_space<vmem_shared>> -> memref<125x64xf32, #tpu.memory_space<vmem_shared>>
      tpu.enqueue_dma source(%arg9 : memref<125x64xf32, #tpu.memory_space<vmem>>) target(%dma_start3A_289 : memref<125x64xf32, #tpu.memory_space<vmem_shared>>) target_semaphore(%run_scoped3A : memref<!tpu.dma_semaphore, #tpu.memory_space<semaphore_mem>>)
      %dma_wait3A_290 = arith.constant 0 : i32
      %dma_wait3A_291 = tpu.memref_slice %arg10[%add3A_12, %dma_wait3A_290] : memref<10080x64xf32, #tpu.memory_space<vmem_shared>> -> memref<125x64xf32, #tpu.memory_space<vmem_shared>>
      %dma_wait3A_292 = arith.constant 0 : i32
      %dma_wait3A_293 = tpu.memref_slice %arg10[%add3A_12, %dma_wait3A_292] : memref<10080x64xf32, #tpu.memory_space<vmem_shared>> -> memref<125x64xf32, #tpu.memory_space<vmem_shared>>
      tpu.wait_dma2 semaphore(%run_scoped3A : memref<!tpu.dma_semaphore, #tpu.memory_space<semaphore_mem>>) src(%arg9 : memref<125x64xf32, #tpu.memory_space<vmem>>) dst(%dma_wait3A_293 : memref<125x64xf32, #tpu.memory_space<vmem_shared>>)
      tpu.yield
    }) : () -> ()
    %add3A_13 = arith.constant 125 : i32
    %add3A_14 = arith.addi %mul3A_2, %add3A_13 : i32
    "tpu.region"() ({
      %run_scoped3A = tpu.sem_alloc : memref<!tpu.dma_semaphore, #tpu.memory_space<semaphore_mem>>
      %dma_start3A_286 = arith.constant 0 : i32
      %dma_start3A_287 = tpu.memref_slice %arg10[%add3A_14, %dma_start3A_286] : memref<10080x64xf32, #tpu.memory_space<vmem_shared>> -> memref<125x64xf32, #tpu.memory_space<vmem_shared>>
      %dma_start3A_288 = arith.constant 0 : i32
      %dma_start3A_289 = tpu.memref_slice %arg10[%add3A_14, %dma_start3A_288] : memref<10080x64xf32, #tpu.memory_space<vmem_shared>> -> memref<125x64xf32, #tpu.memory_space<vmem_shared>>
      tpu.enqueue_dma source(%arg9 : memref<125x64xf32, #tpu.memory_space<vmem>>) target(%dma_start3A_289 : memref<125x64xf32, #tpu.memory_space<vmem_shared>>) target_semaphore(%run_scoped3A : memref<!tpu.dma_semaphore, #tpu.memory_space<semaphore_mem>>)
      %dma_wait3A_290 = arith.constant 0 : i32
      %dma_wait3A_291 = tpu.memref_slice %arg10[%add3A_14, %dma_wait3A_290] : memref<10080x64xf32, #tpu.memory_space<vmem_shared>> -> memref<125x64xf32, #tpu.memory_space<vmem_shared>>
      %dma_wait3A_292 = arith.constant 0 : i32
      %dma_wait3A_293 = tpu.memref_slice %arg10[%add3A_14, %dma_wait3A_292] : memref<10080x64xf32, #tpu.memory_space<vmem_shared>> -> memref<125x64xf32, #tpu.memory_space<vmem_shared>>
      tpu.wait_dma2 semaphore(%run_scoped3A : memref<!tpu.dma_semaphore, #tpu.memory_space<semaphore_mem>>) src(%arg9 : memref<125x64xf32, #tpu.memory_space<vmem>>) dst(%dma_wait3A_293 : memref<125x64xf32, #tpu.memory_space<vmem_shared>>)
      tpu.yield
    }) : () -> ()
    %add3A_15 = arith.constant 250 : i32
    %add3A_16 = arith.addi %mul3A_2, %add3A_15 : i32
    "tpu.region"() ({
      %run_scoped3A = tpu.sem_alloc : memref<!tpu.dma_semaphore, #tpu.memory_space<semaphore_mem>>
      %dma_start3A_286 = arith.constant 0 : i32
      %dma_start3A_287 = tpu.memref_slice %arg10[%add3A_16, %dma_start3A_286] : memref<10080x64xf32, #tpu.memory_space<vmem_shared>> -> memref<125x64xf32, #tpu.memory_space<vmem_shared>>
      %dma_start3A_288 = arith.constant 0 : i32
      %dma_start3A_289 = tpu.memref_slice %arg10[%add3A_16, %dma_start3A_288] : memref<10080x64xf32, #tpu.memory_space<vmem_shared>> -> memref<125x64xf32, #tpu.memory_space<vmem_shared>>
      tpu.enqueue_dma source(%arg9 : memref<125x64xf32, #tpu.memory_space<vmem>>) target(%dma_start3A_289 : memref<125x64xf32, #tpu.memory_space<vmem_shared>>) target_semaphore(%run_scoped3A : memref<!tpu.dma_semaphore, #tpu.memory_space<semaphore_mem>>)
      %dma_wait3A_290 = arith.constant 0 : i32
      %dma_wait3A_291 = tpu.memref_slice %arg10[%add3A_16, %dma_wait3A_290] : memref<10080x64xf32, #tpu.memory_space<vmem_shared>> -> memref<125x64xf32, #tpu.memory_space<vmem_shared>>
      %dma_wait3A_292 = arith.constant 0 : i32
      %dma_wait3A_293 = tpu.memref_slice %arg10[%add3A_16, %dma_wait3A_292] : memref<10080x64xf32, #tpu.memory_space<vmem_shared>> -> memref<125x64xf32, #tpu.memory_space<vmem_shared>>
      tpu.wait_dma2 semaphore(%run_scoped3A : memref<!tpu.dma_semaphore, #tpu.memory_space<semaphore_mem>>) src(%arg9 : memref<125x64xf32, #tpu.memory_space<vmem>>) dst(%dma_wait3A_293 : memref<125x64xf32, #tpu.memory_space<vmem_shared>>)
      tpu.yield
    }) : () -> ()
    %add3A_17 = arith.constant 375 : i32
    %add3A_18 = arith.addi %mul3A_2, %add3A_17 : i32
    "tpu.region"() ({
      %run_scoped3A = tpu.sem_alloc : memref<!tpu.dma_semaphore, #tpu.memory_space<semaphore_mem>>
      %dma_start3A_286 = arith.constant 0 : i32
      %dma_start3A_287 = tpu.memref_slice %arg10[%add3A_18, %dma_start3A_286] : memref<10080x64xf32, #tpu.memory_space<vmem_shared>> -> memref<125x64xf32, #tpu.memory_space<vmem_shared>>
      %dma_start3A_288 = arith.constant 0 : i32
      %dma_start3A_289 = tpu.memref_slice %arg10[%add3A_18, %dma_start3A_288] : memref<10080x64xf32, #tpu.memory_space<vmem_shared>> -> memref<125x64xf32, #tpu.memory_space<vmem_shared>>
      tpu.enqueue_dma source(%arg9 : memref<125x64xf32, #tpu.memory_space<vmem>>) target(%dma_start3A_289 : memref<125x64xf32, #tpu.memory_space<vmem_shared>>) target_semaphore(%run_scoped3A : memref<!tpu.dma_semaphore, #tpu.memory_space<semaphore_mem>>)
      %dma_wait3A_290 = arith.constant 0 : i32
      %dma_wait3A_291 = tpu.memref_slice %arg10[%add3A_18, %dma_wait3A_290] : memref<10080x64xf32, #tpu.memory_space<vmem_shared>> -> memref<125x64xf32, #tpu.memory_space<vmem_shared>>
      %dma_wait3A_292 = arith.constant 0 : i32
      %dma_wait3A_293 = tpu.memref_slice %arg10[%add3A_18, %dma_wait3A_292] : memref<10080x64xf32, #tpu.memory_space<vmem_shared>> -> memref<125x64xf32, #tpu.memory_space<vmem_shared>>
      tpu.wait_dma2 semaphore(%run_scoped3A : memref<!tpu.dma_semaphore, #tpu.memory_space<semaphore_mem>>) src(%arg9 : memref<125x64xf32, #tpu.memory_space<vmem>>) dst(%dma_wait3A_293 : memref<125x64xf32, #tpu.memory_space<vmem_shared>>)
      tpu.yield
    }) : () -> ()
    %add3A_19 = arith.constant 500 : i32
    %add3A_20 = arith.addi %mul3A_2, %add3A_19 : i32
    "tpu.region"() ({
      %run_scoped3A = tpu.sem_alloc : memref<!tpu.dma_semaphore, #tpu.memory_space<semaphore_mem>>
      %dma_start3A_286 = arith.constant 0 : i32
      %dma_start3A_287 = tpu.memref_slice %arg10[%add3A_20, %dma_start3A_286] : memref<10080x64xf32, #tpu.memory_space<vmem_shared>> -> memref<125x64xf32, #tpu.memory_space<vmem_shared>>
      %dma_start3A_288 = arith.constant 0 : i32
      %dma_start3A_289 = tpu.memref_slice %arg10[%add3A_20, %dma_start3A_288] : memref<10080x64xf32, #tpu.memory_space<vmem_shared>> -> memref<125x64xf32, #tpu.memory_space<vmem_shared>>
      tpu.enqueue_dma source(%arg9 : memref<125x64xf32, #tpu.memory_space<vmem>>) target(%dma_start3A_289 : memref<125x64xf32, #tpu.memory_space<vmem_shared>>) target_semaphore(%run_scoped3A : memref<!tpu.dma_semaphore, #tpu.memory_space<semaphore_mem>>)
      %dma_wait3A_290 = arith.constant 0 : i32
      %dma_wait3A_291 = tpu.memref_slice %arg10[%add3A_20, %dma_wait3A_290] : memref<10080x64xf32, #tpu.memory_space<vmem_shared>> -> memref<125x64xf32, #tpu.memory_space<vmem_shared>>
      %dma_wait3A_292 = arith.constant 0 : i32
      %dma_wait3A_293 = tpu.memref_slice %arg10[%add3A_20, %dma_wait3A_292] : memref<10080x64xf32, #tpu.memory_space<vmem_shared>> -> memref<125x64xf32, #tpu.memory_space<vmem_shared>>
      tpu.wait_dma2 semaphore(%run_scoped3A : memref<!tpu.dma_semaphore, #tpu.memory_space<semaphore_mem>>) src(%arg9 : memref<125x64xf32, #tpu.memory_space<vmem>>) dst(%dma_wait3A_293 : memref<125x64xf32, #tpu.memory_space<vmem_shared>>)
      tpu.yield
    }) : () -> ()
    %barrier3A = arith.constant 0 : index
    tpu.barrier barrier_id(%barrier3A)
    %dma_start3A = arith.constant 0 : i32
    %dma_start3A_21 = arith.constant 0 : i32
    %dma_start3A_22 = arith.constant 0 : i32
    %dma_start3A_23 = arith.constant 0 : i32
    %dma_start3A_24 = tpu.memref_slice %arg8[%dma_start3A_21, %dma_start3A_22, %dma_start3A_23] : memref<5x80x64xf32, #tpu.memory_space<vmem>> -> memref<1x80x64xf32, #tpu.memory_space<vmem>>
    %dma_start3A_25 = tpu.memref_squeeze %dma_start3A_24 : memref<1x80x64xf32, #tpu.memory_space<vmem>> -> memref<80x64xf32, #tpu.memory_space<vmem>>
    %dma_start3A_26 = arith.constant 0 : i32
    %dma_start3A_27 = tpu.memref_slice %arg6[%dma_start3A, %dma_start3A_26] : memref<125x80xi32, #tpu.memory_space<vmem>> -> memref<1x80xi32, #tpu.memory_space<vmem>>
    %dma_start3A_28 = tpu.memref_squeeze %dma_start3A_27 : memref<1x80xi32, #tpu.memory_space<vmem>> -> memref<80xi32, #tpu.memory_space<vmem>>
    %dma_start3A_29 = arith.constant 0 : i32
    %dma_start3A_30 = arith.constant 0 : i32
    %dma_start3A_31 = tpu.memref_slice %arg2[%dma_start3A_29, %dma_start3A_30] : memref<10000x64xf32, #tpu.memory_space<hbm>> -> memref<10000x64xf32, #tpu.memory_space<hbm>>
    tpu.enqueue_indirect_dma source(%dma_start3A_31 : memref<10000x64xf32, #tpu.memory_space<hbm>>) target(%dma_start3A_25 : memref<80x64xf32, #tpu.memory_space<vmem>>) offsets(%dma_start3A_28 : memref<80xi32, #tpu.memory_space<vmem>>) semaphore(%arg11 : memref<!tpu.dma_semaphore, #tpu.memory_space<semaphore_mem>>)
    %dma_start3A_32 = arith.constant 1 : i32
    %dma_start3A_33 = arith.constant 1 : i32
    %dma_start3A_34 = arith.constant 0 : i32
    %dma_start3A_35 = arith.constant 0 : i32
    %dma_start3A_36 = tpu.memref_slice %arg8[%dma_start3A_33, %dma_start3A_34, %dma_start3A_35] : memref<5x80x64xf32, #tpu.memory_space<vmem>> -> memref<1x80x64xf32, #tpu.memory_space<vmem>>
    %dma_start3A_37 = tpu.memref_squeeze %dma_start3A_36 : memref<1x80x64xf32, #tpu.memory_space<vmem>> -> memref<80x64xf32, #tpu.memory_space<vmem>>
    %dma_start3A_38 = arith.constant 0 : i32
    %dma_start3A_39 = tpu.memref_slice %arg6[%dma_start3A_32, %dma_start3A_38] : memref<125x80xi32, #tpu.memory_space<vmem>> -> memref<1x80xi32, #tpu.memory_space<vmem>>
    %dma_start3A_40 = tpu.memref_squeeze %dma_start3A_39 : memref<1x80xi32, #tpu.memory_space<vmem>> -> memref<80xi32, #tpu.memory_space<vmem>>
    %dma_start3A_41 = arith.constant 0 : i32
    %dma_start3A_42 = arith.constant 0 : i32
    %dma_start3A_43 = tpu.memref_slice %arg2[%dma_start3A_41, %dma_start3A_42] : memref<10000x64xf32, #tpu.memory_space<hbm>> -> memref<10000x64xf32, #tpu.memory_space<hbm>>
    tpu.enqueue_indirect_dma source(%dma_start3A_43 : memref<10000x64xf32, #tpu.memory_space<hbm>>) target(%dma_start3A_37 : memref<80x64xf32, #tpu.memory_space<vmem>>) offsets(%dma_start3A_40 : memref<80xi32, #tpu.memory_space<vmem>>) semaphore(%arg12 : memref<!tpu.dma_semaphore, #tpu.memory_space<semaphore_mem>>)
    %dma_start3A_44 = arith.constant 2 : i32
    %dma_start3A_45 = arith.constant 2 : i32
    %dma_start3A_46 = arith.constant 0 : i32
    %dma_start3A_47 = arith.constant 0 : i32
    %dma_start3A_48 = tpu.memref_slice %arg8[%dma_start3A_45, %dma_start3A_46, %dma_start3A_47] : memref<5x80x64xf32, #tpu.memory_space<vmem>> -> memref<1x80x64xf32, #tpu.memory_space<vmem>>
    %dma_start3A_49 = tpu.memref_squeeze %dma_start3A_48 : memref<1x80x64xf32, #tpu.memory_space<vmem>> -> memref<80x64xf32, #tpu.memory_space<vmem>>
    %dma_start3A_50 = arith.constant 0 : i32
    %dma_start3A_51 = tpu.memref_slice %arg6[%dma_start3A_44, %dma_start3A_50] : memref<125x80xi32, #tpu.memory_space<vmem>> -> memref<1x80xi32, #tpu.memory_space<vmem>>
    %dma_start3A_52 = tpu.memref_squeeze %dma_start3A_51 : memref<1x80xi32, #tpu.memory_space<vmem>> -> memref<80xi32, #tpu.memory_space<vmem>>
    %dma_start3A_53 = arith.constant 0 : i32
    %dma_start3A_54 = arith.constant 0 : i32
    %dma_start3A_55 = tpu.memref_slice %arg2[%dma_start3A_53, %dma_start3A_54] : memref<10000x64xf32, #tpu.memory_space<hbm>> -> memref<10000x64xf32, #tpu.memory_space<hbm>>
    tpu.enqueue_indirect_dma source(%dma_start3A_55 : memref<10000x64xf32, #tpu.memory_space<hbm>>) target(%dma_start3A_49 : memref<80x64xf32, #tpu.memory_space<vmem>>) offsets(%dma_start3A_52 : memref<80xi32, #tpu.memory_space<vmem>>) semaphore(%arg13 : memref<!tpu.dma_semaphore, #tpu.memory_space<semaphore_mem>>)
    %dma_start3A_56 = arith.constant 3 : i32
    %dma_start3A_57 = arith.constant 3 : i32
    %dma_start3A_58 = arith.constant 0 : i32
    %dma_start3A_59 = arith.constant 0 : i32
    %dma_start3A_60 = tpu.memref_slice %arg8[%dma_start3A_57, %dma_start3A_58, %dma_start3A_59] : memref<5x80x64xf32, #tpu.memory_space<vmem>> -> memref<1x80x64xf32, #tpu.memory_space<vmem>>
    %dma_start3A_61 = tpu.memref_squeeze %dma_start3A_60 : memref<1x80x64xf32, #tpu.memory_space<vmem>> -> memref<80x64xf32, #tpu.memory_space<vmem>>
    %dma_start3A_62 = arith.constant 0 : i32
    %dma_start3A_63 = tpu.memref_slice %arg6[%dma_start3A_56, %dma_start3A_62] : memref<125x80xi32, #tpu.memory_space<vmem>> -> memref<1x80xi32, #tpu.memory_space<vmem>>
    %dma_start3A_64 = tpu.memref_squeeze %dma_start3A_63 : memref<1x80xi32, #tpu.memory_space<vmem>> -> memref<80xi32, #tpu.memory_space<vmem>>
    %dma_start3A_65 = arith.constant 0 : i32
    %dma_start3A_66 = arith.constant 0 : i32
    %dma_start3A_67 = tpu.memref_slice %arg2[%dma_start3A_65, %dma_start3A_66] : memref<10000x64xf32, #tpu.memory_space<hbm>> -> memref<10000x64xf32, #tpu.memory_space<hbm>>
    tpu.enqueue_indirect_dma source(%dma_start3A_67 : memref<10000x64xf32, #tpu.memory_space<hbm>>) target(%dma_start3A_61 : memref<80x64xf32, #tpu.memory_space<vmem>>) offsets(%dma_start3A_64 : memref<80xi32, #tpu.memory_space<vmem>>) semaphore(%arg14 : memref<!tpu.dma_semaphore, #tpu.memory_space<semaphore_mem>>)
    %dma_start3A_68 = arith.constant 4 : i32
    %dma_start3A_69 = arith.constant 4 : i32
    %dma_start3A_70 = arith.constant 0 : i32
    %dma_start3A_71 = arith.constant 0 : i32
    %dma_start3A_72 = tpu.memref_slice %arg8[%dma_start3A_69, %dma_start3A_70, %dma_start3A_71] : memref<5x80x64xf32, #tpu.memory_space<vmem>> -> memref<1x80x64xf32, #tpu.memory_space<vmem>>
    %dma_start3A_73 = tpu.memref_squeeze %dma_start3A_72 : memref<1x80x64xf32, #tpu.memory_space<vmem>> -> memref<80x64xf32, #tpu.memory_space<vmem>>
    %dma_start3A_74 = arith.constant 0 : i32
    %dma_start3A_75 = tpu.memref_slice %arg6[%dma_start3A_68, %dma_start3A_74] : memref<125x80xi32, #tpu.memory_space<vmem>> -> memref<1x80xi32, #tpu.memory_space<vmem>>
    %dma_start3A_76 = tpu.memref_squeeze %dma_start3A_75 : memref<1x80xi32, #tpu.memory_space<vmem>> -> memref<80xi32, #tpu.memory_space<vmem>>
    %dma_start3A_77 = arith.constant 0 : i32
    %dma_start3A_78 = arith.constant 0 : i32
    %dma_start3A_79 = tpu.memref_slice %arg2[%dma_start3A_77, %dma_start3A_78] : memref<10000x64xf32, #tpu.memory_space<hbm>> -> memref<10000x64xf32, #tpu.memory_space<hbm>>
    tpu.enqueue_indirect_dma source(%dma_start3A_79 : memref<10000x64xf32, #tpu.memory_space<hbm>>) target(%dma_start3A_73 : memref<80x64xf32, #tpu.memory_space<vmem>>) offsets(%dma_start3A_76 : memref<80xi32, #tpu.memory_space<vmem>>) semaphore(%arg15 : memref<!tpu.dma_semaphore, #tpu.memory_space<semaphore_mem>>)
    %scan3A_80 = arith.constant 0 : i32
    %scan3A_81 = arith.constant 0 : i32
    %scan3A_82 = arith.constant 24 : i32
    %scan3A_83 = arith.addi %scan3A_81, %scan3A_82 : i32
    %scan3A_84 = arith.constant 1 : i32
    scf.for %scan3A_286 = %scan3A_81 to %scan3A_83 step %scan3A_84  : i32 {
      %mul3A_287 = arith.constant 5 : i32
      %mul3A_288 = arith.muli %scan3A_286, %mul3A_287 : i32
      %dma_wait3A_289 = arith.constant 0 : i32
      %dma_wait3A_290 = arith.constant 0 : i32
      %dma_wait3A_291 = arith.constant 0 : i32
      %dma_wait3A_292 = arith.constant 0 : i32
      %dma_wait3A_293 = tpu.memref_slice %arg8[%dma_wait3A_290, %dma_wait3A_291, %dma_wait3A_292] : memref<5x80x64xf32, #tpu.memory_space<vmem>> -> memref<1x80x64xf32, #tpu.memory_space<vmem>>
      %dma_wait3A_294 = tpu.memref_squeeze %dma_wait3A_293 : memref<1x80x64xf32, #tpu.memory_space<vmem>> -> memref<80x64xf32, #tpu.memory_space<vmem>>
      %dma_wait3A_295 = arith.constant 0 : i32
      %dma_wait3A_296 = tpu.memref_slice %arg6[%dma_wait3A_289, %dma_wait3A_295] : memref<125x80xi32, #tpu.memory_space<vmem>> -> memref<1x80xi32, #tpu.memory_space<vmem>>
      %dma_wait3A_297 = tpu.memref_squeeze %dma_wait3A_296 : memref<1x80xi32, #tpu.memory_space<vmem>> -> memref<80xi32, #tpu.memory_space<vmem>>
      %dma_wait3A_298 = arith.constant 0 : i32
      %dma_wait3A_299 = arith.constant 0 : i32
      %dma_wait3A_300 = tpu.memref_slice %arg2[%dma_wait3A_298, %dma_wait3A_299] : memref<10000x64xf32, #tpu.memory_space<hbm>> -> memref<10000x64xf32, #tpu.memory_space<hbm>>
      tpu.wait_indirect_dma semaphore(%arg11 : memref<!tpu.dma_semaphore, #tpu.memory_space<semaphore_mem>>) src(%dma_wait3A_300 : memref<10000x64xf32, #tpu.memory_space<hbm>>) dst(%dma_wait3A_294 : memref<80x64xf32, #tpu.memory_space<vmem>>)
      %add3A_301 = arith.constant 0 : i32
      %add3A_302 = arith.addi %mul3A_288, %add3A_301 : i32
      %dma_start3A_303 = arith.constant 0 : i32
      %dma_start3A_304 = arith.constant 0 : i32
      %dma_start3A_305 = arith.constant 0 : i32
      %dma_start3A_306 = tpu.memref_slice %arg8[%dma_start3A_303, %dma_start3A_304, %dma_start3A_305] : memref<5x80x64xf32, #tpu.memory_space<vmem>> -> memref<1x80x64xf32, #tpu.memory_space<vmem>>
      %dma_start3A_307 = tpu.memref_squeeze %dma_start3A_306 : memref<1x80x64xf32, #tpu.memory_space<vmem>> -> memref<80x64xf32, #tpu.memory_space<vmem>>
      %dma_start3A_308 = arith.constant 0 : i32
      %dma_start3A_309 = tpu.memref_slice %arg7[%add3A_302, %dma_start3A_308] : memref<125x80xi32, #tpu.memory_space<vmem>> -> memref<1x80xi32, #tpu.memory_space<vmem>>
      %dma_start3A_310 = tpu.memref_squeeze %dma_start3A_309 : memref<1x80xi32, #tpu.memory_space<vmem>> -> memref<80xi32, #tpu.memory_space<vmem>>
      %dma_start3A_311 = arith.constant 0 : i32
      %dma_start3A_312 = arith.constant 0 : i32
      %dma_start3A_313 = tpu.memref_slice %arg10[%dma_start3A_311, %dma_start3A_312] : memref<10080x64xf32, #tpu.memory_space<vmem_shared>> -> memref<10080x64xf32, #tpu.memory_space<vmem_shared>>
      tpu.enqueue_indirect_dma source(%dma_start3A_307 : memref<80x64xf32, #tpu.memory_space<vmem>>) target(%dma_start3A_313 : memref<10080x64xf32, #tpu.memory_space<vmem_shared>>) offsets(%dma_start3A_310 : memref<80xi32, #tpu.memory_space<vmem>>) semaphore(%arg16 : memref<!tpu.dma_semaphore, #tpu.memory_space<semaphore_mem>>) {add = true}
      %dma_wait3A_314 = arith.constant 0 : i32
      %dma_wait3A_315 = arith.constant 1 : i32
      %dma_wait3A_316 = arith.constant 0 : i32
      %dma_wait3A_317 = arith.constant 0 : i32
      %dma_wait3A_318 = tpu.memref_slice %arg8[%dma_wait3A_315, %dma_wait3A_316, %dma_wait3A_317] : memref<5x80x64xf32, #tpu.memory_space<vmem>> -> memref<1x80x64xf32, #tpu.memory_space<vmem>>
      %dma_wait3A_319 = tpu.memref_squeeze %dma_wait3A_318 : memref<1x80x64xf32, #tpu.memory_space<vmem>> -> memref<80x64xf32, #tpu.memory_space<vmem>>
      %dma_wait3A_320 = arith.constant 0 : i32
      %dma_wait3A_321 = tpu.memref_slice %arg6[%dma_wait3A_314, %dma_wait3A_320] : memref<125x80xi32, #tpu.memory_space<vmem>> -> memref<1x80xi32, #tpu.memory_space<vmem>>
      %dma_wait3A_322 = tpu.memref_squeeze %dma_wait3A_321 : memref<1x80xi32, #tpu.memory_space<vmem>> -> memref<80xi32, #tpu.memory_space<vmem>>
      %dma_wait3A_323 = arith.constant 0 : i32
      %dma_wait3A_324 = arith.constant 0 : i32
      %dma_wait3A_325 = tpu.memref_slice %arg2[%dma_wait3A_323, %dma_wait3A_324] : memref<10000x64xf32, #tpu.memory_space<hbm>> -> memref<10000x64xf32, #tpu.memory_space<hbm>>
      tpu.wait_indirect_dma semaphore(%arg12 : memref<!tpu.dma_semaphore, #tpu.memory_space<semaphore_mem>>) src(%dma_wait3A_325 : memref<10000x64xf32, #tpu.memory_space<hbm>>) dst(%dma_wait3A_319 : memref<80x64xf32, #tpu.memory_space<vmem>>)
      %add3A_326 = arith.constant 1 : i32
      %add3A_327 = arith.addi %mul3A_288, %add3A_326 : i32
      %dma_start3A_328 = arith.constant 1 : i32
      %dma_start3A_329 = arith.constant 0 : i32
      %dma_start3A_330 = arith.constant 0 : i32
      %dma_start3A_331 = tpu.memref_slice %arg8[%dma_start3A_328, %dma_start3A_329, %dma_start3A_330] : memref<5x80x64xf32, #tpu.memory_space<vmem>> -> memref<1x80x64xf32, #tpu.memory_space<vmem>>
      %dma_start3A_332 = tpu.memref_squeeze %dma_start3A_331 : memref<1x80x64xf32, #tpu.memory_space<vmem>> -> memref<80x64xf32, #tpu.memory_space<vmem>>
      %dma_start3A_333 = arith.constant 0 : i32
      %dma_start3A_334 = tpu.memref_slice %arg7[%add3A_327, %dma_start3A_333] : memref<125x80xi32, #tpu.memory_space<vmem>> -> memref<1x80xi32, #tpu.memory_space<vmem>>
      %dma_start3A_335 = tpu.memref_squeeze %dma_start3A_334 : memref<1x80xi32, #tpu.memory_space<vmem>> -> memref<80xi32, #tpu.memory_space<vmem>>
      %dma_start3A_336 = arith.constant 0 : i32
      %dma_start3A_337 = arith.constant 0 : i32
      %dma_start3A_338 = tpu.memref_slice %arg10[%dma_start3A_336, %dma_start3A_337] : memref<10080x64xf32, #tpu.memory_space<vmem_shared>> -> memref<10080x64xf32, #tpu.memory_space<vmem_shared>>
      tpu.enqueue_indirect_dma source(%dma_start3A_332 : memref<80x64xf32, #tpu.memory_space<vmem>>) target(%dma_start3A_338 : memref<10080x64xf32, #tpu.memory_space<vmem_shared>>) offsets(%dma_start3A_335 : memref<80xi32, #tpu.memory_space<vmem>>) semaphore(%arg17 : memref<!tpu.dma_semaphore, #tpu.memory_space<semaphore_mem>>) {add = true}
      %dma_wait3A_339 = arith.constant 0 : i32
      %dma_wait3A_340 = arith.constant 2 : i32
      %dma_wait3A_341 = arith.constant 0 : i32
      %dma_wait3A_342 = arith.constant 0 : i32
      %dma_wait3A_343 = tpu.memref_slice %arg8[%dma_wait3A_340, %dma_wait3A_341, %dma_wait3A_342] : memref<5x80x64xf32, #tpu.memory_space<vmem>> -> memref<1x80x64xf32, #tpu.memory_space<vmem>>
      %dma_wait3A_344 = tpu.memref_squeeze %dma_wait3A_343 : memref<1x80x64xf32, #tpu.memory_space<vmem>> -> memref<80x64xf32, #tpu.memory_space<vmem>>
      %dma_wait3A_345 = arith.constant 0 : i32
      %dma_wait3A_346 = tpu.memref_slice %arg6[%dma_wait3A_339, %dma_wait3A_345] : memref<125x80xi32, #tpu.memory_space<vmem>> -> memref<1x80xi32, #tpu.memory_space<vmem>>
      %dma_wait3A_347 = tpu.memref_squeeze %dma_wait3A_346 : memref<1x80xi32, #tpu.memory_space<vmem>> -> memref<80xi32, #tpu.memory_space<vmem>>
      %dma_wait3A_348 = arith.constant 0 : i32
      %dma_wait3A_349 = arith.constant 0 : i32
      %dma_wait3A_350 = tpu.memref_slice %arg2[%dma_wait3A_348, %dma_wait3A_349] : memref<10000x64xf32, #tpu.memory_space<hbm>> -> memref<10000x64xf32, #tpu.memory_space<hbm>>
      tpu.wait_indirect_dma semaphore(%arg13 : memref<!tpu.dma_semaphore, #tpu.memory_space<semaphore_mem>>) src(%dma_wait3A_350 : memref<10000x64xf32, #tpu.memory_space<hbm>>) dst(%dma_wait3A_344 : memref<80x64xf32, #tpu.memory_space<vmem>>)
      %add3A_351 = arith.constant 2 : i32
      %add3A_352 = arith.addi %mul3A_288, %add3A_351 : i32
      %dma_start3A_353 = arith.constant 2 : i32
      %dma_start3A_354 = arith.constant 0 : i32
      %dma_start3A_355 = arith.constant 0 : i32
      %dma_start3A_356 = tpu.memref_slice %arg8[%dma_start3A_353, %dma_start3A_354, %dma_start3A_355] : memref<5x80x64xf32, #tpu.memory_space<vmem>> -> memref<1x80x64xf32, #tpu.memory_space<vmem>>
      %dma_start3A_357 = tpu.memref_squeeze %dma_start3A_356 : memref<1x80x64xf32, #tpu.memory_space<vmem>> -> memref<80x64xf32, #tpu.memory_space<vmem>>
      %dma_start3A_358 = arith.constant 0 : i32
      %dma_start3A_359 = tpu.memref_slice %arg7[%add3A_352, %dma_start3A_358] : memref<125x80xi32, #tpu.memory_space<vmem>> -> memref<1x80xi32, #tpu.memory_space<vmem>>
      %dma_start3A_360 = tpu.memref_squeeze %dma_start3A_359 : memref<1x80xi32, #tpu.memory_space<vmem>> -> memref<80xi32, #tpu.memory_space<vmem>>
      %dma_start3A_361 = arith.constant 0 : i32
      %dma_start3A_362 = arith.constant 0 : i32
      %dma_start3A_363 = tpu.memref_slice %arg10[%dma_start3A_361, %dma_start3A_362] : memref<10080x64xf32, #tpu.memory_space<vmem_shared>> -> memref<10080x64xf32, #tpu.memory_space<vmem_shared>>
      tpu.enqueue_indirect_dma source(%dma_start3A_357 : memref<80x64xf32, #tpu.memory_space<vmem>>) target(%dma_start3A_363 : memref<10080x64xf32, #tpu.memory_space<vmem_shared>>) offsets(%dma_start3A_360 : memref<80xi32, #tpu.memory_space<vmem>>) semaphore(%arg18 : memref<!tpu.dma_semaphore, #tpu.memory_space<semaphore_mem>>) {add = true}
      %dma_wait3A_364 = arith.constant 0 : i32
      %dma_wait3A_365 = arith.constant 3 : i32
      %dma_wait3A_366 = arith.constant 0 : i32
      %dma_wait3A_367 = arith.constant 0 : i32
      %dma_wait3A_368 = tpu.memref_slice %arg8[%dma_wait3A_365, %dma_wait3A_366, %dma_wait3A_367] : memref<5x80x64xf32, #tpu.memory_space<vmem>> -> memref<1x80x64xf32, #tpu.memory_space<vmem>>
      %dma_wait3A_369 = tpu.memref_squeeze %dma_wait3A_368 : memref<1x80x64xf32, #tpu.memory_space<vmem>> -> memref<80x64xf32, #tpu.memory_space<vmem>>
      %dma_wait3A_370 = arith.constant 0 : i32
      %dma_wait3A_371 = tpu.memref_slice %arg6[%dma_wait3A_364, %dma_wait3A_370] : memref<125x80xi32, #tpu.memory_space<vmem>> -> memref<1x80xi32, #tpu.memory_space<vmem>>
      %dma_wait3A_372 = tpu.memref_squeeze %dma_wait3A_371 : memref<1x80xi32, #tpu.memory_space<vmem>> -> memref<80xi32, #tpu.memory_space<vmem>>
      %dma_wait3A_373 = arith.constant 0 : i32
      %dma_wait3A_374 = arith.constant 0 : i32
      %dma_wait3A_375 = tpu.memref_slice %arg2[%dma_wait3A_373, %dma_wait3A_374] : memref<10000x64xf32, #tpu.memory_space<hbm>> -> memref<10000x64xf32, #tpu.memory_space<hbm>>
      tpu.wait_indirect_dma semaphore(%arg14 : memref<!tpu.dma_semaphore, #tpu.memory_space<semaphore_mem>>) src(%dma_wait3A_375 : memref<10000x64xf32, #tpu.memory_space<hbm>>) dst(%dma_wait3A_369 : memref<80x64xf32, #tpu.memory_space<vmem>>)
      %add3A_376 = arith.constant 3 : i32
      %add3A_377 = arith.addi %mul3A_288, %add3A_376 : i32
      %dma_start3A_378 = arith.constant 3 : i32
      %dma_start3A_379 = arith.constant 0 : i32
      %dma_start3A_380 = arith.constant 0 : i32
      %dma_start3A_381 = tpu.memref_slice %arg8[%dma_start3A_378, %dma_start3A_379, %dma_start3A_380] : memref<5x80x64xf32, #tpu.memory_space<vmem>> -> memref<1x80x64xf32, #tpu.memory_space<vmem>>
      %dma_start3A_382 = tpu.memref_squeeze %dma_start3A_381 : memref<1x80x64xf32, #tpu.memory_space<vmem>> -> memref<80x64xf32, #tpu.memory_space<vmem>>
      %dma_start3A_383 = arith.constant 0 : i32
      %dma_start3A_384 = tpu.memref_slice %arg7[%add3A_377, %dma_start3A_383] : memref<125x80xi32, #tpu.memory_space<vmem>> -> memref<1x80xi32, #tpu.memory_space<vmem>>
      %dma_start3A_385 = tpu.memref_squeeze %dma_start3A_384 : memref<1x80xi32, #tpu.memory_space<vmem>> -> memref<80xi32, #tpu.memory_space<vmem>>
      %dma_start3A_386 = arith.constant 0 : i32
      %dma_start3A_387 = arith.constant 0 : i32
      %dma_start3A_388 = tpu.memref_slice %arg10[%dma_start3A_386, %dma_start3A_387] : memref<10080x64xf32, #tpu.memory_space<vmem_shared>> -> memref<10080x64xf32, #tpu.memory_space<vmem_shared>>
      tpu.enqueue_indirect_dma source(%dma_start3A_382 : memref<80x64xf32, #tpu.memory_space<vmem>>) target(%dma_start3A_388 : memref<10080x64xf32, #tpu.memory_space<vmem_shared>>) offsets(%dma_start3A_385 : memref<80xi32, #tpu.memory_space<vmem>>) semaphore(%arg19 : memref<!tpu.dma_semaphore, #tpu.memory_space<semaphore_mem>>) {add = true}
      %dma_wait3A_389 = arith.constant 0 : i32
      %dma_wait3A_390 = arith.constant 4 : i32
      %dma_wait3A_391 = arith.constant 0 : i32
      %dma_wait3A_392 = arith.constant 0 : i32
      %dma_wait3A_393 = tpu.memref_slice %arg8[%dma_wait3A_390, %dma_wait3A_391, %dma_wait3A_392] : memref<5x80x64xf32, #tpu.memory_space<vmem>> -> memref<1x80x64xf32, #tpu.memory_space<vmem>>
      %dma_wait3A_394 = tpu.memref_squeeze %dma_wait3A_393 : memref<1x80x64xf32, #tpu.memory_space<vmem>> -> memref<80x64xf32, #tpu.memory_space<vmem>>
      %dma_wait3A_395 = arith.constant 0 : i32
      %dma_wait3A_396 = tpu.memref_slice %arg6[%dma_wait3A_389, %dma_wait3A_395] : memref<125x80xi32, #tpu.memory_space<vmem>> -> memref<1x80xi32, #tpu.memory_space<vmem>>
      %dma_wait3A_397 = tpu.memref_squeeze %dma_wait3A_396 : memref<1x80xi32, #tpu.memory_space<vmem>> -> memref<80xi32, #tpu.memory_space<vmem>>
      %dma_wait3A_398 = arith.constant 0 : i32
      %dma_wait3A_399 = arith.constant 0 : i32
      %dma_wait3A_400 = tpu.memref_slice %arg2[%dma_wait3A_398, %dma_wait3A_399] : memref<10000x64xf32, #tpu.memory_space<hbm>> -> memref<10000x64xf32, #tpu.memory_space<hbm>>
      tpu.wait_indirect_dma semaphore(%arg15 : memref<!tpu.dma_semaphore, #tpu.memory_space<semaphore_mem>>) src(%dma_wait3A_400 : memref<10000x64xf32, #tpu.memory_space<hbm>>) dst(%dma_wait3A_394 : memref<80x64xf32, #tpu.memory_space<vmem>>)
      %add3A_401 = arith.constant 4 : i32
      %add3A_402 = arith.addi %mul3A_288, %add3A_401 : i32
      %dma_start3A_403 = arith.constant 4 : i32
      %dma_start3A_404 = arith.constant 0 : i32
      %dma_start3A_405 = arith.constant 0 : i32
      %dma_start3A_406 = tpu.memref_slice %arg8[%dma_start3A_403, %dma_start3A_404, %dma_start3A_405] : memref<5x80x64xf32, #tpu.memory_space<vmem>> -> memref<1x80x64xf32, #tpu.memory_space<vmem>>
      %dma_start3A_407 = tpu.memref_squeeze %dma_start3A_406 : memref<1x80x64xf32, #tpu.memory_space<vmem>> -> memref<80x64xf32, #tpu.memory_space<vmem>>
      %dma_start3A_408 = arith.constant 0 : i32
      %dma_start3A_409 = tpu.memref_slice %arg7[%add3A_402, %dma_start3A_408] : memref<125x80xi32, #tpu.memory_space<vmem>> -> memref<1x80xi32, #tpu.memory_space<vmem>>
      %dma_start3A_410 = tpu.memref_squeeze %dma_start3A_409 : memref<1x80xi32, #tpu.memory_space<vmem>> -> memref<80xi32, #tpu.memory_space<vmem>>
      %dma_start3A_411 = arith.constant 0 : i32
      %dma_start3A_412 = arith.constant 0 : i32
      %dma_start3A_413 = tpu.memref_slice %arg10[%dma_start3A_411, %dma_start3A_412] : memref<10080x64xf32, #tpu.memory_space<vmem_shared>> -> memref<10080x64xf32, #tpu.memory_space<vmem_shared>>
      tpu.enqueue_indirect_dma source(%dma_start3A_407 : memref<80x64xf32, #tpu.memory_space<vmem>>) target(%dma_start3A_413 : memref<10080x64xf32, #tpu.memory_space<vmem_shared>>) offsets(%dma_start3A_410 : memref<80xi32, #tpu.memory_space<vmem>>) semaphore(%arg20 : memref<!tpu.dma_semaphore, #tpu.memory_space<semaphore_mem>>) {add = true}
      %add3A_414 = arith.constant 5 : i32
      %add3A_415 = arith.addi %mul3A_288, %add3A_414 : i32
      %dma_wait3A_416 = arith.constant 0 : i32
      %dma_wait3A_417 = arith.constant 0 : i32
      %dma_wait3A_418 = arith.constant 0 : i32
      %dma_wait3A_419 = arith.constant 0 : i32
      %dma_wait3A_420 = tpu.memref_slice %arg8[%dma_wait3A_416, %dma_wait3A_418, %dma_wait3A_419] : memref<5x80x64xf32, #tpu.memory_space<vmem>> -> memref<1x80x64xf32, #tpu.memory_space<vmem>>
      %dma_wait3A_421 = tpu.memref_squeeze %dma_wait3A_420 : memref<1x80x64xf32, #tpu.memory_space<vmem>> -> memref<80x64xf32, #tpu.memory_space<vmem>>
      %dma_wait3A_422 = arith.constant 0 : i32
      %dma_wait3A_423 = tpu.memref_slice %arg7[%dma_wait3A_417, %dma_wait3A_422] : memref<125x80xi32, #tpu.memory_space<vmem>> -> memref<1x80xi32, #tpu.memory_space<vmem>>
      %dma_wait3A_424 = tpu.memref_squeeze %dma_wait3A_423 : memref<1x80xi32, #tpu.memory_space<vmem>> -> memref<80xi32, #tpu.memory_space<vmem>>
      %dma_wait3A_425 = arith.constant 0 : i32
      %dma_wait3A_426 = arith.constant 0 : i32
      %dma_wait3A_427 = tpu.memref_slice %arg10[%dma_wait3A_425, %dma_wait3A_426] : memref<10080x64xf32, #tpu.memory_space<vmem_shared>> -> memref<10080x64xf32, #tpu.memory_space<vmem_shared>>
      tpu.wait_indirect_dma semaphore(%arg16 : memref<!tpu.dma_semaphore, #tpu.memory_space<semaphore_mem>>) src(%dma_wait3A_421 : memref<80x64xf32, #tpu.memory_space<vmem>>) dst(%dma_wait3A_427 : memref<10080x64xf32, #tpu.memory_space<vmem_shared>>)
      %add3A_428 = arith.constant 0 : i32
      %add3A_429 = arith.addi %add3A_415, %add3A_428 : i32
      %dma_start3A_430 = arith.constant 0 : i32
      %dma_start3A_431 = arith.constant 0 : i32
      %dma_start3A_432 = arith.constant 0 : i32
      %dma_start3A_433 = tpu.memref_slice %arg8[%dma_start3A_430, %dma_start3A_431, %dma_start3A_432] : memref<5x80x64xf32, #tpu.memory_space<vmem>> -> memref<1x80x64xf32, #tpu.memory_space<vmem>>
      %dma_start3A_434 = tpu.memref_squeeze %dma_start3A_433 : memref<1x80x64xf32, #tpu.memory_space<vmem>> -> memref<80x64xf32, #tpu.memory_space<vmem>>
      %dma_start3A_435 = arith.constant 0 : i32
      %dma_start3A_436 = tpu.memref_slice %arg6[%add3A_429, %dma_start3A_435] : memref<125x80xi32, #tpu.memory_space<vmem>> -> memref<1x80xi32, #tpu.memory_space<vmem>>
      %dma_start3A_437 = tpu.memref_squeeze %dma_start3A_436 : memref<1x80xi32, #tpu.memory_space<vmem>> -> memref<80xi32, #tpu.memory_space<vmem>>
      %dma_start3A_438 = arith.constant 0 : i32
      %dma_start3A_439 = arith.constant 0 : i32
      %dma_start3A_440 = tpu.memref_slice %arg2[%dma_start3A_438, %dma_start3A_439] : memref<10000x64xf32, #tpu.memory_space<hbm>> -> memref<10000x64xf32, #tpu.memory_space<hbm>>
      tpu.enqueue_indirect_dma source(%dma_start3A_440 : memref<10000x64xf32, #tpu.memory_space<hbm>>) target(%dma_start3A_434 : memref<80x64xf32, #tpu.memory_space<vmem>>) offsets(%dma_start3A_437 : memref<80xi32, #tpu.memory_space<vmem>>) semaphore(%arg11 : memref<!tpu.dma_semaphore, #tpu.memory_space<semaphore_mem>>)
      %dma_wait3A_441 = arith.constant 1 : i32
      %dma_wait3A_442 = arith.constant 0 : i32
      %dma_wait3A_443 = arith.constant 0 : i32
      %dma_wait3A_444 = arith.constant 0 : i32
      %dma_wait3A_445 = tpu.memref_slice %arg8[%dma_wait3A_441, %dma_wait3A_443, %dma_wait3A_444] : memref<5x80x64xf32, #tpu.memory_space<vmem>> -> memref<1x80x64xf32, #tpu.memory_space<vmem>>
      %dma_wait3A_446 = tpu.memref_squeeze %dma_wait3A_445 : memref<1x80x64xf32, #tpu.memory_space<vmem>> -> memref<80x64xf32, #tpu.memory_space<vmem>>
      %dma_wait3A_447 = arith.constant 0 : i32
      %dma_wait3A_448 = tpu.memref_slice %arg7[%dma_wait3A_442, %dma_wait3A_447] : memref<125x80xi32, #tpu.memory_space<vmem>> -> memref<1x80xi32, #tpu.memory_space<vmem>>
      %dma_wait3A_449 = tpu.memref_squeeze %dma_wait3A_448 : memref<1x80xi32, #tpu.memory_space<vmem>> -> memref<80xi32, #tpu.memory_space<vmem>>
      %dma_wait3A_450 = arith.constant 0 : i32
      %dma_wait3A_451 = arith.constant 0 : i32
      %dma_wait3A_452 = tpu.memref_slice %arg10[%dma_wait3A_450, %dma_wait3A_451] : memref<10080x64xf32, #tpu.memory_space<vmem_shared>> -> memref<10080x64xf32, #tpu.memory_space<vmem_shared>>
      tpu.wait_indirect_dma semaphore(%arg17 : memref<!tpu.dma_semaphore, #tpu.memory_space<semaphore_mem>>) src(%dma_wait3A_446 : memref<80x64xf32, #tpu.memory_space<vmem>>) dst(%dma_wait3A_452 : memref<10080x64xf32, #tpu.memory_space<vmem_shared>>)
      %add3A_453 = arith.constant 1 : i32
      %add3A_454 = arith.addi %add3A_415, %add3A_453 : i32
      %dma_start3A_455 = arith.constant 1 : i32
      %dma_start3A_456 = arith.constant 0 : i32
      %dma_start3A_457 = arith.constant 0 : i32
      %dma_start3A_458 = tpu.memref_slice %arg8[%dma_start3A_455, %dma_start3A_456, %dma_start3A_457] : memref<5x80x64xf32, #tpu.memory_space<vmem>> -> memref<1x80x64xf32, #tpu.memory_space<vmem>>
      %dma_start3A_459 = tpu.memref_squeeze %dma_start3A_458 : memref<1x80x64xf32, #tpu.memory_space<vmem>> -> memref<80x64xf32, #tpu.memory_space<vmem>>
      %dma_start3A_460 = arith.constant 0 : i32
      %dma_start3A_461 = tpu.memref_slice %arg6[%add3A_454, %dma_start3A_460] : memref<125x80xi32, #tpu.memory_space<vmem>> -> memref<1x80xi32, #tpu.memory_space<vmem>>
      %dma_start3A_462 = tpu.memref_squeeze %dma_start3A_461 : memref<1x80xi32, #tpu.memory_space<vmem>> -> memref<80xi32, #tpu.memory_space<vmem>>
      %dma_start3A_463 = arith.constant 0 : i32
      %dma_start3A_464 = arith.constant 0 : i32
      %dma_start3A_465 = tpu.memref_slice %arg2[%dma_start3A_463, %dma_start3A_464] : memref<10000x64xf32, #tpu.memory_space<hbm>> -> memref<10000x64xf32, #tpu.memory_space<hbm>>
      tpu.enqueue_indirect_dma source(%dma_start3A_465 : memref<10000x64xf32, #tpu.memory_space<hbm>>) target(%dma_start3A_459 : memref<80x64xf32, #tpu.memory_space<vmem>>) offsets(%dma_start3A_462 : memref<80xi32, #tpu.memory_space<vmem>>) semaphore(%arg12 : memref<!tpu.dma_semaphore, #tpu.memory_space<semaphore_mem>>)
      %dma_wait3A_466 = arith.constant 2 : i32
      %dma_wait3A_467 = arith.constant 0 : i32
      %dma_wait3A_468 = arith.constant 0 : i32
      %dma_wait3A_469 = arith.constant 0 : i32
      %dma_wait3A_470 = tpu.memref_slice %arg8[%dma_wait3A_466, %dma_wait3A_468, %dma_wait3A_469] : memref<5x80x64xf32, #tpu.memory_space<vmem>> -> memref<1x80x64xf32, #tpu.memory_space<vmem>>
      %dma_wait3A_471 = tpu.memref_squeeze %dma_wait3A_470 : memref<1x80x64xf32, #tpu.memory_space<vmem>> -> memref<80x64xf32, #tpu.memory_space<vmem>>
      %dma_wait3A_472 = arith.constant 0 : i32
      %dma_wait3A_473 = tpu.memref_slice %arg7[%dma_wait3A_467, %dma_wait3A_472] : memref<125x80xi32, #tpu.memory_space<vmem>> -> memref<1x80xi32, #tpu.memory_space<vmem>>
      %dma_wait3A_474 = tpu.memref_squeeze %dma_wait3A_473 : memref<1x80xi32, #tpu.memory_space<vmem>> -> memref<80xi32, #tpu.memory_space<vmem>>
      %dma_wait3A_475 = arith.constant 0 : i32
      %dma_wait3A_476 = arith.constant 0 : i32
      %dma_wait3A_477 = tpu.memref_slice %arg10[%dma_wait3A_475, %dma_wait3A_476] : memref<10080x64xf32, #tpu.memory_space<vmem_shared>> -> memref<10080x64xf32, #tpu.memory_space<vmem_shared>>
      tpu.wait_indirect_dma semaphore(%arg18 : memref<!tpu.dma_semaphore, #tpu.memory_space<semaphore_mem>>) src(%dma_wait3A_471 : memref<80x64xf32, #tpu.memory_space<vmem>>) dst(%dma_wait3A_477 : memref<10080x64xf32, #tpu.memory_space<vmem_shared>>)
      %add3A_478 = arith.constant 2 : i32
      %add3A_479 = arith.addi %add3A_415, %add3A_478 : i32
      %dma_start3A_480 = arith.constant 2 : i32
      %dma_start3A_481 = arith.constant 0 : i32
      %dma_start3A_482 = arith.constant 0 : i32
      %dma_start3A_483 = tpu.memref_slice %arg8[%dma_start3A_480, %dma_start3A_481, %dma_start3A_482] : memref<5x80x64xf32, #tpu.memory_space<vmem>> -> memref<1x80x64xf32, #tpu.memory_space<vmem>>
      %dma_start3A_484 = tpu.memref_squeeze %dma_start3A_483 : memref<1x80x64xf32, #tpu.memory_space<vmem>> -> memref<80x64xf32, #tpu.memory_space<vmem>>
      %dma_start3A_485 = arith.constant 0 : i32
      %dma_start3A_486 = tpu.memref_slice %arg6[%add3A_479, %dma_start3A_485] : memref<125x80xi32, #tpu.memory_space<vmem>> -> memref<1x80xi32, #tpu.memory_space<vmem>>
      %dma_start3A_487 = tpu.memref_squeeze %dma_start3A_486 : memref<1x80xi32, #tpu.memory_space<vmem>> -> memref<80xi32, #tpu.memory_space<vmem>>
      %dma_start3A_488 = arith.constant 0 : i32
      %dma_start3A_489 = arith.constant 0 : i32
      %dma_start3A_490 = tpu.memref_slice %arg2[%dma_start3A_488, %dma_start3A_489] : memref<10000x64xf32, #tpu.memory_space<hbm>> -> memref<10000x64xf32, #tpu.memory_space<hbm>>
      tpu.enqueue_indirect_dma source(%dma_start3A_490 : memref<10000x64xf32, #tpu.memory_space<hbm>>) target(%dma_start3A_484 : memref<80x64xf32, #tpu.memory_space<vmem>>) offsets(%dma_start3A_487 : memref<80xi32, #tpu.memory_space<vmem>>) semaphore(%arg13 : memref<!tpu.dma_semaphore, #tpu.memory_space<semaphore_mem>>)
      %dma_wait3A_491 = arith.constant 3 : i32
      %dma_wait3A_492 = arith.constant 0 : i32
      %dma_wait3A_493 = arith.constant 0 : i32
      %dma_wait3A_494 = arith.constant 0 : i32
      %dma_wait3A_495 = tpu.memref_slice %arg8[%dma_wait3A_491, %dma_wait3A_493, %dma_wait3A_494] : memref<5x80x64xf32, #tpu.memory_space<vmem>> -> memref<1x80x64xf32, #tpu.memory_space<vmem>>
      %dma_wait3A_496 = tpu.memref_squeeze %dma_wait3A_495 : memref<1x80x64xf32, #tpu.memory_space<vmem>> -> memref<80x64xf32, #tpu.memory_space<vmem>>
      %dma_wait3A_497 = arith.constant 0 : i32
      %dma_wait3A_498 = tpu.memref_slice %arg7[%dma_wait3A_492, %dma_wait3A_497] : memref<125x80xi32, #tpu.memory_space<vmem>> -> memref<1x80xi32, #tpu.memory_space<vmem>>
      %dma_wait3A_499 = tpu.memref_squeeze %dma_wait3A_498 : memref<1x80xi32, #tpu.memory_space<vmem>> -> memref<80xi32, #tpu.memory_space<vmem>>
      %dma_wait3A_500 = arith.constant 0 : i32
      %dma_wait3A_501 = arith.constant 0 : i32
      %dma_wait3A_502 = tpu.memref_slice %arg10[%dma_wait3A_500, %dma_wait3A_501] : memref<10080x64xf32, #tpu.memory_space<vmem_shared>> -> memref<10080x64xf32, #tpu.memory_space<vmem_shared>>
      tpu.wait_indirect_dma semaphore(%arg19 : memref<!tpu.dma_semaphore, #tpu.memory_space<semaphore_mem>>) src(%dma_wait3A_496 : memref<80x64xf32, #tpu.memory_space<vmem>>) dst(%dma_wait3A_502 : memref<10080x64xf32, #tpu.memory_space<vmem_shared>>)
      %add3A_503 = arith.constant 3 : i32
      %add3A_504 = arith.addi %add3A_415, %add3A_503 : i32
      %dma_start3A_505 = arith.constant 3 : i32
      %dma_start3A_506 = arith.constant 0 : i32
      %dma_start3A_507 = arith.constant 0 : i32
      %dma_start3A_508 = tpu.memref_slice %arg8[%dma_start3A_505, %dma_start3A_506, %dma_start3A_507] : memref<5x80x64xf32, #tpu.memory_space<vmem>> -> memref<1x80x64xf32, #tpu.memory_space<vmem>>
      %dma_start3A_509 = tpu.memref_squeeze %dma_start3A_508 : memref<1x80x64xf32, #tpu.memory_space<vmem>> -> memref<80x64xf32, #tpu.memory_space<vmem>>
      %dma_start3A_510 = arith.constant 0 : i32
      %dma_start3A_511 = tpu.memref_slice %arg6[%add3A_504, %dma_start3A_510] : memref<125x80xi32, #tpu.memory_space<vmem>> -> memref<1x80xi32, #tpu.memory_space<vmem>>
      %dma_start3A_512 = tpu.memref_squeeze %dma_start3A_511 : memref<1x80xi32, #tpu.memory_space<vmem>> -> memref<80xi32, #tpu.memory_space<vmem>>
      %dma_start3A_513 = arith.constant 0 : i32
      %dma_start3A_514 = arith.constant 0 : i32
      %dma_start3A_515 = tpu.memref_slice %arg2[%dma_start3A_513, %dma_start3A_514] : memref<10000x64xf32, #tpu.memory_space<hbm>> -> memref<10000x64xf32, #tpu.memory_space<hbm>>
      tpu.enqueue_indirect_dma source(%dma_start3A_515 : memref<10000x64xf32, #tpu.memory_space<hbm>>) target(%dma_start3A_509 : memref<80x64xf32, #tpu.memory_space<vmem>>) offsets(%dma_start3A_512 : memref<80xi32, #tpu.memory_space<vmem>>) semaphore(%arg14 : memref<!tpu.dma_semaphore, #tpu.memory_space<semaphore_mem>>)
      %dma_wait3A_516 = arith.constant 4 : i32
      %dma_wait3A_517 = arith.constant 0 : i32
      %dma_wait3A_518 = arith.constant 0 : i32
      %dma_wait3A_519 = arith.constant 0 : i32
      %dma_wait3A_520 = tpu.memref_slice %arg8[%dma_wait3A_516, %dma_wait3A_518, %dma_wait3A_519] : memref<5x80x64xf32, #tpu.memory_space<vmem>> -> memref<1x80x64xf32, #tpu.memory_space<vmem>>
      %dma_wait3A_521 = tpu.memref_squeeze %dma_wait3A_520 : memref<1x80x64xf32, #tpu.memory_space<vmem>> -> memref<80x64xf32, #tpu.memory_space<vmem>>
      %dma_wait3A_522 = arith.constant 0 : i32
      %dma_wait3A_523 = tpu.memref_slice %arg7[%dma_wait3A_517, %dma_wait3A_522] : memref<125x80xi32, #tpu.memory_space<vmem>> -> memref<1x80xi32, #tpu.memory_space<vmem>>
      %dma_wait3A_524 = tpu.memref_squeeze %dma_wait3A_523 : memref<1x80xi32, #tpu.memory_space<vmem>> -> memref<80xi32, #tpu.memory_space<vmem>>
      %dma_wait3A_525 = arith.constant 0 : i32
      %dma_wait3A_526 = arith.constant 0 : i32
      %dma_wait3A_527 = tpu.memref_slice %arg10[%dma_wait3A_525, %dma_wait3A_526] : memref<10080x64xf32, #tpu.memory_space<vmem_shared>> -> memref<10080x64xf32, #tpu.memory_space<vmem_shared>>
      tpu.wait_indirect_dma semaphore(%arg20 : memref<!tpu.dma_semaphore, #tpu.memory_space<semaphore_mem>>) src(%dma_wait3A_521 : memref<80x64xf32, #tpu.memory_space<vmem>>) dst(%dma_wait3A_527 : memref<10080x64xf32, #tpu.memory_space<vmem_shared>>)
      %add3A_528 = arith.constant 4 : i32
      %add3A_529 = arith.addi %add3A_415, %add3A_528 : i32
      %dma_start3A_530 = arith.constant 4 : i32
      %dma_start3A_531 = arith.constant 0 : i32
      %dma_start3A_532 = arith.constant 0 : i32
      %dma_start3A_533 = tpu.memref_slice %arg8[%dma_start3A_530, %dma_start3A_531, %dma_start3A_532] : memref<5x80x64xf32, #tpu.memory_space<vmem>> -> memref<1x80x64xf32, #tpu.memory_space<vmem>>
      %dma_start3A_534 = tpu.memref_squeeze %dma_start3A_533 : memref<1x80x64xf32, #tpu.memory_space<vmem>> -> memref<80x64xf32, #tpu.memory_space<vmem>>
      %dma_start3A_535 = arith.constant 0 : i32
      %dma_start3A_536 = tpu.memref_slice %arg6[%add3A_529, %dma_start3A_535] : memref<125x80xi32, #tpu.memory_space<vmem>> -> memref<1x80xi32, #tpu.memory_space<vmem>>
      %dma_start3A_537 = tpu.memref_squeeze %dma_start3A_536 : memref<1x80xi32, #tpu.memory_space<vmem>> -> memref<80xi32, #tpu.memory_space<vmem>>
      %dma_start3A_538 = arith.constant 0 : i32
      %dma_start3A_539 = arith.constant 0 : i32
      %dma_start3A_540 = tpu.memref_slice %arg2[%dma_start3A_538, %dma_start3A_539] : memref<10000x64xf32, #tpu.memory_space<hbm>> -> memref<10000x64xf32, #tpu.memory_space<hbm>>
      tpu.enqueue_indirect_dma source(%dma_start3A_540 : memref<10000x64xf32, #tpu.memory_space<hbm>>) target(%dma_start3A_534 : memref<80x64xf32, #tpu.memory_space<vmem>>) offsets(%dma_start3A_537 : memref<80xi32, #tpu.memory_space<vmem>>) semaphore(%arg15 : memref<!tpu.dma_semaphore, #tpu.memory_space<semaphore_mem>>)
    }
    %scan3A_85 = arith.constant 24 : i32
    %dma_wait3A = arith.constant 0 : i32
    %dma_wait3A_86 = arith.constant 0 : i32
    %dma_wait3A_87 = arith.constant 0 : i32
    %dma_wait3A_88 = arith.constant 0 : i32
    %dma_wait3A_89 = tpu.memref_slice %arg8[%dma_wait3A_86, %dma_wait3A_87, %dma_wait3A_88] : memref<5x80x64xf32, #tpu.memory_space<vmem>> -> memref<1x80x64xf32, #tpu.memory_space<vmem>>
    %dma_wait3A_90 = tpu.memref_squeeze %dma_wait3A_89 : memref<1x80x64xf32, #tpu.memory_space<vmem>> -> memref<80x64xf32, #tpu.memory_space<vmem>>
    %dma_wait3A_91 = arith.constant 0 : i32
    %dma_wait3A_92 = tpu.memref_slice %arg6[%dma_wait3A, %dma_wait3A_91] : memref<125x80xi32, #tpu.memory_space<vmem>> -> memref<1x80xi32, #tpu.memory_space<vmem>>
    %dma_wait3A_93 = tpu.memref_squeeze %dma_wait3A_92 : memref<1x80xi32, #tpu.memory_space<vmem>> -> memref<80xi32, #tpu.memory_space<vmem>>
    %dma_wait3A_94 = arith.constant 0 : i32
    %dma_wait3A_95 = arith.constant 0 : i32
    %dma_wait3A_96 = tpu.memref_slice %arg2[%dma_wait3A_94, %dma_wait3A_95] : memref<10000x64xf32, #tpu.memory_space<hbm>> -> memref<10000x64xf32, #tpu.memory_space<hbm>>
    tpu.wait_indirect_dma semaphore(%arg11 : memref<!tpu.dma_semaphore, #tpu.memory_space<semaphore_mem>>) src(%dma_wait3A_96 : memref<10000x64xf32, #tpu.memory_space<hbm>>) dst(%dma_wait3A_90 : memref<80x64xf32, #tpu.memory_space<vmem>>)
    %dma_start3A_97 = arith.constant 0 : i32
    %dma_start3A_98 = arith.constant 120 : i32
    %dma_start3A_99 = arith.constant 0 : i32
    %dma_start3A_100 = arith.constant 0 : i32
    %dma_start3A_101 = tpu.memref_slice %arg8[%dma_start3A_97, %dma_start3A_99, %dma_start3A_100] : memref<5x80x64xf32, #tpu.memory_space<vmem>> -> memref<1x80x64xf32, #tpu.memory_space<vmem>>
    %dma_start3A_102 = tpu.memref_squeeze %dma_start3A_101 : memref<1x80x64xf32, #tpu.memory_space<vmem>> -> memref<80x64xf32, #tpu.memory_space<vmem>>
    %dma_start3A_103 = arith.constant 0 : i32
    %dma_start3A_104 = tpu.memref_slice %arg7[%dma_start3A_98, %dma_start3A_103] : memref<125x80xi32, #tpu.memory_space<vmem>> -> memref<1x80xi32, #tpu.memory_space<vmem>>
    %dma_start3A_105 = tpu.memref_squeeze %dma_start3A_104 : memref<1x80xi32, #tpu.memory_space<vmem>> -> memref<80xi32, #tpu.memory_space<vmem>>
    %dma_start3A_106 = arith.constant 0 : i32
    %dma_start3A_107 = arith.constant 0 : i32
    %dma_start3A_108 = tpu.memref_slice %arg10[%dma_start3A_106, %dma_start3A_107] : memref<10080x64xf32, #tpu.memory_space<vmem_shared>> -> memref<10080x64xf32, #tpu.memory_space<vmem_shared>>
    tpu.enqueue_indirect_dma source(%dma_start3A_102 : memref<80x64xf32, #tpu.memory_space<vmem>>) target(%dma_start3A_108 : memref<10080x64xf32, #tpu.memory_space<vmem_shared>>) offsets(%dma_start3A_105 : memref<80xi32, #tpu.memory_space<vmem>>) semaphore(%arg16 : memref<!tpu.dma_semaphore, #tpu.memory_space<semaphore_mem>>) {add = true}
    %dma_wait3A_109 = arith.constant 0 : i32
    %dma_wait3A_110 = arith.constant 1 : i32
    %dma_wait3A_111 = arith.constant 0 : i32
    %dma_wait3A_112 = arith.constant 0 : i32
    %dma_wait3A_113 = tpu.memref_slice %arg8[%dma_wait3A_110, %dma_wait3A_111, %dma_wait3A_112] : memref<5x80x64xf32, #tpu.memory_space<vmem>> -> memref<1x80x64xf32, #tpu.memory_space<vmem>>
    %dma_wait3A_114 = tpu.memref_squeeze %dma_wait3A_113 : memref<1x80x64xf32, #tpu.memory_space<vmem>> -> memref<80x64xf32, #tpu.memory_space<vmem>>
    %dma_wait3A_115 = arith.constant 0 : i32
    %dma_wait3A_116 = tpu.memref_slice %arg6[%dma_wait3A_109, %dma_wait3A_115] : memref<125x80xi32, #tpu.memory_space<vmem>> -> memref<1x80xi32, #tpu.memory_space<vmem>>
    %dma_wait3A_117 = tpu.memref_squeeze %dma_wait3A_116 : memref<1x80xi32, #tpu.memory_space<vmem>> -> memref<80xi32, #tpu.memory_space<vmem>>
    %dma_wait3A_118 = arith.constant 0 : i32
    %dma_wait3A_119 = arith.constant 0 : i32
    %dma_wait3A_120 = tpu.memref_slice %arg2[%dma_wait3A_118, %dma_wait3A_119] : memref<10000x64xf32, #tpu.memory_space<hbm>> -> memref<10000x64xf32, #tpu.memory_space<hbm>>
    tpu.wait_indirect_dma semaphore(%arg12 : memref<!tpu.dma_semaphore, #tpu.memory_space<semaphore_mem>>) src(%dma_wait3A_120 : memref<10000x64xf32, #tpu.memory_space<hbm>>) dst(%dma_wait3A_114 : memref<80x64xf32, #tpu.memory_space<vmem>>)
    %dma_start3A_121 = arith.constant 1 : i32
    %dma_start3A_122 = arith.constant 121 : i32
    %dma_start3A_123 = arith.constant 0 : i32
    %dma_start3A_124 = arith.constant 0 : i32
    %dma_start3A_125 = tpu.memref_slice %arg8[%dma_start3A_121, %dma_start3A_123, %dma_start3A_124] : memref<5x80x64xf32, #tpu.memory_space<vmem>> -> memref<1x80x64xf32, #tpu.memory_space<vmem>>
    %dma_start3A_126 = tpu.memref_squeeze %dma_start3A_125 : memref<1x80x64xf32, #tpu.memory_space<vmem>> -> memref<80x64xf32, #tpu.memory_space<vmem>>
    %dma_start3A_127 = arith.constant 0 : i32
    %dma_start3A_128 = tpu.memref_slice %arg7[%dma_start3A_122, %dma_start3A_127] : memref<125x80xi32, #tpu.memory_space<vmem>> -> memref<1x80xi32, #tpu.memory_space<vmem>>
    %dma_start3A_129 = tpu.memref_squeeze %dma_start3A_128 : memref<1x80xi32, #tpu.memory_space<vmem>> -> memref<80xi32, #tpu.memory_space<vmem>>
    %dma_start3A_130 = arith.constant 0 : i32
    %dma_start3A_131 = arith.constant 0 : i32
    %dma_start3A_132 = tpu.memref_slice %arg10[%dma_start3A_130, %dma_start3A_131] : memref<10080x64xf32, #tpu.memory_space<vmem_shared>> -> memref<10080x64xf32, #tpu.memory_space<vmem_shared>>
    tpu.enqueue_indirect_dma source(%dma_start3A_126 : memref<80x64xf32, #tpu.memory_space<vmem>>) target(%dma_start3A_132 : memref<10080x64xf32, #tpu.memory_space<vmem_shared>>) offsets(%dma_start3A_129 : memref<80xi32, #tpu.memory_space<vmem>>) semaphore(%arg17 : memref<!tpu.dma_semaphore, #tpu.memory_space<semaphore_mem>>) {add = true}
    %dma_wait3A_133 = arith.constant 0 : i32
    %dma_wait3A_134 = arith.constant 2 : i32
    %dma_wait3A_135 = arith.constant 0 : i32
    %dma_wait3A_136 = arith.constant 0 : i32
    %dma_wait3A_137 = tpu.memref_slice %arg8[%dma_wait3A_134, %dma_wait3A_135, %dma_wait3A_136] : memref<5x80x64xf32, #tpu.memory_space<vmem>> -> memref<1x80x64xf32, #tpu.memory_space<vmem>>
    %dma_wait3A_138 = tpu.memref_squeeze %dma_wait3A_137 : memref<1x80x64xf32, #tpu.memory_space<vmem>> -> memref<80x64xf32, #tpu.memory_space<vmem>>
    %dma_wait3A_139 = arith.constant 0 : i32
    %dma_wait3A_140 = tpu.memref_slice %arg6[%dma_wait3A_133, %dma_wait3A_139] : memref<125x80xi32, #tpu.memory_space<vmem>> -> memref<1x80xi32, #tpu.memory_space<vmem>>
    %dma_wait3A_141 = tpu.memref_squeeze %dma_wait3A_140 : memref<1x80xi32, #tpu.memory_space<vmem>> -> memref<80xi32, #tpu.memory_space<vmem>>
    %dma_wait3A_142 = arith.constant 0 : i32
    %dma_wait3A_143 = arith.constant 0 : i32
    %dma_wait3A_144 = tpu.memref_slice %arg2[%dma_wait3A_142, %dma_wait3A_143] : memref<10000x64xf32, #tpu.memory_space<hbm>> -> memref<10000x64xf32, #tpu.memory_space<hbm>>
    tpu.wait_indirect_dma semaphore(%arg13 : memref<!tpu.dma_semaphore, #tpu.memory_space<semaphore_mem>>) src(%dma_wait3A_144 : memref<10000x64xf32, #tpu.memory_space<hbm>>) dst(%dma_wait3A_138 : memref<80x64xf32, #tpu.memory_space<vmem>>)
    %dma_start3A_145 = arith.constant 2 : i32
    %dma_start3A_146 = arith.constant 122 : i32
    %dma_start3A_147 = arith.constant 0 : i32
    %dma_start3A_148 = arith.constant 0 : i32
    %dma_start3A_149 = tpu.memref_slice %arg8[%dma_start3A_145, %dma_start3A_147, %dma_start3A_148] : memref<5x80x64xf32, #tpu.memory_space<vmem>> -> memref<1x80x64xf32, #tpu.memory_space<vmem>>
    %dma_start3A_150 = tpu.memref_squeeze %dma_start3A_149 : memref<1x80x64xf32, #tpu.memory_space<vmem>> -> memref<80x64xf32, #tpu.memory_space<vmem>>
    %dma_start3A_151 = arith.constant 0 : i32
    %dma_start3A_152 = tpu.memref_slice %arg7[%dma_start3A_146, %dma_start3A_151] : memref<125x80xi32, #tpu.memory_space<vmem>> -> memref<1x80xi32, #tpu.memory_space<vmem>>
    %dma_start3A_153 = tpu.memref_squeeze %dma_start3A_152 : memref<1x80xi32, #tpu.memory_space<vmem>> -> memref<80xi32, #tpu.memory_space<vmem>>
    %dma_start3A_154 = arith.constant 0 : i32
    %dma_start3A_155 = arith.constant 0 : i32
    %dma_start3A_156 = tpu.memref_slice %arg10[%dma_start3A_154, %dma_start3A_155] : memref<10080x64xf32, #tpu.memory_space<vmem_shared>> -> memref<10080x64xf32, #tpu.memory_space<vmem_shared>>
    tpu.enqueue_indirect_dma source(%dma_start3A_150 : memref<80x64xf32, #tpu.memory_space<vmem>>) target(%dma_start3A_156 : memref<10080x64xf32, #tpu.memory_space<vmem_shared>>) offsets(%dma_start3A_153 : memref<80xi32, #tpu.memory_space<vmem>>) semaphore(%arg18 : memref<!tpu.dma_semaphore, #tpu.memory_space<semaphore_mem>>) {add = true}
    %dma_wait3A_157 = arith.constant 0 : i32
    %dma_wait3A_158 = arith.constant 3 : i32
    %dma_wait3A_159 = arith.constant 0 : i32
    %dma_wait3A_160 = arith.constant 0 : i32
    %dma_wait3A_161 = tpu.memref_slice %arg8[%dma_wait3A_158, %dma_wait3A_159, %dma_wait3A_160] : memref<5x80x64xf32, #tpu.memory_space<vmem>> -> memref<1x80x64xf32, #tpu.memory_space<vmem>>
    %dma_wait3A_162 = tpu.memref_squeeze %dma_wait3A_161 : memref<1x80x64xf32, #tpu.memory_space<vmem>> -> memref<80x64xf32, #tpu.memory_space<vmem>>
    %dma_wait3A_163 = arith.constant 0 : i32
    %dma_wait3A_164 = tpu.memref_slice %arg6[%dma_wait3A_157, %dma_wait3A_163] : memref<125x80xi32, #tpu.memory_space<vmem>> -> memref<1x80xi32, #tpu.memory_space<vmem>>
    %dma_wait3A_165 = tpu.memref_squeeze %dma_wait3A_164 : memref<1x80xi32, #tpu.memory_space<vmem>> -> memref<80xi32, #tpu.memory_space<vmem>>
    %dma_wait3A_166 = arith.constant 0 : i32
    %dma_wait3A_167 = arith.constant 0 : i32
    %dma_wait3A_168 = tpu.memref_slice %arg2[%dma_wait3A_166, %dma_wait3A_167] : memref<10000x64xf32, #tpu.memory_space<hbm>> -> memref<10000x64xf32, #tpu.memory_space<hbm>>
    tpu.wait_indirect_dma semaphore(%arg14 : memref<!tpu.dma_semaphore, #tpu.memory_space<semaphore_mem>>) src(%dma_wait3A_168 : memref<10000x64xf32, #tpu.memory_space<hbm>>) dst(%dma_wait3A_162 : memref<80x64xf32, #tpu.memory_space<vmem>>)
    %dma_start3A_169 = arith.constant 3 : i32
    %dma_start3A_170 = arith.constant 123 : i32
    %dma_start3A_171 = arith.constant 0 : i32
    %dma_start3A_172 = arith.constant 0 : i32
    %dma_start3A_173 = tpu.memref_slice %arg8[%dma_start3A_169, %dma_start3A_171, %dma_start3A_172] : memref<5x80x64xf32, #tpu.memory_space<vmem>> -> memref<1x80x64xf32, #tpu.memory_space<vmem>>
    %dma_start3A_174 = tpu.memref_squeeze %dma_start3A_173 : memref<1x80x64xf32, #tpu.memory_space<vmem>> -> memref<80x64xf32, #tpu.memory_space<vmem>>
    %dma_start3A_175 = arith.constant 0 : i32
    %dma_start3A_176 = tpu.memref_slice %arg7[%dma_start3A_170, %dma_start3A_175] : memref<125x80xi32, #tpu.memory_space<vmem>> -> memref<1x80xi32, #tpu.memory_space<vmem>>
    %dma_start3A_177 = tpu.memref_squeeze %dma_start3A_176 : memref<1x80xi32, #tpu.memory_space<vmem>> -> memref<80xi32, #tpu.memory_space<vmem>>
    %dma_start3A_178 = arith.constant 0 : i32
    %dma_start3A_179 = arith.constant 0 : i32
    %dma_start3A_180 = tpu.memref_slice %arg10[%dma_start3A_178, %dma_start3A_179] : memref<10080x64xf32, #tpu.memory_space<vmem_shared>> -> memref<10080x64xf32, #tpu.memory_space<vmem_shared>>
    tpu.enqueue_indirect_dma source(%dma_start3A_174 : memref<80x64xf32, #tpu.memory_space<vmem>>) target(%dma_start3A_180 : memref<10080x64xf32, #tpu.memory_space<vmem_shared>>) offsets(%dma_start3A_177 : memref<80xi32, #tpu.memory_space<vmem>>) semaphore(%arg19 : memref<!tpu.dma_semaphore, #tpu.memory_space<semaphore_mem>>) {add = true}
    %dma_wait3A_181 = arith.constant 0 : i32
    %dma_wait3A_182 = arith.constant 4 : i32
    %dma_wait3A_183 = arith.constant 0 : i32
    %dma_wait3A_184 = arith.constant 0 : i32
    %dma_wait3A_185 = tpu.memref_slice %arg8[%dma_wait3A_182, %dma_wait3A_183, %dma_wait3A_184] : memref<5x80x64xf32, #tpu.memory_space<vmem>> -> memref<1x80x64xf32, #tpu.memory_space<vmem>>
    %dma_wait3A_186 = tpu.memref_squeeze %dma_wait3A_185 : memref<1x80x64xf32, #tpu.memory_space<vmem>> -> memref<80x64xf32, #tpu.memory_space<vmem>>
    %dma_wait3A_187 = arith.constant 0 : i32
    %dma_wait3A_188 = tpu.memref_slice %arg6[%dma_wait3A_181, %dma_wait3A_187] : memref<125x80xi32, #tpu.memory_space<vmem>> -> memref<1x80xi32, #tpu.memory_space<vmem>>
    %dma_wait3A_189 = tpu.memref_squeeze %dma_wait3A_188 : memref<1x80xi32, #tpu.memory_space<vmem>> -> memref<80xi32, #tpu.memory_space<vmem>>
    %dma_wait3A_190 = arith.constant 0 : i32
    %dma_wait3A_191 = arith.constant 0 : i32
    %dma_wait3A_192 = tpu.memref_slice %arg2[%dma_wait3A_190, %dma_wait3A_191] : memref<10000x64xf32, #tpu.memory_space<hbm>> -> memref<10000x64xf32, #tpu.memory_space<hbm>>
    tpu.wait_indirect_dma semaphore(%arg15 : memref<!tpu.dma_semaphore, #tpu.memory_space<semaphore_mem>>) src(%dma_wait3A_192 : memref<10000x64xf32, #tpu.memory_space<hbm>>) dst(%dma_wait3A_186 : memref<80x64xf32, #tpu.memory_space<vmem>>)
    %dma_start3A_193 = arith.constant 4 : i32
    %dma_start3A_194 = arith.constant 124 : i32
    %dma_start3A_195 = arith.constant 0 : i32
    %dma_start3A_196 = arith.constant 0 : i32
    %dma_start3A_197 = tpu.memref_slice %arg8[%dma_start3A_193, %dma_start3A_195, %dma_start3A_196] : memref<5x80x64xf32, #tpu.memory_space<vmem>> -> memref<1x80x64xf32, #tpu.memory_space<vmem>>
    %dma_start3A_198 = tpu.memref_squeeze %dma_start3A_197 : memref<1x80x64xf32, #tpu.memory_space<vmem>> -> memref<80x64xf32, #tpu.memory_space<vmem>>
    %dma_start3A_199 = arith.constant 0 : i32
    %dma_start3A_200 = tpu.memref_slice %arg7[%dma_start3A_194, %dma_start3A_199] : memref<125x80xi32, #tpu.memory_space<vmem>> -> memref<1x80xi32, #tpu.memory_space<vmem>>
    %dma_start3A_201 = tpu.memref_squeeze %dma_start3A_200 : memref<1x80xi32, #tpu.memory_space<vmem>> -> memref<80xi32, #tpu.memory_space<vmem>>
    %dma_start3A_202 = arith.constant 0 : i32
    %dma_start3A_203 = arith.constant 0 : i32
    %dma_start3A_204 = tpu.memref_slice %arg10[%dma_start3A_202, %dma_start3A_203] : memref<10080x64xf32, #tpu.memory_space<vmem_shared>> -> memref<10080x64xf32, #tpu.memory_space<vmem_shared>>
    tpu.enqueue_indirect_dma source(%dma_start3A_198 : memref<80x64xf32, #tpu.memory_space<vmem>>) target(%dma_start3A_204 : memref<10080x64xf32, #tpu.memory_space<vmem_shared>>) offsets(%dma_start3A_201 : memref<80xi32, #tpu.memory_space<vmem>>) semaphore(%arg20 : memref<!tpu.dma_semaphore, #tpu.memory_space<semaphore_mem>>) {add = true}
    %dma_wait3A_205 = arith.constant 0 : i32
    %dma_wait3A_206 = arith.constant 0 : i32
    %dma_wait3A_207 = arith.constant 0 : i32
    %dma_wait3A_208 = arith.constant 0 : i32
    %dma_wait3A_209 = tpu.memref_slice %arg8[%dma_wait3A_205, %dma_wait3A_207, %dma_wait3A_208] : memref<5x80x64xf32, #tpu.memory_space<vmem>> -> memref<1x80x64xf32, #tpu.memory_space<vmem>>
    %dma_wait3A_210 = tpu.memref_squeeze %dma_wait3A_209 : memref<1x80x64xf32, #tpu.memory_space<vmem>> -> memref<80x64xf32, #tpu.memory_space<vmem>>
    %dma_wait3A_211 = arith.constant 0 : i32
    %dma_wait3A_212 = tpu.memref_slice %arg7[%dma_wait3A_206, %dma_wait3A_211] : memref<125x80xi32, #tpu.memory_space<vmem>> -> memref<1x80xi32, #tpu.memory_space<vmem>>
    %dma_wait3A_213 = tpu.memref_squeeze %dma_wait3A_212 : memref<1x80xi32, #tpu.memory_space<vmem>> -> memref<80xi32, #tpu.memory_space<vmem>>
    %dma_wait3A_214 = arith.constant 0 : i32
    %dma_wait3A_215 = arith.constant 0 : i32
    %dma_wait3A_216 = tpu.memref_slice %arg10[%dma_wait3A_214, %dma_wait3A_215] : memref<10080x64xf32, #tpu.memory_space<vmem_shared>> -> memref<10080x64xf32, #tpu.memory_space<vmem_shared>>
    tpu.wait_indirect_dma semaphore(%arg16 : memref<!tpu.dma_semaphore, #tpu.memory_space<semaphore_mem>>) src(%dma_wait3A_210 : memref<80x64xf32, #tpu.memory_space<vmem>>) dst(%dma_wait3A_216 : memref<10080x64xf32, #tpu.memory_space<vmem_shared>>)
    %dma_wait3A_217 = arith.constant 1 : i32
    %dma_wait3A_218 = arith.constant 0 : i32
    %dma_wait3A_219 = arith.constant 0 : i32
    %dma_wait3A_220 = arith.constant 0 : i32
    %dma_wait3A_221 = tpu.memref_slice %arg8[%dma_wait3A_217, %dma_wait3A_219, %dma_wait3A_220] : memref<5x80x64xf32, #tpu.memory_space<vmem>> -> memref<1x80x64xf32, #tpu.memory_space<vmem>>
    %dma_wait3A_222 = tpu.memref_squeeze %dma_wait3A_221 : memref<1x80x64xf32, #tpu.memory_space<vmem>> -> memref<80x64xf32, #tpu.memory_space<vmem>>
    %dma_wait3A_223 = arith.constant 0 : i32
    %dma_wait3A_224 = tpu.memref_slice %arg7[%dma_wait3A_218, %dma_wait3A_223] : memref<125x80xi32, #tpu.memory_space<vmem>> -> memref<1x80xi32, #tpu.memory_space<vmem>>
    %dma_wait3A_225 = tpu.memref_squeeze %dma_wait3A_224 : memref<1x80xi32, #tpu.memory_space<vmem>> -> memref<80xi32, #tpu.memory_space<vmem>>
    %dma_wait3A_226 = arith.constant 0 : i32
    %dma_wait3A_227 = arith.constant 0 : i32
    %dma_wait3A_228 = tpu.memref_slice %arg10[%dma_wait3A_226, %dma_wait3A_227] : memref<10080x64xf32, #tpu.memory_space<vmem_shared>> -> memref<10080x64xf32, #tpu.memory_space<vmem_shared>>
    tpu.wait_indirect_dma semaphore(%arg17 : memref<!tpu.dma_semaphore, #tpu.memory_space<semaphore_mem>>) src(%dma_wait3A_222 : memref<80x64xf32, #tpu.memory_space<vmem>>) dst(%dma_wait3A_228 : memref<10080x64xf32, #tpu.memory_space<vmem_shared>>)
    %dma_wait3A_229 = arith.constant 2 : i32
    %dma_wait3A_230 = arith.constant 0 : i32
    %dma_wait3A_231 = arith.constant 0 : i32
    %dma_wait3A_232 = arith.constant 0 : i32
    %dma_wait3A_233 = tpu.memref_slice %arg8[%dma_wait3A_229, %dma_wait3A_231, %dma_wait3A_232] : memref<5x80x64xf32, #tpu.memory_space<vmem>> -> memref<1x80x64xf32, #tpu.memory_space<vmem>>
    %dma_wait3A_234 = tpu.memref_squeeze %dma_wait3A_233 : memref<1x80x64xf32, #tpu.memory_space<vmem>> -> memref<80x64xf32, #tpu.memory_space<vmem>>
    %dma_wait3A_235 = arith.constant 0 : i32
    %dma_wait3A_236 = tpu.memref_slice %arg7[%dma_wait3A_230, %dma_wait3A_235] : memref<125x80xi32, #tpu.memory_space<vmem>> -> memref<1x80xi32, #tpu.memory_space<vmem>>
    %dma_wait3A_237 = tpu.memref_squeeze %dma_wait3A_236 : memref<1x80xi32, #tpu.memory_space<vmem>> -> memref<80xi32, #tpu.memory_space<vmem>>
    %dma_wait3A_238 = arith.constant 0 : i32
    %dma_wait3A_239 = arith.constant 0 : i32
    %dma_wait3A_240 = tpu.memref_slice %arg10[%dma_wait3A_238, %dma_wait3A_239] : memref<10080x64xf32, #tpu.memory_space<vmem_shared>> -> memref<10080x64xf32, #tpu.memory_space<vmem_shared>>
    tpu.wait_indirect_dma semaphore(%arg18 : memref<!tpu.dma_semaphore, #tpu.memory_space<semaphore_mem>>) src(%dma_wait3A_234 : memref<80x64xf32, #tpu.memory_space<vmem>>) dst(%dma_wait3A_240 : memref<10080x64xf32, #tpu.memory_space<vmem_shared>>)
    %dma_wait3A_241 = arith.constant 3 : i32
    %dma_wait3A_242 = arith.constant 0 : i32
    %dma_wait3A_243 = arith.constant 0 : i32
    %dma_wait3A_244 = arith.constant 0 : i32
    %dma_wait3A_245 = tpu.memref_slice %arg8[%dma_wait3A_241, %dma_wait3A_243, %dma_wait3A_244] : memref<5x80x64xf32, #tpu.memory_space<vmem>> -> memref<1x80x64xf32, #tpu.memory_space<vmem>>
    %dma_wait3A_246 = tpu.memref_squeeze %dma_wait3A_245 : memref<1x80x64xf32, #tpu.memory_space<vmem>> -> memref<80x64xf32, #tpu.memory_space<vmem>>
    %dma_wait3A_247 = arith.constant 0 : i32
    %dma_wait3A_248 = tpu.memref_slice %arg7[%dma_wait3A_242, %dma_wait3A_247] : memref<125x80xi32, #tpu.memory_space<vmem>> -> memref<1x80xi32, #tpu.memory_space<vmem>>
    %dma_wait3A_249 = tpu.memref_squeeze %dma_wait3A_248 : memref<1x80xi32, #tpu.memory_space<vmem>> -> memref<80xi32, #tpu.memory_space<vmem>>
    %dma_wait3A_250 = arith.constant 0 : i32
    %dma_wait3A_251 = arith.constant 0 : i32
    %dma_wait3A_252 = tpu.memref_slice %arg10[%dma_wait3A_250, %dma_wait3A_251] : memref<10080x64xf32, #tpu.memory_space<vmem_shared>> -> memref<10080x64xf32, #tpu.memory_space<vmem_shared>>
    tpu.wait_indirect_dma semaphore(%arg19 : memref<!tpu.dma_semaphore, #tpu.memory_space<semaphore_mem>>) src(%dma_wait3A_246 : memref<80x64xf32, #tpu.memory_space<vmem>>) dst(%dma_wait3A_252 : memref<10080x64xf32, #tpu.memory_space<vmem_shared>>)
    %dma_wait3A_253 = arith.constant 4 : i32
    %dma_wait3A_254 = arith.constant 0 : i32
    %dma_wait3A_255 = arith.constant 0 : i32
    %dma_wait3A_256 = arith.constant 0 : i32
    %dma_wait3A_257 = tpu.memref_slice %arg8[%dma_wait3A_253, %dma_wait3A_255, %dma_wait3A_256] : memref<5x80x64xf32, #tpu.memory_space<vmem>> -> memref<1x80x64xf32, #tpu.memory_space<vmem>>
    %dma_wait3A_258 = tpu.memref_squeeze %dma_wait3A_257 : memref<1x80x64xf32, #tpu.memory_space<vmem>> -> memref<80x64xf32, #tpu.memory_space<vmem>>
    %dma_wait3A_259 = arith.constant 0 : i32
    %dma_wait3A_260 = tpu.memref_slice %arg7[%dma_wait3A_254, %dma_wait3A_259] : memref<125x80xi32, #tpu.memory_space<vmem>> -> memref<1x80xi32, #tpu.memory_space<vmem>>
    %dma_wait3A_261 = tpu.memref_squeeze %dma_wait3A_260 : memref<1x80xi32, #tpu.memory_space<vmem>> -> memref<80xi32, #tpu.memory_space<vmem>>
    %dma_wait3A_262 = arith.constant 0 : i32
    %dma_wait3A_263 = arith.constant 0 : i32
    %dma_wait3A_264 = tpu.memref_slice %arg10[%dma_wait3A_262, %dma_wait3A_263] : memref<10080x64xf32, #tpu.memory_space<vmem_shared>> -> memref<10080x64xf32, #tpu.memory_space<vmem_shared>>
    tpu.wait_indirect_dma semaphore(%arg20 : memref<!tpu.dma_semaphore, #tpu.memory_space<semaphore_mem>>) src(%dma_wait3A_258 : memref<80x64xf32, #tpu.memory_space<vmem>>) dst(%dma_wait3A_264 : memref<10080x64xf32, #tpu.memory_space<vmem_shared>>)
    %barrier3A_265 = arith.constant 0 : index
    tpu.barrier barrier_id(%barrier3A_265)
    %add3A_266 = arith.constant 0 : i32
    %add3A_267 = arith.addi %mul3A_2, %add3A_266 : i32
    "tpu.region"() ({
      %run_scoped3A = tpu.sem_alloc : memref<!tpu.dma_semaphore, #tpu.memory_space<semaphore_mem>>
      %dma_start3A_286 = arith.constant 0 : i32
      %dma_start3A_287 = tpu.memref_slice %arg10[%add3A_267, %dma_start3A_286] : memref<10080x64xf32, #tpu.memory_space<vmem_shared>> -> memref<125x64xf32, #tpu.memory_space<vmem_shared>>
      %dma_start3A_288 = arith.constant 0 : i32
      %dma_start3A_289 = tpu.memref_slice %arg10[%add3A_267, %dma_start3A_288] : memref<10080x64xf32, #tpu.memory_space<vmem_shared>> -> memref<125x64xf32, #tpu.memory_space<vmem_shared>>
      tpu.enqueue_dma source(%dma_start3A_289 : memref<125x64xf32, #tpu.memory_space<vmem_shared>>) target(%arg9 : memref<125x64xf32, #tpu.memory_space<vmem>>) target_semaphore(%run_scoped3A : memref<!tpu.dma_semaphore, #tpu.memory_space<semaphore_mem>>)
      %dma_wait3A_290 = arith.constant 0 : i32
      %dma_wait3A_291 = tpu.memref_slice %arg10[%add3A_267, %dma_wait3A_290] : memref<10080x64xf32, #tpu.memory_space<vmem_shared>> -> memref<125x64xf32, #tpu.memory_space<vmem_shared>>
      %dma_wait3A_292 = arith.constant 0 : i32
      %dma_wait3A_293 = tpu.memref_slice %arg10[%add3A_267, %dma_wait3A_292] : memref<10080x64xf32, #tpu.memory_space<vmem_shared>> -> memref<125x64xf32, #tpu.memory_space<vmem_shared>>
      tpu.wait_dma2 semaphore(%run_scoped3A : memref<!tpu.dma_semaphore, #tpu.memory_space<semaphore_mem>>) src(%dma_wait3A_293 : memref<125x64xf32, #tpu.memory_space<vmem_shared>>) dst(%arg9 : memref<125x64xf32, #tpu.memory_space<vmem>>)
      tpu.yield
    }) : () -> ()
    %add3A_268 = arith.constant 0 : i32
    %add3A_269 = arith.addi %mul3A_2, %add3A_268 : i32
    "tpu.region"() ({
      %run_scoped3A = tpu.sem_alloc : memref<!tpu.dma_semaphore, #tpu.memory_space<semaphore_mem>>
      %dma_start3A_286 = arith.constant 0 : i32
      %dma_start3A_287 = tpu.memref_slice %arg5[%arg0, %add3A_269, %dma_start3A_286] : memref<2x10000x64xf32, #tpu.memory_space<hbm>> -> memref<1x125x64xf32, #tpu.memory_space<hbm>>
      %dma_start3A_288 = tpu.memref_squeeze %dma_start3A_287 : memref<1x125x64xf32, #tpu.memory_space<hbm>> -> memref<125x64xf32, #tpu.memory_space<hbm>>
      %dma_start3A_289 = arith.constant 0 : i32
      %dma_start3A_290 = tpu.memref_slice %arg5[%arg0, %add3A_269, %dma_start3A_289] : memref<2x10000x64xf32, #tpu.memory_space<hbm>> -> memref<1x125x64xf32, #tpu.memory_space<hbm>>
      %dma_start3A_291 = tpu.memref_squeeze %dma_start3A_290 : memref<1x125x64xf32, #tpu.memory_space<hbm>> -> memref<125x64xf32, #tpu.memory_space<hbm>>
      tpu.enqueue_dma source(%arg9 : memref<125x64xf32, #tpu.memory_space<vmem>>) target(%dma_start3A_291 : memref<125x64xf32, #tpu.memory_space<hbm>>) target_semaphore(%run_scoped3A : memref<!tpu.dma_semaphore, #tpu.memory_space<semaphore_mem>>)
      %dma_wait3A_292 = arith.constant 0 : i32
      %dma_wait3A_293 = tpu.memref_slice %arg5[%arg0, %add3A_269, %dma_wait3A_292] : memref<2x10000x64xf32, #tpu.memory_space<hbm>> -> memref<1x125x64xf32, #tpu.memory_space<hbm>>
      %dma_wait3A_294 = tpu.memref_squeeze %dma_wait3A_293 : memref<1x125x64xf32, #tpu.memory_space<hbm>> -> memref<125x64xf32, #tpu.memory_space<hbm>>
      %dma_wait3A_295 = arith.constant 0 : i32
      %dma_wait3A_296 = tpu.memref_slice %arg5[%arg0, %add3A_269, %dma_wait3A_295] : memref<2x10000x64xf32, #tpu.memory_space<hbm>> -> memref<1x125x64xf32, #tpu.memory_space<hbm>>
      %dma_wait3A_297 = tpu.memref_squeeze %dma_wait3A_296 : memref<1x125x64xf32, #tpu.memory_space<hbm>> -> memref<125x64xf32, #tpu.memory_space<hbm>>
      tpu.wait_dma2 semaphore(%run_scoped3A : memref<!tpu.dma_semaphore, #tpu.memory_space<semaphore_mem>>) src(%arg9 : memref<125x64xf32, #tpu.memory_space<vmem>>) dst(%dma_wait3A_297 : memref<125x64xf32, #tpu.memory_space<hbm>>)
      tpu.yield
    }) : () -> ()
    %add3A_270 = arith.constant 125 : i32
    %add3A_271 = arith.addi %mul3A_2, %add3A_270 : i32
    "tpu.region"() ({
      %run_scoped3A = tpu.sem_alloc : memref<!tpu.dma_semaphore, #tpu.memory_space<semaphore_mem>>
      %dma_start3A_286 = arith.constant 0 : i32
      %dma_start3A_287 = tpu.memref_slice %arg10[%add3A_271, %dma_start3A_286] : memref<10080x64xf32, #tpu.memory_space<vmem_shared>> -> memref<125x64xf32, #tpu.memory_space<vmem_shared>>
      %dma_start3A_288 = arith.constant 0 : i32
      %dma_start3A_289 = tpu.memref_slice %arg10[%add3A_271, %dma_start3A_288] : memref<10080x64xf32, #tpu.memory_space<vmem_shared>> -> memref<125x64xf32, #tpu.memory_space<vmem_shared>>
      tpu.enqueue_dma source(%dma_start3A_289 : memref<125x64xf32, #tpu.memory_space<vmem_shared>>) target(%arg9 : memref<125x64xf32, #tpu.memory_space<vmem>>) target_semaphore(%run_scoped3A : memref<!tpu.dma_semaphore, #tpu.memory_space<semaphore_mem>>)
      %dma_wait3A_290 = arith.constant 0 : i32
      %dma_wait3A_291 = tpu.memref_slice %arg10[%add3A_271, %dma_wait3A_290] : memref<10080x64xf32, #tpu.memory_space<vmem_shared>> -> memref<125x64xf32, #tpu.memory_space<vmem_shared>>
      %dma_wait3A_292 = arith.constant 0 : i32
      %dma_wait3A_293 = tpu.memref_slice %arg10[%add3A_271, %dma_wait3A_292] : memref<10080x64xf32, #tpu.memory_space<vmem_shared>> -> memref<125x64xf32, #tpu.memory_space<vmem_shared>>
      tpu.wait_dma2 semaphore(%run_scoped3A : memref<!tpu.dma_semaphore, #tpu.memory_space<semaphore_mem>>) src(%dma_wait3A_293 : memref<125x64xf32, #tpu.memory_space<vmem_shared>>) dst(%arg9 : memref<125x64xf32, #tpu.memory_space<vmem>>)
      tpu.yield
    }) : () -> ()
    %add3A_272 = arith.constant 125 : i32
    %add3A_273 = arith.addi %mul3A_2, %add3A_272 : i32
    "tpu.region"() ({
      %run_scoped3A = tpu.sem_alloc : memref<!tpu.dma_semaphore, #tpu.memory_space<semaphore_mem>>
      %dma_start3A_286 = arith.constant 0 : i32
      %dma_start3A_287 = tpu.memref_slice %arg5[%arg0, %add3A_273, %dma_start3A_286] : memref<2x10000x64xf32, #tpu.memory_space<hbm>> -> memref<1x125x64xf32, #tpu.memory_space<hbm>>
      %dma_start3A_288 = tpu.memref_squeeze %dma_start3A_287 : memref<1x125x64xf32, #tpu.memory_space<hbm>> -> memref<125x64xf32, #tpu.memory_space<hbm>>
      %dma_start3A_289 = arith.constant 0 : i32
      %dma_start3A_290 = tpu.memref_slice %arg5[%arg0, %add3A_273, %dma_start3A_289] : memref<2x10000x64xf32, #tpu.memory_space<hbm>> -> memref<1x125x64xf32, #tpu.memory_space<hbm>>
      %dma_start3A_291 = tpu.memref_squeeze %dma_start3A_290 : memref<1x125x64xf32, #tpu.memory_space<hbm>> -> memref<125x64xf32, #tpu.memory_space<hbm>>
      tpu.enqueue_dma source(%arg9 : memref<125x64xf32, #tpu.memory_space<vmem>>) target(%dma_start3A_291 : memref<125x64xf32, #tpu.memory_space<hbm>>) target_semaphore(%run_scoped3A : memref<!tpu.dma_semaphore, #tpu.memory_space<semaphore_mem>>)
      %dma_wait3A_292 = arith.constant 0 : i32
      %dma_wait3A_293 = tpu.memref_slice %arg5[%arg0, %add3A_273, %dma_wait3A_292] : memref<2x10000x64xf32, #tpu.memory_space<hbm>> -> memref<1x125x64xf32, #tpu.memory_space<hbm>>
      %dma_wait3A_294 = tpu.memref_squeeze %dma_wait3A_293 : memref<1x125x64xf32, #tpu.memory_space<hbm>> -> memref<125x64xf32, #tpu.memory_space<hbm>>
      %dma_wait3A_295 = arith.constant 0 : i32
      %dma_wait3A_296 = tpu.memref_slice %arg5[%arg0, %add3A_273, %dma_wait3A_295] : memref<2x10000x64xf32, #tpu.memory_space<hbm>> -> memref<1x125x64xf32, #tpu.memory_space<hbm>>
      %dma_wait3A_297 = tpu.memref_squeeze %dma_wait3A_296 : memref<1x125x64xf32, #tpu.memory_space<hbm>> -> memref<125x64xf32, #tpu.memory_space<hbm>>
      tpu.wait_dma2 semaphore(%run_scoped3A : memref<!tpu.dma_semaphore, #tpu.memory_space<semaphore_mem>>) src(%arg9 : memref<125x64xf32, #tpu.memory_space<vmem>>) dst(%dma_wait3A_297 : memref<125x64xf32, #tpu.memory_space<hbm>>)
      tpu.yield
    }) : () -> ()
    %add3A_274 = arith.constant 250 : i32
    %add3A_275 = arith.addi %mul3A_2, %add3A_274 : i32
    "tpu.region"() ({
      %run_scoped3A = tpu.sem_alloc : memref<!tpu.dma_semaphore, #tpu.memory_space<semaphore_mem>>
      %dma_start3A_286 = arith.constant 0 : i32
      %dma_start3A_287 = tpu.memref_slice %arg10[%add3A_275, %dma_start3A_286] : memref<10080x64xf32, #tpu.memory_space<vmem_shared>> -> memref<125x64xf32, #tpu.memory_space<vmem_shared>>
      %dma_start3A_288 = arith.constant 0 : i32
      %dma_start3A_289 = tpu.memref_slice %arg10[%add3A_275, %dma_start3A_288] : memref<10080x64xf32, #tpu.memory_space<vmem_shared>> -> memref<125x64xf32, #tpu.memory_space<vmem_shared>>
      tpu.enqueue_dma source(%dma_start3A_289 : memref<125x64xf32, #tpu.memory_space<vmem_shared>>) target(%arg9 : memref<125x64xf32, #tpu.memory_space<vmem>>) target_semaphore(%run_scoped3A : memref<!tpu.dma_semaphore, #tpu.memory_space<semaphore_mem>>)
      %dma_wait3A_290 = arith.constant 0 : i32
      %dma_wait3A_291 = tpu.memref_slice %arg10[%add3A_275, %dma_wait3A_290] : memref<10080x64xf32, #tpu.memory_space<vmem_shared>> -> memref<125x64xf32, #tpu.memory_space<vmem_shared>>
      %dma_wait3A_292 = arith.constant 0 : i32
      %dma_wait3A_293 = tpu.memref_slice %arg10[%add3A_275, %dma_wait3A_292] : memref<10080x64xf32, #tpu.memory_space<vmem_shared>> -> memref<125x64xf32, #tpu.memory_space<vmem_shared>>
      tpu.wait_dma2 semaphore(%run_scoped3A : memref<!tpu.dma_semaphore, #tpu.memory_space<semaphore_mem>>) src(%dma_wait3A_293 : memref<125x64xf32, #tpu.memory_space<vmem_shared>>) dst(%arg9 : memref<125x64xf32, #tpu.memory_space<vmem>>)
      tpu.yield
    }) : () -> ()
    %add3A_276 = arith.constant 250 : i32
    %add3A_277 = arith.addi %mul3A_2, %add3A_276 : i32
    "tpu.region"() ({
      %run_scoped3A = tpu.sem_alloc : memref<!tpu.dma_semaphore, #tpu.memory_space<semaphore_mem>>
      %dma_start3A_286 = arith.constant 0 : i32
      %dma_start3A_287 = tpu.memref_slice %arg5[%arg0, %add3A_277, %dma_start3A_286] : memref<2x10000x64xf32, #tpu.memory_space<hbm>> -> memref<1x125x64xf32, #tpu.memory_space<hbm>>
      %dma_start3A_288 = tpu.memref_squeeze %dma_start3A_287 : memref<1x125x64xf32, #tpu.memory_space<hbm>> -> memref<125x64xf32, #tpu.memory_space<hbm>>
      %dma_start3A_289 = arith.constant 0 : i32
      %dma_start3A_290 = tpu.memref_slice %arg5[%arg0, %add3A_277, %dma_start3A_289] : memref<2x10000x64xf32, #tpu.memory_space<hbm>> -> memref<1x125x64xf32, #tpu.memory_space<hbm>>
      %dma_start3A_291 = tpu.memref_squeeze %dma_start3A_290 : memref<1x125x64xf32, #tpu.memory_space<hbm>> -> memref<125x64xf32, #tpu.memory_space<hbm>>
      tpu.enqueue_dma source(%arg9 : memref<125x64xf32, #tpu.memory_space<vmem>>) target(%dma_start3A_291 : memref<125x64xf32, #tpu.memory_space<hbm>>) target_semaphore(%run_scoped3A : memref<!tpu.dma_semaphore, #tpu.memory_space<semaphore_mem>>)
      %dma_wait3A_292 = arith.constant 0 : i32
      %dma_wait3A_293 = tpu.memref_slice %arg5[%arg0, %add3A_277, %dma_wait3A_292] : memref<2x10000x64xf32, #tpu.memory_space<hbm>> -> memref<1x125x64xf32, #tpu.memory_space<hbm>>
      %dma_wait3A_294 = tpu.memref_squeeze %dma_wait3A_293 : memref<1x125x64xf32, #tpu.memory_space<hbm>> -> memref<125x64xf32, #tpu.memory_space<hbm>>
      %dma_wait3A_295 = arith.constant 0 : i32
      %dma_wait3A_296 = tpu.memref_slice %arg5[%arg0, %add3A_277, %dma_wait3A_295] : memref<2x10000x64xf32, #tpu.memory_space<hbm>> -> memref<1x125x64xf32, #tpu.memory_space<hbm>>
      %dma_wait3A_297 = tpu.memref_squeeze %dma_wait3A_296 : memref<1x125x64xf32, #tpu.memory_space<hbm>> -> memref<125x64xf32, #tpu.memory_space<hbm>>
      tpu.wait_dma2 semaphore(%run_scoped3A : memref<!tpu.dma_semaphore, #tpu.memory_space<semaphore_mem>>) src(%arg9 : memref<125x64xf32, #tpu.memory_space<vmem>>) dst(%dma_wait3A_297 : memref<125x64xf32, #tpu.memory_space<hbm>>)
      tpu.yield
    }) : () -> ()
    %add3A_278 = arith.constant 375 : i32
    %add3A_279 = arith.addi %mul3A_2, %add3A_278 : i32
    "tpu.region"() ({
      %run_scoped3A = tpu.sem_alloc : memref<!tpu.dma_semaphore, #tpu.memory_space<semaphore_mem>>
      %dma_start3A_286 = arith.constant 0 : i32
      %dma_start3A_287 = tpu.memref_slice %arg10[%add3A_279, %dma_start3A_286] : memref<10080x64xf32, #tpu.memory_space<vmem_shared>> -> memref<125x64xf32, #tpu.memory_space<vmem_shared>>
      %dma_start3A_288 = arith.constant 0 : i32
      %dma_start3A_289 = tpu.memref_slice %arg10[%add3A_279, %dma_start3A_288] : memref<10080x64xf32, #tpu.memory_space<vmem_shared>> -> memref<125x64xf32, #tpu.memory_space<vmem_shared>>
      tpu.enqueue_dma source(%dma_start3A_289 : memref<125x64xf32, #tpu.memory_space<vmem_shared>>) target(%arg9 : memref<125x64xf32, #tpu.memory_space<vmem>>) target_semaphore(%run_scoped3A : memref<!tpu.dma_semaphore, #tpu.memory_space<semaphore_mem>>)
      %dma_wait3A_290 = arith.constant 0 : i32
      %dma_wait3A_291 = tpu.memref_slice %arg10[%add3A_279, %dma_wait3A_290] : memref<10080x64xf32, #tpu.memory_space<vmem_shared>> -> memref<125x64xf32, #tpu.memory_space<vmem_shared>>
      %dma_wait3A_292 = arith.constant 0 : i32
      %dma_wait3A_293 = tpu.memref_slice %arg10[%add3A_279, %dma_wait3A_292] : memref<10080x64xf32, #tpu.memory_space<vmem_shared>> -> memref<125x64xf32, #tpu.memory_space<vmem_shared>>
      tpu.wait_dma2 semaphore(%run_scoped3A : memref<!tpu.dma_semaphore, #tpu.memory_space<semaphore_mem>>) src(%dma_wait3A_293 : memref<125x64xf32, #tpu.memory_space<vmem_shared>>) dst(%arg9 : memref<125x64xf32, #tpu.memory_space<vmem>>)
      tpu.yield
    }) : () -> ()
    %add3A_280 = arith.constant 375 : i32
    %add3A_281 = arith.addi %mul3A_2, %add3A_280 : i32
    "tpu.region"() ({
      %run_scoped3A = tpu.sem_alloc : memref<!tpu.dma_semaphore, #tpu.memory_space<semaphore_mem>>
      %dma_start3A_286 = arith.constant 0 : i32
      %dma_start3A_287 = tpu.memref_slice %arg5[%arg0, %add3A_281, %dma_start3A_286] : memref<2x10000x64xf32, #tpu.memory_space<hbm>> -> memref<1x125x64xf32, #tpu.memory_space<hbm>>
      %dma_start3A_288 = tpu.memref_squeeze %dma_start3A_287 : memref<1x125x64xf32, #tpu.memory_space<hbm>> -> memref<125x64xf32, #tpu.memory_space<hbm>>
      %dma_start3A_289 = arith.constant 0 : i32
      %dma_start3A_290 = tpu.memref_slice %arg5[%arg0, %add3A_281, %dma_start3A_289] : memref<2x10000x64xf32, #tpu.memory_space<hbm>> -> memref<1x125x64xf32, #tpu.memory_space<hbm>>
      %dma_start3A_291 = tpu.memref_squeeze %dma_start3A_290 : memref<1x125x64xf32, #tpu.memory_space<hbm>> -> memref<125x64xf32, #tpu.memory_space<hbm>>
      tpu.enqueue_dma source(%arg9 : memref<125x64xf32, #tpu.memory_space<vmem>>) target(%dma_start3A_291 : memref<125x64xf32, #tpu.memory_space<hbm>>) target_semaphore(%run_scoped3A : memref<!tpu.dma_semaphore, #tpu.memory_space<semaphore_mem>>)
      %dma_wait3A_292 = arith.constant 0 : i32
      %dma_wait3A_293 = tpu.memref_slice %arg5[%arg0, %add3A_281, %dma_wait3A_292] : memref<2x10000x64xf32, #tpu.memory_space<hbm>> -> memref<1x125x64xf32, #tpu.memory_space<hbm>>
      %dma_wait3A_294 = tpu.memref_squeeze %dma_wait3A_293 : memref<1x125x64xf32, #tpu.memory_space<hbm>> -> memref<125x64xf32, #tpu.memory_space<hbm>>
      %dma_wait3A_295 = arith.constant 0 : i32
      %dma_wait3A_296 = tpu.memref_slice %arg5[%arg0, %add3A_281, %dma_wait3A_295] : memref<2x10000x64xf32, #tpu.memory_space<hbm>> -> memref<1x125x64xf32, #tpu.memory_space<hbm>>
      %dma_wait3A_297 = tpu.memref_squeeze %dma_wait3A_296 : memref<1x125x64xf32, #tpu.memory_space<hbm>> -> memref<125x64xf32, #tpu.memory_space<hbm>>
      tpu.wait_dma2 semaphore(%run_scoped3A : memref<!tpu.dma_semaphore, #tpu.memory_space<semaphore_mem>>) src(%arg9 : memref<125x64xf32, #tpu.memory_space<vmem>>) dst(%dma_wait3A_297 : memref<125x64xf32, #tpu.memory_space<hbm>>)
      tpu.yield
    }) : () -> ()
    %add3A_282 = arith.constant 500 : i32
    %add3A_283 = arith.addi %mul3A_2, %add3A_282 : i32
    "tpu.region"() ({
      %run_scoped3A = tpu.sem_alloc : memref<!tpu.dma_semaphore, #tpu.memory_space<semaphore_mem>>
      %dma_start3A_286 = arith.constant 0 : i32
      %dma_start3A_287 = tpu.memref_slice %arg10[%add3A_283, %dma_start3A_286] : memref<10080x64xf32, #tpu.memory_space<vmem_shared>> -> memref<125x64xf32, #tpu.memory_space<vmem_shared>>
      %dma_start3A_288 = arith.constant 0 : i32
      %dma_start3A_289 = tpu.memref_slice %arg10[%add3A_283, %dma_start3A_288] : memref<10080x64xf32, #tpu.memory_space<vmem_shared>> -> memref<125x64xf32, #tpu.memory_space<vmem_shared>>
      tpu.enqueue_dma source(%dma_start3A_289 : memref<125x64xf32, #tpu.memory_space<vmem_shared>>) target(%arg9 : memref<125x64xf32, #tpu.memory_space<vmem>>) target_semaphore(%run_scoped3A : memref<!tpu.dma_semaphore, #tpu.memory_space<semaphore_mem>>)
      %dma_wait3A_290 = arith.constant 0 : i32
      %dma_wait3A_291 = tpu.memref_slice %arg10[%add3A_283, %dma_wait3A_290] : memref<10080x64xf32, #tpu.memory_space<vmem_shared>> -> memref<125x64xf32, #tpu.memory_space<vmem_shared>>
      %dma_wait3A_292 = arith.constant 0 : i32
      %dma_wait3A_293 = tpu.memref_slice %arg10[%add3A_283, %dma_wait3A_292] : memref<10080x64xf32, #tpu.memory_space<vmem_shared>> -> memref<125x64xf32, #tpu.memory_space<vmem_shared>>
      tpu.wait_dma2 semaphore(%run_scoped3A : memref<!tpu.dma_semaphore, #tpu.memory_space<semaphore_mem>>) src(%dma_wait3A_293 : memref<125x64xf32, #tpu.memory_space<vmem_shared>>) dst(%arg9 : memref<125x64xf32, #tpu.memory_space<vmem>>)
      tpu.yield
    }) : () -> ()
    %add3A_284 = arith.constant 500 : i32
    %add3A_285 = arith.addi %mul3A_2, %add3A_284 : i32
    "tpu.region"() ({
      %run_scoped3A = tpu.sem_alloc : memref<!tpu.dma_semaphore, #tpu.memory_space<semaphore_mem>>
      %dma_start3A_286 = arith.constant 0 : i32
      %dma_start3A_287 = tpu.memref_slice %arg5[%arg0, %add3A_285, %dma_start3A_286] : memref<2x10000x64xf32, #tpu.memory_space<hbm>> -> memref<1x125x64xf32, #tpu.memory_space<hbm>>
      %dma_start3A_288 = tpu.memref_squeeze %dma_start3A_287 : memref<1x125x64xf32, #tpu.memory_space<hbm>> -> memref<125x64xf32, #tpu.memory_space<hbm>>
      %dma_start3A_289 = arith.constant 0 : i32
      %dma_start3A_290 = tpu.memref_slice %arg5[%arg0, %add3A_285, %dma_start3A_289] : memref<2x10000x64xf32, #tpu.memory_space<hbm>> -> memref<1x125x64xf32, #tpu.memory_space<hbm>>
      %dma_start3A_291 = tpu.memref_squeeze %dma_start3A_290 : memref<1x125x64xf32, #tpu.memory_space<hbm>> -> memref<125x64xf32, #tpu.memory_space<hbm>>
      tpu.enqueue_dma source(%arg9 : memref<125x64xf32, #tpu.memory_space<vmem>>) target(%dma_start3A_291 : memref<125x64xf32, #tpu.memory_space<hbm>>) target_semaphore(%run_scoped3A : memref<!tpu.dma_semaphore, #tpu.memory_space<semaphore_mem>>)
      %dma_wait3A_292 = arith.constant 0 : i32
      %dma_wait3A_293 = tpu.memref_slice %arg5[%arg0, %add3A_285, %dma_wait3A_292] : memref<2x10000x64xf32, #tpu.memory_space<hbm>> -> memref<1x125x64xf32, #tpu.memory_space<hbm>>
      %dma_wait3A_294 = tpu.memref_squeeze %dma_wait3A_293 : memref<1x125x64xf32, #tpu.memory_space<hbm>> -> memref<125x64xf32, #tpu.memory_space<hbm>>
      %dma_wait3A_295 = arith.constant 0 : i32
      %dma_wait3A_296 = tpu.memref_slice %arg5[%arg0, %add3A_285, %dma_wait3A_295] : memref<2x10000x64xf32, #tpu.memory_space<hbm>> -> memref<1x125x64xf32, #tpu.memory_space<hbm>>
      %dma_wait3A_297 = tpu.memref_squeeze %dma_wait3A_296 : memref<1x125x64xf32, #tpu.memory_space<hbm>> -> memref<125x64xf32, #tpu.memory_space<hbm>>
      tpu.wait_dma2 semaphore(%run_scoped3A : memref<!tpu.dma_semaphore, #tpu.memory_space<semaphore_mem>>) src(%arg9 : memref<125x64xf32, #tpu.memory_space<vmem>>) dst(%dma_wait3A_297 : memref<125x64xf32, #tpu.memory_space<hbm>>)
      tpu.yield
    }) : () -> ()
    return
  }
}

module attributes {stable_mosaic.version = 14 : i64} {
  func.func @_tc_prep(%arg0: i32, %arg1: memref<2000x128xf32, #tpu.memory_space<vmem>>, %arg2: memref<128x64xf32, #tpu.memory_space<vmem>>, %arg3: memref<2000x2xf32, #tpu.memory_space<vmem>>, %arg4: memref<2000x64xf32, #tpu.memory_space<vmem>>, %arg5: memref<2000x1xf32, #tpu.memory_space<vmem>>) attributes {dimension_semantics = [#tpu.dimension_semantics<arbitrary>], iteration_bounds = array<i64: 5>, scalar_prefetch = 0 : i64, scratch_operands = 0 : i64, tpu.core_type = #tpu.core_type<tc>, window_params = [{transform_indices = @transform_0, window_bounds = array<i64: 2000, 128>}, {pipeline_mode = #tpu.pipeline_mode<synchronous>, transform_indices = @transform_1, window_bounds = array<i64: 128, 64>}, {transform_indices = @transform_2, window_bounds = array<i64: 2000, 2>}, {transform_indices = @transform_3, window_bounds = array<i64: 2000, 64>}, {transform_indices = @transform_4, window_bounds = array<i64: 2000, 1>}]} {
    %get3A = arith.constant 0 : index
    %get3A_0 = arith.constant 0 : index
    %get3A_1 = vector.load %arg3[%get3A, %get3A_0] : memref<2000x2xf32, #tpu.memory_space<vmem>>, vector<2000x1xf32>
    %get3A_2 = arith.constant 0 : index
    %get3A_3 = arith.constant 1 : index
    %get3A_4 = vector.load %arg3[%get3A_2, %get3A_3] : memref<2000x2xf32, #tpu.memory_space<vmem>>, vector<2000x1xf32>
    %add3A = arith.addf %get3A_1, %get3A_4 : vector<2000x1xf32>
    %add3A_5 = arith.constant 1.000000e+00 : f32
    %add3A_6 = vector.broadcast %add3A_5 : f32 to vector<2000x1xf32>
    %add3A_7 = arith.addf %add3A, %add3A_6 : vector<2000x1xf32>
    %rsqrt3A = math.rsqrt %add3A_7 : vector<2000x1xf32>
    %swap3A = arith.constant 0 : index
    %swap3A_8 = arith.constant 0 : index
    %swap3A_9 = vector.load %arg5[%swap3A, %swap3A_8] : memref<2000x1xf32, #tpu.memory_space<vmem>>, vector<2000x1xf32>
    tpu.vector_store %arg5[%swap3A, %swap3A_8], %rsqrt3A {strides = array<i32>} : memref<2000x1xf32, #tpu.memory_space<vmem>>, vector<2000x1xf32>,
    %get3A_10 = arith.constant 0 : index
    %get3A_11 = arith.constant 0 : index
    %get3A_12 = vector.load %arg1[%get3A_10, %get3A_11] : memref<2000x128xf32, #tpu.memory_space<vmem>>, vector<2000x128xf32>
    %get3A_13 = arith.constant 0 : index
    %get3A_14 = arith.constant 0 : index
    %get3A_15 = vector.load %arg2[%get3A_13, %get3A_14] : memref<128x64xf32, #tpu.memory_space<vmem>>, vector<128x64xf32>
    %dot_general3A = arith.constant dense<0.000000e+00> : vector<2000x64xf32>
    %dot_general3A_16 = tpu.matmul %get3A_12, %get3A_15, %dot_general3A {dimension_numbers = #tpu.dot_dimension_numbers<[1], [0], [0], [1], [0, 0, 1, 1], [], []>, transpose_lhs_hint = false} : vector<2000x128xf32>, vector<128x64xf32>, vector<2000x64xf32> -> vector<2000x64xf32>
    %mul3A = vector.broadcast %rsqrt3A : vector<2000x1xf32> to vector<2000x64xf32>
    %mul3A_17 = arith.mulf %dot_general3A_16, %mul3A : vector<2000x64xf32>
    %swap3A_18 = arith.constant 0 : index
    %swap3A_19 = arith.constant 0 : index
    %swap3A_20 = vector.load %arg4[%swap3A_18, %swap3A_19] : memref<2000x64xf32, #tpu.memory_space<vmem>>, vector<2000x64xf32>
    tpu.vector_store %arg4[%swap3A_18, %swap3A_19], %mul3A_17 {strides = array<i32>} : memref<2000x64xf32, #tpu.memory_space<vmem>>, vector<2000x64xf32>,
    return
  }
  func.func @transform_0(%arg0: i32) -> (i32, i32) {
    %c0_i32 = arith.constant 0 : i32
    %c0_i32_0 = arith.constant 0 : i32
    return %arg0, %c0_i32 : i32, i32
  }
  func.func @transform_1(%arg0: i32) -> (i32, i32) {
    %c0_i32 = arith.constant 0 : i32
    %c0_i32_0 = arith.constant 0 : i32
    %c0_i32_1 = arith.constant 0 : i32
    return %c0_i32, %c0_i32_0 : i32, i32
  }
  func.func @transform_2(%arg0: i32) -> (i32, i32) {
    %c0_i32 = arith.constant 0 : i32
    %c0_i32_0 = arith.constant 0 : i32
    return %arg0, %c0_i32 : i32, i32
  }
  func.func @transform_3(%arg0: i32) -> (i32, i32) {
    %c0_i32 = arith.constant 0 : i32
    %c0_i32_0 = arith.constant 0 : i32
    return %arg0, %c0_i32 : i32, i32
  }
  func.func @transform_4(%arg0: i32) -> (i32, i32) {
    %c0_i32 = arith.constant 0 : i32
    %c0_i32_0 = arith.constant 0 : i32
    return %arg0, %c0_i32 : i32, i32
  }
}

module attributes {stable_mosaic.version = 14 : i64} {
  func.func @_tc_mid(%arg0: i32, %arg1: memref<2x2000x64xf32, #tpu.memory_space<vmem>>, %arg2: memref<2000x64xf32, #tpu.memory_space<vmem>>, %arg3: memref<2000x1xf32, #tpu.memory_space<vmem>>, %arg4: memref<2000x64xf32, #tpu.memory_space<vmem>>) attributes {dimension_semantics = [#tpu.dimension_semantics<arbitrary>], iteration_bounds = array<i64: 5>, scalar_prefetch = 0 : i64, scratch_operands = 0 : i64, tpu.core_type = #tpu.core_type<tc>, window_params = [{transform_indices = @transform_0, window_bounds = array<i64: 2, 2000, 64>}, {transform_indices = @transform_1, window_bounds = array<i64: 2000, 64>}, {transform_indices = @transform_2, window_bounds = array<i64: 2000, 1>}, {transform_indices = @transform_3, window_bounds = array<i64: 2000, 64>}]} {
    %get3A = arith.constant 0 : index
    %get3A_0 = arith.constant 0 : index
    %get3A_1 = vector.load %arg3[%get3A, %get3A_0] : memref<2000x1xf32, #tpu.memory_space<vmem>>, vector<2000x1xf32>
    %get3A_2 = arith.constant 0 : index
    %get3A_3 = arith.constant 0 : index
    %get3A_4 = arith.constant 0 : index
    %get3A_5 = vector.load %arg1[%get3A_2, %get3A_3, %get3A_4] : memref<2x2000x64xf32, #tpu.memory_space<vmem>>, vector<1x2000x64xf32>
    %get3A_6 = vector.shape_cast %get3A_5 : vector<1x2000x64xf32> to vector<2000x64xf32>
    %get3A_7 = arith.constant 1 : index
    %get3A_8 = arith.constant 0 : index
    %get3A_9 = arith.constant 0 : index
    %get3A_10 = vector.load %arg1[%get3A_7, %get3A_8, %get3A_9] : memref<2x2000x64xf32, #tpu.memory_space<vmem>>, vector<1x2000x64xf32>
    %get3A_11 = vector.shape_cast %get3A_10 : vector<1x2000x64xf32> to vector<2000x64xf32>
    %add3A = arith.addf %get3A_6, %get3A_11 : vector<2000x64xf32>
    %get3A_12 = arith.constant 0 : index
    %get3A_13 = arith.constant 0 : index
    %get3A_14 = vector.load %arg2[%get3A_12, %get3A_13] : memref<2000x64xf32, #tpu.memory_space<vmem>>, vector<2000x64xf32>
    %add3A_15 = arith.addf %add3A, %get3A_14 : vector<2000x64xf32>
    %mul3A = arith.mulf %get3A_1, %get3A_1 : vector<2000x1xf32>
    %mul3A_16 = vector.broadcast %mul3A : vector<2000x1xf32> to vector<2000x64xf32>
    %mul3A_17 = arith.mulf %add3A_15, %mul3A_16 : vector<2000x64xf32>
    %swap3A = arith.constant 0 : index
    %swap3A_18 = arith.constant 0 : index
    %swap3A_19 = vector.load %arg4[%swap3A, %swap3A_18] : memref<2000x64xf32, #tpu.memory_space<vmem>>, vector<2000x64xf32>
    tpu.vector_store %arg4[%swap3A, %swap3A_18], %mul3A_17 {strides = array<i32>} : memref<2000x64xf32, #tpu.memory_space<vmem>>, vector<2000x64xf32>,
    return
  }
  func.func @transform_0(%arg0: i32) -> (i32, i32, i32) {
    %c0_i32 = arith.constant 0 : i32
    %c0_i32_0 = arith.constant 0 : i32
    %c0_i32_1 = arith.constant 0 : i32
    return %c0_i32, %arg0, %c0_i32_0 : i32, i32, i32
  }
  func.func @transform_1(%arg0: i32) -> (i32, i32) {
    %c0_i32 = arith.constant 0 : i32
    %c0_i32_0 = arith.constant 0 : i32
    return %arg0, %c0_i32 : i32, i32
  }
  func.func @transform_2(%arg0: i32) -> (i32, i32) {
    %c0_i32 = arith.constant 0 : i32
    %c0_i32_0 = arith.constant 0 : i32
    return %arg0, %c0_i32 : i32, i32
  }
  func.func @transform_3(%arg0: i32) -> (i32, i32) {
    %c0_i32 = arith.constant 0 : i32
    %c0_i32_0 = arith.constant 0 : i32
    return %arg0, %c0_i32 : i32, i32
  }
}

module attributes {stable_mosaic.version = 14 : i64} {
  func.func @_tc_final(%arg0: i32, %arg1: memref<2x2000x64xf32, #tpu.memory_space<vmem>>, %arg2: memref<2000x64xf32, #tpu.memory_space<vmem>>, %arg3: memref<2000x1xf32, #tpu.memory_space<vmem>>, %arg4: memref<1x64xf32, #tpu.memory_space<vmem>>, %arg5: memref<2000x64xf32, #tpu.memory_space<vmem>>) attributes {dimension_semantics = [#tpu.dimension_semantics<arbitrary>], iteration_bounds = array<i64: 5>, scalar_prefetch = 0 : i64, scratch_operands = 0 : i64, tpu.core_type = #tpu.core_type<tc>, window_params = [{transform_indices = @transform_0, window_bounds = array<i64: 2, 2000, 64>}, {transform_indices = @transform_1, window_bounds = array<i64: 2000, 64>}, {transform_indices = @transform_2, window_bounds = array<i64: 2000, 1>}, {pipeline_mode = #tpu.pipeline_mode<synchronous>, transform_indices = @transform_3, window_bounds = array<i64: 1, 64>}, {transform_indices = @transform_4, window_bounds = array<i64: 2000, 64>}]} {
    %get3A = arith.constant 0 : index
    %get3A_0 = arith.constant 0 : index
    %get3A_1 = arith.constant 0 : index
    %get3A_2 = vector.load %arg1[%get3A, %get3A_0, %get3A_1] : memref<2x2000x64xf32, #tpu.memory_space<vmem>>, vector<1x2000x64xf32>
    %get3A_3 = vector.shape_cast %get3A_2 : vector<1x2000x64xf32> to vector<2000x64xf32>
    %get3A_4 = arith.constant 1 : index
    %get3A_5 = arith.constant 0 : index
    %get3A_6 = arith.constant 0 : index
    %get3A_7 = vector.load %arg1[%get3A_4, %get3A_5, %get3A_6] : memref<2x2000x64xf32, #tpu.memory_space<vmem>>, vector<1x2000x64xf32>
    %get3A_8 = vector.shape_cast %get3A_7 : vector<1x2000x64xf32> to vector<2000x64xf32>
    %add3A = arith.addf %get3A_3, %get3A_8 : vector<2000x64xf32>
    %get3A_9 = arith.constant 0 : index
    %get3A_10 = arith.constant 0 : index
    %get3A_11 = vector.load %arg2[%get3A_9, %get3A_10] : memref<2000x64xf32, #tpu.memory_space<vmem>>, vector<2000x64xf32>
    %add3A_12 = arith.addf %add3A, %get3A_11 : vector<2000x64xf32>
    %get3A_13 = arith.constant 0 : index
    %get3A_14 = arith.constant 0 : index
    %get3A_15 = vector.load %arg3[%get3A_13, %get3A_14] : memref<2000x1xf32, #tpu.memory_space<vmem>>, vector<2000x1xf32>
    %mul3A = vector.broadcast %get3A_15 : vector<2000x1xf32> to vector<2000x64xf32>
    %mul3A_16 = arith.mulf %add3A_12, %mul3A : vector<2000x64xf32>
    %get3A_17 = arith.constant 0 : index
    %get3A_18 = arith.constant 0 : index
    %get3A_19 = vector.load %arg4[%get3A_17, %get3A_18] : memref<1x64xf32, #tpu.memory_space<vmem>>, vector<1x64xf32>
    %add3A_20 = vector.broadcast %get3A_19 : vector<1x64xf32> to vector<2000x64xf32>
    %add3A_21 = arith.addf %mul3A_16, %add3A_20 : vector<2000x64xf32>
    %reduce_max3A = arith.constant dense<0xFF800000> : vector<2000xf32>
    %reduce_max3A_22 = vector.multi_reduction <maximumf>, %add3A_21, %reduce_max3A [1] : vector<2000x64xf32> to vector<2000xf32>
    %broadcast_in_dim3A = vector.shape_cast %reduce_max3A_22 : vector<2000xf32> to vector<2000x1xf32>
    %sub3A = vector.broadcast %broadcast_in_dim3A : vector<2000x1xf32> to vector<2000x64xf32>
    %sub3A_23 = arith.subf %add3A_21, %sub3A : vector<2000x64xf32>
    %exp3A = math.exp %sub3A_23 : vector<2000x64xf32>
    %reduce_sum3A = arith.constant dense<0.000000e+00> : vector<2000xf32>
    %reduce_sum3A_24 = vector.multi_reduction <add>, %exp3A, %reduce_sum3A [1] : vector<2000x64xf32> to vector<2000xf32>
    %broadcast_in_dim3A_25 = vector.shape_cast %reduce_sum3A_24 : vector<2000xf32> to vector<2000x1xf32>
    %log3A = math.log %broadcast_in_dim3A_25 : vector<2000x1xf32>
    %sub3A_26 = vector.broadcast %broadcast_in_dim3A : vector<2000x1xf32> to vector<2000x64xf32>
    %sub3A_27 = arith.subf %add3A_21, %sub3A_26 : vector<2000x64xf32>
    %sub3A_28 = vector.broadcast %log3A : vector<2000x1xf32> to vector<2000x64xf32>
    %sub3A_29 = arith.subf %sub3A_27, %sub3A_28 : vector<2000x64xf32>
    %swap3A = arith.constant 0 : index
    %swap3A_30 = arith.constant 0 : index
    %swap3A_31 = vector.load %arg5[%swap3A, %swap3A_30] : memref<2000x64xf32, #tpu.memory_space<vmem>>, vector<2000x64xf32>
    tpu.vector_store %arg5[%swap3A, %swap3A_30], %sub3A_29 {strides = array<i32>} : memref<2000x64xf32, #tpu.memory_space<vmem>>, vector<2000x64xf32>,
    return
  }
  func.func @transform_0(%arg0: i32) -> (i32, i32, i32) {
    %c0_i32 = arith.constant 0 : i32
    %c0_i32_0 = arith.constant 0 : i32
    %c0_i32_1 = arith.constant 0 : i32
    return %c0_i32, %arg0, %c0_i32_0 : i32, i32, i32
  }
  func.func @transform_1(%arg0: i32) -> (i32, i32) {
    %c0_i32 = arith.constant 0 : i32
    %c0_i32_0 = arith.constant 0 : i32
    return %arg0, %c0_i32 : i32, i32
  }
  func.func @transform_2(%arg0: i32) -> (i32, i32) {
    %c0_i32 = arith.constant 0 : i32
    %c0_i32_0 = arith.constant 0 : i32
    return %arg0, %c0_i32 : i32, i32
  }
  func.func @transform_3(%arg0: i32) -> (i32, i32) {
    %c0_i32 = arith.constant 0 : i32
    %c0_i32_0 = arith.constant 0 : i32
    %c0_i32_1 = arith.constant 0 : i32
    return %c0_i32, %c0_i32_0 : i32, i32
  }
  func.func @transform_4(%arg0: i32) -> (i32, i32) {
    %c0_i32 = arith.constant 0 : i32
    %c0_i32_0 = arith.constant 0 : i32
    return %arg0, %c0_i32 : i32, i32
  }
}

</mosaic_0001>

<sc_bundles>
// kernel: kernel.11.cloned.1.call-start
scs
__scs_entry_jumppad:
0x0: {  	(pc) =	sbr.rel $0x88, $3  }
0x1: {  	(tag) =	ssettag $0x0;
	lr =	simm.s32 $0x1  }
0x2: {  	[smem:$0x3F9D] =	sst lr;
	_ =	strace $0xD0000000  }
0x3: {  	_ = 	snop  }
0x4: {  	_ = 	snop  }
0x5: {  	_ = 	snop  }
0x6: {  	_ = 	snop  }
0x7: {  	_ = 	snop  }
__scs_overlays_trampoline_lowered:
0x8: {  	[smem:$0x3FAC] =	sst s0  }
0x9: {  	[smem:$0x3FAD] =	sst s1  }
0xa: {  	[smem:$0x3FAE] =	sst s2  }
0xb: {  	[smem:$0x3FAF] =	sst s3  }
0xc: {  	[smem:$0x3FB0] =	sst s4  }
0xd: {  	[smem:$0x3FB1] =	sst s5  }
0xe: {  	[smem:$0x3FB2] =	sst s6  }
0xf: {  	[smem:$0x3FB3] =	sst s7  }
0x10: {  	[smem:$0x3FB4] =	sst s8  }
0x11: {  	[smem:$0x3FB5] =	sst s9;
	s0 =	simm.s32 @!p0 $0x0  }
0x12: {  	s1 =	sld [smem:$0x3F9B];
	s0 =	simm.s32 @p0 $0x1  }
0x13: {  	[smem:$0x3FB6] =	sst s0;
	s0 =	simm.s32 @!p1 $0x0  }
0x14: {  	s2 =	sld [smem:$0x3F9A];
	s0 =	simm.s32 @p1 $0x1  }
0x15: {  	[smem:$0x3FB7] =	sst s0;
	s0 =	simm.s32 @!p2 $0x0  }
0x16: {  	s3 =	sld [smem:$0x3FDB];
	s0 =	simm.s32 @p2 $0x1  }
0x17: {  	s4 =	simm.s32 $0x1BF5;
	[smem:$0x3FB9] =	sst s0  }
0x18: {  	s0 =	sld [smem:$0x3F9C];
	_ =	swait.ge [sflag:s4], $0x0  }
0x19: {  	s7 =	sld [smem:$0x3F9D]  }
0x1a: {  	s8 =	sadd.s32 $0xFFFFE003, lr  }
0x1b: {  	s9 =	sadd.s32 $0xFFFFFEF7, lr;
	s5 =	simm.s32 $0xFFFFFFFF;
	p2 =	slt.u32 s8, $0xFFFFF086  }
0x1c: {  	p1 =	slt.u32 s9, $0xF7A;
	s5 =	simm.s32 @!p2 $0x0  }
0x1d: {  	s5 =	simm.s32 @p1 $0x1;
	p0 =	seq.s32 s7, s2  }
0x1e: {  	s7 =	smul.u32 @!p0 $0xF7A, s2;
	p2 =	seq.s32 @!p0 s5, $0x0  }
0x1f: {  	s9 =	smul.u32 $0xF7A, s1;
	s8 =	simm.s32 @!p0 $0x1BF5;
	p2 =	por !p2, p0  }
0x20: {  	[sflag:s8] =	ssyncset.s32 @!p0 $0xFFFFF086;
	s6 =	sadd.s32 @!p0 s3, s7;
	s7 =	simm.s32 @!p0 $0x108  }
0x21: {  	s3 =	sadd.s32 s3, s9;
	s6 =	sadd.s32 @!p0 $0x88, s6;
	s7 =	simm.s32 @p2 $0x1082  }
0x22: {  	[simem:s7], [sflag:s8] =	dma.local @!p0 [hbm:s6], $0xF7A  }
0x23: {  	s9 =	sor.u32 $0xD0000000, s2;
	s6 =	simm.s32 $0x108;
	_ =	swait.ge @!p0 [sflag:s8], $0x0  }
0x24: {  	s3 =	sadd.s32 $0x88, s3;
	s6 =	simm.s32 @!p1 $0x1082;
	[sflag:s4] =	ssyncset.s32 $0xFFFFF086  }
0x25: {  	[simem:s6], [sflag:s4] =	dma.local [hbm:s3], $0xF7A  }
0x26: {  	[smem:$0x3F9D] =	sst s1;
	(tag) =	ssettag s2;
	_ =	strace s9  }
0x27: {  	s1 =	sld [smem:$0x3FAD]  }
0x28: {  	s2 =	sld [smem:$0x3FAE]  }
0x29: {  	s4 =	sld [smem:$0x3FB0]  }
0x2a: {  	p0 =	seq.s32 s5, $0x0;
	s5 =	sld [smem:$0x3FB1]  }
0x2b: {  	s6 =	sld [smem:$0x3FB2]  }
0x2c: {  	s7 =	sld [smem:$0x3FB3]  }
0x2d: {  	s3 =	simm.s32 $0x108;
	s8 =	sld [smem:$0x3FB4]  }
0x2e: {  	s3 =	simm.s32 @!p0 $0x1082;
	s9 =	sld [smem:$0x3FB5]  }
0x2f: {  	lr =	sadd.s32 s0, s3;
	s0 =	sld [smem:$0x3FAC]  }
0x30: {  	s3 =	sld [smem:$0x3FAF]  }
0x31: {  	[smem:$0x3FB8] =	sst s10  }
0x32: {  	s10 =	sld [smem:$0x3FB6];
	_ =	sdelay $0x3  }
0x33: {  	p0 =	seq.s32 s10, $0x1;
	s10 =	sld [smem:$0x3FB8];
	_ =	sdelay $0x3  }
0x34: {  	[smem:$0x3FB8] =	sst s10  }
0x35: {  	s10 =	sld [smem:$0x3FB7];
	_ =	sdelay $0x3  }
0x36: {  	p1 =	seq.s32 s10, $0x1;
	s10 =	sld [smem:$0x3FB8];
	_ =	sdelay $0x3  }
0x37: {  	[smem:$0x3FB8] =	sst s10  }
0x38: {  	s10 =	sld [smem:$0x3FB9]  }
0x39: {  	_ = 	snop;
	(pc) =	sbr.ind lr, $3  }
0x3a: {  	_ = 	snop  }
0x3b: {  	_ = 	snop  }
0x3c: {  	p2 =	seq.s32 s10, $0x1;
	s10 =	sld [smem:$0x3FB8]  }
0x3d: {  	_ =	shalt  }
0x3e: {  	_ =	shalt  }
0x3f: {  	_ =	shalt  }
0x40: {  	_ =	shalt  }
0x41: {  	_ =	shalt  }
0x42: {  	_ =	shalt  }
0x43: {  	_ =	shalt  }
0x44: {  	_ =	shalt  }
0x45: {  	_ =	shalt  }
0x46: {  	_ =	shalt  }
0x47: {  	_ =	shalt  }
0x48: {  	_ =	shalt  }
0x49: {  	_ =	shalt  }
0x4a: {  	_ =	shalt  }
0x4b: {  	_ =	shalt  }
0x4c: {  	_ =	shalt  }
0x4d: {  	_ =	shalt  }
0x4e: {  	_ =	shalt  }
0x4f: {  	_ =	shalt  }
0x50: {  	_ =	shalt  }
0x51: {  	_ =	shalt  }
0x52: {  	_ =	shalt  }
0x53: {  	_ =	shalt  }
0x54: {  	_ =	shalt  }
0x55: {  	_ =	shalt  }
0x56: {  	_ =	shalt  }
0x57: {  	_ =	shalt  }
0x58: {  	_ =	shalt  }
0x59: {  	_ =	shalt  }
0x5a: {  	_ =	shalt  }
0x5b: {  	_ =	shalt  }
0x5c: {  	_ =	shalt  }
0x5d: {  	_ =	shalt  }
0x5e: {  	_ =	shalt  }
0x5f: {  	_ =	shalt  }
0x60: {  	_ =	shalt  }
0x61: {  	_ =	shalt  }
0x62: {  	_ =	shalt  }
0x63: {  	_ =	shalt  }
0x64: {  	_ =	shalt  }
0x65: {  	_ =	shalt  }
0x66: {  	_ =	shalt  }
0x67: {  	_ =	shalt  }
0x68: {  	_ =	shalt  }
0x69: {  	_ =	shalt  }
0x6a: {  	_ =	shalt  }
0x6b: {  	_ =	shalt  }
0x6c: {  	_ =	shalt  }
0x6d: {  	_ =	shalt  }
0x6e: {  	_ =	shalt  }
0x6f: {  	_ =	shalt  }
0x70: {  	_ =	shalt  }
0x71: {  	_ =	shalt  }
0x72: {  	_ =	shalt  }
0x73: {  	_ =	shalt  }
0x74: {  	_ =	shalt  }
0x75: {  	_ =	shalt  }
0x76: {  	_ =	shalt  }
0x77: {  	_ =	shalt  }
0x78: {  	_ =	shalt  }
0x79: {  	_ =	shalt  }
0x7a: {  	_ =	shalt  }
0x7b: {  	_ =	shalt  }
0x7c: {  	_ =	shalt  }
0x7d: {  	_ =	shalt  }
0x7e: {  	_ =	shalt  }
0x7f: {  	_ =	shalt  }
0x80: {  	_ =	shalt  }
0x81: {  	_ =	shalt  }
0x82: {  	_ =	shalt  }
0x83: {  	_ =	shalt  }
0x84: {  	_ =	shalt  }
0x85: {  	_ =	shalt  }
0x86: {  	_ =	shalt  }
0x87: {  	_ =	shalt  }
.Lfunc_end0:
.L_simem_size_0:
called_computation.1_lowered:
.L_overlay_start_0:
0x88: {  	s2 =	sld [smem:$0x3FD9]  }
0x89: {  	s3 =	sld [smem:$0x3FFE];
	_ =	sdelay $0x1  }
0x8a: {  	s1 =	srdreg.scid  }
0x8b: {  	s0 =	sand.u32 $0x1, s1  }
0x8c: {  	s17 =	sshll.u32 s0, $0xA;
	s2 =	sadd.s32 s3, s2  }
0x8d: {  	s2 =	sadd.s32 s2, s17  }
0x8e: {  	[smem:$0x3FC4] =	sst s2  }
0x8f: {  	_ = 	snop  }
0x90: {  	s2 =	sld [smem:$0x3FD0];
	(tm) =	ssettm $0x1  }
0x91: {  	s18 =	sld [smem:$0x3FFB];
	_ =	sdelay $0x3  }
0x92: {  	_ =	strace s18  }
0x93: {  	s3 =	sld [smem:$0x3FFC];
	_ =	sdelay $0x3  }
0x94: {  	_ =	strace s3  }
0x95: {  	s3 =	sld [smem:$0x3FFD];
	_ =	sdelay $0x3  }
0x96: {  	_ =	strace s3  }
0x97: {  	_ =	strace $0x8FFFFFFF  }
0x98: {  	s19 =	sld [smem:$0x3FDB];
	_ =	sdelay $0x1  }
0x99: {  	s4 =	simm.s32 $_scs_section_size  }
0x9a: {  	s5 =	simm.s32 $_size__tile_overlayer_lowered;
	s6 =	simm.s32 $_tile_overlayer_lowered  }
0x9b: {  	s22 =	simm.s32 $0x1BFF;
	s21 =	sshll.u32 s6, $0x1;
	s3 =	sadd.s32 s4, s19  }
0x9c: {  	s7 =	simm.s32 $0x0;
	s20 =	sshll.u32 s5, $0x1;
	s5 =	sadd.s32 s21, s3  }
0x9d: {  	[timem:s7], [sflag:s22] =	dma.local [hbm:s5], s20  }
0x9e: {  	_ =	swait.ge [sflag:s22], s20  }
0x9f: {  	s4 =	ssub.s32 $0x0, s20;
	[sflag:s22] =	ssyncset.done $0x0  }
0xa0: {  	[sflag:s22] =	ssyncadd.s32 s4;
	_ =	sdelay $0x1  }
0xa1: {  	s23 =	simm.s32 $0x1B8B  }
0xa2: {  	_ =	swait.ge [sflag:s23], $0x1  }
0xa3: {  	[sflag:s23] =	ssyncset.done $0x0  }
0xa4: {  	s25 =	simm.s32 $0x1B8E;
	s24 =	sld [smem:$0x3FFE];
	[sflag:s23] =	ssyncadd.s32 $0xFFFFFFFF  }
0xa5: {  	s26 =	simm.s32 $execute0_lowered;
	[smem:$0x3FD2] =	sst s25  }
0xa6: {  	s5 =	sshll.u32 s26, $0x1;
	_ =	strace $0x80000049;
	[dreg:$0x1] =	wrdreg $0xFFFFFFFF  }
0xa7: {  	s28 =	simm.s32 $_size_execute0_lowered;
	s3 =	sadd.s32 s3, s5;
	[dreg:$0x0] =	wrdreg $0x0  }
0xa8: {  	s5 =	sshll.u32 s28, $0x1;
	[dreg:$0x2] =	wrdreg s3  }
0xa9: {  	[dreg:$0x3] =	wrdreg s5  }
0xaa: {  	[dreg:$0x4] =	wrdreg $0xC0  }
0xab: {  	_ =	task [dreg:s7], $0x5FFFF  }
0xac: {  	[dreg:$0x1] =	wrdreg $0xFFFFFFFF  }
0xad: {  	[dreg:$0x0] =	wrdreg $0x60  }
0xae: {  	[dreg:$0x2] =	wrdreg s2  }
0xaf: {  	[dreg:$0x3] =	wrdreg s24  }
0xb0: {  	[dreg:$0x4] =	wrdreg $0xD1600  }
0xb1: {  	[dreg:$0x5] =	wrdreg $0x9  }
0xb2: {  	_ =	task.clear_ibuf [dreg:s7], $0x6FFFF;
	_ =	strace $0x90000049  }
0xb3: {  	s29 =	simm.s32 $0x9;
	_ =	strace $0x8000004B  }
0xb4: {  	_ =	swait.ge [sflag:s29], $0x1  }
0xb5: {  	[sflag:s29] =	ssyncadd.s32 $0xFFFFFFFF  }
0xb6: {  	_ =	strace $0x9000004B  }
0xb7: {  	_ =	sfence  }
0xb8: {  	s30 =	sld [smem:$0x0];
	_ =	sdelay $0x2  }
0xb9: {  	s31 =	sshll.u32 s1, $0xD;
	s1 =	sshrl.u32 s1, $0x2  }
0xba: {  	s3 =	sand.u32 $0x4000, s31;
	s1 =	sadd.s32 s1, s30  }
0xbb: {  	s0 =	sor.u32 s3, s0;
	s1 =	sshll.u32 s1, $0x11  }
0xbc: {  	s0 =	sor.u32 s1, s0  }
0xbd: {  	s0 =	sadd.s32 $0x8F2B, s0  }
0xbe: {  	[sflag:s0] =	ssyncadd.remote.s32 $0x1  }
0xbf: {  	_ =	sfence.sel $0xFFFF  }
0xc0: {  	[dreg:$0x0] =	wrdreg $0xFFFFFFFF;
	(pc) =	sbr.abs _section_cstart, $3  }
0xc1: {  	[dreg:$0x1] =	wrdreg $0xFFFFFFFF  }
0xc2: {  	_ =	task.clear_ibuf [dreg:s7], $0x2FFFF;
	_ =	strace $0x9FFFFFFF  }
0xc3: {  	(tm) =	ssettm $0x7FFFFFFF  }
tec
execute0_lowered:
.L_overlay_start_1:
0x0: {  	(tag) =	ssettag $0x1  }
0x1: {  	s1 =	rddreg [dreg:$0x0]  }
0x2: {  	s0 =	srdreg.scid;
	s2 =	rddreg [dreg:$0x1]  }
0x3: {  	s8 =	stileid.u32;
	s3 =	rddreg [dreg:$0x2];
	s18 =	simm.s32 $0xB  }
0x4: {  	s20 =	simm.s32 $0xB220;
	s21 =	simm.s32 $0x50;
	s28 =	simm.s32 $0x8A20  }
0x5: {  	s30 =	simm.s32 $0x9E20;
	s31 =	simm.s32 $0x1;
	s19 =	simm.s32 $0x4  }
0x6: {  	s0 =	sand.u32 $0x1, s0;
	s4 =	sshll.u32 s8, $0x1;
	s11 =	smul.u32 $0x9C40, s8  }
0x7: {  	s5 =	sor.u32 s0, s4;
	s6 =	ssub.s32 $0x2, s0;
	s0 =	smul.u32 $0x9C400, s0  }
0x8: {  	s29 =	simm.s32 $0x7;
	s4 =	simm.s32 $0x0;
	s5 =	smul.u32 $0x4E2, s5  }
0x9: {  	[smem:$0x7FF] =	sst s4;
	s7 =	sshrl.u32 s6, $0x1;
	s23 =	sadd.s32 $0x1F40, s11  }
0xa: {  	s12 =	sadd.s32 $0x3E80, s11;
	s13 =	sadd.s32 $0x5DC0, s11;
	s15 =	sadd.s32 $0x7D00, s11  }
0xb: {  	_ =	strace $0x8000004A;
	s6 =	ssub.s32 s6, s7;
	s7 =	sadd.s32 s11, s3  }
0xc: {  	s8 =	sadd.s32 s23, s3;
	s9 =	sadd.s32 s12, s3;
	s10 =	sadd.s32 s13, s3  }
0xd: {  	s14 =	sadd.s32 s11, s0;
	s11 =	sadd.s32 s15, s3;
	s24 =	sadd.s32 s0, s12  }
0xe: {  	s25 =	sadd.s32 s0, s13;
	s13 =	simm.s32 $0x0;
	s5 =	sadd.s32 s5, s2  }
0xf: {  	s2 =	sadd.s32 $0x14E00, s2;
	s14 =	sshrl.u32 s14, $0x3;
	s12 =	sshrl.u32 s25, $0x3  }
0x10: {  	s17 =	smax.u32 s6, $0x1;
	s25 =	simm.s32 $0x7620;
	s22 =	sadd.s32 $0x1200, s5  }
0x11: {  	s6 =	simm.s32 $0x9;
	s5 =	sadd.s32 $0xB000, s5;
	[dreg:$0x4] =	wrdreg s22  }
0x12: {  	s14 =	sadd.s32 s2, s14;
	s26 =	sadd.s32 s2, s12;
	[dreg:$0x5] =	wrdreg s5  }
0x13: {  	s12 =	simm.s32 $0xA;
	s5 =	sadd.s32 s0, s23;
	[dreg:$0x6] =	wrdreg s14  }
0x14: {  	s0 =	sadd.s32 s0, s15;
	[dreg:$0x9] =	wrdreg s26;
	s5 =	sshrl.u32 s5, $0x3  }
0x15: {  	s22 =	simm.s32 $0x4E20;
	s0 =	sshrl.u32 s0, $0x3;
	s5 =	sadd.s32 s2, s5  }
0x16: {  	s23 =	simm.s32 $0x6220;
	s0 =	sadd.s32 s2, s0;
	[dreg:$0x7] =	wrdreg s5  }
0x17: {  	s26 =	simm.s32 $0x6;
	s5 =	sshrl.u32 s24, $0x3;
	[dreg:$0xa] =	wrdreg s0  }
0x18: {  	s0 =	simm.s32 $0x3;
	s24 =	simm.s32 $0x5;
	s5 =	sadd.s32 s2, s5  }
0x19: {  	v0 =	vimm.f32 $0.0e+00;
	s2 =	simm.s32 $0x2;
	[dreg:$0x8] =	wrdreg s5;
	s5 =	simm.s32 $0x8  }
.LBB2_1:
0x1a: {  	s14 =	rddreg [dreg:$0x4]  }
0x1b: {  	[tilespmem:s4], [sflag:$0xB] =	stream.linear.gather [hbm4b:s14+s4], $0x2710, $0x38;
	[tilespmem:$0x16EE0] =	vst v63  }
0x1c: {  	_ =	swait.ge [sflag:s18], $0x2710  }
0x1d: {  	[sflag:s18] =	ssyncset.done $0x0  }
0x1e: {  	s15 =	simm.s32 $0x2710;
	s16 =	rddreg [dreg:$0x5];
	[sflag:s18] =	ssyncadd.s32 $0xFFFFD8F0  }
0x1f: {  	[tilespmem:s15], [sflag:$0xB] =	stream.linear.gather [hbm4b:s16+s4], $0x2710, $0x38;
	[tilespmem:$0x16EE0] =	vst v63  }
0x20: {  	_ =	swait.ge [sflag:s18], $0x2710  }
0x21: {  	[sflag:s18] =	ssyncset.done $0x0  }
0x22: {  	s14 =	simm.s32 $0x0;
	s15 =	simm.s32 $0x100;
	[sflag:s18] =	ssyncadd.s32 $0xFFFFD8F0  }
.LBB2_2:
0x23: {  	p0 =	sne.s32 s15, $0x7C00;
	[tilespmem:s14+$0xB250] =	vst v0;
	s16 =	smov.u32 s15;
	s15 =	sadd.s32 $0x100, s15  }
.Ltmp0:
0x24: {  	[tilespmem:s14+$0xB240] =	vst v0;
	(pc) =	sbr.rel @p0 .LBB2_2-.Ltmp0, $3  }
0x25: {  	[tilespmem:s14+$0xB220] =	vst v0  }
0x26: {  	[tilespmem:s14+$0xB230] =	vst v0;
	_ =	sdelay $0x1  }
0x27: {  	s14 =	sshra.s32 s16, $0x2  }
0x28: {  	[tilespmem:s14+$0xB250] =	vst v0  }
0x29: {  	[tilespmem:s14+$0xB240] =	vst v0  }
0x2a: {  	[tilespmem:s14+$0xB220] =	vst v0  }
0x2b: {  	[tilespmem:s14+$0xB230] =	vst v0  }
0x2c: {  	[spmem:s7] =	stream.linear.scatter [tilespmem:s20], [sflag:$0xB], $0x1F40, $0x38;
	[tilespmem:$0x16EE0] =	vst v63  }
0x2d: {  	_ =	swait.ge [sflag:s18], $0x1F40  }
0x2e: {  	[sflag:s18] =	ssyncset.done $0x0  }
0x2f: {  	[sflag:s18] =	ssyncadd.s32 $0xFFFFE0C0  }
0x30: {  	[spmem:s8] =	stream.linear.scatter [tilespmem:s20], [sflag:$0xB], $0x1F40, $0x38;
	[tilespmem:$0x16EE0] =	vst v63  }
0x31: {  	_ =	swait.ge [sflag:s18], $0x1F40  }
0x32: {  	[sflag:s18] =	ssyncset.done $0x0  }
0x33: {  	[sflag:s18] =	ssyncadd.s32 $0xFFFFE0C0  }
0x34: {  	[spmem:s9] =	stream.linear.scatter [tilespmem:s20], [sflag:$0xB], $0x1F40, $0x38;
	[tilespmem:$0x16EE0] =	vst v63  }
0x35: {  	_ =	swait.ge [sflag:s18], $0x1F40  }
0x36: {  	[sflag:s18] =	ssyncset.done $0x0  }
0x37: {  	[sflag:s18] =	ssyncadd.s32 $0xFFFFE0C0  }
0x38: {  	[spmem:s10] =	stream.linear.scatter [tilespmem:s20], [sflag:$0xB], $0x1F40, $0x38;
	[tilespmem:$0x16EE0] =	vst v63  }
0x39: {  	_ =	swait.ge [sflag:s18], $0x1F40  }
0x3a: {  	[sflag:s18] =	ssyncset.done $0x0  }
0x3b: {  	[sflag:s18] =	ssyncadd.s32 $0xFFFFE0C0  }
0x3c: {  	[spmem:s11] =	stream.linear.scatter [tilespmem:s20], [sflag:$0xB], $0x1F40, $0x38;
	[tilespmem:$0x16EE0] =	vst v63  }
0x3d: {  	_ =	swait.ge [sflag:s18], $0x1F40  }
0x3e: {  	[sflag:s18] =	ssyncset.done $0x0  }
0x3f: {  	[sflag:s18] =	ssyncadd.s32 $0xFFFFE0C0  }
0x40: {  	s16 =	simm.s32 $0x0;
	[bflag:$0x0] =	sbarrier.arrive $0xFFFF  }
0x41: {  	[tilespmem:s22], [sflag:$0x1] =	stream.indirect.gather [hbm4b:s1+s21], $0x40, s16, s21, $0xb8;
	[tilespmem:$0x16EE0] =	vst v63  }
0x42: {  	_ = 	snop  }
0x43: {  	[tilespmem:s23], [sflag:$0x2] =	stream.indirect.gather [hbm4b:s1+s21], $0x40, s21, s21, $0xb8;
	[tilespmem:$0x16EE0] =	vst v63  }
0x44: {  	s15 =	simm.s32 $0xA0  }
0x45: {  	[tilespmem:s25], [sflag:$0x3] =	stream.indirect.gather [hbm4b:s1+s21], $0x40, s15, s21, $0xb8;
	[tilespmem:$0x16EE0] =	vst v63  }
0x46: {  	s16 =	simm.s32 $0xF0  }
0x47: {  	[tilespmem:s28], [sflag:$0x4] =	stream.indirect.gather [hbm4b:s1+s21], $0x40, s16, s21, $0xb8;
	[tilespmem:$0x16EE0] =	vst v63  }
0x48: {  	s15 =	simm.s32 $0x140  }
0x49: {  	[tilespmem:s30], [sflag:$0x5] =	stream.indirect.gather [hbm4b:s1+s21], $0x40, s15, s21, $0xb8;
	[tilespmem:$0x16EE0] =	vst v63  }
0x4a: {  	_ =	swait.ge [sflag:s31], $0x1400  }
0x4b: {  	[sflag:s31] =	ssyncset.done $0x0  }
0x4c: {  	s16 =	simm.s32 $0x2710;
	[sflag:s31] =	ssyncadd.s32 $0xFFFFEC00  }
0x4d: {  	[spmem:s3] =	stream.indirect.scatter.add.f32 [tilespmem:s22], [sflag:$0x6], $0x40, s16, s21, $0xb8;
	[tilespmem:$0x16EE0] =	vst v63  }
0x4e: {  	_ =	swait.ge [sflag:s2], $0x1400  }
0x4f: {  	[sflag:s2] =	ssyncset.done $0x0  }
0x50: {  	s15 =	simm.s32 $0x2760;
	[sflag:s2] =	ssyncadd.s32 $0xFFFFEC00  }
0x51: {  	[spmem:s3] =	stream.indirect.scatter.add.f32 [tilespmem:s23], [sflag:$0x7], $0x40, s15, s21, $0xb8;
	[tilespmem:$0x16EE0] =	vst v63  }
0x52: {  	_ =	swait.ge [sflag:s0], $0x1400  }
0x53: {  	[sflag:s0] =	ssyncset.done $0x0  }
0x54: {  	s16 =	simm.s32 $0x27B0;
	[sflag:s0] =	ssyncadd.s32 $0xFFFFEC00  }
0x55: {  	[spmem:s3] =	stream.indirect.scatter.add.f32 [tilespmem:s25], [sflag:$0x8], $0x40, s16, s21, $0xb8;
	[tilespmem:$0x16EE0] =	vst v63  }
0x56: {  	_ =	swait.ge [sflag:s19], $0x1400  }
0x57: {  	[sflag:s19] =	ssyncset.done $0x0  }
0x58: {  	s15 =	simm.s32 $0x2800;
	[sflag:s19] =	ssyncadd.s32 $0xFFFFEC00  }
0x59: {  	[spmem:s3] =	stream.indirect.scatter.add.f32 [tilespmem:s28], [sflag:$0x9], $0x40, s15, s21, $0xb8;
	[tilespmem:$0x16EE0] =	vst v63  }
0x5a: {  	_ =	swait.ge [sflag:s24], $0x1400  }
0x5b: {  	[sflag:s24] =	ssyncset.done $0x0  }
0x5c: {  	s16 =	simm.s32 $0x2850;
	[sflag:s24] =	ssyncadd.s32 $0xFFFFEC00  }
0x5d: {  	[spmem:s3] =	stream.indirect.scatter.add.f32 [tilespmem:s30], [sflag:$0xA], $0x40, s16, s21, $0xb8;
	[tilespmem:$0x16EE0] =	vst v63  }
0x5e: {  	_ =	swait.ge [sflag:s26], $0x1400  }
0x5f: {  	[sflag:s26] =	ssyncset.done $0x0  }
0x60: {  	s15 =	simm.s32 $0x190;
	[sflag:s26] =	ssyncadd.s32 $0xFFFFEC00  }
0x61: {  	[tilespmem:s22], [sflag:$0x1] =	stream.indirect.gather [hbm4b:s1+s21], $0x40, s15, s21, $0xb8;
	[tilespmem:$0x16EE0] =	vst v63  }
0x62: {  	_ =	swait.ge [sflag:s29], $0x1400  }
0x63: {  	[sflag:s29] =	ssyncset.done $0x0  }
0x64: {  	s16 =	simm.s32 $0x1E0;
	[sflag:s29] =	ssyncadd.s32 $0xFFFFEC00  }
0x65: {  	[tilespmem:s23], [sflag:$0x2] =	stream.indirect.gather [hbm4b:s1+s21], $0x40, s16, s21, $0xb8;
	[tilespmem:$0x16EE0] =	vst v63  }
0x66: {  	_ =	swait.ge [sflag:s5], $0x1400  }
0x67: {  	[sflag:s5] =	ssyncset.done $0x0  }
0x68: {  	s15 =	simm.s32 $0x230;
	[sflag:s5] =	ssyncadd.s32 $0xFFFFEC00  }
0x69: {  	[tilespmem:s25], [sflag:$0x3] =	stream.indirect.gather [hbm4b:s1+s21], $0x40, s15, s21, $0xb8;
	[tilespmem:$0x16EE0] =	vst v63  }
0x6a: {  	_ =	swait.ge [sflag:s6], $0x1400  }
0x6b: {  	[sflag:s6] =	ssyncset.done $0x0  }
0x6c: {  	s16 =	simm.s32 $0x280;
	[sflag:s6] =	ssyncadd.s32 $0xFFFFEC00  }
0x6d: {  	[tilespmem:s28], [sflag:$0x4] =	stream.indirect.gather [hbm4b:s1+s21], $0x40, s16, s21, $0xb8;
	[tilespmem:$0x16EE0] =	vst v63  }
0x6e: {  	_ =	swait.ge [sflag:s12], $0x1400  }
0x6f: {  	[sflag:s12] =	ssyncset.done $0x0  }
0x70: {  	s14 =	simm.s32 $0x640;
	s15 =	simm.s32 $0x2D0;
	[sflag:s12] =	ssyncadd.s32 $0xFFFFEC00  }
.LBB2_4:
0x71: {  	[tilespmem:s30], [sflag:$0x5] =	stream.indirect.gather [hbm4b:s1+s21], $0x40, s15, s21, $0xb8;
	[tilespmem:$0x16EE0] =	vst v63  }
0x72: {  	s15 =	smov.u32 s14  }
0x73: {  	p0 =	sne.s32 s14, $0x8FC0;
	s14 =	sadd.s32 $0x640, s14;
	_ =	swait.ge [sflag:s31], $0x1400  }
0x74: {  	s15 =	sshra.s32 s15, $0x2;
	[sflag:s31] =	ssyncset.done $0x0  }
0x75: {  	s16 =	sadd.s32 $0x2710, s15;
	[sflag:s31] =	ssyncadd.s32 $0xFFFFEC00  }
0x76: {  	[spmem:s3] =	stream.indirect.scatter.add.f32 [tilespmem:s22], [sflag:$0x6], $0x40, s16, s21, $0xb8;
	[tilespmem:$0x16EE0] =	vst v63  }
0x77: {  	_ =	swait.ge [sflag:s2], $0x1400  }
0x78: {  	[sflag:s2] =	ssyncset.done $0x0  }
0x79: {  	s16 =	sadd.s32 $0x2760, s15;
	[sflag:s2] =	ssyncadd.s32 $0xFFFFEC00  }
0x7a: {  	[spmem:s3] =	stream.indirect.scatter.add.f32 [tilespmem:s23], [sflag:$0x7], $0x40, s16, s21, $0xb8;
	[tilespmem:$0x16EE0] =	vst v63  }
0x7b: {  	_ =	swait.ge [sflag:s0], $0x1400  }
0x7c: {  	[sflag:s0] =	ssyncset.done $0x0  }
0x7d: {  	s16 =	sadd.s32 $0x27B0, s15;
	[sflag:s0] =	ssyncadd.s32 $0xFFFFEC00  }
0x7e: {  	[spmem:s3] =	stream.indirect.scatter.add.f32 [tilespmem:s25], [sflag:$0x8], $0x40, s16, s21, $0xb8;
	[tilespmem:$0x16EE0] =	vst v63  }
0x7f: {  	_ =	swait.ge [sflag:s19], $0x1400  }
0x80: {  	[sflag:s19] =	ssyncset.done $0x0  }
0x81: {  	s16 =	sadd.s32 $0x2800, s15;
	[sflag:s19] =	ssyncadd.s32 $0xFFFFEC00  }
0x82: {  	[spmem:s3] =	stream.indirect.scatter.add.f32 [tilespmem:s28], [sflag:$0x9], $0x40, s16, s21, $0xb8;
	[tilespmem:$0x16EE0] =	vst v63  }
0x83: {  	_ =	swait.ge [sflag:s24], $0x1400  }
0x84: {  	[sflag:s24] =	ssyncset.done $0x0  }
0x85: {  	s16 =	sadd.s32 $0x2850, s15;
	[sflag:s24] =	ssyncadd.s32 $0xFFFFEC00  }
0x86: {  	[spmem:s3] =	stream.indirect.scatter.add.f32 [tilespmem:s30], [sflag:$0xA], $0x40, s16, s21, $0xb8;
	[tilespmem:$0x16EE0] =	vst v63  }
0x87: {  	_ =	swait.ge [sflag:s26], $0x1400  }
0x88: {  	[sflag:s26] =	ssyncset.done $0x0  }
0x89: {  	s16 =	sadd.s32 $0x190, s15;
	[sflag:s26] =	ssyncadd.s32 $0xFFFFEC00  }
0x8a: {  	[tilespmem:s22], [sflag:$0x1] =	stream.indirect.gather [hbm4b:s1+s21], $0x40, s16, s21, $0xb8;
	[tilespmem:$0x16EE0] =	vst v63  }
0x8b: {  	_ =	swait.ge [sflag:s29], $0x1400  }
0x8c: {  	[sflag:s29] =	ssyncset.done $0x0  }
0x8d: {  	s16 =	sadd.s32 $0x1E0, s15;
	[sflag:s29] =	ssyncadd.s32 $0xFFFFEC00  }
0x8e: {  	[tilespmem:s23], [sflag:$0x2] =	stream.indirect.gather [hbm4b:s1+s21], $0x40, s16, s21, $0xb8;
	[tilespmem:$0x16EE0] =	vst v63  }
0x8f: {  	_ =	swait.ge [sflag:s5], $0x1400  }
0x90: {  	[sflag:s5] =	ssyncset.done $0x0  }
0x91: {  	s16 =	sadd.s32 $0x230, s15;
	[sflag:s5] =	ssyncadd.s32 $0xFFFFEC00  }
0x92: {  	[tilespmem:s25], [sflag:$0x3] =	stream.indirect.gather [hbm4b:s1+s21], $0x40, s16, s21, $0xb8;
	[tilespmem:$0x16EE0] =	vst v63  }
0x93: {  	_ =	swait.ge [sflag:s6], $0x1400  }
0x94: {  	[sflag:s6] =	ssyncset.done $0x0  }
.Ltmp1:
0x95: {  	s16 =	sadd.s32 $0x280, s15;
	[sflag:s6] =	ssyncadd.s32 $0xFFFFEC00;
	(pc) =	sbr.rel @p0 .LBB2_4-.Ltmp1, $4  }
0x96: {  	[tilespmem:s28], [sflag:$0x4] =	stream.indirect.gather [hbm4b:s1+s21], $0x40, s16, s21, $0xb8;
	[tilespmem:$0x16EE0] =	vst v63  }
0x97: {  	_ =	swait.ge [sflag:s12], $0x1400  }
0x98: {  	[sflag:s12] =	ssyncset.done $0x0  }
0x99: {  	s15 =	sadd.s32 $0x2D0, s15;
	[sflag:s12] =	ssyncadd.s32 $0xFFFFEC00  }
0x9a: {  	[tilespmem:s30], [sflag:$0x5] =	stream.indirect.gather [hbm4b:s1+s21], $0x40, s15, s21, $0xb8;
	[tilespmem:$0x16EE0] =	vst v63  }
0x9b: {  	_ =	swait.ge [sflag:s31], $0x1400  }
0x9c: {  	[sflag:s31] =	ssyncset.done $0x0  }
0x9d: {  	s14 =	simm.s32 $0x4C90;
	[sflag:s31] =	ssyncadd.s32 $0xFFFFEC00  }
0x9e: {  	[spmem:s3] =	stream.indirect.scatter.add.f32 [tilespmem:s22], [sflag:$0x6], $0x40, s14, s21, $0xb8;
	[tilespmem:$0x16EE0] =	vst v63  }
0x9f: {  	_ =	swait.ge [sflag:s2], $0x1400  }
0xa0: {  	[sflag:s2] =	ssyncset.done $0x0  }
0xa1: {  	s16 =	simm.s32 $0x4CE0;
	[sflag:s2] =	ssyncadd.s32 $0xFFFFEC00  }
0xa2: {  	[spmem:s3] =	stream.indirect.scatter.add.f32 [tilespmem:s23], [sflag:$0x7], $0x40, s16, s21, $0xb8;
	[tilespmem:$0x16EE0] =	vst v63  }
0xa3: {  	_ =	swait.ge [sflag:s0], $0x1400  }
0xa4: {  	[sflag:s0] =	ssyncset.done $0x0  }
0xa5: {  	s15 =	simm.s32 $0x4D30;
	[sflag:s0] =	ssyncadd.s32 $0xFFFFEC00  }
0xa6: {  	[spmem:s3] =	stream.indirect.scatter.add.f32 [tilespmem:s25], [sflag:$0x8], $0x40, s15, s21, $0xb8;
	[tilespmem:$0x16EE0] =	vst v63  }
0xa7: {  	_ =	swait.ge [sflag:s19], $0x1400  }
0xa8: {  	[sflag:s19] =	ssyncset.done $0x0  }
0xa9: {  	s16 =	simm.s32 $0x4D80;
	[sflag:s19] =	ssyncadd.s32 $0xFFFFEC00  }
0xaa: {  	[spmem:s3] =	stream.indirect.scatter.add.f32 [tilespmem:s28], [sflag:$0x9], $0x40, s16, s21, $0xb8;
	[tilespmem:$0x16EE0] =	vst v63  }
0xab: {  	_ =	swait.ge [sflag:s24], $0x1400  }
0xac: {  	[sflag:s24] =	ssyncset.done $0x0  }
0xad: {  	s15 =	simm.s32 $0x4DD0;
	[sflag:s24] =	ssyncadd.s32 $0xFFFFEC00  }
0xae: {  	[spmem:s3] =	stream.indirect.scatter.add.f32 [tilespmem:s30], [sflag:$0xA], $0x40, s15, s21, $0xb8;
	[tilespmem:$0x16EE0] =	vst v63  }
0xaf: {  	_ =	swait.ge [sflag:s26], $0x1400  }
0xb0: {  	[sflag:s26] =	ssyncset.done $0x0  }
0xb1: {  	[sflag:s26] =	ssyncadd.s32 $0xFFFFEC00  }
0xb2: {  	_ =	swait.ge [sflag:s29], $0x1400  }
0xb3: {  	[sflag:s29] =	ssyncset.done $0x0  }
0xb4: {  	[sflag:s29] =	ssyncadd.s32 $0xFFFFEC00  }
0xb5: {  	_ =	swait.ge [sflag:s5], $0x1400  }
0xb6: {  	[sflag:s5] =	ssyncset.done $0x0  }
0xb7: {  	[sflag:s5] =	ssyncadd.s32 $0xFFFFEC00  }
0xb8: {  	_ =	swait.ge [sflag:s6], $0x1400  }
0xb9: {  	[sflag:s6] =	ssyncset.done $0x0  }
0xba: {  	[sflag:s6] =	ssyncadd.s32 $0xFFFFEC00  }
0xbb: {  	_ =	swait.ge [sflag:s12], $0x1400  }
0xbc: {  	[sflag:s12] =	ssyncset.done $0x0  }
0xbd: {  	[sflag:s12] =	ssyncadd.s32 $0xFFFFEC00  }
0xbe: {  	[bflag:$0x0] =	sbarrier.arrive $0xFFFF  }
0xbf: {  	[tilespmem:s20], [sflag:$0xB] =	stream.linear.gather [spmem:s7], $0x1F40, $0x38;
	[tilespmem:$0x16EE0] =	vst v63  }
0xc0: {  	_ =	swait.ge [sflag:s18], $0x1F40  }
0xc1: {  	[sflag:s18] =	ssyncset.done $0x0  }
0xc2: {  	s16 =	rddreg [dreg:$0x6];
	[sflag:s18] =	ssyncadd.s32 $0xFFFFE0C0  }
0xc3: {  	[hbm4b:s16+s4] =	stream.linear.scatter [tilespmem:s20], [sflag:$0xB], $0x1F40, $0x38;
	[tilespmem:$0x16EE0] =	vst v63  }
0xc4: {  	_ =	swait.ge [sflag:s18], $0x1F40  }
0xc5: {  	[sflag:s18] =	ssyncset.done $0x0  }
0xc6: {  	[sflag:s18] =	ssyncadd.s32 $0xFFFFE0C0  }
0xc7: {  	[tilespmem:s20], [sflag:$0xB] =	stream.linear.gather [spmem:s8], $0x1F40, $0x38;
	[tilespmem:$0x16EE0] =	vst v63  }
0xc8: {  	_ =	swait.ge [sflag:s18], $0x1F40  }
0xc9: {  	[sflag:s18] =	ssyncset.done $0x0  }
0xca: {  	s15 =	rddreg [dreg:$0x7];
	[sflag:s18] =	ssyncadd.s32 $0xFFFFE0C0  }
0xcb: {  	[hbm4b:s15+s4] =	stream.linear.scatter [tilespmem:s20], [sflag:$0xB], $0x1F40, $0x38;
	[tilespmem:$0x16EE0] =	vst v63  }
0xcc: {  	_ =	swait.ge [sflag:s18], $0x1F40  }
0xcd: {  	[sflag:s18] =	ssyncset.done $0x0  }
0xce: {  	[sflag:s18] =	ssyncadd.s32 $0xFFFFE0C0  }
0xcf: {  	[tilespmem:s20], [sflag:$0xB] =	stream.linear.gather [spmem:s9], $0x1F40, $0x38;
	[tilespmem:$0x16EE0] =	vst v63  }
0xd0: {  	_ =	swait.ge [sflag:s18], $0x1F40  }
0xd1: {  	[sflag:s18] =	ssyncset.done $0x0  }
0xd2: {  	s16 =	rddreg [dreg:$0x8];
	[sflag:s18] =	ssyncadd.s32 $0xFFFFE0C0  }
0xd3: {  	[hbm4b:s16+s4] =	stream.linear.scatter [tilespmem:s20], [sflag:$0xB], $0x1F40, $0x38;
	[tilespmem:$0x16EE0] =	vst v63  }
0xd4: {  	_ =	swait.ge [sflag:s18], $0x1F40  }
0xd5: {  	[sflag:s18] =	ssyncset.done $0x0  }
0xd6: {  	[sflag:s18] =	ssyncadd.s32 $0xFFFFE0C0  }
0xd7: {  	[tilespmem:s20], [sflag:$0xB] =	stream.linear.gather [spmem:s10], $0x1F40, $0x38;
	[tilespmem:$0x16EE0] =	vst v63  }
0xd8: {  	_ =	swait.ge [sflag:s18], $0x1F40  }
0xd9: {  	[sflag:s18] =	ssyncset.done $0x0  }
0xda: {  	s15 =	rddreg [dreg:$0x9];
	[sflag:s18] =	ssyncadd.s32 $0xFFFFE0C0  }
0xdb: {  	[hbm4b:s15+s4] =	stream.linear.scatter [tilespmem:s20], [sflag:$0xB], $0x1F40, $0x38;
	[tilespmem:$0x16EE0] =	vst v63  }
0xdc: {  	_ =	swait.ge [sflag:s18], $0x1F40  }
0xdd: {  	[sflag:s18] =	ssyncset.done $0x0  }
0xde: {  	[sflag:s18] =	ssyncadd.s32 $0xFFFFE0C0  }
0xdf: {  	[tilespmem:s20], [sflag:$0xB] =	stream.linear.gather [spmem:s11], $0x1F40, $0x38;
	[tilespmem:$0x16EE0] =	vst v63  }
0xe0: {  	s13 =	sadd.s32 $0x1, s13;
	_ =	swait.ge [sflag:s18], $0x1F40  }
0xe1: {  	p0 =	sne.s32 s13, s17;
	[sflag:s18] =	ssyncset.done $0x0  }
.Ltmp2:
0xe2: {  	s16 =	rddreg [dreg:$0xa];
	[sflag:s18] =	ssyncadd.s32 $0xFFFFE0C0;
	(pc) =	sbr.rel @p0 .LBB2_1-.Ltmp2, $4  }
0xe3: {  	[hbm4b:s16+s4] =	stream.linear.scatter [tilespmem:s20], [sflag:$0xB], $0x1F40, $0x38;
	[tilespmem:$0x16EE0] =	vst v63  }
0xe4: {  	_ =	swait.ge [sflag:s18], $0x1F40  }
0xe5: {  	[sflag:s18] =	ssyncset.done $0x0  }
0xe6: {  	[sflag:s18] =	ssyncadd.s32 $0xFFFFE0C0  }
0xe7: {  	_ =	sfence.sel $0x180000  }
0xe8: {  	[bflag:$0x0] =	sbarrier.arrive $0xFFFF  }
0xe9: {  	_ =	strace $0x9000004A  }
0xea: {  	s0 =	stileid.u32;
	[bflag:$0x2] =	sbarrier.arrive $0xFFFF  }
0xeb: {  	p0 =	sne.s32 s0, $0x0;
	s0 =	rddreg [dreg:$0x3]  }
0xec: {  	s0 =	sadd.s32 @!p0 $0x100000, s0  }
0xed: {  	[sflag:s0] =	ssyncadd.tile.s32 @!p0 $0x1;
	_ =	shalt  }
.Lfunc_end2:
_tile_overlayer_lowered:
.L_overlay_start_2:
0xee: {  	(tag) =	ssettag $0x2  }
0xef: {  	s0 =	rddreg [dreg:$0x0];
	s2 =	stileid.u32  }
0xf0: {  	s1 =	rddreg [dreg:$0x1];
	p0 =	sne.s32 s2, $0x0  }
0xf1: {  	s3 =	rddreg [dreg:$0x2];
	[bflag:$0x3] =	sbarrier.arrive $0xFFFF;
	s2 =	simm.s32 @!p0 $0x1C0B  }
0xf2: {  	[timem:s3], [sflag:s2] =	dma.local @!p0 [hbm:s0], s1  }
0xf3: {  	s0 =	simm.s32 @!p0 $0xB  }
0xf4: {  	_ =	swait.ge @!p0 [sflag:s0], s1  }
0xf5: {  	s1 =	ssub.s32 @!p0 $0x0, s1;
	[sflag:s0] =	ssyncset.done @!p0 $0x0  }
0xf6: {  	[sflag:s0] =	ssyncadd.s32 @!p0 s1  }
0xf7: {  	[bflag:$0x3] =	sbarrier.arrive $0xFFFF  }
0xf8: {  	_ =	shalt  }

// kernel: kernel.14.cloned.1.call-start
scs
__scs_entry_jumppad:
0x0: {  	(pc) =	sbr.rel $0x88, $3  }
0x1: {  	(tag) =	ssettag $0x0;
	lr =	simm.s32 $0x1  }
0x2: {  	[smem:$0x3F9D] =	sst lr;
	_ =	strace $0xD0000000  }
0x3: {  	_ = 	snop  }
0x4: {  	_ = 	snop  }
0x5: {  	_ = 	snop  }
0x6: {  	_ = 	snop  }
0x7: {  	_ = 	snop  }
__scs_overlays_trampoline_lowered:
0x8: {  	[smem:$0x3FAC] =	sst s0  }
0x9: {  	[smem:$0x3FAD] =	sst s1  }
0xa: {  	[smem:$0x3FAE] =	sst s2  }
0xb: {  	[smem:$0x3FAF] =	sst s3  }
0xc: {  	[smem:$0x3FB0] =	sst s4  }
0xd: {  	[smem:$0x3FB1] =	sst s5  }
0xe: {  	[smem:$0x3FB2] =	sst s6  }
0xf: {  	[smem:$0x3FB3] =	sst s7  }
0x10: {  	[smem:$0x3FB4] =	sst s8  }
0x11: {  	[smem:$0x3FB5] =	sst s9;
	s0 =	simm.s32 @!p0 $0x0  }
0x12: {  	s1 =	sld [smem:$0x3F9B];
	s0 =	simm.s32 @p0 $0x1  }
0x13: {  	[smem:$0x3FB6] =	sst s0;
	s0 =	simm.s32 @!p1 $0x0  }
0x14: {  	s2 =	sld [smem:$0x3F9A];
	s0 =	simm.s32 @p1 $0x1  }
0x15: {  	[smem:$0x3FB7] =	sst s0;
	s0 =	simm.s32 @!p2 $0x0  }
0x16: {  	s3 =	sld [smem:$0x3FDB];
	s0 =	simm.s32 @p2 $0x1  }
0x17: {  	s4 =	simm.s32 $0x1BF5;
	[smem:$0x3FB9] =	sst s0  }
0x18: {  	s0 =	sld [smem:$0x3F9C];
	_ =	swait.ge [sflag:s4], $0x0  }
0x19: {  	s7 =	sld [smem:$0x3F9D]  }
0x1a: {  	s8 =	sadd.s32 $0xFFFFE003, lr  }
0x1b: {  	s9 =	sadd.s32 $0xFFFFFEF7, lr;
	s5 =	simm.s32 $0xFFFFFFFF;
	p2 =	slt.u32 s8, $0xFFFFF086  }
0x1c: {  	p1 =	slt.u32 s9, $0xF7A;
	s5 =	simm.s32 @!p2 $0x0  }
0x1d: {  	s5 =	simm.s32 @p1 $0x1;
	p0 =	seq.s32 s7, s2  }
0x1e: {  	s7 =	smul.u32 @!p0 $0xF7A, s2;
	p2 =	seq.s32 @!p0 s5, $0x0  }
0x1f: {  	s9 =	smul.u32 $0xF7A, s1;
	s8 =	simm.s32 @!p0 $0x1BF5;
	p2 =	por !p2, p0  }
0x20: {  	[sflag:s8] =	ssyncset.s32 @!p0 $0xFFFFF086;
	s6 =	sadd.s32 @!p0 s3, s7;
	s7 =	simm.s32 @!p0 $0x108  }
0x21: {  	s3 =	sadd.s32 s3, s9;
	s6 =	sadd.s32 @!p0 $0x88, s6;
	s7 =	simm.s32 @p2 $0x1082  }
0x22: {  	[simem:s7], [sflag:s8] =	dma.local @!p0 [hbm:s6], $0xF7A  }
0x23: {  	s9 =	sor.u32 $0xD0000000, s2;
	s6 =	simm.s32 $0x108;
	_ =	swait.ge @!p0 [sflag:s8], $0x0  }
0x24: {  	s3 =	sadd.s32 $0x88, s3;
	s6 =	simm.s32 @!p1 $0x1082;
	[sflag:s4] =	ssyncset.s32 $0xFFFFF086  }
0x25: {  	[simem:s6], [sflag:s4] =	dma.local [hbm:s3], $0xF7A  }
0x26: {  	[smem:$0x3F9D] =	sst s1;
	(tag) =	ssettag s2;
	_ =	strace s9  }
0x27: {  	s1 =	sld [smem:$0x3FAD]  }
0x28: {  	s2 =	sld [smem:$0x3FAE]  }
0x29: {  	s4 =	sld [smem:$0x3FB0]  }
0x2a: {  	p0 =	seq.s32 s5, $0x0;
	s5 =	sld [smem:$0x3FB1]  }
0x2b: {  	s6 =	sld [smem:$0x3FB2]  }
0x2c: {  	s7 =	sld [smem:$0x3FB3]  }
0x2d: {  	s3 =	simm.s32 $0x108;
	s8 =	sld [smem:$0x3FB4]  }
0x2e: {  	s3 =	simm.s32 @!p0 $0x1082;
	s9 =	sld [smem:$0x3FB5]  }
0x2f: {  	lr =	sadd.s32 s0, s3;
	s0 =	sld [smem:$0x3FAC]  }
0x30: {  	s3 =	sld [smem:$0x3FAF]  }
0x31: {  	[smem:$0x3FB8] =	sst s10  }
0x32: {  	s10 =	sld [smem:$0x3FB6];
	_ =	sdelay $0x3  }
0x33: {  	p0 =	seq.s32 s10, $0x1;
	s10 =	sld [smem:$0x3FB8];
	_ =	sdelay $0x3  }
0x34: {  	[smem:$0x3FB8] =	sst s10  }
0x35: {  	s10 =	sld [smem:$0x3FB7];
	_ =	sdelay $0x3  }
0x36: {  	p1 =	seq.s32 s10, $0x1;
	s10 =	sld [smem:$0x3FB8];
	_ =	sdelay $0x3  }
0x37: {  	[smem:$0x3FB8] =	sst s10  }
0x38: {  	s10 =	sld [smem:$0x3FB9]  }
0x39: {  	_ = 	snop;
	(pc) =	sbr.ind lr, $3  }
0x3a: {  	_ = 	snop  }
0x3b: {  	_ = 	snop  }
0x3c: {  	p2 =	seq.s32 s10, $0x1;
	s10 =	sld [smem:$0x3FB8]  }
0x3d: {  	_ =	shalt  }
0x3e: {  	_ =	shalt  }
0x3f: {  	_ =	shalt  }
0x40: {  	_ =	shalt  }
0x41: {  	_ =	shalt  }
0x42: {  	_ =	shalt  }
0x43: {  	_ =	shalt  }
0x44: {  	_ =	shalt  }
0x45: {  	_ =	shalt  }
0x46: {  	_ =	shalt  }
0x47: {  	_ =	shalt  }
0x48: {  	_ =	shalt  }
0x49: {  	_ =	shalt  }
0x4a: {  	_ =	shalt  }
0x4b: {  	_ =	shalt  }
0x4c: {  	_ =	shalt  }
0x4d: {  	_ =	shalt  }
0x4e: {  	_ =	shalt  }
0x4f: {  	_ =	shalt  }
0x50: {  	_ =	shalt  }
0x51: {  	_ =	shalt  }
0x52: {  	_ =	shalt  }
0x53: {  	_ =	shalt  }
0x54: {  	_ =	shalt  }
0x55: {  	_ =	shalt  }
0x56: {  	_ =	shalt  }
0x57: {  	_ =	shalt  }
0x58: {  	_ =	shalt  }
0x59: {  	_ =	shalt  }
0x5a: {  	_ =	shalt  }
0x5b: {  	_ =	shalt  }
0x5c: {  	_ =	shalt  }
0x5d: {  	_ =	shalt  }
0x5e: {  	_ =	shalt  }
0x5f: {  	_ =	shalt  }
0x60: {  	_ =	shalt  }
0x61: {  	_ =	shalt  }
0x62: {  	_ =	shalt  }
0x63: {  	_ =	shalt  }
0x64: {  	_ =	shalt  }
0x65: {  	_ =	shalt  }
0x66: {  	_ =	shalt  }
0x67: {  	_ =	shalt  }
0x68: {  	_ =	shalt  }
0x69: {  	_ =	shalt  }
0x6a: {  	_ =	shalt  }
0x6b: {  	_ =	shalt  }
0x6c: {  	_ =	shalt  }
0x6d: {  	_ =	shalt  }
0x6e: {  	_ =	shalt  }
0x6f: {  	_ =	shalt  }
0x70: {  	_ =	shalt  }
0x71: {  	_ =	shalt  }
0x72: {  	_ =	shalt  }
0x73: {  	_ =	shalt  }
0x74: {  	_ =	shalt  }
0x75: {  	_ =	shalt  }
0x76: {  	_ =	shalt  }
0x77: {  	_ =	shalt  }
0x78: {  	_ =	shalt  }
0x79: {  	_ =	shalt  }
0x7a: {  	_ =	shalt  }
0x7b: {  	_ =	shalt  }
0x7c: {  	_ =	shalt  }
0x7d: {  	_ =	shalt  }
0x7e: {  	_ =	shalt  }
0x7f: {  	_ =	shalt  }
0x80: {  	_ =	shalt  }
0x81: {  	_ =	shalt  }
0x82: {  	_ =	shalt  }
0x83: {  	_ =	shalt  }
0x84: {  	_ =	shalt  }
0x85: {  	_ =	shalt  }
0x86: {  	_ =	shalt  }
0x87: {  	_ =	shalt  }
.Lfunc_end0:
.L_simem_size_0:
called_computation.2_lowered:
.L_overlay_start_0:
0x88: {  	s2 =	sld [smem:$0x3FD9]  }
0x89: {  	s3 =	sld [smem:$0x3FFE];
	_ =	sdelay $0x1  }
0x8a: {  	s1 =	srdreg.scid  }
0x8b: {  	s0 =	sand.u32 $0x1, s1  }
0x8c: {  	s17 =	sshll.u32 s0, $0xA;
	s2 =	sadd.s32 s3, s2  }
0x8d: {  	s2 =	sadd.s32 s2, s17  }
0x8e: {  	[smem:$0x3FC4] =	sst s2  }
0x8f: {  	_ = 	snop  }
0x90: {  	s2 =	sld [smem:$0x3FD0];
	(tm) =	ssettm $0x1  }
0x91: {  	s18 =	sld [smem:$0x3FFB];
	_ =	sdelay $0x3  }
0x92: {  	_ =	strace s18  }
0x93: {  	s3 =	sld [smem:$0x3FFC];
	_ =	sdelay $0x3  }
0x94: {  	_ =	strace s3  }
0x95: {  	s3 =	sld [smem:$0x3FFD];
	_ =	sdelay $0x3  }
0x96: {  	_ =	strace s3  }
0x97: {  	_ =	strace $0x8FFFFFFF  }
0x98: {  	s19 =	sld [smem:$0x3FDB];
	_ =	sdelay $0x1  }
0x99: {  	s4 =	simm.s32 $_scs_section_size  }
0x9a: {  	s5 =	simm.s32 $_size__tile_overlayer_lowered;
	s6 =	simm.s32 $_tile_overlayer_lowered  }
0x9b: {  	s22 =	simm.s32 $0x1BFF;
	s21 =	sshll.u32 s6, $0x1;
	s3 =	sadd.s32 s4, s19  }
0x9c: {  	s7 =	simm.s32 $0x0;
	s20 =	sshll.u32 s5, $0x1;
	s5 =	sadd.s32 s21, s3  }
0x9d: {  	[timem:s7], [sflag:s22] =	dma.local [hbm:s5], s20  }
0x9e: {  	_ =	swait.ge [sflag:s22], s20  }
0x9f: {  	s4 =	ssub.s32 $0x0, s20;
	[sflag:s22] =	ssyncset.done $0x0  }
0xa0: {  	[sflag:s22] =	ssyncadd.s32 s4;
	_ =	sdelay $0x1  }
0xa1: {  	s23 =	simm.s32 $0x1B8B  }
0xa2: {  	_ =	swait.ge [sflag:s23], $0x1  }
0xa3: {  	[sflag:s23] =	ssyncset.done $0x0  }
0xa4: {  	s25 =	simm.s32 $0x1B8E;
	s24 =	sld [smem:$0x3FFE];
	[sflag:s23] =	ssyncadd.s32 $0xFFFFFFFF  }
0xa5: {  	s26 =	simm.s32 $execute0_lowered;
	[smem:$0x3FD2] =	sst s25  }
0xa6: {  	s5 =	sshll.u32 s26, $0x1;
	_ =	strace $0x8000004C;
	[dreg:$0x1] =	wrdreg $0xFFFFFFFF  }
0xa7: {  	s28 =	simm.s32 $_size_execute0_lowered;
	s3 =	sadd.s32 s3, s5;
	[dreg:$0x0] =	wrdreg $0x0  }
0xa8: {  	s5 =	sshll.u32 s28, $0x1;
	[dreg:$0x2] =	wrdreg s3  }
0xa9: {  	[dreg:$0x3] =	wrdreg s5  }
0xaa: {  	[dreg:$0x4] =	wrdreg $0xC0  }
0xab: {  	_ =	task [dreg:s7], $0x5FFFF  }
0xac: {  	[dreg:$0x1] =	wrdreg $0xFFFFFFFF  }
0xad: {  	[dreg:$0x0] =	wrdreg $0x60  }
0xae: {  	[dreg:$0x2] =	wrdreg s2  }
0xaf: {  	[dreg:$0x3] =	wrdreg s24  }
0xb0: {  	[dreg:$0x4] =	wrdreg $0xD1600  }
0xb1: {  	[dreg:$0x5] =	wrdreg $0x9  }
0xb2: {  	_ =	task.clear_ibuf [dreg:s7], $0x6FFFF;
	_ =	strace $0x9000004C  }
0xb3: {  	s29 =	simm.s32 $0x9;
	_ =	strace $0x8000004E  }
0xb4: {  	_ =	swait.ge [sflag:s29], $0x1  }
0xb5: {  	[sflag:s29] =	ssyncadd.s32 $0xFFFFFFFF  }
0xb6: {  	_ =	strace $0x9000004E  }
0xb7: {  	_ =	sfence  }
0xb8: {  	s30 =	sld [smem:$0x0];
	_ =	sdelay $0x2  }
0xb9: {  	s31 =	sshll.u32 s1, $0xD;
	s1 =	sshrl.u32 s1, $0x2  }
0xba: {  	s3 =	sand.u32 $0x4000, s31;
	s1 =	sadd.s32 s1, s30  }
0xbb: {  	s0 =	sor.u32 s3, s0;
	s1 =	sshll.u32 s1, $0x11  }
0xbc: {  	s0 =	sor.u32 s1, s0  }
0xbd: {  	s0 =	sadd.s32 $0x8F2B, s0  }
0xbe: {  	[sflag:s0] =	ssyncadd.remote.s32 $0x1  }
0xbf: {  	_ =	sfence.sel $0xFFFF  }
0xc0: {  	[dreg:$0x0] =	wrdreg $0xFFFFFFFF;
	(pc) =	sbr.abs _section_cstart, $3  }
0xc1: {  	[dreg:$0x1] =	wrdreg $0xFFFFFFFF  }
0xc2: {  	_ =	task.clear_ibuf [dreg:s7], $0x2FFFF;
	_ =	strace $0x9FFFFFFF  }
0xc3: {  	(tm) =	ssettm $0x7FFFFFFF  }
tec
execute0_lowered:
.L_overlay_start_1:
0x0: {  	(tag) =	ssettag $0x1  }
0x1: {  	s1 =	rddreg [dreg:$0x0]  }
0x2: {  	s0 =	srdreg.scid;
	s2 =	rddreg [dreg:$0x1]  }
0x3: {  	s8 =	stileid.u32;
	s3 =	rddreg [dreg:$0x2];
	s18 =	simm.s32 $0xB  }
0x4: {  	s20 =	simm.s32 $0xB220;
	s21 =	simm.s32 $0x50;
	s28 =	simm.s32 $0x8A20  }
0x5: {  	s30 =	simm.s32 $0x9E20;
	s31 =	simm.s32 $0x1;
	s19 =	simm.s32 $0x4  }
0x6: {  	s0 =	sand.u32 $0x1, s0;
	s4 =	sshll.u32 s8, $0x1;
	s11 =	smul.u32 $0x9C40, s8  }
0x7: {  	s5 =	sor.u32 s0, s4;
	s6 =	ssub.s32 $0x2, s0;
	s0 =	smul.u32 $0x9C400, s0  }
0x8: {  	s29 =	simm.s32 $0x7;
	s4 =	simm.s32 $0x0;
	s5 =	smul.u32 $0x4E2, s5  }
0x9: {  	[smem:$0x7FF] =	sst s4;
	s7 =	sshrl.u32 s6, $0x1;
	s23 =	sadd.s32 $0x1F40, s11  }
0xa: {  	s12 =	sadd.s32 $0x3E80, s11;
	s13 =	sadd.s32 $0x5DC0, s11;
	s15 =	sadd.s32 $0x7D00, s11  }
0xb: {  	_ =	strace $0x8000004D;
	s6 =	ssub.s32 s6, s7;
	s7 =	sadd.s32 s11, s3  }
0xc: {  	s8 =	sadd.s32 s23, s3;
	s9 =	sadd.s32 s12, s3;
	s10 =	sadd.s32 s13, s3  }
0xd: {  	s14 =	sadd.s32 s11, s0;
	s11 =	sadd.s32 s15, s3;
	s24 =	sadd.s32 s0, s12  }
0xe: {  	s25 =	sadd.s32 s0, s13;
	s13 =	simm.s32 $0x0;
	s5 =	sadd.s32 s5, s2  }
0xf: {  	s2 =	sadd.s32 $0x14E00, s2;
	s14 =	sshrl.u32 s14, $0x3;
	s12 =	sshrl.u32 s25, $0x3  }
0x10: {  	s17 =	smax.u32 s6, $0x1;
	s25 =	simm.s32 $0x7620;
	s22 =	sadd.s32 $0x1200, s5  }
0x11: {  	s6 =	simm.s32 $0x9;
	s5 =	sadd.s32 $0xB000, s5;
	[dreg:$0x4] =	wrdreg s22  }
0x12: {  	s14 =	sadd.s32 s2, s14;
	s26 =	sadd.s32 s2, s12;
	[dreg:$0x5] =	wrdreg s5  }
0x13: {  	s12 =	simm.s32 $0xA;
	s5 =	sadd.s32 s0, s23;
	[dreg:$0x6] =	wrdreg s14  }
0x14: {  	s0 =	sadd.s32 s0, s15;
	[dreg:$0x9] =	wrdreg s26;
	s5 =	sshrl.u32 s5, $0x3  }
0x15: {  	s22 =	simm.s32 $0x4E20;
	s0 =	sshrl.u32 s0, $0x3;
	s5 =	sadd.s32 s2, s5  }
0x16: {  	s23 =	simm.s32 $0x6220;
	s0 =	sadd.s32 s2, s0;
	[dreg:$0x7] =	wrdreg s5  }
0x17: {  	s26 =	simm.s32 $0x6;
	s5 =	sshrl.u32 s24, $0x3;
	[dreg:$0xa] =	wrdreg s0  }
0x18: {  	s0 =	simm.s32 $0x3;
	s24 =	simm.s32 $0x5;
	s5 =	sadd.s32 s2, s5  }
0x19: {  	v0 =	vimm.f32 $0.0e+00;
	s2 =	simm.s32 $0x2;
	[dreg:$0x8] =	wrdreg s5;
	s5 =	simm.s32 $0x8  }
.LBB2_1:
0x1a: {  	s14 =	rddreg [dreg:$0x4]  }
0x1b: {  	[tilespmem:s4], [sflag:$0xB] =	stream.linear.gather [hbm4b:s14+s4], $0x2710, $0x38;
	[tilespmem:$0x16EE0] =	vst v63  }
0x1c: {  	_ =	swait.ge [sflag:s18], $0x2710  }
0x1d: {  	[sflag:s18] =	ssyncset.done $0x0  }
0x1e: {  	s15 =	simm.s32 $0x2710;
	s16 =	rddreg [dreg:$0x5];
	[sflag:s18] =	ssyncadd.s32 $0xFFFFD8F0  }
0x1f: {  	[tilespmem:s15], [sflag:$0xB] =	stream.linear.gather [hbm4b:s16+s4], $0x2710, $0x38;
	[tilespmem:$0x16EE0] =	vst v63  }
0x20: {  	_ =	swait.ge [sflag:s18], $0x2710  }
0x21: {  	[sflag:s18] =	ssyncset.done $0x0  }
0x22: {  	s14 =	simm.s32 $0x0;
	s15 =	simm.s32 $0x100;
	[sflag:s18] =	ssyncadd.s32 $0xFFFFD8F0  }
.LBB2_2:
0x23: {  	p0 =	sne.s32 s15, $0x7C00;
	[tilespmem:s14+$0xB250] =	vst v0;
	s16 =	smov.u32 s15;
	s15 =	sadd.s32 $0x100, s15  }
.Ltmp0:
0x24: {  	[tilespmem:s14+$0xB240] =	vst v0;
	(pc) =	sbr.rel @p0 .LBB2_2-.Ltmp0, $3  }
0x25: {  	[tilespmem:s14+$0xB220] =	vst v0  }
0x26: {  	[tilespmem:s14+$0xB230] =	vst v0;
	_ =	sdelay $0x1  }
0x27: {  	s14 =	sshra.s32 s16, $0x2  }
0x28: {  	[tilespmem:s14+$0xB250] =	vst v0  }
0x29: {  	[tilespmem:s14+$0xB240] =	vst v0  }
0x2a: {  	[tilespmem:s14+$0xB220] =	vst v0  }
0x2b: {  	[tilespmem:s14+$0xB230] =	vst v0  }
0x2c: {  	[spmem:s7] =	stream.linear.scatter [tilespmem:s20], [sflag:$0xB], $0x1F40, $0x38;
	[tilespmem:$0x16EE0] =	vst v63  }
0x2d: {  	_ =	swait.ge [sflag:s18], $0x1F40  }
0x2e: {  	[sflag:s18] =	ssyncset.done $0x0  }
0x2f: {  	[sflag:s18] =	ssyncadd.s32 $0xFFFFE0C0  }
0x30: {  	[spmem:s8] =	stream.linear.scatter [tilespmem:s20], [sflag:$0xB], $0x1F40, $0x38;
	[tilespmem:$0x16EE0] =	vst v63  }
0x31: {  	_ =	swait.ge [sflag:s18], $0x1F40  }
0x32: {  	[sflag:s18] =	ssyncset.done $0x0  }
0x33: {  	[sflag:s18] =	ssyncadd.s32 $0xFFFFE0C0  }
0x34: {  	[spmem:s9] =	stream.linear.scatter [tilespmem:s20], [sflag:$0xB], $0x1F40, $0x38;
	[tilespmem:$0x16EE0] =	vst v63  }
0x35: {  	_ =	swait.ge [sflag:s18], $0x1F40  }
0x36: {  	[sflag:s18] =	ssyncset.done $0x0  }
0x37: {  	[sflag:s18] =	ssyncadd.s32 $0xFFFFE0C0  }
0x38: {  	[spmem:s10] =	stream.linear.scatter [tilespmem:s20], [sflag:$0xB], $0x1F40, $0x38;
	[tilespmem:$0x16EE0] =	vst v63  }
0x39: {  	_ =	swait.ge [sflag:s18], $0x1F40  }
0x3a: {  	[sflag:s18] =	ssyncset.done $0x0  }
0x3b: {  	[sflag:s18] =	ssyncadd.s32 $0xFFFFE0C0  }
0x3c: {  	[spmem:s11] =	stream.linear.scatter [tilespmem:s20], [sflag:$0xB], $0x1F40, $0x38;
	[tilespmem:$0x16EE0] =	vst v63  }
0x3d: {  	_ =	swait.ge [sflag:s18], $0x1F40  }
0x3e: {  	[sflag:s18] =	ssyncset.done $0x0  }
0x3f: {  	[sflag:s18] =	ssyncadd.s32 $0xFFFFE0C0  }
0x40: {  	s16 =	simm.s32 $0x0;
	[bflag:$0x0] =	sbarrier.arrive $0xFFFF  }
0x41: {  	[tilespmem:s22], [sflag:$0x1] =	stream.indirect.gather [hbm4b:s1+s21], $0x40, s16, s21, $0xb8;
	[tilespmem:$0x16EE0] =	vst v63  }
0x42: {  	_ = 	snop  }
0x43: {  	[tilespmem:s23], [sflag:$0x2] =	stream.indirect.gather [hbm4b:s1+s21], $0x40, s21, s21, $0xb8;
	[tilespmem:$0x16EE0] =	vst v63  }
0x44: {  	s15 =	simm.s32 $0xA0  }
0x45: {  	[tilespmem:s25], [sflag:$0x3] =	stream.indirect.gather [hbm4b:s1+s21], $0x40, s15, s21, $0xb8;
	[tilespmem:$0x16EE0] =	vst v63  }
0x46: {  	s16 =	simm.s32 $0xF0  }
0x47: {  	[tilespmem:s28], [sflag:$0x4] =	stream.indirect.gather [hbm4b:s1+s21], $0x40, s16, s21, $0xb8;
	[tilespmem:$0x16EE0] =	vst v63  }
0x48: {  	s15 =	simm.s32 $0x140  }
0x49: {  	[tilespmem:s30], [sflag:$0x5] =	stream.indirect.gather [hbm4b:s1+s21], $0x40, s15, s21, $0xb8;
	[tilespmem:$0x16EE0] =	vst v63  }
0x4a: {  	_ =	swait.ge [sflag:s31], $0x1400  }
0x4b: {  	[sflag:s31] =	ssyncset.done $0x0  }
0x4c: {  	s16 =	simm.s32 $0x2710;
	[sflag:s31] =	ssyncadd.s32 $0xFFFFEC00  }
0x4d: {  	[spmem:s3] =	stream.indirect.scatter.add.f32 [tilespmem:s22], [sflag:$0x6], $0x40, s16, s21, $0xb8;
	[tilespmem:$0x16EE0] =	vst v63  }
0x4e: {  	_ =	swait.ge [sflag:s2], $0x1400  }
0x4f: {  	[sflag:s2] =	ssyncset.done $0x0  }
0x50: {  	s15 =	simm.s32 $0x2760;
	[sflag:s2] =	ssyncadd.s32 $0xFFFFEC00  }
0x51: {  	[spmem:s3] =	stream.indirect.scatter.add.f32 [tilespmem:s23], [sflag:$0x7], $0x40, s15, s21, $0xb8;
	[tilespmem:$0x16EE0] =	vst v63  }
0x52: {  	_ =	swait.ge [sflag:s0], $0x1400  }
0x53: {  	[sflag:s0] =	ssyncset.done $0x0  }
0x54: {  	s16 =	simm.s32 $0x27B0;
	[sflag:s0] =	ssyncadd.s32 $0xFFFFEC00  }
0x55: {  	[spmem:s3] =	stream.indirect.scatter.add.f32 [tilespmem:s25], [sflag:$0x8], $0x40, s16, s21, $0xb8;
	[tilespmem:$0x16EE0] =	vst v63  }
0x56: {  	_ =	swait.ge [sflag:s19], $0x1400  }
0x57: {  	[sflag:s19] =	ssyncset.done $0x0  }
0x58: {  	s15 =	simm.s32 $0x2800;
	[sflag:s19] =	ssyncadd.s32 $0xFFFFEC00  }
0x59: {  	[spmem:s3] =	stream.indirect.scatter.add.f32 [tilespmem:s28], [sflag:$0x9], $0x40, s15, s21, $0xb8;
	[tilespmem:$0x16EE0] =	vst v63  }
0x5a: {  	_ =	swait.ge [sflag:s24], $0x1400  }
0x5b: {  	[sflag:s24] =	ssyncset.done $0x0  }
0x5c: {  	s16 =	simm.s32 $0x2850;
	[sflag:s24] =	ssyncadd.s32 $0xFFFFEC00  }
0x5d: {  	[spmem:s3] =	stream.indirect.scatter.add.f32 [tilespmem:s30], [sflag:$0xA], $0x40, s16, s21, $0xb8;
	[tilespmem:$0x16EE0] =	vst v63  }
0x5e: {  	_ =	swait.ge [sflag:s26], $0x1400  }
0x5f: {  	[sflag:s26] =	ssyncset.done $0x0  }
0x60: {  	s15 =	simm.s32 $0x190;
	[sflag:s26] =	ssyncadd.s32 $0xFFFFEC00  }
0x61: {  	[tilespmem:s22], [sflag:$0x1] =	stream.indirect.gather [hbm4b:s1+s21], $0x40, s15, s21, $0xb8;
	[tilespmem:$0x16EE0] =	vst v63  }
0x62: {  	_ =	swait.ge [sflag:s29], $0x1400  }
0x63: {  	[sflag:s29] =	ssyncset.done $0x0  }
0x64: {  	s16 =	simm.s32 $0x1E0;
	[sflag:s29] =	ssyncadd.s32 $0xFFFFEC00  }
0x65: {  	[tilespmem:s23], [sflag:$0x2] =	stream.indirect.gather [hbm4b:s1+s21], $0x40, s16, s21, $0xb8;
	[tilespmem:$0x16EE0] =	vst v63  }
0x66: {  	_ =	swait.ge [sflag:s5], $0x1400  }
0x67: {  	[sflag:s5] =	ssyncset.done $0x0  }
0x68: {  	s15 =	simm.s32 $0x230;
	[sflag:s5] =	ssyncadd.s32 $0xFFFFEC00  }
0x69: {  	[tilespmem:s25], [sflag:$0x3] =	stream.indirect.gather [hbm4b:s1+s21], $0x40, s15, s21, $0xb8;
	[tilespmem:$0x16EE0] =	vst v63  }
0x6a: {  	_ =	swait.ge [sflag:s6], $0x1400  }
0x6b: {  	[sflag:s6] =	ssyncset.done $0x0  }
0x6c: {  	s16 =	simm.s32 $0x280;
	[sflag:s6] =	ssyncadd.s32 $0xFFFFEC00  }
0x6d: {  	[tilespmem:s28], [sflag:$0x4] =	stream.indirect.gather [hbm4b:s1+s21], $0x40, s16, s21, $0xb8;
	[tilespmem:$0x16EE0] =	vst v63  }
0x6e: {  	_ =	swait.ge [sflag:s12], $0x1400  }
0x6f: {  	[sflag:s12] =	ssyncset.done $0x0  }
0x70: {  	s14 =	simm.s32 $0x640;
	s15 =	simm.s32 $0x2D0;
	[sflag:s12] =	ssyncadd.s32 $0xFFFFEC00  }
.LBB2_4:
0x71: {  	[tilespmem:s30], [sflag:$0x5] =	stream.indirect.gather [hbm4b:s1+s21], $0x40, s15, s21, $0xb8;
	[tilespmem:$0x16EE0] =	vst v63  }
0x72: {  	s15 =	smov.u32 s14  }
0x73: {  	p0 =	sne.s32 s14, $0x8FC0;
	s14 =	sadd.s32 $0x640, s14;
	_ =	swait.ge [sflag:s31], $0x1400  }
0x74: {  	s15 =	sshra.s32 s15, $0x2;
	[sflag:s31] =	ssyncset.done $0x0  }
0x75: {  	s16 =	sadd.s32 $0x2710, s15;
	[sflag:s31] =	ssyncadd.s32 $0xFFFFEC00  }
0x76: {  	[spmem:s3] =	stream.indirect.scatter.add.f32 [tilespmem:s22], [sflag:$0x6], $0x40, s16, s21, $0xb8;
	[tilespmem:$0x16EE0] =	vst v63  }
0x77: {  	_ =	swait.ge [sflag:s2], $0x1400  }
0x78: {  	[sflag:s2] =	ssyncset.done $0x0  }
0x79: {  	s16 =	sadd.s32 $0x2760, s15;
	[sflag:s2] =	ssyncadd.s32 $0xFFFFEC00  }
0x7a: {  	[spmem:s3] =	stream.indirect.scatter.add.f32 [tilespmem:s23], [sflag:$0x7], $0x40, s16, s21, $0xb8;
	[tilespmem:$0x16EE0] =	vst v63  }
0x7b: {  	_ =	swait.ge [sflag:s0], $0x1400  }
0x7c: {  	[sflag:s0] =	ssyncset.done $0x0  }
0x7d: {  	s16 =	sadd.s32 $0x27B0, s15;
	[sflag:s0] =	ssyncadd.s32 $0xFFFFEC00  }
0x7e: {  	[spmem:s3] =	stream.indirect.scatter.add.f32 [tilespmem:s25], [sflag:$0x8], $0x40, s16, s21, $0xb8;
	[tilespmem:$0x16EE0] =	vst v63  }
0x7f: {  	_ =	swait.ge [sflag:s19], $0x1400  }
0x80: {  	[sflag:s19] =	ssyncset.done $0x0  }
0x81: {  	s16 =	sadd.s32 $0x2800, s15;
	[sflag:s19] =	ssyncadd.s32 $0xFFFFEC00  }
0x82: {  	[spmem:s3] =	stream.indirect.scatter.add.f32 [tilespmem:s28], [sflag:$0x9], $0x40, s16, s21, $0xb8;
	[tilespmem:$0x16EE0] =	vst v63  }
0x83: {  	_ =	swait.ge [sflag:s24], $0x1400  }
0x84: {  	[sflag:s24] =	ssyncset.done $0x0  }
0x85: {  	s16 =	sadd.s32 $0x2850, s15;
	[sflag:s24] =	ssyncadd.s32 $0xFFFFEC00  }
0x86: {  	[spmem:s3] =	stream.indirect.scatter.add.f32 [tilespmem:s30], [sflag:$0xA], $0x40, s16, s21, $0xb8;
	[tilespmem:$0x16EE0] =	vst v63  }
0x87: {  	_ =	swait.ge [sflag:s26], $0x1400  }
0x88: {  	[sflag:s26] =	ssyncset.done $0x0  }
0x89: {  	s16 =	sadd.s32 $0x190, s15;
	[sflag:s26] =	ssyncadd.s32 $0xFFFFEC00  }
0x8a: {  	[tilespmem:s22], [sflag:$0x1] =	stream.indirect.gather [hbm4b:s1+s21], $0x40, s16, s21, $0xb8;
	[tilespmem:$0x16EE0] =	vst v63  }
0x8b: {  	_ =	swait.ge [sflag:s29], $0x1400  }
0x8c: {  	[sflag:s29] =	ssyncset.done $0x0  }
0x8d: {  	s16 =	sadd.s32 $0x1E0, s15;
	[sflag:s29] =	ssyncadd.s32 $0xFFFFEC00  }
0x8e: {  	[tilespmem:s23], [sflag:$0x2] =	stream.indirect.gather [hbm4b:s1+s21], $0x40, s16, s21, $0xb8;
	[tilespmem:$0x16EE0] =	vst v63  }
0x8f: {  	_ =	swait.ge [sflag:s5], $0x1400  }
0x90: {  	[sflag:s5] =	ssyncset.done $0x0  }
0x91: {  	s16 =	sadd.s32 $0x230, s15;
	[sflag:s5] =	ssyncadd.s32 $0xFFFFEC00  }
0x92: {  	[tilespmem:s25], [sflag:$0x3] =	stream.indirect.gather [hbm4b:s1+s21], $0x40, s16, s21, $0xb8;
	[tilespmem:$0x16EE0] =	vst v63  }
0x93: {  	_ =	swait.ge [sflag:s6], $0x1400  }
0x94: {  	[sflag:s6] =	ssyncset.done $0x0  }
.Ltmp1:
0x95: {  	s16 =	sadd.s32 $0x280, s15;
	[sflag:s6] =	ssyncadd.s32 $0xFFFFEC00;
	(pc) =	sbr.rel @p0 .LBB2_4-.Ltmp1, $4  }
0x96: {  	[tilespmem:s28], [sflag:$0x4] =	stream.indirect.gather [hbm4b:s1+s21], $0x40, s16, s21, $0xb8;
	[tilespmem:$0x16EE0] =	vst v63  }
0x97: {  	_ =	swait.ge [sflag:s12], $0x1400  }
0x98: {  	[sflag:s12] =	ssyncset.done $0x0  }
0x99: {  	s15 =	sadd.s32 $0x2D0, s15;
	[sflag:s12] =	ssyncadd.s32 $0xFFFFEC00  }
0x9a: {  	[tilespmem:s30], [sflag:$0x5] =	stream.indirect.gather [hbm4b:s1+s21], $0x40, s15, s21, $0xb8;
	[tilespmem:$0x16EE0] =	vst v63  }
0x9b: {  	_ =	swait.ge [sflag:s31], $0x1400  }
0x9c: {  	[sflag:s31] =	ssyncset.done $0x0  }
0x9d: {  	s14 =	simm.s32 $0x4C90;
	[sflag:s31] =	ssyncadd.s32 $0xFFFFEC00  }
0x9e: {  	[spmem:s3] =	stream.indirect.scatter.add.f32 [tilespmem:s22], [sflag:$0x6], $0x40, s14, s21, $0xb8;
	[tilespmem:$0x16EE0] =	vst v63  }
0x9f: {  	_ =	swait.ge [sflag:s2], $0x1400  }
0xa0: {  	[sflag:s2] =	ssyncset.done $0x0  }
0xa1: {  	s16 =	simm.s32 $0x4CE0;
	[sflag:s2] =	ssyncadd.s32 $0xFFFFEC00  }
0xa2: {  	[spmem:s3] =	stream.indirect.scatter.add.f32 [tilespmem:s23], [sflag:$0x7], $0x40, s16, s21, $0xb8;
	[tilespmem:$0x16EE0] =	vst v63  }
0xa3: {  	_ =	swait.ge [sflag:s0], $0x1400  }
0xa4: {  	[sflag:s0] =	ssyncset.done $0x0  }
0xa5: {  	s15 =	simm.s32 $0x4D30;
	[sflag:s0] =	ssyncadd.s32 $0xFFFFEC00  }
0xa6: {  	[spmem:s3] =	stream.indirect.scatter.add.f32 [tilespmem:s25], [sflag:$0x8], $0x40, s15, s21, $0xb8;
	[tilespmem:$0x16EE0] =	vst v63  }
0xa7: {  	_ =	swait.ge [sflag:s19], $0x1400  }
0xa8: {  	[sflag:s19] =	ssyncset.done $0x0  }
0xa9: {  	s16 =	simm.s32 $0x4D80;
	[sflag:s19] =	ssyncadd.s32 $0xFFFFEC00  }
0xaa: {  	[spmem:s3] =	stream.indirect.scatter.add.f32 [tilespmem:s28], [sflag:$0x9], $0x40, s16, s21, $0xb8;
	[tilespmem:$0x16EE0] =	vst v63  }
0xab: {  	_ =	swait.ge [sflag:s24], $0x1400  }
0xac: {  	[sflag:s24] =	ssyncset.done $0x0  }
0xad: {  	s15 =	simm.s32 $0x4DD0;
	[sflag:s24] =	ssyncadd.s32 $0xFFFFEC00  }
0xae: {  	[spmem:s3] =	stream.indirect.scatter.add.f32 [tilespmem:s30], [sflag:$0xA], $0x40, s15, s21, $0xb8;
	[tilespmem:$0x16EE0] =	vst v63  }
0xaf: {  	_ =	swait.ge [sflag:s26], $0x1400  }
0xb0: {  	[sflag:s26] =	ssyncset.done $0x0  }
0xb1: {  	[sflag:s26] =	ssyncadd.s32 $0xFFFFEC00  }
0xb2: {  	_ =	swait.ge [sflag:s29], $0x1400  }
0xb3: {  	[sflag:s29] =	ssyncset.done $0x0  }
0xb4: {  	[sflag:s29] =	ssyncadd.s32 $0xFFFFEC00  }
0xb5: {  	_ =	swait.ge [sflag:s5], $0x1400  }
0xb6: {  	[sflag:s5] =	ssyncset.done $0x0  }
0xb7: {  	[sflag:s5] =	ssyncadd.s32 $0xFFFFEC00  }
0xb8: {  	_ =	swait.ge [sflag:s6], $0x1400  }
0xb9: {  	[sflag:s6] =	ssyncset.done $0x0  }
0xba: {  	[sflag:s6] =	ssyncadd.s32 $0xFFFFEC00  }
0xbb: {  	_ =	swait.ge [sflag:s12], $0x1400  }
0xbc: {  	[sflag:s12] =	ssyncset.done $0x0  }
0xbd: {  	[sflag:s12] =	ssyncadd.s32 $0xFFFFEC00  }
0xbe: {  	[bflag:$0x0] =	sbarrier.arrive $0xFFFF  }
0xbf: {  	[tilespmem:s20], [sflag:$0xB] =	stream.linear.gather [spmem:s7], $0x1F40, $0x38;
	[tilespmem:$0x16EE0] =	vst v63  }
0xc0: {  	_ =	swait.ge [sflag:s18], $0x1F40  }
0xc1: {  	[sflag:s18] =	ssyncset.done $0x0  }
0xc2: {  	s16 =	rddreg [dreg:$0x6];
	[sflag:s18] =	ssyncadd.s32 $0xFFFFE0C0  }
0xc3: {  	[hbm4b:s16+s4] =	stream.linear.scatter [tilespmem:s20], [sflag:$0xB], $0x1F40, $0x38;
	[tilespmem:$0x16EE0] =	vst v63  }
0xc4: {  	_ =	swait.ge [sflag:s18], $0x1F40  }
0xc5: {  	[sflag:s18] =	ssyncset.done $0x0  }
0xc6: {  	[sflag:s18] =	ssyncadd.s32 $0xFFFFE0C0  }
0xc7: {  	[tilespmem:s20], [sflag:$0xB] =	stream.linear.gather [spmem:s8], $0x1F40, $0x38;
	[tilespmem:$0x16EE0] =	vst v63  }
0xc8: {  	_ =	swait.ge [sflag:s18], $0x1F40  }
0xc9: {  	[sflag:s18] =	ssyncset.done $0x0  }
0xca: {  	s15 =	rddreg [dreg:$0x7];
	[sflag:s18] =	ssyncadd.s32 $0xFFFFE0C0  }
0xcb: {  	[hbm4b:s15+s4] =	stream.linear.scatter [tilespmem:s20], [sflag:$0xB], $0x1F40, $0x38;
	[tilespmem:$0x16EE0] =	vst v63  }
0xcc: {  	_ =	swait.ge [sflag:s18], $0x1F40  }
0xcd: {  	[sflag:s18] =	ssyncset.done $0x0  }
0xce: {  	[sflag:s18] =	ssyncadd.s32 $0xFFFFE0C0  }
0xcf: {  	[tilespmem:s20], [sflag:$0xB] =	stream.linear.gather [spmem:s9], $0x1F40, $0x38;
	[tilespmem:$0x16EE0] =	vst v63  }
0xd0: {  	_ =	swait.ge [sflag:s18], $0x1F40  }
0xd1: {  	[sflag:s18] =	ssyncset.done $0x0  }
0xd2: {  	s16 =	rddreg [dreg:$0x8];
	[sflag:s18] =	ssyncadd.s32 $0xFFFFE0C0  }
0xd3: {  	[hbm4b:s16+s4] =	stream.linear.scatter [tilespmem:s20], [sflag:$0xB], $0x1F40, $0x38;
	[tilespmem:$0x16EE0] =	vst v63  }
0xd4: {  	_ =	swait.ge [sflag:s18], $0x1F40  }
0xd5: {  	[sflag:s18] =	ssyncset.done $0x0  }
0xd6: {  	[sflag:s18] =	ssyncadd.s32 $0xFFFFE0C0  }
0xd7: {  	[tilespmem:s20], [sflag:$0xB] =	stream.linear.gather [spmem:s10], $0x1F40, $0x38;
	[tilespmem:$0x16EE0] =	vst v63  }
0xd8: {  	_ =	swait.ge [sflag:s18], $0x1F40  }
0xd9: {  	[sflag:s18] =	ssyncset.done $0x0  }
0xda: {  	s15 =	rddreg [dreg:$0x9];
	[sflag:s18] =	ssyncadd.s32 $0xFFFFE0C0  }
0xdb: {  	[hbm4b:s15+s4] =	stream.linear.scatter [tilespmem:s20], [sflag:$0xB], $0x1F40, $0x38;
	[tilespmem:$0x16EE0] =	vst v63  }
0xdc: {  	_ =	swait.ge [sflag:s18], $0x1F40  }
0xdd: {  	[sflag:s18] =	ssyncset.done $0x0  }
0xde: {  	[sflag:s18] =	ssyncadd.s32 $0xFFFFE0C0  }
0xdf: {  	[tilespmem:s20], [sflag:$0xB] =	stream.linear.gather [spmem:s11], $0x1F40, $0x38;
	[tilespmem:$0x16EE0] =	vst v63  }
0xe0: {  	s13 =	sadd.s32 $0x1, s13;
	_ =	swait.ge [sflag:s18], $0x1F40  }
0xe1: {  	p0 =	sne.s32 s13, s17;
	[sflag:s18] =	ssyncset.done $0x0  }
.Ltmp2:
0xe2: {  	s16 =	rddreg [dreg:$0xa];
	[sflag:s18] =	ssyncadd.s32 $0xFFFFE0C0;
	(pc) =	sbr.rel @p0 .LBB2_1-.Ltmp2, $4  }
0xe3: {  	[hbm4b:s16+s4] =	stream.linear.scatter [tilespmem:s20], [sflag:$0xB], $0x1F40, $0x38;
	[tilespmem:$0x16EE0] =	vst v63  }
0xe4: {  	_ =	swait.ge [sflag:s18], $0x1F40  }
0xe5: {  	[sflag:s18] =	ssyncset.done $0x0  }
0xe6: {  	[sflag:s18] =	ssyncadd.s32 $0xFFFFE0C0  }
0xe7: {  	_ =	sfence.sel $0x180000  }
0xe8: {  	[bflag:$0x0] =	sbarrier.arrive $0xFFFF  }
0xe9: {  	_ =	strace $0x9000004D  }
0xea: {  	s0 =	stileid.u32;
	[bflag:$0x2] =	sbarrier.arrive $0xFFFF  }
0xeb: {  	p0 =	sne.s32 s0, $0x0;
	s0 =	rddreg [dreg:$0x3]  }
0xec: {  	s0 =	sadd.s32 @!p0 $0x100000, s0  }
0xed: {  	[sflag:s0] =	ssyncadd.tile.s32 @!p0 $0x1;
	_ =	shalt  }
.Lfunc_end2:
_tile_overlayer_lowered:
.L_overlay_start_2:
0xee: {  	(tag) =	ssettag $0x2  }
0xef: {  	s0 =	rddreg [dreg:$0x0];
	s2 =	stileid.u32  }
0xf0: {  	s1 =	rddreg [dreg:$0x1];
	p0 =	sne.s32 s2, $0x0  }
0xf1: {  	s3 =	rddreg [dreg:$0x2];
	[bflag:$0x3] =	sbarrier.arrive $0xFFFF;
	s2 =	simm.s32 @!p0 $0x1C0B  }
0xf2: {  	[timem:s3], [sflag:s2] =	dma.local @!p0 [hbm:s0], s1  }
0xf3: {  	s0 =	simm.s32 @!p0 $0xB  }
0xf4: {  	_ =	swait.ge @!p0 [sflag:s0], s1  }
0xf5: {  	s1 =	ssub.s32 @!p0 $0x0, s1;
	[sflag:s0] =	ssyncset.done @!p0 $0x0  }
0xf6: {  	[sflag:s0] =	ssyncadd.s32 @!p0 s1  }
0xf7: {  	[bflag:$0x3] =	sbarrier.arrive $0xFFFF  }
0xf8: {  	_ =	shalt  }

// kernel: kernel.8.cloned.1.call-start
scs
__scs_entry_jumppad:
0x0: {  	(pc) =	sbr.rel $0x88, $3  }
0x1: {  	(tag) =	ssettag $0x0;
	lr =	simm.s32 $0x1  }
0x2: {  	[smem:$0x3F9D] =	sst lr;
	_ =	strace $0xD0000000  }
0x3: {  	_ = 	snop  }
0x4: {  	_ = 	snop  }
0x5: {  	_ = 	snop  }
0x6: {  	_ = 	snop  }
0x7: {  	_ = 	snop  }
__scs_overlays_trampoline_lowered:
0x8: {  	[smem:$0x3FAC] =	sst s0  }
0x9: {  	[smem:$0x3FAD] =	sst s1  }
0xa: {  	[smem:$0x3FAE] =	sst s2  }
0xb: {  	[smem:$0x3FAF] =	sst s3  }
0xc: {  	[smem:$0x3FB0] =	sst s4  }
0xd: {  	[smem:$0x3FB1] =	sst s5  }
0xe: {  	[smem:$0x3FB2] =	sst s6  }
0xf: {  	[smem:$0x3FB3] =	sst s7  }
0x10: {  	[smem:$0x3FB4] =	sst s8  }
0x11: {  	[smem:$0x3FB5] =	sst s9;
	s0 =	simm.s32 @!p0 $0x0  }
0x12: {  	s1 =	sld [smem:$0x3F9B];
	s0 =	simm.s32 @p0 $0x1  }
0x13: {  	[smem:$0x3FB6] =	sst s0;
	s0 =	simm.s32 @!p1 $0x0  }
0x14: {  	s2 =	sld [smem:$0x3F9A];
	s0 =	simm.s32 @p1 $0x1  }
0x15: {  	[smem:$0x3FB7] =	sst s0;
	s0 =	simm.s32 @!p2 $0x0  }
0x16: {  	s3 =	sld [smem:$0x3FDB];
	s0 =	simm.s32 @p2 $0x1  }
0x17: {  	s4 =	simm.s32 $0x1BF5;
	[smem:$0x3FB9] =	sst s0  }
0x18: {  	s0 =	sld [smem:$0x3F9C];
	_ =	swait.ge [sflag:s4], $0x0  }
0x19: {  	s7 =	sld [smem:$0x3F9D]  }
0x1a: {  	s8 =	sadd.s32 $0xFFFFE003, lr  }
0x1b: {  	s9 =	sadd.s32 $0xFFFFFEF7, lr;
	s5 =	simm.s32 $0xFFFFFFFF;
	p2 =	slt.u32 s8, $0xFFFFF086  }
0x1c: {  	p1 =	slt.u32 s9, $0xF7A;
	s5 =	simm.s32 @!p2 $0x0  }
0x1d: {  	s5 =	simm.s32 @p1 $0x1;
	p0 =	seq.s32 s7, s2  }
0x1e: {  	s7 =	smul.u32 @!p0 $0xF7A, s2;
	p2 =	seq.s32 @!p0 s5, $0x0  }
0x1f: {  	s9 =	smul.u32 $0xF7A, s1;
	s8 =	simm.s32 @!p0 $0x1BF5;
	p2 =	por !p2, p0  }
0x20: {  	[sflag:s8] =	ssyncset.s32 @!p0 $0xFFFFF086;
	s6 =	sadd.s32 @!p0 s3, s7;
	s7 =	simm.s32 @!p0 $0x108  }
0x21: {  	s3 =	sadd.s32 s3, s9;
	s6 =	sadd.s32 @!p0 $0x88, s6;
	s7 =	simm.s32 @p2 $0x1082  }
0x22: {  	[simem:s7], [sflag:s8] =	dma.local @!p0 [hbm:s6], $0xF7A  }
0x23: {  	s9 =	sor.u32 $0xD0000000, s2;
	s6 =	simm.s32 $0x108;
	_ =	swait.ge @!p0 [sflag:s8], $0x0  }
0x24: {  	s3 =	sadd.s32 $0x88, s3;
	s6 =	simm.s32 @!p1 $0x1082;
	[sflag:s4] =	ssyncset.s32 $0xFFFFF086  }
0x25: {  	[simem:s6], [sflag:s4] =	dma.local [hbm:s3], $0xF7A  }
0x26: {  	[smem:$0x3F9D] =	sst s1;
	(tag) =	ssettag s2;
	_ =	strace s9  }
0x27: {  	s1 =	sld [smem:$0x3FAD]  }
0x28: {  	s2 =	sld [smem:$0x3FAE]  }
0x29: {  	s4 =	sld [smem:$0x3FB0]  }
0x2a: {  	p0 =	seq.s32 s5, $0x0;
	s5 =	sld [smem:$0x3FB1]  }
0x2b: {  	s6 =	sld [smem:$0x3FB2]  }
0x2c: {  	s7 =	sld [smem:$0x3FB3]  }
0x2d: {  	s3 =	simm.s32 $0x108;
	s8 =	sld [smem:$0x3FB4]  }
0x2e: {  	s3 =	simm.s32 @!p0 $0x1082;
	s9 =	sld [smem:$0x3FB5]  }
0x2f: {  	lr =	sadd.s32 s0, s3;
	s0 =	sld [smem:$0x3FAC]  }
0x30: {  	s3 =	sld [smem:$0x3FAF]  }
0x31: {  	[smem:$0x3FB8] =	sst s10  }
0x32: {  	s10 =	sld [smem:$0x3FB6];
	_ =	sdelay $0x3  }
0x33: {  	p0 =	seq.s32 s10, $0x1;
	s10 =	sld [smem:$0x3FB8];
	_ =	sdelay $0x3  }
0x34: {  	[smem:$0x3FB8] =	sst s10  }
0x35: {  	s10 =	sld [smem:$0x3FB7];
	_ =	sdelay $0x3  }
0x36: {  	p1 =	seq.s32 s10, $0x1;
	s10 =	sld [smem:$0x3FB8];
	_ =	sdelay $0x3  }
0x37: {  	[smem:$0x3FB8] =	sst s10  }
0x38: {  	s10 =	sld [smem:$0x3FB9]  }
0x39: {  	_ = 	snop;
	(pc) =	sbr.ind lr, $3  }
0x3a: {  	_ = 	snop  }
0x3b: {  	_ = 	snop  }
0x3c: {  	p2 =	seq.s32 s10, $0x1;
	s10 =	sld [smem:$0x3FB8]  }
0x3d: {  	_ =	shalt  }
0x3e: {  	_ =	shalt  }
0x3f: {  	_ =	shalt  }
0x40: {  	_ =	shalt  }
0x41: {  	_ =	shalt  }
0x42: {  	_ =	shalt  }
0x43: {  	_ =	shalt  }
0x44: {  	_ =	shalt  }
0x45: {  	_ =	shalt  }
0x46: {  	_ =	shalt  }
0x47: {  	_ =	shalt  }
0x48: {  	_ =	shalt  }
0x49: {  	_ =	shalt  }
0x4a: {  	_ =	shalt  }
0x4b: {  	_ =	shalt  }
0x4c: {  	_ =	shalt  }
0x4d: {  	_ =	shalt  }
0x4e: {  	_ =	shalt  }
0x4f: {  	_ =	shalt  }
0x50: {  	_ =	shalt  }
0x51: {  	_ =	shalt  }
0x52: {  	_ =	shalt  }
0x53: {  	_ =	shalt  }
0x54: {  	_ =	shalt  }
0x55: {  	_ =	shalt  }
0x56: {  	_ =	shalt  }
0x57: {  	_ =	shalt  }
0x58: {  	_ =	shalt  }
0x59: {  	_ =	shalt  }
0x5a: {  	_ =	shalt  }
0x5b: {  	_ =	shalt  }
0x5c: {  	_ =	shalt  }
0x5d: {  	_ =	shalt  }
0x5e: {  	_ =	shalt  }
0x5f: {  	_ =	shalt  }
0x60: {  	_ =	shalt  }
0x61: {  	_ =	shalt  }
0x62: {  	_ =	shalt  }
0x63: {  	_ =	shalt  }
0x64: {  	_ =	shalt  }
0x65: {  	_ =	shalt  }
0x66: {  	_ =	shalt  }
0x67: {  	_ =	shalt  }
0x68: {  	_ =	shalt  }
0x69: {  	_ =	shalt  }
0x6a: {  	_ =	shalt  }
0x6b: {  	_ =	shalt  }
0x6c: {  	_ =	shalt  }
0x6d: {  	_ =	shalt  }
0x6e: {  	_ =	shalt  }
0x6f: {  	_ =	shalt  }
0x70: {  	_ =	shalt  }
0x71: {  	_ =	shalt  }
0x72: {  	_ =	shalt  }
0x73: {  	_ =	shalt  }
0x74: {  	_ =	shalt  }
0x75: {  	_ =	shalt  }
0x76: {  	_ =	shalt  }
0x77: {  	_ =	shalt  }
0x78: {  	_ =	shalt  }
0x79: {  	_ =	shalt  }
0x7a: {  	_ =	shalt  }
0x7b: {  	_ =	shalt  }
0x7c: {  	_ =	shalt  }
0x7d: {  	_ =	shalt  }
0x7e: {  	_ =	shalt  }
0x7f: {  	_ =	shalt  }
0x80: {  	_ =	shalt  }
0x81: {  	_ =	shalt  }
0x82: {  	_ =	shalt  }
0x83: {  	_ =	shalt  }
0x84: {  	_ =	shalt  }
0x85: {  	_ =	shalt  }
0x86: {  	_ =	shalt  }
0x87: {  	_ =	shalt  }
.Lfunc_end0:
.L_simem_size_0:
called_computation_lowered:
.L_overlay_start_0:
0x88: {  	s2 =	sld [smem:$0x3FD9]  }
0x89: {  	s3 =	sld [smem:$0x3FFE];
	_ =	sdelay $0x1  }
0x8a: {  	s1 =	srdreg.scid  }
0x8b: {  	s0 =	sand.u32 $0x1, s1  }
0x8c: {  	s17 =	sshll.u32 s0, $0xA;
	s2 =	sadd.s32 s3, s2  }
0x8d: {  	s2 =	sadd.s32 s2, s17  }
0x8e: {  	[smem:$0x3FC4] =	sst s2  }
0x8f: {  	_ = 	snop  }
0x90: {  	s2 =	sld [smem:$0x3FD0];
	(tm) =	ssettm $0x1  }
0x91: {  	s18 =	sld [smem:$0x3FFB];
	_ =	sdelay $0x3  }
0x92: {  	_ =	strace s18  }
0x93: {  	s3 =	sld [smem:$0x3FFC];
	_ =	sdelay $0x3  }
0x94: {  	_ =	strace s3  }
0x95: {  	s3 =	sld [smem:$0x3FFD];
	_ =	sdelay $0x3  }
0x96: {  	_ =	strace s3  }
0x97: {  	_ =	strace $0x8FFFFFFF  }
0x98: {  	s19 =	sld [smem:$0x3FDB];
	_ =	sdelay $0x1  }
0x99: {  	s4 =	simm.s32 $_scs_section_size  }
0x9a: {  	s5 =	simm.s32 $_size__tile_overlayer_lowered;
	s6 =	simm.s32 $_tile_overlayer_lowered  }
0x9b: {  	s22 =	simm.s32 $0x1BFF;
	s21 =	sshll.u32 s6, $0x1;
	s3 =	sadd.s32 s4, s19  }
0x9c: {  	s7 =	simm.s32 $0x0;
	s20 =	sshll.u32 s5, $0x1;
	s5 =	sadd.s32 s21, s3  }
0x9d: {  	[timem:s7], [sflag:s22] =	dma.local [hbm:s5], s20  }
0x9e: {  	_ =	swait.ge [sflag:s22], s20  }
0x9f: {  	s4 =	ssub.s32 $0x0, s20;
	[sflag:s22] =	ssyncset.done $0x0  }
0xa0: {  	[sflag:s22] =	ssyncadd.s32 s4;
	_ =	sdelay $0x1  }
0xa1: {  	s23 =	simm.s32 $0x1B8B  }
0xa2: {  	_ =	swait.ge [sflag:s23], $0x1  }
0xa3: {  	[sflag:s23] =	ssyncset.done $0x0  }
0xa4: {  	s25 =	simm.s32 $0x1B8E;
	s24 =	sld [smem:$0x3FFE];
	[sflag:s23] =	ssyncadd.s32 $0xFFFFFFFF  }
0xa5: {  	s26 =	simm.s32 $execute0_lowered;
	[smem:$0x3FD2] =	sst s25  }
0xa6: {  	s5 =	sshll.u32 s26, $0x1;
	_ =	strace $0x80000046;
	[dreg:$0x1] =	wrdreg $0xFFFFFFFF  }
0xa7: {  	s28 =	simm.s32 $_size_execute0_lowered;
	s3 =	sadd.s32 s3, s5;
	[dreg:$0x0] =	wrdreg $0x0  }
0xa8: {  	s5 =	sshll.u32 s28, $0x1;
	[dreg:$0x2] =	wrdreg s3  }
0xa9: {  	[dreg:$0x3] =	wrdreg s5  }
0xaa: {  	[dreg:$0x4] =	wrdreg $0xC0  }
0xab: {  	_ =	task [dreg:s7], $0x5FFFF  }
0xac: {  	[dreg:$0x1] =	wrdreg $0xFFFFFFFF  }
0xad: {  	[dreg:$0x0] =	wrdreg $0x60  }
0xae: {  	[dreg:$0x2] =	wrdreg s24  }
0xaf: {  	[dreg:$0x3] =	wrdreg s2  }
0xb0: {  	[dreg:$0x4] =	wrdreg $0x2B500  }
0xb1: {  	[dreg:$0x5] =	wrdreg $0x9  }
0xb2: {  	_ =	task.clear_ibuf [dreg:s7], $0x6FFFF;
	_ =	strace $0x90000046  }
0xb3: {  	s29 =	simm.s32 $0x9;
	_ =	strace $0x80000048  }
0xb4: {  	_ =	swait.ge [sflag:s29], $0x1  }
0xb5: {  	[sflag:s29] =	ssyncadd.s32 $0xFFFFFFFF  }
0xb6: {  	_ =	strace $0x90000048  }
0xb7: {  	_ =	sfence  }
0xb8: {  	s30 =	sld [smem:$0x0];
	_ =	sdelay $0x2  }
0xb9: {  	s31 =	sshll.u32 s1, $0xD;
	s1 =	sshrl.u32 s1, $0x2  }
0xba: {  	s3 =	sand.u32 $0x4000, s31;
	s1 =	sadd.s32 s1, s30  }
0xbb: {  	s0 =	sor.u32 s3, s0;
	s1 =	sshll.u32 s1, $0x11  }
0xbc: {  	s0 =	sor.u32 s1, s0  }
0xbd: {  	s0 =	sadd.s32 $0x8F2B, s0  }
0xbe: {  	[sflag:s0] =	ssyncadd.remote.s32 $0x1  }
0xbf: {  	_ =	sfence.sel $0xFFFF  }
0xc0: {  	[dreg:$0x0] =	wrdreg $0xFFFFFFFF;
	(pc) =	sbr.abs _section_cstart, $3  }
0xc1: {  	[dreg:$0x1] =	wrdreg $0xFFFFFFFF  }
0xc2: {  	_ =	task.clear_ibuf [dreg:s7], $0x2FFFF;
	_ =	strace $0x9FFFFFFF  }
0xc3: {  	(tm) =	ssettm $0x7FFFFFFF  }
tec
execute0_lowered:
.L_overlay_start_1:
0x0: {  	(tag) =	ssettag $0x1  }
0x1: {  	s4 =	rddreg [dreg:$0x0]  }
0x2: {  	s1 =	srdreg.scid;
	s6 =	rddreg [dreg:$0x1]  }
0x3: {  	s0 =	stileid.u32;
	s2 =	rddreg [dreg:$0x2]  }
0x4: {  	s3 =	simm.s32 $0x0;
	s11 =	simm.s32 $0x1;
	s12 =	simm.s32 $0x2  }
0x5: {  	s13 =	simm.s32 $0x3;
	s14 =	simm.s32 $0x4;
	s15 =	simm.s32 $0x5  }
0x6: {  	s16 =	simm.s32 $0x0;
	s5 =	sand.u32 $0x1, s1;
	s28 =	sshll.u32 s0, $0x1  }
0x7: {  	s8 =	smul.u32 $0x3E8, s0;
	[smem:$0x7FF] =	sst s3;
	p0 =	sgt.u32 s0, $0x9  }
0x8: {  	s1 =	sor.u32 s5, s28;
	s9 =	ssub.s32 $0x2, s5;
	s5 =	smul.u32 $0x2710, s5  }
0x9: {  	s7 =	smul.u32 $0x4E2, s1;
	s1 =	rddreg [dreg:$0x3];
	s10 =	sshrl.u32 s9, $0x1  }
0xa: {  	_ =	strace $0x80000047;
	s29 =	ssub.s32 s9, s10;
	s30 =	sadd.s32 s8, s5  }
0xb: {  	s5 =	sadd.s32 s8, s2;
	s8 =	simm.s32 $0x6;
	s9 =	simm.s32 $0x50  }
0xc: {  	s10 =	simm.s32 $0x2710;
	s4 =	sadd.s32 s7, s4;
	s31 =	sshrl.u32 s30, $0x3  }
0xd: {  	v0 =	vimm.f32 $1.000000000e+00;
	v1 =	vimm.f32 $0.0e+00;
	s7 =	smax.u32 s29, $0x1;
	s4 =	sadd.s32 $0xB000, s4;
	s6 =	sadd.s32 s6, s31  }
.LBB2_1:
0xe: {  	[tilespmem:s3], [sflag:$0x6] =	stream.linear.gather [hbm4b:s4+s3], $0x2710, $0x38;
	[tilespmem:$0x2DC8] =	vst v63  }
0xf: {  	_ =	swait.ge [sflag:s8], $0x2710  }
0x10: {  	[sflag:s8] =	ssyncset.done $0x0  }
0x11: {  	[sflag:s8] =	ssyncadd.s32 $0xFFFFD8F0  }
0x12: {  	[tilespmem:$0x2710] =	vst v0  }
0x13: {  	[tilespmem:$0x2720] =	vst v0  }
0x14: {  	[tilespmem:$0x2730] =	vst v0  }
0x15: {  	[tilespmem:$0x2740] =	vst v0  }
0x16: {  	s17 =	simm.s32 $0x40;
	s18 =	simm.s32 $0x0;
	[tilespmem:$0x2750] =	vst v0  }
.LBB2_2:
0x17: {  	p1 =	sne.s32 s17, $0xF80;
	[tilespmem:s18+$0x2760] =	vst v1;
	s18 =	smov.u32 s17;
	s17 =	sadd.s32 $0x40, s17  }
.Ltmp0:
0x18: {  	(pc) =	sbr.rel @p1 .LBB2_2-.Ltmp0, $2  }
0x19: {  	_ =	sdelay $0x2  }
0x1a: {  	s18 =	sshra.s32 s18, $0x2  }
0x1b: {  	[tilespmem:s18+$0x2760] =	vst v1;
	s17 =	simm.s32 @!p0 $0x2760  }
0x1c: {  	[spmem:s5] =	stream.linear.scatter @!p0 [tilespmem:s17], [sflag:$0x6], $0x3E8, $0x38;
	[tilespmem:$0x2DC8] =	vst v63  }
0x1d: {  	s17 =	simm.s32 @!p0 $0x6  }
0x1e: {  	_ =	swait.ge @!p0 [sflag:s17], $0x3E8  }
0x1f: {  	[sflag:s17] =	ssyncset.done @!p0 $0x0  }
0x20: {  	[sflag:s17] =	ssyncadd.s32 @!p0 $0xFFFFFC18  }
0x21: {  	s26 =	simm.s32 $0x0;
	[bflag:$0x0] =	sbarrier.arrive $0xFFFF  }
0x22: {  	[spmem:s2] =	stream.indirect.scatter.add.f32 [tilespmem:s10], [sflag:$0x1], $0x1, s26, s9, $0xb8;
	[tilespmem:$0x2DC8] =	vst v63  }
0x23: {  	s28 =	simm.s32 $0x50  }
0x24: {  	[spmem:s2] =	stream.indirect.scatter.add.f32 [tilespmem:s10], [sflag:$0x2], $0x1, s28, s9, $0xb8;
	[tilespmem:$0x2DC8] =	vst v63  }
0x25: {  	s29 =	simm.s32 $0xA0  }
0x26: {  	[spmem:s2] =	stream.indirect.scatter.add.f32 [tilespmem:s10], [sflag:$0x3], $0x1, s29, s9, $0xb8;
	[tilespmem:$0x2DC8] =	vst v63  }
0x27: {  	s30 =	simm.s32 $0xF0  }
0x28: {  	[spmem:s2] =	stream.indirect.scatter.add.f32 [tilespmem:s10], [sflag:$0x4], $0x1, s30, s9, $0xb8;
	[tilespmem:$0x2DC8] =	vst v63  }
0x29: {  	s31 =	simm.s32 $0x140  }
0x2a: {  	[spmem:s2] =	stream.indirect.scatter.add.f32 [tilespmem:s10], [sflag:$0x5], $0x1, s31, s9, $0xb8;
	[tilespmem:$0x2DC8] =	vst v63  }
0x2b: {  	_ =	swait.ge [sflag:s11], $0x50  }
0x2c: {  	[sflag:s11] =	ssyncset.done $0x0  }
0x2d: {  	[sflag:s11] =	ssyncadd.s32 $0xFFFFFFB0  }
0x2e: {  	_ =	swait.ge [sflag:s12], $0x50  }
0x2f: {  	[sflag:s12] =	ssyncset.done $0x0  }
0x30: {  	[sflag:s12] =	ssyncadd.s32 $0xFFFFFFB0  }
0x31: {  	_ =	swait.ge [sflag:s13], $0x50  }
0x32: {  	[sflag:s13] =	ssyncset.done $0x0  }
0x33: {  	[sflag:s13] =	ssyncadd.s32 $0xFFFFFFB0  }
0x34: {  	_ =	swait.ge [sflag:s14], $0x50  }
0x35: {  	[sflag:s14] =	ssyncset.done $0x0  }
0x36: {  	[sflag:s14] =	ssyncadd.s32 $0xFFFFFFB0  }
0x37: {  	_ =	swait.ge [sflag:s15], $0x50  }
0x38: {  	s18 =	simm.s32 $0xC80;
	s17 =	simm.s32 $0x640;
	[sflag:s15] =	ssyncset.done $0x0  }
.LBB2_4:
0x39: {  	s19 =	sshra.s32 s17, $0x2  }
0x3a: {  	[sflag:s15] =	ssyncadd.s32 $0xFFFFFFB0;
	s17 =	smov.u32 s18;
	s20 =	sadd.s32 $0x640, s18  }
0x3b: {  	[spmem:s2] =	stream.indirect.scatter.add.f32 [tilespmem:s10], [sflag:$0x1], $0x1, s19, s9, $0xb8;
	[tilespmem:$0x2DC8] =	vst v63  }
0x3c: {  	p1 =	sne.s32 s18, $0x9600;
	s18 =	sadd.s32 $0x50, s19  }
0x3d: {  	[spmem:s2] =	stream.indirect.scatter.add.f32 [tilespmem:s10], [sflag:$0x2], $0x1, s18, s9, $0xb8;
	[tilespmem:$0x2DC8] =	vst v63  }
0x3e: {  	s18 =	sadd.s32 $0xA0, s19  }
0x3f: {  	[spmem:s2] =	stream.indirect.scatter.add.f32 [tilespmem:s10], [sflag:$0x3], $0x1, s18, s9, $0xb8;
	[tilespmem:$0x2DC8] =	vst v63  }
0x40: {  	s18 =	sadd.s32 $0xF0, s19  }
0x41: {  	[spmem:s2] =	stream.indirect.scatter.add.f32 [tilespmem:s10], [sflag:$0x4], $0x1, s18, s9, $0xb8;
	[tilespmem:$0x2DC8] =	vst v63  }
0x42: {  	s18 =	sadd.s32 $0x140, s19  }
0x43: {  	[spmem:s2] =	stream.indirect.scatter.add.f32 [tilespmem:s10], [sflag:$0x5], $0x1, s18, s9, $0xb8;
	[tilespmem:$0x2DC8] =	vst v63  }
0x44: {  	_ =	swait.ge [sflag:s11], $0x50  }
0x45: {  	[sflag:s11] =	ssyncset.done $0x0  }
0x46: {  	[sflag:s11] =	ssyncadd.s32 $0xFFFFFFB0  }
0x47: {  	_ =	swait.ge [sflag:s12], $0x50  }
0x48: {  	[sflag:s12] =	ssyncset.done $0x0  }
0x49: {  	[sflag:s12] =	ssyncadd.s32 $0xFFFFFFB0  }
0x4a: {  	_ =	swait.ge [sflag:s13], $0x50  }
0x4b: {  	[sflag:s13] =	ssyncset.done $0x0  }
0x4c: {  	[sflag:s13] =	ssyncadd.s32 $0xFFFFFFB0  }
.Ltmp1:
0x4d: {  	_ =	swait.ge [sflag:s14], $0x50;
	(pc) =	sbr.rel @p1 .LBB2_4-.Ltmp1, $4  }
0x4e: {  	[sflag:s14] =	ssyncset.done $0x0  }
0x4f: {  	[sflag:s14] =	ssyncadd.s32 $0xFFFFFFB0  }
0x50: {  	_ =	swait.ge [sflag:s15], $0x50  }
0x51: {  	s18 =	smov.u32 s20;
	[sflag:s15] =	ssyncset.done $0x0  }
0x52: {  	s17 =	sshra.s32 s17, $0x2;
	[sflag:s15] =	ssyncadd.s32 $0xFFFFFFB0  }
0x53: {  	[spmem:s2] =	stream.indirect.scatter.add.f32 [tilespmem:s10], [sflag:$0x1], $0x1, s17, s9, $0xb8;
	[tilespmem:$0x2DC8] =	vst v63  }
0x54: {  	s18 =	sadd.s32 $0x50, s17  }
0x55: {  	[spmem:s2] =	stream.indirect.scatter.add.f32 [tilespmem:s10], [sflag:$0x2], $0x1, s18, s9, $0xb8;
	[tilespmem:$0x2DC8] =	vst v63  }
0x56: {  	s30 =	sadd.s32 $0xA0, s17  }
0x57: {  	[spmem:s2] =	stream.indirect.scatter.add.f32 [tilespmem:s10], [sflag:$0x3], $0x1, s30, s9, $0xb8;
	[tilespmem:$0x2DC8] =	vst v63  }
0x58: {  	s31 =	sadd.s32 $0xF0, s17  }
0x59: {  	[spmem:s2] =	stream.indirect.scatter.add.f32 [tilespmem:s10], [sflag:$0x4], $0x1, s31, s9, $0xb8;
	[tilespmem:$0x2DC8] =	vst v63  }
0x5a: {  	s17 =	sadd.s32 $0x140, s17  }
0x5b: {  	[spmem:s2] =	stream.indirect.scatter.add.f32 [tilespmem:s10], [sflag:$0x5], $0x1, s17, s9, $0xb8;
	[tilespmem:$0x2DC8] =	vst v63  }
0x5c: {  	_ =	swait.ge [sflag:s11], $0x50  }
0x5d: {  	[sflag:s11] =	ssyncset.done $0x0  }
0x5e: {  	[sflag:s11] =	ssyncadd.s32 $0xFFFFFFB0  }
0x5f: {  	_ =	swait.ge [sflag:s12], $0x50  }
0x60: {  	[sflag:s12] =	ssyncset.done $0x0  }
0x61: {  	[sflag:s12] =	ssyncadd.s32 $0xFFFFFFB0  }
0x62: {  	_ =	swait.ge [sflag:s13], $0x50  }
0x63: {  	[sflag:s13] =	ssyncset.done $0x0  }
0x64: {  	[sflag:s13] =	ssyncadd.s32 $0xFFFFFFB0  }
0x65: {  	_ =	swait.ge [sflag:s14], $0x50  }
0x66: {  	[sflag:s14] =	ssyncset.done $0x0  }
0x67: {  	[sflag:s14] =	ssyncadd.s32 $0xFFFFFFB0  }
0x68: {  	_ =	swait.ge [sflag:s15], $0x50  }
0x69: {  	[sflag:s15] =	ssyncset.done $0x0  }
0x6a: {  	[sflag:s15] =	ssyncadd.s32 $0xFFFFFFB0  }
0x6b: {  	s18 =	simm.s32 @!p0 $0x6;
	s17 =	simm.s32 @!p0 $0x2760;
	[bflag:$0x0] =	sbarrier.arrive $0xFFFF  }
0x6c: {  	[tilespmem:s17], [sflag:$0x6] =	stream.linear.gather @!p0 [spmem:s5], $0x3E8, $0x38;
	[tilespmem:$0x2DC8] =	vst v63  }
0x6d: {  	s16 =	sadd.s32 $0x1, s16;
	_ =	swait.ge @!p0 [sflag:s18], $0x3E8  }
0x6e: {  	p1 =	sne.s32 s16, s7;
	[sflag:s18] =	ssyncset.done @!p0 $0x0  }
.Ltmp2:
0x6f: {  	s19 =	simm.s32 @!p0 $0x0;
	[sflag:s18] =	ssyncadd.s32 @!p0 $0xFFFFFC18;
	(pc) =	sbr.rel @p1 .LBB2_1-.Ltmp2, $4  }
0x70: {  	[hbm4b:s6+s19] =	stream.linear.scatter @!p0 [tilespmem:s17], [sflag:$0x6], $0x3E8, $0x38;
	[tilespmem:$0x2DC8] =	vst v63  }
0x71: {  	_ =	swait.ge @!p0 [sflag:s18], $0x3E8  }
0x72: {  	[sflag:s18] =	ssyncset.done @!p0 $0x0  }
0x73: {  	[sflag:s18] =	ssyncadd.s32 @!p0 $0xFFFFFC18  }
0x74: {  	_ =	sfence.sel $0x180000  }
0x75: {  	[bflag:$0x0] =	sbarrier.arrive $0xFFFF  }
0x76: {  	p0 =	sne.s32 s0, $0x0;
	_ =	strace $0x90000047  }
0x77: {  	s0 =	sadd.s32 @!p0 $0x100000, s1;
	[bflag:$0x2] =	sbarrier.arrive $0xFFFF  }
0x78: {  	[sflag:s0] =	ssyncadd.tile.s32 @!p0 $0x1;
	_ =	shalt  }
.Lfunc_end2:
_tile_overlayer_lowered:
.L_overlay_start_2:
0x79: {  	(tag) =	ssettag $0x2  }
0x7a: {  	s0 =	rddreg [dreg:$0x0];
	s2 =	stileid.u32  }
0x7b: {  	s1 =	rddreg [dreg:$0x1];
	p0 =	sne.s32 s2, $0x0  }
0x7c: {  	s3 =	rddreg [dreg:$0x2];
	[bflag:$0x3] =	sbarrier.arrive $0xFFFF;
	s2 =	simm.s32 @!p0 $0x1C06  }
0x7d: {  	[timem:s3], [sflag:s2] =	dma.local @!p0 [hbm:s0], s1  }
0x7e: {  	s0 =	simm.s32 @!p0 $0x6  }
0x7f: {  	_ =	swait.ge @!p0 [sflag:s0], s1  }
0x80: {  	s1 =	ssub.s32 @!p0 $0x0, s1;
	[sflag:s0] =	ssyncset.done @!p0 $0x0  }
0x81: {  	[sflag:s0] =	ssyncadd.s32 @!p0 s1  }
0x82: {  	[bflag:$0x3] =	sbarrier.arrive $0xFFFF  }
0x83: {  	_ =	shalt  }

</sc_bundles>
